<compile_context>
chip_gen: v7x
topology: tpu7x:2x2x1
jax: 0.10.2.dev20260603
libtpu: 0.0.44.dev20260713+nightly
codegen_flags: <defaults>
</compile_context>

<pallas_src>
import functools

import jax
import jax.numpy as jnp
from jax import lax
from jax.experimental import pallas as pl
from jax.experimental.pallas import tpu as pltpu
from jax.experimental.pallas import tpu_sc as plsc

L = 16
NCHK = 4
NVAR = 7
CH = 8

PI = 3.141592653589793
ATAN2_C = (1.9986331247022315, -0.6445734787155646, 0.29806616132586394,
           -0.08172800326932869)


def _tanh_half(x):
    e = jnp.exp(x)
    return (e - 1.0) / (e + 1.0)


def _two_atan_exp_half(s):
    y = jnp.exp(0.5 * s)
    big = y > 1.0
    z = jnp.where(big, 1.0 / y, y)
    w = z * z
    p = jnp.float32(ATAN2_C[3])
    for k in range(2, -1, -1):
        p = p * w + jnp.float32(ATAN2_C[k])
    a = z * p
    return jnp.where(big, jnp.float32(PI) - a, a)


_GATHER_DNUMS = lax.GatherDimensionNumbers(
    offset_dims=(), collapsed_slice_dims=(0,), start_index_map=(0,))


def _take(x, idx):
    return lax.gather(x, idx[:, None], _GATHER_DNUMS, slice_sizes=(1,),
                      mode=lax.GatherScatterMode.PROMISE_IN_BOUNDS)


_MESH = plsc.VectorSubcoreMesh(
    core_axis_name="c", subcore_axis_name="s", num_cores=1)


@functools.partial(
    pl.kernel,
    out_type=jax.ShapeDtypeStruct((NCHK, L), jnp.int32),
    mesh=_MESH,
    scratch_types=[
        pltpu.VMEM((NCHK * NVAR + NCHK + 1, L), jnp.float32),
        pltpu.VMEM((NCHK * NVAR, L), jnp.float32),
        pltpu.VMEM((NCHK * NVAR, L), jnp.float32),
        pltpu.VMEM((NCHK, L), jnp.int32),
    ],
)
def _bp_kernel(buf_hbm, out_hbm, buf_v, gv, mcv, out_v):
    cid = lax.axis_index("c")
    sid = lax.axis_index("s")

    @pl.when(jnp.logical_and(cid == 0, sid == 0))
    def _():
        pltpu.sync_copy(buf_hbm, buf_v)

        lane = lax.iota(jnp.int32, L)
        ix1 = lax.bitwise_xor(lane, 1)
        ix2 = lax.bitwise_xor(lane, 2)
        ix4 = lax.bitwise_xor(lane, 4)

        def bsum8(x):
            s = x + _take(x, ix1)
            s = s + _take(s, ix2)
            return s + _take(s, ix4)

        zeros = jnp.full((L,), 0.0, jnp.float32)

        sgn = [lax.sign(buf_v[j]) for j in range(NCHK)]
        h = [[buf_v[NCHK + NVAR * c + j][0] for j in range(NVAR)]
             for c in range(NCHK)]
        hc = [[1.0 - h[c][j] for j in range(NVAR)] for c in range(NCHK)]
        niter = buf_v[NCHK * NVAR + NCHK][0].astype(jnp.int32)

        th_init = _tanh_half(jnp.where(lane < CH, 1.0, 0.0))

        def init_body(r, c):
            hv = buf_v[NCHK + r]
            gv[r] = hv * th_init + (1.0 - hv)
            mcv[r] = zeros
            return c

        lax.fori_loop(0, NCHK * NVAR, init_body, jnp.int32(0))

        def body(_, carry):
            B = []
            for j in range(NCHK):
                suf = [None] * NVAR
                suf[NVAR - 1] = gv[NVAR * j + NVAR - 1]
                for v in range(NVAR - 2, -1, -1):
                    suf[v] = gv[NVAR * j + v] * suf[v + 1]
                B.append(suf)
            A = [None] * NCHK
            vals = [[None] * NCHK for _ in range(NVAR)]
            for i in range(NVAR):
                for j in range(NCHK):
                    p = B[j][i] if A[j] is None else A[j] * B[j][i]
                    val = sgn[j] * p
                    vals[i][j] = val
                    gnew = h[j][i] * _tanh_half(val) + hc[j][i]
                    gv[NVAR * j + i] = gnew
                    A[j] = gnew if A[j] is None else A[j] * gnew
            for i in range(NCHK):
                S = [bsum8(mcv[NVAR * c + i]) for c in range(NCHK)]
                for j in range(NVAR):
                    colsum = S[0] * h[0][j]
                    for c in range(1, NCHK):
                        colsum = colsum + S[c] * h[c][j]
                    val = _two_atan_exp_half(colsum - vals[j][i])
                    mcv[NVAR * i + j] = val
                    if j == i:
                        S[i] = bsum8(val)
            return carry

        lax.fori_loop(0, niter, body, jnp.int32(0))

        pv = lax.fori_loop(
            1, NCHK * NVAR,
            lambda r, acc: acc * _tanh_half(mcv[r]),
            _tanh_half(mcv[0]))
        pv = pv * _take(pv, ix1)
        pv = pv * _take(pv, ix2)
        pv = pv * _take(pv, ix4)
        one_i = jnp.full((L,), 1, jnp.int32)
        zero_i = jnp.full((L,), 0, jnp.int32)
        for j in range(NCHK):
            out_v[j] = jnp.where(sgn[j] * pv > 0.0, one_i, zero_i)
        pltpu.sync_copy(out_v, out_hbm)


def kernel(llr, H, max_iter):
    llr_pad = jnp.zeros((NCHK, L), jnp.float32).at[:, :CH].set(llr[:, 0, :])
    hm = jnp.broadcast_to(
        H.astype(jnp.float32).reshape(NCHK * NVAR, 1), (NCHK * NVAR, L))
    mi = jnp.full((1, L), max_iter, jnp.float32)
    buf = jnp.concatenate([llr_pad, hm, mi], axis=0)
    out = _bp_kernel(buf)
    return out[:, 0:NCHK].reshape(NCHK, 1, NCHK)

# --- scband reference (transcript-rebuilt; emitter-appended) ---
"""Pipeline reference for scband-ldpcbelief-propagation-69020124446755 (READ-ONLY COPY).

The authoritative reference and input builder live on the scoring server;
editing this copy changes nothing except your own understanding.
"""

import jax, jax.numpy as jnp
import numpy as np


def setup_inputs() -> dict:
    H = jnp.array([[1, 1, 1, 0, 0, 0, 0],
                   [0, 0, 1, 1, 1, 0, 0],
                   [0, 1, 0, 0, 1, 1, 0],
                   [1, 0, 0, 1, 0, 0, 1]], dtype=jnp.int32)
    llr = jnp.array([[[1.5, -0.8, 0.3, -1.2, 0.9, -0.4, 2.1, -1.7]],
                     [[-0.6, 1.1, -1.9, 0.5, -0.2, 1.4, -0.9, 0.7]],
                     [[0.8, -1.3, 1.6, -0.5, 1.0, -2.0, 0.4, -0.1]],
                     [[-1.1, 0.6, -0.3, 1.8, -0.7, 0.2, -1.5, 1.3]]], dtype=jnp.float32)
    return {"llr": llr, "H": H, "max_iter": 5}


def reference(llr, H, max_iter):
    num_check_nodes, num_variable_nodes = H.shape
    channel = llr.shape[2]
    m_vc = jnp.ones((num_variable_nodes, num_check_nodes, channel), dtype=jnp.float32)
    m_cv = jnp.zeros((num_check_nodes, num_variable_nodes, channel), dtype=jnp.float32)

    def body(_, carry):
        m_vc, m_cv = carry
        for i in range(num_variable_nodes):
            for j in range(num_check_nodes):
                connected_checks = H[j, :] == 1
                terms = jnp.where(connected_checks[:, None],
                                  jnp.tanh(0.5 * m_vc[:, j]),
                                  jnp.float32(1.0))
                product = jnp.prod(terms, axis=0, keepdims=True)
                m_vc = m_vc.at[i, j].set((jnp.sign(llr[j]) * product)[0])
        for i in range(num_check_nodes):
            for j in range(num_variable_nodes):
                connected_vars = H[:, j] == 1
                vals = jnp.where(connected_vars[:, None],
                                 m_cv[:, i],
                                 jnp.float32(0.0))
                sum_msgs = jnp.sum(vals) - m_vc[j, i]
                m_cv = m_cv.at[i, j].set(2.0 * jnp.arctan(jnp.exp(0.5 * sum_msgs)))
        return m_vc, m_cv

    m_vc, m_cv = jax.lax.fori_loop(0, max_iter, body, (m_vc, m_cv))
    estimated_bits = jnp.sign(llr) * jnp.prod(jnp.tanh(0.5 * m_cv))
    estimated_bits = jnp.where(estimated_bits > 0, jnp.int32(1), jnp.int32(0))
    estimated_bits = estimated_bits[:, :, 0:4]
    return estimated_bits

if __name__ == "__main__":
    import jax
    _d = setup_inputs()
    print(jax.jit(kernel)(*tuple(_d.values())))

</pallas_src>

<mosaic_0001>
#map = affine_map<(d0, d1) -> (0, 0)>
module attributes {stable_mosaic.version = 14 : i64} {
  func.func @_bp_kernel(%arg0: i32, %arg1: i32, %arg2: memref<33x16xf32, #tpu.memory_space<hbm>>, %arg3: memref<4x16xi32, #tpu.memory_space<hbm>>, %arg4: memref<33x16xf32, #tpu.memory_space<vmem>>, %arg5: memref<28x16xf32, #tpu.memory_space<vmem>>, %arg6: memref<28x16xf32, #tpu.memory_space<vmem>>, %arg7: memref<4x16xi32, #tpu.memory_space<vmem>>) attributes {dimension_semantics = [#tpu.dimension_semantics<core_parallel>, #tpu.dimension_semantics<subcore_parallel>], iteration_bounds = array<i64: 1, 16>, scalar_prefetch = 0 : i64, scratch_operands = 4 : i64, tpu.core_type = #tpu.core_type<sc_vector_subcore>, window_params = [{transform_indices = #map}, {transform_indices = #map}]} {
    %eq3A = arith.constant 0 : i32
    %eq3A_0 = arith.cmpi eq, %arg0, %eq3A : i32
    %eq3A_1 = arith.constant 0 : i32
    %eq3A_2 = arith.cmpi eq, %arg1, %eq3A_1 : i32
    %and3A = arith.andi %eq3A_0, %eq3A_2 : i1
    %convert_element_type3A = arith.extui %and3A : i1 to i32
    %cond3A = arith.constant 0 : i32
    %cond3A_3 = arith.cmpi ne, %convert_element_type3A, %cond3A : i32
    scf.if %cond3A_3 {
      "tpu.region"() ({
        %run_scoped3A = tpu.sem_alloc : memref<!tpu.dma_semaphore, #tpu.memory_space<semaphore_mem>>
        tpu.enqueue_dma source(%arg2 : memref<33x16xf32, #tpu.memory_space<hbm>>) target(%arg4 : memref<33x16xf32, #tpu.memory_space<vmem>>) target_semaphore(%run_scoped3A : memref<!tpu.dma_semaphore, #tpu.memory_space<semaphore_mem>>)
        tpu.wait_dma2 semaphore(%run_scoped3A : memref<!tpu.dma_semaphore, #tpu.memory_space<semaphore_mem>>) src(%arg2 : memref<33x16xf32, #tpu.memory_space<hbm>>) dst(%arg4 : memref<33x16xf32, #tpu.memory_space<vmem>>)
        tpu.yield
      }) : () -> ()
      %iota3A = tpu.iota {dimensions = array<i32: 0>} : vector<16xi32>
      %xor3A = arith.constant 1 : i32
      %xor3A_4 = vector.broadcast %xor3A : i32 to vector<16xi32>
      %xor3A_5 = arith.xori %iota3A, %xor3A_4 : vector<16xi32>
      %xor3A_6 = arith.constant 2 : i32
      %xor3A_7 = vector.broadcast %xor3A_6 : i32 to vector<16xi32>
      %xor3A_8 = arith.xori %iota3A, %xor3A_7 : vector<16xi32>
      %xor3A_9 = arith.constant 4 : i32
      %xor3A_10 = vector.broadcast %xor3A_9 : i32 to vector<16xi32>
      %xor3A_11 = arith.xori %iota3A, %xor3A_10 : vector<16xi32>
      %broadcast_in_dim3A = arith.constant 0.000000e+00 : f32
      %broadcast_in_dim3A_12 = vector.broadcast %broadcast_in_dim3A : f32 to vector<16xf32>
      %get3A = arith.constant 0 : i32
      %get3A_13 = arith.index_cast %get3A : i32 to index
      %get3A_14 = arith.constant 0 : index
      %get3A_15 = tpu.vector_load %arg4[%get3A_13, %get3A_14] {strides = array<i32>} : memref<33x16xf32, #tpu.memory_space<vmem>>, vector<1x16xf32>,
      %get3A_16 = vector.shape_cast %get3A_15 : vector<1x16xf32> to vector<16xf32>
      %sign3A = tpu.bitcast %get3A_16 : vector<16xf32> -> vector<16xi32>
      %sign3A_17 = arith.constant -2147483648 : i32
      %sign3A_18 = vector.broadcast %sign3A_17 : i32 to vector<16xi32>
      %sign3A_19 = arith.andi %sign3A, %sign3A_18 : vector<16xi32>
      %sign3A_20 = arith.constant 1065353216 : i32
      %sign3A_21 = vector.broadcast %sign3A_20 : i32 to vector<16xi32>
      %sign3A_22 = arith.ori %sign3A_21, %sign3A_19 : vector<16xi32>
      %sign3A_23 = tpu.bitcast %sign3A_22 : vector<16xi32> -> vector<16xf32>
      %sign3A_24 = math.absf %get3A_16 : vector<16xf32>
      %sign3A_25 = arith.constant 0.000000e+00 : f32
      %sign3A_26 = vector.broadcast %sign3A_25 : f32 to vector<16xf32>
      %sign3A_27 = arith.cmpf ogt, %sign3A_24, %sign3A_26 : vector<16xf32>
      %sign3A_28 = arith.select %sign3A_27, %sign3A_23, %get3A_16 : vector<16xi1>, vector<16xf32>
      %get3A_29 = arith.constant 1 : i32
      %get3A_30 = arith.index_cast %get3A_29 : i32 to index
      %get3A_31 = arith.constant 0 : index
      %get3A_32 = tpu.vector_load %arg4[%get3A_30, %get3A_31] {strides = array<i32>} : memref<33x16xf32, #tpu.memory_space<vmem>>, vector<1x16xf32>,
      %get3A_33 = vector.shape_cast %get3A_32 : vector<1x16xf32> to vector<16xf32>
      %sign3A_34 = tpu.bitcast %get3A_33 : vector<16xf32> -> vector<16xi32>
      %sign3A_35 = arith.constant -2147483648 : i32
      %sign3A_36 = vector.broadcast %sign3A_35 : i32 to vector<16xi32>
      %sign3A_37 = arith.andi %sign3A_34, %sign3A_36 : vector<16xi32>
      %sign3A_38 = arith.constant 1065353216 : i32
      %sign3A_39 = vector.broadcast %sign3A_38 : i32 to vector<16xi32>
      %sign3A_40 = arith.ori %sign3A_39, %sign3A_37 : vector<16xi32>
      %sign3A_41 = tpu.bitcast %sign3A_40 : vector<16xi32> -> vector<16xf32>
      %sign3A_42 = math.absf %get3A_33 : vector<16xf32>
      %sign3A_43 = arith.constant 0.000000e+00 : f32
      %sign3A_44 = vector.broadcast %sign3A_43 : f32 to vector<16xf32>
      %sign3A_45 = arith.cmpf ogt, %sign3A_42, %sign3A_44 : vector<16xf32>
      %sign3A_46 = arith.select %sign3A_45, %sign3A_41, %get3A_33 : vector<16xi1>, vector<16xf32>
      %get3A_47 = arith.constant 2 : i32
      %get3A_48 = arith.index_cast %get3A_47 : i32 to index
      %get3A_49 = arith.constant 0 : index
      %get3A_50 = tpu.vector_load %arg4[%get3A_48, %get3A_49] {strides = array<i32>} : memref<33x16xf32, #tpu.memory_space<vmem>>, vector<1x16xf32>,
      %get3A_51 = vector.shape_cast %get3A_50 : vector<1x16xf32> to vector<16xf32>
      %sign3A_52 = tpu.bitcast %get3A_51 : vector<16xf32> -> vector<16xi32>
      %sign3A_53 = arith.constant -2147483648 : i32
      %sign3A_54 = vector.broadcast %sign3A_53 : i32 to vector<16xi32>
      %sign3A_55 = arith.andi %sign3A_52, %sign3A_54 : vector<16xi32>
      %sign3A_56 = arith.constant 1065353216 : i32
      %sign3A_57 = vector.broadcast %sign3A_56 : i32 to vector<16xi32>
      %sign3A_58 = arith.ori %sign3A_57, %sign3A_55 : vector<16xi32>
      %sign3A_59 = tpu.bitcast %sign3A_58 : vector<16xi32> -> vector<16xf32>
      %sign3A_60 = math.absf %get3A_51 : vector<16xf32>
      %sign3A_61 = arith.constant 0.000000e+00 : f32
      %sign3A_62 = vector.broadcast %sign3A_61 : f32 to vector<16xf32>
      %sign3A_63 = arith.cmpf ogt, %sign3A_60, %sign3A_62 : vector<16xf32>
      %sign3A_64 = arith.select %sign3A_63, %sign3A_59, %get3A_51 : vector<16xi1>, vector<16xf32>
      %get3A_65 = arith.constant 3 : i32
      %get3A_66 = arith.index_cast %get3A_65 : i32 to index
      %get3A_67 = arith.constant 0 : index
      %get3A_68 = tpu.vector_load %arg4[%get3A_66, %get3A_67] {strides = array<i32>} : memref<33x16xf32, #tpu.memory_space<vmem>>, vector<1x16xf32>,
      %get3A_69 = vector.shape_cast %get3A_68 : vector<1x16xf32> to vector<16xf32>
      %sign3A_70 = tpu.bitcast %get3A_69 : vector<16xf32> -> vector<16xi32>
      %sign3A_71 = arith.constant -2147483648 : i32
      %sign3A_72 = vector.broadcast %sign3A_71 : i32 to vector<16xi32>
      %sign3A_73 = arith.andi %sign3A_70, %sign3A_72 : vector<16xi32>
      %sign3A_74 = arith.constant 1065353216 : i32
      %sign3A_75 = vector.broadcast %sign3A_74 : i32 to vector<16xi32>
      %sign3A_76 = arith.ori %sign3A_75, %sign3A_73 : vector<16xi32>
      %sign3A_77 = tpu.bitcast %sign3A_76 : vector<16xi32> -> vector<16xf32>
      %sign3A_78 = math.absf %get3A_69 : vector<16xf32>
      %sign3A_79 = arith.constant 0.000000e+00 : f32
      %sign3A_80 = vector.broadcast %sign3A_79 : f32 to vector<16xf32>
      %sign3A_81 = arith.cmpf ogt, %sign3A_78, %sign3A_80 : vector<16xf32>
      %sign3A_82 = arith.select %sign3A_81, %sign3A_77, %get3A_69 : vector<16xi1>, vector<16xf32>
      %get3A_83 = arith.constant 4 : i32
      %get3A_84 = arith.index_cast %get3A_83 : i32 to index
      %get3A_85 = arith.constant 0 : index
      %get3A_86 = tpu.vector_load %arg4[%get3A_84, %get3A_85] {strides = array<i32>} : memref<33x16xf32, #tpu.memory_space<vmem>>, vector<1x16xf32>,
      %get3A_87 = vector.shape_cast %get3A_86 : vector<1x16xf32> to vector<16xf32>
      %slice3A = vector.extract_strided_slice %get3A_87 {offsets = [0], sizes = [1], strides = [1]} : vector<16xf32> to vector<1xf32>
      %squeeze3A = vector.extract %slice3A[0] : f32 from vector<1xf32>
      %get3A_88 = arith.constant 5 : i32
      %get3A_89 = arith.index_cast %get3A_88 : i32 to index
      %get3A_90 = arith.constant 0 : index
      %get3A_91 = tpu.vector_load %arg4[%get3A_89, %get3A_90] {strides = array<i32>} : memref<33x16xf32, #tpu.memory_space<vmem>>, vector<1x16xf32>,
      %get3A_92 = vector.shape_cast %get3A_91 : vector<1x16xf32> to vector<16xf32>
      %slice3A_93 = vector.extract_strided_slice %get3A_92 {offsets = [0], sizes = [1], strides = [1]} : vector<16xf32> to vector<1xf32>
      %squeeze3A_94 = vector.extract %slice3A_93[0] : f32 from vector<1xf32>
      %get3A_95 = arith.constant 6 : i32
      %get3A_96 = arith.index_cast %get3A_95 : i32 to index
      %get3A_97 = arith.constant 0 : index
      %get3A_98 = tpu.vector_load %arg4[%get3A_96, %get3A_97] {strides = array<i32>} : memref<33x16xf32, #tpu.memory_space<vmem>>, vector<1x16xf32>,
      %get3A_99 = vector.shape_cast %get3A_98 : vector<1x16xf32> to vector<16xf32>
      %slice3A_100 = vector.extract_strided_slice %get3A_99 {offsets = [0], sizes = [1], strides = [1]} : vector<16xf32> to vector<1xf32>
      %squeeze3A_101 = vector.extract %slice3A_100[0] : f32 from vector<1xf32>
      %get3A_102 = arith.constant 7 : i32
      %get3A_103 = arith.index_cast %get3A_102 : i32 to index
      %get3A_104 = arith.constant 0 : index
      %get3A_105 = tpu.vector_load %arg4[%get3A_103, %get3A_104] {strides = array<i32>} : memref<33x16xf32, #tpu.memory_space<vmem>>, vector<1x16xf32>,
      %get3A_106 = vector.shape_cast %get3A_105 : vector<1x16xf32> to vector<16xf32>
      %slice3A_107 = vector.extract_strided_slice %get3A_106 {offsets = [0], sizes = [1], strides = [1]} : vector<16xf32> to vector<1xf32>
      %squeeze3A_108 = vector.extract %slice3A_107[0] : f32 from vector<1xf32>
      %get3A_109 = arith.constant 8 : i32
      %get3A_110 = arith.index_cast %get3A_109 : i32 to index
      %get3A_111 = arith.constant 0 : index
      %get3A_112 = tpu.vector_load %arg4[%get3A_110, %get3A_111] {strides = array<i32>} : memref<33x16xf32, #tpu.memory_space<vmem>>, vector<1x16xf32>,
      %get3A_113 = vector.shape_cast %get3A_112 : vector<1x16xf32> to vector<16xf32>
      %slice3A_114 = vector.extract_strided_slice %get3A_113 {offsets = [0], sizes = [1], strides = [1]} : vector<16xf32> to vector<1xf32>
      %squeeze3A_115 = vector.extract %slice3A_114[0] : f32 from vector<1xf32>
      %get3A_116 = arith.constant 9 : i32
      %get3A_117 = arith.index_cast %get3A_116 : i32 to index
      %get3A_118 = arith.constant 0 : index
      %get3A_119 = tpu.vector_load %arg4[%get3A_117, %get3A_118] {strides = array<i32>} : memref<33x16xf32, #tpu.memory_space<vmem>>, vector<1x16xf32>,
      %get3A_120 = vector.shape_cast %get3A_119 : vector<1x16xf32> to vector<16xf32>
      %slice3A_121 = vector.extract_strided_slice %get3A_120 {offsets = [0], sizes = [1], strides = [1]} : vector<16xf32> to vector<1xf32>
      %squeeze3A_122 = vector.extract %slice3A_121[0] : f32 from vector<1xf32>
      %get3A_123 = arith.constant 10 : i32
      %get3A_124 = arith.index_cast %get3A_123 : i32 to index
      %get3A_125 = arith.constant 0 : index
      %get3A_126 = tpu.vector_load %arg4[%get3A_124, %get3A_125] {strides = array<i32>} : memref<33x16xf32, #tpu.memory_space<vmem>>, vector<1x16xf32>,
      %get3A_127 = vector.shape_cast %get3A_126 : vector<1x16xf32> to vector<16xf32>
      %slice3A_128 = vector.extract_strided_slice %get3A_127 {offsets = [0], sizes = [1], strides = [1]} : vector<16xf32> to vector<1xf32>
      %squeeze3A_129 = vector.extract %slice3A_128[0] : f32 from vector<1xf32>
      %get3A_130 = arith.constant 11 : i32
      %get3A_131 = arith.index_cast %get3A_130 : i32 to index
      %get3A_132 = arith.constant 0 : index
      %get3A_133 = tpu.vector_load %arg4[%get3A_131, %get3A_132] {strides = array<i32>} : memref<33x16xf32, #tpu.memory_space<vmem>>, vector<1x16xf32>,
      %get3A_134 = vector.shape_cast %get3A_133 : vector<1x16xf32> to vector<16xf32>
      %slice3A_135 = vector.extract_strided_slice %get3A_134 {offsets = [0], sizes = [1], strides = [1]} : vector<16xf32> to vector<1xf32>
      %squeeze3A_136 = vector.extract %slice3A_135[0] : f32 from vector<1xf32>
      %get3A_137 = arith.constant 12 : i32
      %get3A_138 = arith.index_cast %get3A_137 : i32 to index
      %get3A_139 = arith.constant 0 : index
      %get3A_140 = tpu.vector_load %arg4[%get3A_138, %get3A_139] {strides = array<i32>} : memref<33x16xf32, #tpu.memory_space<vmem>>, vector<1x16xf32>,
      %get3A_141 = vector.shape_cast %get3A_140 : vector<1x16xf32> to vector<16xf32>
      %slice3A_142 = vector.extract_strided_slice %get3A_141 {offsets = [0], sizes = [1], strides = [1]} : vector<16xf32> to vector<1xf32>
      %squeeze3A_143 = vector.extract %slice3A_142[0] : f32 from vector<1xf32>
      %get3A_144 = arith.constant 13 : i32
      %get3A_145 = arith.index_cast %get3A_144 : i32 to index
      %get3A_146 = arith.constant 0 : index
      %get3A_147 = tpu.vector_load %arg4[%get3A_145, %get3A_146] {strides = array<i32>} : memref<33x16xf32, #tpu.memory_space<vmem>>, vector<1x16xf32>,
      %get3A_148 = vector.shape_cast %get3A_147 : vector<1x16xf32> to vector<16xf32>
      %slice3A_149 = vector.extract_strided_slice %get3A_148 {offsets = [0], sizes = [1], strides = [1]} : vector<16xf32> to vector<1xf32>
      %squeeze3A_150 = vector.extract %slice3A_149[0] : f32 from vector<1xf32>
      %get3A_151 = arith.constant 14 : i32
      %get3A_152 = arith.index_cast %get3A_151 : i32 to index
      %get3A_153 = arith.constant 0 : index
      %get3A_154 = tpu.vector_load %arg4[%get3A_152, %get3A_153] {strides = array<i32>} : memref<33x16xf32, #tpu.memory_space<vmem>>, vector<1x16xf32>,
      %get3A_155 = vector.shape_cast %get3A_154 : vector<1x16xf32> to vector<16xf32>
      %slice3A_156 = vector.extract_strided_slice %get3A_155 {offsets = [0], sizes = [1], strides = [1]} : vector<16xf32> to vector<1xf32>
      %squeeze3A_157 = vector.extract %slice3A_156[0] : f32 from vector<1xf32>
      %get3A_158 = arith.constant 15 : i32
      %get3A_159 = arith.index_cast %get3A_158 : i32 to index
      %get3A_160 = arith.constant 0 : index
      %get3A_161 = tpu.vector_load %arg4[%get3A_159, %get3A_160] {strides = array<i32>} : memref<33x16xf32, #tpu.memory_space<vmem>>, vector<1x16xf32>,
      %get3A_162 = vector.shape_cast %get3A_161 : vector<1x16xf32> to vector<16xf32>
      %slice3A_163 = vector.extract_strided_slice %get3A_162 {offsets = [0], sizes = [1], strides = [1]} : vector<16xf32> to vector<1xf32>
      %squeeze3A_164 = vector.extract %slice3A_163[0] : f32 from vector<1xf32>
      %get3A_165 = arith.constant 16 : i32
      %get3A_166 = arith.index_cast %get3A_165 : i32 to index
      %get3A_167 = arith.constant 0 : index
      %get3A_168 = tpu.vector_load %arg4[%get3A_166, %get3A_167] {strides = array<i32>} : memref<33x16xf32, #tpu.memory_space<vmem>>, vector<1x16xf32>,
      %get3A_169 = vector.shape_cast %get3A_168 : vector<1x16xf32> to vector<16xf32>
      %slice3A_170 = vector.extract_strided_slice %get3A_169 {offsets = [0], sizes = [1], strides = [1]} : vector<16xf32> to vector<1xf32>
      %squeeze3A_171 = vector.extract %slice3A_170[0] : f32 from vector<1xf32>
      %get3A_172 = arith.constant 17 : i32
      %get3A_173 = arith.index_cast %get3A_172 : i32 to index
      %get3A_174 = arith.constant 0 : index
      %get3A_175 = tpu.vector_load %arg4[%get3A_173, %get3A_174] {strides = array<i32>} : memref<33x16xf32, #tpu.memory_space<vmem>>, vector<1x16xf32>,
      %get3A_176 = vector.shape_cast %get3A_175 : vector<1x16xf32> to vector<16xf32>
      %slice3A_177 = vector.extract_strided_slice %get3A_176 {offsets = [0], sizes = [1], strides = [1]} : vector<16xf32> to vector<1xf32>
      %squeeze3A_178 = vector.extract %slice3A_177[0] : f32 from vector<1xf32>
      %get3A_179 = arith.constant 18 : i32
      %get3A_180 = arith.index_cast %get3A_179 : i32 to index
      %get3A_181 = arith.constant 0 : index
      %get3A_182 = tpu.vector_load %arg4[%get3A_180, %get3A_181] {strides = array<i32>} : memref<33x16xf32, #tpu.memory_space<vmem>>, vector<1x16xf32>,
      %get3A_183 = vector.shape_cast %get3A_182 : vector<1x16xf32> to vector<16xf32>
      %slice3A_184 = vector.extract_strided_slice %get3A_183 {offsets = [0], sizes = [1], strides = [1]} : vector<16xf32> to vector<1xf32>
      %squeeze3A_185 = vector.extract %slice3A_184[0] : f32 from vector<1xf32>
      %get3A_186 = arith.constant 19 : i32
      %get3A_187 = arith.index_cast %get3A_186 : i32 to index
      %get3A_188 = arith.constant 0 : index
      %get3A_189 = tpu.vector_load %arg4[%get3A_187, %get3A_188] {strides = array<i32>} : memref<33x16xf32, #tpu.memory_space<vmem>>, vector<1x16xf32>,
      %get3A_190 = vector.shape_cast %get3A_189 : vector<1x16xf32> to vector<16xf32>
      %slice3A_191 = vector.extract_strided_slice %get3A_190 {offsets = [0], sizes = [1], strides = [1]} : vector<16xf32> to vector<1xf32>
      %squeeze3A_192 = vector.extract %slice3A_191[0] : f32 from vector<1xf32>
      %get3A_193 = arith.constant 20 : i32
      %get3A_194 = arith.index_cast %get3A_193 : i32 to index
      %get3A_195 = arith.constant 0 : index
      %get3A_196 = tpu.vector_load %arg4[%get3A_194, %get3A_195] {strides = array<i32>} : memref<33x16xf32, #tpu.memory_space<vmem>>, vector<1x16xf32>,
      %get3A_197 = vector.shape_cast %get3A_196 : vector<1x16xf32> to vector<16xf32>
      %slice3A_198 = vector.extract_strided_slice %get3A_197 {offsets = [0], sizes = [1], strides = [1]} : vector<16xf32> to vector<1xf32>
      %squeeze3A_199 = vector.extract %slice3A_198[0] : f32 from vector<1xf32>
      %get3A_200 = arith.constant 21 : i32
      %get3A_201 = arith.index_cast %get3A_200 : i32 to index
      %get3A_202 = arith.constant 0 : index
      %get3A_203 = tpu.vector_load %arg4[%get3A_201, %get3A_202] {strides = array<i32>} : memref<33x16xf32, #tpu.memory_space<vmem>>, vector<1x16xf32>,
      %get3A_204 = vector.shape_cast %get3A_203 : vector<1x16xf32> to vector<16xf32>
      %slice3A_205 = vector.extract_strided_slice %get3A_204 {offsets = [0], sizes = [1], strides = [1]} : vector<16xf32> to vector<1xf32>
      %squeeze3A_206 = vector.extract %slice3A_205[0] : f32 from vector<1xf32>
      %get3A_207 = arith.constant 22 : i32
      %get3A_208 = arith.index_cast %get3A_207 : i32 to index
      %get3A_209 = arith.constant 0 : index
      %get3A_210 = tpu.vector_load %arg4[%get3A_208, %get3A_209] {strides = array<i32>} : memref<33x16xf32, #tpu.memory_space<vmem>>, vector<1x16xf32>,
      %get3A_211 = vector.shape_cast %get3A_210 : vector<1x16xf32> to vector<16xf32>
      %slice3A_212 = vector.extract_strided_slice %get3A_211 {offsets = [0], sizes = [1], strides = [1]} : vector<16xf32> to vector<1xf32>
      %squeeze3A_213 = vector.extract %slice3A_212[0] : f32 from vector<1xf32>
      %get3A_214 = arith.constant 23 : i32
      %get3A_215 = arith.index_cast %get3A_214 : i32 to index
      %get3A_216 = arith.constant 0 : index
      %get3A_217 = tpu.vector_load %arg4[%get3A_215, %get3A_216] {strides = array<i32>} : memref<33x16xf32, #tpu.memory_space<vmem>>, vector<1x16xf32>,
      %get3A_218 = vector.shape_cast %get3A_217 : vector<1x16xf32> to vector<16xf32>
      %slice3A_219 = vector.extract_strided_slice %get3A_218 {offsets = [0], sizes = [1], strides = [1]} : vector<16xf32> to vector<1xf32>
      %squeeze3A_220 = vector.extract %slice3A_219[0] : f32 from vector<1xf32>
      %get3A_221 = arith.constant 24 : i32
      %get3A_222 = arith.index_cast %get3A_221 : i32 to index
      %get3A_223 = arith.constant 0 : index
      %get3A_224 = tpu.vector_load %arg4[%get3A_222, %get3A_223] {strides = array<i32>} : memref<33x16xf32, #tpu.memory_space<vmem>>, vector<1x16xf32>,
      %get3A_225 = vector.shape_cast %get3A_224 : vector<1x16xf32> to vector<16xf32>
      %slice3A_226 = vector.extract_strided_slice %get3A_225 {offsets = [0], sizes = [1], strides = [1]} : vector<16xf32> to vector<1xf32>
      %squeeze3A_227 = vector.extract %slice3A_226[0] : f32 from vector<1xf32>
      %get3A_228 = arith.constant 25 : i32
      %get3A_229 = arith.index_cast %get3A_228 : i32 to index
      %get3A_230 = arith.constant 0 : index
      %get3A_231 = tpu.vector_load %arg4[%get3A_229, %get3A_230] {strides = array<i32>} : memref<33x16xf32, #tpu.memory_space<vmem>>, vector<1x16xf32>,
      %get3A_232 = vector.shape_cast %get3A_231 : vector<1x16xf32> to vector<16xf32>
      %slice3A_233 = vector.extract_strided_slice %get3A_232 {offsets = [0], sizes = [1], strides = [1]} : vector<16xf32> to vector<1xf32>
      %squeeze3A_234 = vector.extract %slice3A_233[0] : f32 from vector<1xf32>
      %get3A_235 = arith.constant 26 : i32
      %get3A_236 = arith.index_cast %get3A_235 : i32 to index
      %get3A_237 = arith.constant 0 : index
      %get3A_238 = tpu.vector_load %arg4[%get3A_236, %get3A_237] {strides = array<i32>} : memref<33x16xf32, #tpu.memory_space<vmem>>, vector<1x16xf32>,
      %get3A_239 = vector.shape_cast %get3A_238 : vector<1x16xf32> to vector<16xf32>
      %slice3A_240 = vector.extract_strided_slice %get3A_239 {offsets = [0], sizes = [1], strides = [1]} : vector<16xf32> to vector<1xf32>
      %squeeze3A_241 = vector.extract %slice3A_240[0] : f32 from vector<1xf32>
      %get3A_242 = arith.constant 27 : i32
      %get3A_243 = arith.index_cast %get3A_242 : i32 to index
      %get3A_244 = arith.constant 0 : index
      %get3A_245 = tpu.vector_load %arg4[%get3A_243, %get3A_244] {strides = array<i32>} : memref<33x16xf32, #tpu.memory_space<vmem>>, vector<1x16xf32>,
      %get3A_246 = vector.shape_cast %get3A_245 : vector<1x16xf32> to vector<16xf32>
      %slice3A_247 = vector.extract_strided_slice %get3A_246 {offsets = [0], sizes = [1], strides = [1]} : vector<16xf32> to vector<1xf32>
      %squeeze3A_248 = vector.extract %slice3A_247[0] : f32 from vector<1xf32>
      %get3A_249 = arith.constant 28 : i32
      %get3A_250 = arith.index_cast %get3A_249 : i32 to index
      %get3A_251 = arith.constant 0 : index
      %get3A_252 = tpu.vector_load %arg4[%get3A_250, %get3A_251] {strides = array<i32>} : memref<33x16xf32, #tpu.memory_space<vmem>>, vector<1x16xf32>,
      %get3A_253 = vector.shape_cast %get3A_252 : vector<1x16xf32> to vector<16xf32>
      %slice3A_254 = vector.extract_strided_slice %get3A_253 {offsets = [0], sizes = [1], strides = [1]} : vector<16xf32> to vector<1xf32>
      %squeeze3A_255 = vector.extract %slice3A_254[0] : f32 from vector<1xf32>
      %get3A_256 = arith.constant 29 : i32
      %get3A_257 = arith.index_cast %get3A_256 : i32 to index
      %get3A_258 = arith.constant 0 : index
      %get3A_259 = tpu.vector_load %arg4[%get3A_257, %get3A_258] {strides = array<i32>} : memref<33x16xf32, #tpu.memory_space<vmem>>, vector<1x16xf32>,
      %get3A_260 = vector.shape_cast %get3A_259 : vector<1x16xf32> to vector<16xf32>
      %slice3A_261 = vector.extract_strided_slice %get3A_260 {offsets = [0], sizes = [1], strides = [1]} : vector<16xf32> to vector<1xf32>
      %squeeze3A_262 = vector.extract %slice3A_261[0] : f32 from vector<1xf32>
      %get3A_263 = arith.constant 30 : i32
      %get3A_264 = arith.index_cast %get3A_263 : i32 to index
      %get3A_265 = arith.constant 0 : index
      %get3A_266 = tpu.vector_load %arg4[%get3A_264, %get3A_265] {strides = array<i32>} : memref<33x16xf32, #tpu.memory_space<vmem>>, vector<1x16xf32>,
      %get3A_267 = vector.shape_cast %get3A_266 : vector<1x16xf32> to vector<16xf32>
      %slice3A_268 = vector.extract_strided_slice %get3A_267 {offsets = [0], sizes = [1], strides = [1]} : vector<16xf32> to vector<1xf32>
      %squeeze3A_269 = vector.extract %slice3A_268[0] : f32 from vector<1xf32>
      %get3A_270 = arith.constant 31 : i32
      %get3A_271 = arith.index_cast %get3A_270 : i32 to index
      %get3A_272 = arith.constant 0 : index
      %get3A_273 = tpu.vector_load %arg4[%get3A_271, %get3A_272] {strides = array<i32>} : memref<33x16xf32, #tpu.memory_space<vmem>>, vector<1x16xf32>,
      %get3A_274 = vector.shape_cast %get3A_273 : vector<1x16xf32> to vector<16xf32>
      %slice3A_275 = vector.extract_strided_slice %get3A_274 {offsets = [0], sizes = [1], strides = [1]} : vector<16xf32> to vector<1xf32>
      %squeeze3A_276 = vector.extract %slice3A_275[0] : f32 from vector<1xf32>
      %sub3A = arith.constant 1.000000e+00 : f32
      %sub3A_277 = arith.subf %sub3A, %squeeze3A : f32
      %sub3A_278 = arith.constant 1.000000e+00 : f32
      %sub3A_279 = arith.subf %sub3A_278, %squeeze3A_94 : f32
      %sub3A_280 = arith.constant 1.000000e+00 : f32
      %sub3A_281 = arith.subf %sub3A_280, %squeeze3A_101 : f32
      %sub3A_282 = arith.constant 1.000000e+00 : f32
      %sub3A_283 = arith.subf %sub3A_282, %squeeze3A_108 : f32
      %sub3A_284 = arith.constant 1.000000e+00 : f32
      %sub3A_285 = arith.subf %sub3A_284, %squeeze3A_115 : f32
      %sub3A_286 = arith.constant 1.000000e+00 : f32
      %sub3A_287 = arith.subf %sub3A_286, %squeeze3A_122 : f32
      %sub3A_288 = arith.constant 1.000000e+00 : f32
      %sub3A_289 = arith.subf %sub3A_288, %squeeze3A_129 : f32
      %sub3A_290 = arith.constant 1.000000e+00 : f32
      %sub3A_291 = arith.subf %sub3A_290, %squeeze3A_136 : f32
      %sub3A_292 = arith.constant 1.000000e+00 : f32
      %sub3A_293 = arith.subf %sub3A_292, %squeeze3A_143 : f32
      %sub3A_294 = arith.constant 1.000000e+00 : f32
      %sub3A_295 = arith.subf %sub3A_294, %squeeze3A_150 : f32
      %sub3A_296 = arith.constant 1.000000e+00 : f32
      %sub3A_297 = arith.subf %sub3A_296, %squeeze3A_157 : f32
      %sub3A_298 = arith.constant 1.000000e+00 : f32
      %sub3A_299 = arith.subf %sub3A_298, %squeeze3A_164 : f32
      %sub3A_300 = arith.constant 1.000000e+00 : f32
      %sub3A_301 = arith.subf %sub3A_300, %squeeze3A_171 : f32
      %sub3A_302 = arith.constant 1.000000e+00 : f32
      %sub3A_303 = arith.subf %sub3A_302, %squeeze3A_178 : f32
      %sub3A_304 = arith.constant 1.000000e+00 : f32
      %sub3A_305 = arith.subf %sub3A_304, %squeeze3A_185 : f32
      %sub3A_306 = arith.constant 1.000000e+00 : f32
      %sub3A_307 = arith.subf %sub3A_306, %squeeze3A_192 : f32
      %sub3A_308 = arith.constant 1.000000e+00 : f32
      %sub3A_309 = arith.subf %sub3A_308, %squeeze3A_199 : f32
      %sub3A_310 = arith.constant 1.000000e+00 : f32
      %sub3A_311 = arith.subf %sub3A_310, %squeeze3A_206 : f32
      %sub3A_312 = arith.constant 1.000000e+00 : f32
      %sub3A_313 = arith.subf %sub3A_312, %squeeze3A_213 : f32
      %sub3A_314 = arith.constant 1.000000e+00 : f32
      %sub3A_315 = arith.subf %sub3A_314, %squeeze3A_220 : f32
      %sub3A_316 = arith.constant 1.000000e+00 : f32
      %sub3A_317 = arith.subf %sub3A_316, %squeeze3A_227 : f32
      %sub3A_318 = arith.constant 1.000000e+00 : f32
      %sub3A_319 = arith.subf %sub3A_318, %squeeze3A_234 : f32
      %sub3A_320 = arith.constant 1.000000e+00 : f32
      %sub3A_321 = arith.subf %sub3A_320, %squeeze3A_241 : f32
      %sub3A_322 = arith.constant 1.000000e+00 : f32
      %sub3A_323 = arith.subf %sub3A_322, %squeeze3A_248 : f32
      %sub3A_324 = arith.constant 1.000000e+00 : f32
      %sub3A_325 = arith.subf %sub3A_324, %squeeze3A_255 : f32
      %sub3A_326 = arith.constant 1.000000e+00 : f32
      %sub3A_327 = arith.subf %sub3A_326, %squeeze3A_262 : f32
      %sub3A_328 = arith.constant 1.000000e+00 : f32
      %sub3A_329 = arith.subf %sub3A_328, %squeeze3A_269 : f32
      %sub3A_330 = arith.constant 1.000000e+00 : f32
      %sub3A_331 = arith.subf %sub3A_330, %squeeze3A_276 : f32
      %get3A_332 = arith.constant 32 : i32
      %get3A_333 = arith.index_cast %get3A_332 : i32 to index
      %get3A_334 = arith.constant 0 : index
      %get3A_335 = tpu.vector_load %arg4[%get3A_333, %get3A_334] {strides = array<i32>} : memref<33x16xf32, #tpu.memory_space<vmem>>, vector<1x16xf32>,
      %get3A_336 = vector.shape_cast %get3A_335 : vector<1x16xf32> to vector<16xf32>
      %slice3A_337 = vector.extract_strided_slice %get3A_336 {offsets = [0], sizes = [1], strides = [1]} : vector<16xf32> to vector<1xf32>
      %squeeze3A_338 = vector.extract %slice3A_337[0] : f32 from vector<1xf32>
      %convert_element_type3A_339 = arith.fptosi %squeeze3A_338 : f32 to i32
      %lt3A = arith.constant 8 : i32
      %lt3A_340 = vector.broadcast %lt3A : i32 to vector<16xi32>
      %lt3A_341 = arith.cmpi slt, %iota3A, %lt3A_340 : vector<16xi32>
      %jit3A = arith.constant 1.000000e+00 : f32
      %jit3A_342 = arith.constant 0.000000e+00 : f32
      %broadcast_in_dim3A_343 = vector.broadcast %jit3A : f32 to vector<16xf32>
      %broadcast_in_dim3A_344 = vector.broadcast %jit3A_342 : f32 to vector<16xf32>
      %select_n3A = arith.select %lt3A_341, %broadcast_in_dim3A_343, %broadcast_in_dim3A_344 : vector<16xi1>, vector<16xf32>
      %exp3A = math.exp %select_n3A : vector<16xf32>
      %sub3A_345 = arith.constant 1.000000e+00 : f32
      %sub3A_346 = vector.broadcast %sub3A_345 : f32 to vector<16xf32>
      %sub3A_347 = arith.subf %exp3A, %sub3A_346 : vector<16xf32>
      %add3A = arith.constant 1.000000e+00 : f32
      %add3A_348 = vector.broadcast %add3A : f32 to vector<16xf32>
      %add3A_349 = arith.addf %exp3A, %add3A_348 : vector<16xf32>
      %div3A = arith.divf %sub3A_347, %add3A_349 : vector<16xf32>
      %scan3A = arith.constant 0 : i32
      %scan3A_350 = arith.constant 0 : i32
      %scan3A_351 = arith.constant 28 : i32
      %scan3A_352 = arith.addi %scan3A_350, %scan3A_351 : i32
      %scan3A_353 = arith.constant 1 : i32
      scf.for %scan3A_439 = %scan3A_350 to %scan3A_352 step %scan3A_353  : i32 {
        %add3A_440 = arith.constant 4 : i32
        %add3A_441 = arith.addi %add3A_440, %scan3A_439 : i32
        %get3A_442 = arith.index_cast %add3A_441 : i32 to index
        %get3A_443 = arith.constant 0 : index
        %get3A_444 = tpu.vector_load %arg4[%get3A_442, %get3A_443] {strides = array<i32>} : memref<33x16xf32, #tpu.memory_space<vmem>>, vector<1x16xf32>,
        %get3A_445 = vector.shape_cast %get3A_444 : vector<1x16xf32> to vector<16xf32>
        %mul3A_446 = arith.mulf %get3A_445, %div3A : vector<16xf32>
        %sub3A_447 = arith.constant 1.000000e+00 : f32
        %sub3A_448 = vector.broadcast %sub3A_447 : f32 to vector<16xf32>
        %sub3A_449 = arith.subf %sub3A_448, %get3A_445 : vector<16xf32>
        %add3A_450 = arith.addf %mul3A_446, %sub3A_449 : vector<16xf32>
        %swap3A_451 = arith.index_cast %scan3A_439 : i32 to index
        %swap3A_452 = arith.constant 0 : index
        %swap3A_453 = tpu.vector_load %arg5[%swap3A_451, %swap3A_452] {strides = array<i32>} : memref<28x16xf32, #tpu.memory_space<vmem>>, vector<1x16xf32>,
        %swap3A_454 = vector.shape_cast %swap3A_453 : vector<1x16xf32> to vector<16xf32>
        %swap3A_455 = vector.shape_cast %add3A_450 : vector<16xf32> to vector<1x16xf32>
        tpu.vector_store %arg5[%swap3A_451, %swap3A_452], %swap3A_455 {strides = array<i32>} : memref<28x16xf32, #tpu.memory_space<vmem>>, vector<1x16xf32>,
        %swap3A_456 = arith.index_cast %scan3A_439 : i32 to index
        %swap3A_457 = arith.constant 0 : index
        %swap3A_458 = tpu.vector_load %arg6[%swap3A_456, %swap3A_457] {strides = array<i32>} : memref<28x16xf32, #tpu.memory_space<vmem>>, vector<1x16xf32>,
        %swap3A_459 = vector.shape_cast %swap3A_458 : vector<1x16xf32> to vector<16xf32>
        %swap3A_460 = vector.shape_cast %broadcast_in_dim3A_12 : vector<16xf32> to vector<1x16xf32>
        tpu.vector_store %arg6[%swap3A_456, %swap3A_457], %swap3A_460 {strides = array<i32>} : memref<28x16xf32, #tpu.memory_space<vmem>>, vector<1x16xf32>,
      }
      %scan3A_354 = arith.constant 28 : i32
      %while3A = arith.constant 0 : i32
      %while3A_355 = arith.constant 0 : i32
      %while3A_356 = arith.subi %convert_element_type3A_339, %while3A_355 : i32
      %while3A_357 = arith.addi %while3A_355, %while3A_356 : i32
      %while3A_358 = arith.constant 1 : i32
      %while3A_359 = arith.divsi %while3A_356, %while3A_358 : i32
      %while3A_360 = arith.muli %while3A_359, %while3A_358 : i32
      %while3A_361 = arith.addi %while3A_355, %while3A_360 : i32
      %while3A_362 = arith.constant 1 : i32
      scf.for %while3A_439 = %while3A_355 to %while3A_361 step %while3A_362  : i32 {
        %get3A_440 = arith.constant 6 : i32
        %get3A_441 = arith.index_cast %get3A_440 : i32 to index
        %get3A_442 = arith.constant 0 : index
        %get3A_443 = tpu.vector_load %arg5[%get3A_441, %get3A_442] {strides = array<i32>} : memref<28x16xf32, #tpu.memory_space<vmem>>, vector<1x16xf32>,
        %get3A_444 = vector.shape_cast %get3A_443 : vector<1x16xf32> to vector<16xf32>
        %get3A_445 = arith.constant 5 : i32
        %get3A_446 = arith.index_cast %get3A_445 : i32 to index
        %get3A_447 = arith.constant 0 : index
        %get3A_448 = tpu.vector_load %arg5[%get3A_446, %get3A_447] {strides = array<i32>} : memref<28x16xf32, #tpu.memory_space<vmem>>, vector<1x16xf32>,
        %get3A_449 = vector.shape_cast %get3A_448 : vector<1x16xf32> to vector<16xf32>
        %mul3A_450 = arith.mulf %get3A_449, %get3A_444 : vector<16xf32>
        %get3A_451 = arith.constant 4 : i32
        %get3A_452 = arith.index_cast %get3A_451 : i32 to index
        %get3A_453 = arith.constant 0 : index
        %get3A_454 = tpu.vector_load %arg5[%get3A_452, %get3A_453] {strides = array<i32>} : memref<28x16xf32, #tpu.memory_space<vmem>>, vector<1x16xf32>,
        %get3A_455 = vector.shape_cast %get3A_454 : vector<1x16xf32> to vector<16xf32>
        %mul3A_456 = arith.mulf %get3A_455, %mul3A_450 : vector<16xf32>
        %get3A_457 = arith.constant 3 : i32
        %get3A_458 = arith.index_cast %get3A_457 : i32 to index
        %get3A_459 = arith.constant 0 : index
        %get3A_460 = tpu.vector_load %arg5[%get3A_458, %get3A_459] {strides = array<i32>} : memref<28x16xf32, #tpu.memory_space<vmem>>, vector<1x16xf32>,
        %get3A_461 = vector.shape_cast %get3A_460 : vector<1x16xf32> to vector<16xf32>
        %mul3A_462 = arith.mulf %get3A_461, %mul3A_456 : vector<16xf32>
        %get3A_463 = arith.constant 2 : i32
        %get3A_464 = arith.index_cast %get3A_463 : i32 to index
        %get3A_465 = arith.constant 0 : index
        %get3A_466 = tpu.vector_load %arg5[%get3A_464, %get3A_465] {strides = array<i32>} : memref<28x16xf32, #tpu.memory_space<vmem>>, vector<1x16xf32>,
        %get3A_467 = vector.shape_cast %get3A_466 : vector<1x16xf32> to vector<16xf32>
        %mul3A_468 = arith.mulf %get3A_467, %mul3A_462 : vector<16xf32>
        %get3A_469 = arith.constant 1 : i32
        %get3A_470 = arith.index_cast %get3A_469 : i32 to index
        %get3A_471 = arith.constant 0 : index
        %get3A_472 = tpu.vector_load %arg5[%get3A_470, %get3A_471] {strides = array<i32>} : memref<28x16xf32, #tpu.memory_space<vmem>>, vector<1x16xf32>,
        %get3A_473 = vector.shape_cast %get3A_472 : vector<1x16xf32> to vector<16xf32>
        %mul3A_474 = arith.mulf %get3A_473, %mul3A_468 : vector<16xf32>
        %get3A_475 = arith.constant 0 : i32
        %get3A_476 = arith.index_cast %get3A_475 : i32 to index
        %get3A_477 = arith.constant 0 : index
        %get3A_478 = tpu.vector_load %arg5[%get3A_476, %get3A_477] {strides = array<i32>} : memref<28x16xf32, #tpu.memory_space<vmem>>, vector<1x16xf32>,
        %get3A_479 = vector.shape_cast %get3A_478 : vector<1x16xf32> to vector<16xf32>
        %mul3A_480 = arith.mulf %get3A_479, %mul3A_474 : vector<16xf32>
        %get3A_481 = arith.constant 13 : i32
        %get3A_482 = arith.index_cast %get3A_481 : i32 to index
        %get3A_483 = arith.constant 0 : index
        %get3A_484 = tpu.vector_load %arg5[%get3A_482, %get3A_483] {strides = array<i32>} : memref<28x16xf32, #tpu.memory_space<vmem>>, vector<1x16xf32>,
        %get3A_485 = vector.shape_cast %get3A_484 : vector<1x16xf32> to vector<16xf32>
        %get3A_486 = arith.constant 12 : i32
        %get3A_487 = arith.index_cast %get3A_486 : i32 to index
        %get3A_488 = arith.constant 0 : index
        %get3A_489 = tpu.vector_load %arg5[%get3A_487, %get3A_488] {strides = array<i32>} : memref<28x16xf32, #tpu.memory_space<vmem>>, vector<1x16xf32>,
        %get3A_490 = vector.shape_cast %get3A_489 : vector<1x16xf32> to vector<16xf32>
        %mul3A_491 = arith.mulf %get3A_490, %get3A_485 : vector<16xf32>
        %get3A_492 = arith.constant 11 : i32
        %get3A_493 = arith.index_cast %get3A_492 : i32 to index
        %get3A_494 = arith.constant 0 : index
        %get3A_495 = tpu.vector_load %arg5[%get3A_493, %get3A_494] {strides = array<i32>} : memref<28x16xf32, #tpu.memory_space<vmem>>, vector<1x16xf32>,
        %get3A_496 = vector.shape_cast %get3A_495 : vector<1x16xf32> to vector<16xf32>
        %mul3A_497 = arith.mulf %get3A_496, %mul3A_491 : vector<16xf32>
        %get3A_498 = arith.constant 10 : i32
        %get3A_499 = arith.index_cast %get3A_498 : i32 to index
        %get3A_500 = arith.constant 0 : index
        %get3A_501 = tpu.vector_load %arg5[%get3A_499, %get3A_500] {strides = array<i32>} : memref<28x16xf32, #tpu.memory_space<vmem>>, vector<1x16xf32>,
        %get3A_502 = vector.shape_cast %get3A_501 : vector<1x16xf32> to vector<16xf32>
        %mul3A_503 = arith.mulf %get3A_502, %mul3A_497 : vector<16xf32>
        %get3A_504 = arith.constant 9 : i32
        %get3A_505 = arith.index_cast %get3A_504 : i32 to index
        %get3A_506 = arith.constant 0 : index
        %get3A_507 = tpu.vector_load %arg5[%get3A_505, %get3A_506] {strides = array<i32>} : memref<28x16xf32, #tpu.memory_space<vmem>>, vector<1x16xf32>,
        %get3A_508 = vector.shape_cast %get3A_507 : vector<1x16xf32> to vector<16xf32>
        %mul3A_509 = arith.mulf %get3A_508, %mul3A_503 : vector<16xf32>
        %get3A_510 = arith.constant 8 : i32
        %get3A_511 = arith.index_cast %get3A_510 : i32 to index
        %get3A_512 = arith.constant 0 : index
        %get3A_513 = tpu.vector_load %arg5[%get3A_511, %get3A_512] {strides = array<i32>} : memref<28x16xf32, #tpu.memory_space<vmem>>, vector<1x16xf32>,
        %get3A_514 = vector.shape_cast %get3A_513 : vector<1x16xf32> to vector<16xf32>
        %mul3A_515 = arith.mulf %get3A_514, %mul3A_509 : vector<16xf32>
        %get3A_516 = arith.constant 7 : i32
        %get3A_517 = arith.index_cast %get3A_516 : i32 to index
        %get3A_518 = arith.constant 0 : index
        %get3A_519 = tpu.vector_load %arg5[%get3A_517, %get3A_518] {strides = array<i32>} : memref<28x16xf32, #tpu.memory_space<vmem>>, vector<1x16xf32>,
        %get3A_520 = vector.shape_cast %get3A_519 : vector<1x16xf32> to vector<16xf32>
        %mul3A_521 = arith.mulf %get3A_520, %mul3A_515 : vector<16xf32>
        %get3A_522 = arith.constant 20 : i32
        %get3A_523 = arith.index_cast %get3A_522 : i32 to index
        %get3A_524 = arith.constant 0 : index
        %get3A_525 = tpu.vector_load %arg5[%get3A_523, %get3A_524] {strides = array<i32>} : memref<28x16xf32, #tpu.memory_space<vmem>>, vector<1x16xf32>,
        %get3A_526 = vector.shape_cast %get3A_525 : vector<1x16xf32> to vector<16xf32>
        %get3A_527 = arith.constant 19 : i32
        %get3A_528 = arith.index_cast %get3A_527 : i32 to index
        %get3A_529 = arith.constant 0 : index
        %get3A_530 = tpu.vector_load %arg5[%get3A_528, %get3A_529] {strides = array<i32>} : memref<28x16xf32, #tpu.memory_space<vmem>>, vector<1x16xf32>,
        %get3A_531 = vector.shape_cast %get3A_530 : vector<1x16xf32> to vector<16xf32>
        %mul3A_532 = arith.mulf %get3A_531, %get3A_526 : vector<16xf32>
        %get3A_533 = arith.constant 18 : i32
        %get3A_534 = arith.index_cast %get3A_533 : i32 to index
        %get3A_535 = arith.constant 0 : index
        %get3A_536 = tpu.vector_load %arg5[%get3A_534, %get3A_535] {strides = array<i32>} : memref<28x16xf32, #tpu.memory_space<vmem>>, vector<1x16xf32>,
        %get3A_537 = vector.shape_cast %get3A_536 : vector<1x16xf32> to vector<16xf32>
        %mul3A_538 = arith.mulf %get3A_537, %mul3A_532 : vector<16xf32>
        %get3A_539 = arith.constant 17 : i32
        %get3A_540 = arith.index_cast %get3A_539 : i32 to index
        %get3A_541 = arith.constant 0 : index
        %get3A_542 = tpu.vector_load %arg5[%get3A_540, %get3A_541] {strides = array<i32>} : memref<28x16xf32, #tpu.memory_space<vmem>>, vector<1x16xf32>,
        %get3A_543 = vector.shape_cast %get3A_542 : vector<1x16xf32> to vector<16xf32>
        %mul3A_544 = arith.mulf %get3A_543, %mul3A_538 : vector<16xf32>
        %get3A_545 = arith.constant 16 : i32
        %get3A_546 = arith.index_cast %get3A_545 : i32 to index
        %get3A_547 = arith.constant 0 : index
        %get3A_548 = tpu.vector_load %arg5[%get3A_546, %get3A_547] {strides = array<i32>} : memref<28x16xf32, #tpu.memory_space<vmem>>, vector<1x16xf32>,
        %get3A_549 = vector.shape_cast %get3A_548 : vector<1x16xf32> to vector<16xf32>
        %mul3A_550 = arith.mulf %get3A_549, %mul3A_544 : vector<16xf32>
        %get3A_551 = arith.constant 15 : i32
        %get3A_552 = arith.index_cast %get3A_551 : i32 to index
        %get3A_553 = arith.constant 0 : index
        %get3A_554 = tpu.vector_load %arg5[%get3A_552, %get3A_553] {strides = array<i32>} : memref<28x16xf32, #tpu.memory_space<vmem>>, vector<1x16xf32>,
        %get3A_555 = vector.shape_cast %get3A_554 : vector<1x16xf32> to vector<16xf32>
        %mul3A_556 = arith.mulf %get3A_555, %mul3A_550 : vector<16xf32>
        %get3A_557 = arith.constant 14 : i32
        %get3A_558 = arith.index_cast %get3A_557 : i32 to index
        %get3A_559 = arith.constant 0 : index
        %get3A_560 = tpu.vector_load %arg5[%get3A_558, %get3A_559] {strides = array<i32>} : memref<28x16xf32, #tpu.memory_space<vmem>>, vector<1x16xf32>,
        %get3A_561 = vector.shape_cast %get3A_560 : vector<1x16xf32> to vector<16xf32>
        %mul3A_562 = arith.mulf %get3A_561, %mul3A_556 : vector<16xf32>
        %get3A_563 = arith.constant 27 : i32
        %get3A_564 = arith.index_cast %get3A_563 : i32 to index
        %get3A_565 = arith.constant 0 : index
        %get3A_566 = tpu.vector_load %arg5[%get3A_564, %get3A_565] {strides = array<i32>} : memref<28x16xf32, #tpu.memory_space<vmem>>, vector<1x16xf32>,
        %get3A_567 = vector.shape_cast %get3A_566 : vector<1x16xf32> to vector<16xf32>
        %get3A_568 = arith.constant 26 : i32
        %get3A_569 = arith.index_cast %get3A_568 : i32 to index
        %get3A_570 = arith.constant 0 : index
        %get3A_571 = tpu.vector_load %arg5[%get3A_569, %get3A_570] {strides = array<i32>} : memref<28x16xf32, #tpu.memory_space<vmem>>, vector<1x16xf32>,
        %get3A_572 = vector.shape_cast %get3A_571 : vector<1x16xf32> to vector<16xf32>
        %mul3A_573 = arith.mulf %get3A_572, %get3A_567 : vector<16xf32>
        %get3A_574 = arith.constant 25 : i32
        %get3A_575 = arith.index_cast %get3A_574 : i32 to index
        %get3A_576 = arith.constant 0 : index
        %get3A_577 = tpu.vector_load %arg5[%get3A_575, %get3A_576] {strides = array<i32>} : memref<28x16xf32, #tpu.memory_space<vmem>>, vector<1x16xf32>,
        %get3A_578 = vector.shape_cast %get3A_577 : vector<1x16xf32> to vector<16xf32>
        %mul3A_579 = arith.mulf %get3A_578, %mul3A_573 : vector<16xf32>
        %get3A_580 = arith.constant 24 : i32
        %get3A_581 = arith.index_cast %get3A_580 : i32 to index
        %get3A_582 = arith.constant 0 : index
        %get3A_583 = tpu.vector_load %arg5[%get3A_581, %get3A_582] {strides = array<i32>} : memref<28x16xf32, #tpu.memory_space<vmem>>, vector<1x16xf32>,
        %get3A_584 = vector.shape_cast %get3A_583 : vector<1x16xf32> to vector<16xf32>
        %mul3A_585 = arith.mulf %get3A_584, %mul3A_579 : vector<16xf32>
        %get3A_586 = arith.constant 23 : i32
        %get3A_587 = arith.index_cast %get3A_586 : i32 to index
        %get3A_588 = arith.constant 0 : index
        %get3A_589 = tpu.vector_load %arg5[%get3A_587, %get3A_588] {strides = array<i32>} : memref<28x16xf32, #tpu.memory_space<vmem>>, vector<1x16xf32>,
        %get3A_590 = vector.shape_cast %get3A_589 : vector<1x16xf32> to vector<16xf32>
        %mul3A_591 = arith.mulf %get3A_590, %mul3A_585 : vector<16xf32>
        %get3A_592 = arith.constant 22 : i32
        %get3A_593 = arith.index_cast %get3A_592 : i32 to index
        %get3A_594 = arith.constant 0 : index
        %get3A_595 = tpu.vector_load %arg5[%get3A_593, %get3A_594] {strides = array<i32>} : memref<28x16xf32, #tpu.memory_space<vmem>>, vector<1x16xf32>,
        %get3A_596 = vector.shape_cast %get3A_595 : vector<1x16xf32> to vector<16xf32>
        %mul3A_597 = arith.mulf %get3A_596, %mul3A_591 : vector<16xf32>
        %get3A_598 = arith.constant 21 : i32
        %get3A_599 = arith.index_cast %get3A_598 : i32 to index
        %get3A_600 = arith.constant 0 : index
        %get3A_601 = tpu.vector_load %arg5[%get3A_599, %get3A_600] {strides = array<i32>} : memref<28x16xf32, #tpu.memory_space<vmem>>, vector<1x16xf32>,
        %get3A_602 = vector.shape_cast %get3A_601 : vector<1x16xf32> to vector<16xf32>
        %mul3A_603 = arith.mulf %get3A_602, %mul3A_597 : vector<16xf32>
        %mul3A_604 = arith.mulf %sign3A_28, %mul3A_480 : vector<16xf32>
        %exp3A_605 = math.exp %mul3A_604 : vector<16xf32>
        %sub3A_606 = arith.constant 1.000000e+00 : f32
        %sub3A_607 = vector.broadcast %sub3A_606 : f32 to vector<16xf32>
        %sub3A_608 = arith.subf %exp3A_605, %sub3A_607 : vector<16xf32>
        %add3A_609 = arith.constant 1.000000e+00 : f32
        %add3A_610 = vector.broadcast %add3A_609 : f32 to vector<16xf32>
        %add3A_611 = arith.addf %exp3A_605, %add3A_610 : vector<16xf32>
        %div3A_612 = arith.divf %sub3A_608, %add3A_611 : vector<16xf32>
        %mul3A_613 = vector.broadcast %squeeze3A : f32 to vector<16xf32>
        %mul3A_614 = arith.mulf %mul3A_613, %div3A_612 : vector<16xf32>
        %add3A_615 = vector.broadcast %sub3A_277 : f32 to vector<16xf32>
        %add3A_616 = arith.addf %mul3A_614, %add3A_615 : vector<16xf32>
        %swap3A_617 = arith.constant 0 : i32
        %swap3A_618 = arith.index_cast %swap3A_617 : i32 to index
        %swap3A_619 = arith.constant 0 : index
        %swap3A_620 = tpu.vector_load %arg5[%swap3A_618, %swap3A_619] {strides = array<i32>} : memref<28x16xf32, #tpu.memory_space<vmem>>, vector<1x16xf32>,
        %swap3A_621 = vector.shape_cast %swap3A_620 : vector<1x16xf32> to vector<16xf32>
        %swap3A_622 = vector.shape_cast %add3A_616 : vector<16xf32> to vector<1x16xf32>
        tpu.vector_store %arg5[%swap3A_618, %swap3A_619], %swap3A_622 {strides = array<i32>} : memref<28x16xf32, #tpu.memory_space<vmem>>, vector<1x16xf32>,
        %mul3A_623 = arith.mulf %sign3A_46, %mul3A_521 : vector<16xf32>
        %exp3A_624 = math.exp %mul3A_623 : vector<16xf32>
        %sub3A_625 = arith.constant 1.000000e+00 : f32
        %sub3A_626 = vector.broadcast %sub3A_625 : f32 to vector<16xf32>
        %sub3A_627 = arith.subf %exp3A_624, %sub3A_626 : vector<16xf32>
        %add3A_628 = arith.constant 1.000000e+00 : f32
        %add3A_629 = vector.broadcast %add3A_628 : f32 to vector<16xf32>
        %add3A_630 = arith.addf %exp3A_624, %add3A_629 : vector<16xf32>
        %div3A_631 = arith.divf %sub3A_627, %add3A_630 : vector<16xf32>
        %mul3A_632 = vector.broadcast %squeeze3A_136 : f32 to vector<16xf32>
        %mul3A_633 = arith.mulf %mul3A_632, %div3A_631 : vector<16xf32>
        %add3A_634 = vector.broadcast %sub3A_291 : f32 to vector<16xf32>
        %add3A_635 = arith.addf %mul3A_633, %add3A_634 : vector<16xf32>
        %swap3A_636 = arith.constant 7 : i32
        %swap3A_637 = arith.index_cast %swap3A_636 : i32 to index
        %swap3A_638 = arith.constant 0 : index
        %swap3A_639 = tpu.vector_load %arg5[%swap3A_637, %swap3A_638] {strides = array<i32>} : memref<28x16xf32, #tpu.memory_space<vmem>>, vector<1x16xf32>,
        %swap3A_640 = vector.shape_cast %swap3A_639 : vector<1x16xf32> to vector<16xf32>
        %swap3A_641 = vector.shape_cast %add3A_635 : vector<16xf32> to vector<1x16xf32>
        tpu.vector_store %arg5[%swap3A_637, %swap3A_638], %swap3A_641 {strides = array<i32>} : memref<28x16xf32, #tpu.memory_space<vmem>>, vector<1x16xf32>,
        %mul3A_642 = arith.mulf %sign3A_64, %mul3A_562 : vector<16xf32>
        %exp3A_643 = math.exp %mul3A_642 : vector<16xf32>
        %sub3A_644 = arith.constant 1.000000e+00 : f32
        %sub3A_645 = vector.broadcast %sub3A_644 : f32 to vector<16xf32>
        %sub3A_646 = arith.subf %exp3A_643, %sub3A_645 : vector<16xf32>
        %add3A_647 = arith.constant 1.000000e+00 : f32
        %add3A_648 = vector.broadcast %add3A_647 : f32 to vector<16xf32>
        %add3A_649 = arith.addf %exp3A_643, %add3A_648 : vector<16xf32>
        %div3A_650 = arith.divf %sub3A_646, %add3A_649 : vector<16xf32>
        %mul3A_651 = vector.broadcast %squeeze3A_185 : f32 to vector<16xf32>
        %mul3A_652 = arith.mulf %mul3A_651, %div3A_650 : vector<16xf32>
        %add3A_653 = vector.broadcast %sub3A_305 : f32 to vector<16xf32>
        %add3A_654 = arith.addf %mul3A_652, %add3A_653 : vector<16xf32>
        %swap3A_655 = arith.constant 14 : i32
        %swap3A_656 = arith.index_cast %swap3A_655 : i32 to index
        %swap3A_657 = arith.constant 0 : index
        %swap3A_658 = tpu.vector_load %arg5[%swap3A_656, %swap3A_657] {strides = array<i32>} : memref<28x16xf32, #tpu.memory_space<vmem>>, vector<1x16xf32>,
        %swap3A_659 = vector.shape_cast %swap3A_658 : vector<1x16xf32> to vector<16xf32>
        %swap3A_660 = vector.shape_cast %add3A_654 : vector<16xf32> to vector<1x16xf32>
        tpu.vector_store %arg5[%swap3A_656, %swap3A_657], %swap3A_660 {strides = array<i32>} : memref<28x16xf32, #tpu.memory_space<vmem>>, vector<1x16xf32>,
        %mul3A_661 = arith.mulf %sign3A_82, %mul3A_603 : vector<16xf32>
        %exp3A_662 = math.exp %mul3A_661 : vector<16xf32>
        %sub3A_663 = arith.constant 1.000000e+00 : f32
        %sub3A_664 = vector.broadcast %sub3A_663 : f32 to vector<16xf32>
        %sub3A_665 = arith.subf %exp3A_662, %sub3A_664 : vector<16xf32>
        %add3A_666 = arith.constant 1.000000e+00 : f32
        %add3A_667 = vector.broadcast %add3A_666 : f32 to vector<16xf32>
        %add3A_668 = arith.addf %exp3A_662, %add3A_667 : vector<16xf32>
        %div3A_669 = arith.divf %sub3A_665, %add3A_668 : vector<16xf32>
        %mul3A_670 = vector.broadcast %squeeze3A_234 : f32 to vector<16xf32>
        %mul3A_671 = arith.mulf %mul3A_670, %div3A_669 : vector<16xf32>
        %add3A_672 = vector.broadcast %sub3A_319 : f32 to vector<16xf32>
        %add3A_673 = arith.addf %mul3A_671, %add3A_672 : vector<16xf32>
        %swap3A_674 = arith.constant 21 : i32
        %swap3A_675 = arith.index_cast %swap3A_674 : i32 to index
        %swap3A_676 = arith.constant 0 : index
        %swap3A_677 = tpu.vector_load %arg5[%swap3A_675, %swap3A_676] {strides = array<i32>} : memref<28x16xf32, #tpu.memory_space<vmem>>, vector<1x16xf32>,
        %swap3A_678 = vector.shape_cast %swap3A_677 : vector<1x16xf32> to vector<16xf32>
        %swap3A_679 = vector.shape_cast %add3A_673 : vector<16xf32> to vector<1x16xf32>
        tpu.vector_store %arg5[%swap3A_675, %swap3A_676], %swap3A_679 {strides = array<i32>} : memref<28x16xf32, #tpu.memory_space<vmem>>, vector<1x16xf32>,
        %mul3A_680 = arith.mulf %add3A_616, %mul3A_474 : vector<16xf32>
        %mul3A_681 = arith.mulf %sign3A_28, %mul3A_680 : vector<16xf32>
        %exp3A_682 = math.exp %mul3A_681 : vector<16xf32>
        %sub3A_683 = arith.constant 1.000000e+00 : f32
        %sub3A_684 = vector.broadcast %sub3A_683 : f32 to vector<16xf32>
        %sub3A_685 = arith.subf %exp3A_682, %sub3A_684 : vector<16xf32>
        %add3A_686 = arith.constant 1.000000e+00 : f32
        %add3A_687 = vector.broadcast %add3A_686 : f32 to vector<16xf32>
        %add3A_688 = arith.addf %exp3A_682, %add3A_687 : vector<16xf32>
        %div3A_689 = arith.divf %sub3A_685, %add3A_688 : vector<16xf32>
        %mul3A_690 = vector.broadcast %squeeze3A_94 : f32 to vector<16xf32>
        %mul3A_691 = arith.mulf %mul3A_690, %div3A_689 : vector<16xf32>
        %add3A_692 = vector.broadcast %sub3A_279 : f32 to vector<16xf32>
        %add3A_693 = arith.addf %mul3A_691, %add3A_692 : vector<16xf32>
        %swap3A_694 = arith.constant 1 : i32
        %swap3A_695 = arith.index_cast %swap3A_694 : i32 to index
        %swap3A_696 = arith.constant 0 : index
        %swap3A_697 = tpu.vector_load %arg5[%swap3A_695, %swap3A_696] {strides = array<i32>} : memref<28x16xf32, #tpu.memory_space<vmem>>, vector<1x16xf32>,
        %swap3A_698 = vector.shape_cast %swap3A_697 : vector<1x16xf32> to vector<16xf32>
        %swap3A_699 = vector.shape_cast %add3A_693 : vector<16xf32> to vector<1x16xf32>
        tpu.vector_store %arg5[%swap3A_695, %swap3A_696], %swap3A_699 {strides = array<i32>} : memref<28x16xf32, #tpu.memory_space<vmem>>, vector<1x16xf32>,
        %mul3A_700 = arith.mulf %add3A_616, %add3A_693 : vector<16xf32>
        %mul3A_701 = arith.mulf %add3A_635, %mul3A_515 : vector<16xf32>
        %mul3A_702 = arith.mulf %sign3A_46, %mul3A_701 : vector<16xf32>
        %exp3A_703 = math.exp %mul3A_702 : vector<16xf32>
        %sub3A_704 = arith.constant 1.000000e+00 : f32
        %sub3A_705 = vector.broadcast %sub3A_704 : f32 to vector<16xf32>
        %sub3A_706 = arith.subf %exp3A_703, %sub3A_705 : vector<16xf32>
        %add3A_707 = arith.constant 1.000000e+00 : f32
        %add3A_708 = vector.broadcast %add3A_707 : f32 to vector<16xf32>
        %add3A_709 = arith.addf %exp3A_703, %add3A_708 : vector<16xf32>
        %div3A_710 = arith.divf %sub3A_706, %add3A_709 : vector<16xf32>
        %mul3A_711 = vector.broadcast %squeeze3A_143 : f32 to vector<16xf32>
        %mul3A_712 = arith.mulf %mul3A_711, %div3A_710 : vector<16xf32>
        %add3A_713 = vector.broadcast %sub3A_293 : f32 to vector<16xf32>
        %add3A_714 = arith.addf %mul3A_712, %add3A_713 : vector<16xf32>
        %swap3A_715 = arith.constant 8 : i32
        %swap3A_716 = arith.index_cast %swap3A_715 : i32 to index
        %swap3A_717 = arith.constant 0 : index
        %swap3A_718 = tpu.vector_load %arg5[%swap3A_716, %swap3A_717] {strides = array<i32>} : memref<28x16xf32, #tpu.memory_space<vmem>>, vector<1x16xf32>,
        %swap3A_719 = vector.shape_cast %swap3A_718 : vector<1x16xf32> to vector<16xf32>
        %swap3A_720 = vector.shape_cast %add3A_714 : vector<16xf32> to vector<1x16xf32>
        tpu.vector_store %arg5[%swap3A_716, %swap3A_717], %swap3A_720 {strides = array<i32>} : memref<28x16xf32, #tpu.memory_space<vmem>>, vector<1x16xf32>,
        %mul3A_721 = arith.mulf %add3A_635, %add3A_714 : vector<16xf32>
        %mul3A_722 = arith.mulf %add3A_654, %mul3A_556 : vector<16xf32>
        %mul3A_723 = arith.mulf %sign3A_64, %mul3A_722 : vector<16xf32>
        %exp3A_724 = math.exp %mul3A_723 : vector<16xf32>
        %sub3A_725 = arith.constant 1.000000e+00 : f32
        %sub3A_726 = vector.broadcast %sub3A_725 : f32 to vector<16xf32>
        %sub3A_727 = arith.subf %exp3A_724, %sub3A_726 : vector<16xf32>
        %add3A_728 = arith.constant 1.000000e+00 : f32
        %add3A_729 = vector.broadcast %add3A_728 : f32 to vector<16xf32>
        %add3A_730 = arith.addf %exp3A_724, %add3A_729 : vector<16xf32>
        %div3A_731 = arith.divf %sub3A_727, %add3A_730 : vector<16xf32>
        %mul3A_732 = vector.broadcast %squeeze3A_192 : f32 to vector<16xf32>
        %mul3A_733 = arith.mulf %mul3A_732, %div3A_731 : vector<16xf32>
        %add3A_734 = vector.broadcast %sub3A_307 : f32 to vector<16xf32>
        %add3A_735 = arith.addf %mul3A_733, %add3A_734 : vector<16xf32>
        %swap3A_736 = arith.constant 15 : i32
        %swap3A_737 = arith.index_cast %swap3A_736 : i32 to index
        %swap3A_738 = arith.constant 0 : index
        %swap3A_739 = tpu.vector_load %arg5[%swap3A_737, %swap3A_738] {strides = array<i32>} : memref<28x16xf32, #tpu.memory_space<vmem>>, vector<1x16xf32>,
        %swap3A_740 = vector.shape_cast %swap3A_739 : vector<1x16xf32> to vector<16xf32>
        %swap3A_741 = vector.shape_cast %add3A_735 : vector<16xf32> to vector<1x16xf32>
        tpu.vector_store %arg5[%swap3A_737, %swap3A_738], %swap3A_741 {strides = array<i32>} : memref<28x16xf32, #tpu.memory_space<vmem>>, vector<1x16xf32>,
        %mul3A_742 = arith.mulf %add3A_654, %add3A_735 : vector<16xf32>
        %mul3A_743 = arith.mulf %add3A_673, %mul3A_597 : vector<16xf32>
        %mul3A_744 = arith.mulf %sign3A_82, %mul3A_743 : vector<16xf32>
        %exp3A_745 = math.exp %mul3A_744 : vector<16xf32>
        %sub3A_746 = arith.constant 1.000000e+00 : f32
        %sub3A_747 = vector.broadcast %sub3A_746 : f32 to vector<16xf32>
        %sub3A_748 = arith.subf %exp3A_745, %sub3A_747 : vector<16xf32>
        %add3A_749 = arith.constant 1.000000e+00 : f32
        %add3A_750 = vector.broadcast %add3A_749 : f32 to vector<16xf32>
        %add3A_751 = arith.addf %exp3A_745, %add3A_750 : vector<16xf32>
        %div3A_752 = arith.divf %sub3A_748, %add3A_751 : vector<16xf32>
        %mul3A_753 = vector.broadcast %squeeze3A_241 : f32 to vector<16xf32>
        %mul3A_754 = arith.mulf %mul3A_753, %div3A_752 : vector<16xf32>
        %add3A_755 = vector.broadcast %sub3A_321 : f32 to vector<16xf32>
        %add3A_756 = arith.addf %mul3A_754, %add3A_755 : vector<16xf32>
        %swap3A_757 = arith.constant 22 : i32
        %swap3A_758 = arith.index_cast %swap3A_757 : i32 to index
        %swap3A_759 = arith.constant 0 : index
        %swap3A_760 = tpu.vector_load %arg5[%swap3A_758, %swap3A_759] {strides = array<i32>} : memref<28x16xf32, #tpu.memory_space<vmem>>, vector<1x16xf32>,
        %swap3A_761 = vector.shape_cast %swap3A_760 : vector<1x16xf32> to vector<16xf32>
        %swap3A_762 = vector.shape_cast %add3A_756 : vector<16xf32> to vector<1x16xf32>
        tpu.vector_store %arg5[%swap3A_758, %swap3A_759], %swap3A_762 {strides = array<i32>} : memref<28x16xf32, #tpu.memory_space<vmem>>, vector<1x16xf32>,
        %mul3A_763 = arith.mulf %add3A_673, %add3A_756 : vector<16xf32>
        %mul3A_764 = arith.mulf %mul3A_700, %mul3A_468 : vector<16xf32>
        %mul3A_765 = arith.mulf %sign3A_28, %mul3A_764 : vector<16xf32>
        %exp3A_766 = math.exp %mul3A_765 : vector<16xf32>
        %sub3A_767 = arith.constant 1.000000e+00 : f32
        %sub3A_768 = vector.broadcast %sub3A_767 : f32 to vector<16xf32>
        %sub3A_769 = arith.subf %exp3A_766, %sub3A_768 : vector<16xf32>
        %add3A_770 = arith.constant 1.000000e+00 : f32
        %add3A_771 = vector.broadcast %add3A_770 : f32 to vector<16xf32>
        %add3A_772 = arith.addf %exp3A_766, %add3A_771 : vector<16xf32>
        %div3A_773 = arith.divf %sub3A_769, %add3A_772 : vector<16xf32>
        %mul3A_774 = vector.broadcast %squeeze3A_101 : f32 to vector<16xf32>
        %mul3A_775 = arith.mulf %mul3A_774, %div3A_773 : vector<16xf32>
        %add3A_776 = vector.broadcast %sub3A_281 : f32 to vector<16xf32>
        %add3A_777 = arith.addf %mul3A_775, %add3A_776 : vector<16xf32>
        %swap3A_778 = arith.constant 2 : i32
        %swap3A_779 = arith.index_cast %swap3A_778 : i32 to index
        %swap3A_780 = arith.constant 0 : index
        %swap3A_781 = tpu.vector_load %arg5[%swap3A_779, %swap3A_780] {strides = array<i32>} : memref<28x16xf32, #tpu.memory_space<vmem>>, vector<1x16xf32>,
        %swap3A_782 = vector.shape_cast %swap3A_781 : vector<1x16xf32> to vector<16xf32>
        %swap3A_783 = vector.shape_cast %add3A_777 : vector<16xf32> to vector<1x16xf32>
        tpu.vector_store %arg5[%swap3A_779, %swap3A_780], %swap3A_783 {strides = array<i32>} : memref<28x16xf32, #tpu.memory_space<vmem>>, vector<1x16xf32>,
        %mul3A_784 = arith.mulf %mul3A_700, %add3A_777 : vector<16xf32>
        %mul3A_785 = arith.mulf %mul3A_721, %mul3A_509 : vector<16xf32>
        %mul3A_786 = arith.mulf %sign3A_46, %mul3A_785 : vector<16xf32>
        %exp3A_787 = math.exp %mul3A_786 : vector<16xf32>
        %sub3A_788 = arith.constant 1.000000e+00 : f32
        %sub3A_789 = vector.broadcast %sub3A_788 : f32 to vector<16xf32>
        %sub3A_790 = arith.subf %exp3A_787, %sub3A_789 : vector<16xf32>
        %add3A_791 = arith.constant 1.000000e+00 : f32
        %add3A_792 = vector.broadcast %add3A_791 : f32 to vector<16xf32>
        %add3A_793 = arith.addf %exp3A_787, %add3A_792 : vector<16xf32>
        %div3A_794 = arith.divf %sub3A_790, %add3A_793 : vector<16xf32>
        %mul3A_795 = vector.broadcast %squeeze3A_150 : f32 to vector<16xf32>
        %mul3A_796 = arith.mulf %mul3A_795, %div3A_794 : vector<16xf32>
        %add3A_797 = vector.broadcast %sub3A_295 : f32 to vector<16xf32>
        %add3A_798 = arith.addf %mul3A_796, %add3A_797 : vector<16xf32>
        %swap3A_799 = arith.constant 9 : i32
        %swap3A_800 = arith.index_cast %swap3A_799 : i32 to index
        %swap3A_801 = arith.constant 0 : index
        %swap3A_802 = tpu.vector_load %arg5[%swap3A_800, %swap3A_801] {strides = array<i32>} : memref<28x16xf32, #tpu.memory_space<vmem>>, vector<1x16xf32>,
        %swap3A_803 = vector.shape_cast %swap3A_802 : vector<1x16xf32> to vector<16xf32>
        %swap3A_804 = vector.shape_cast %add3A_798 : vector<16xf32> to vector<1x16xf32>
        tpu.vector_store %arg5[%swap3A_800, %swap3A_801], %swap3A_804 {strides = array<i32>} : memref<28x16xf32, #tpu.memory_space<vmem>>, vector<1x16xf32>,
        %mul3A_805 = arith.mulf %mul3A_721, %add3A_798 : vector<16xf32>
        %mul3A_806 = arith.mulf %mul3A_742, %mul3A_550 : vector<16xf32>
        %mul3A_807 = arith.mulf %sign3A_64, %mul3A_806 : vector<16xf32>
        %exp3A_808 = math.exp %mul3A_807 : vector<16xf32>
        %sub3A_809 = arith.constant 1.000000e+00 : f32
        %sub3A_810 = vector.broadcast %sub3A_809 : f32 to vector<16xf32>
        %sub3A_811 = arith.subf %exp3A_808, %sub3A_810 : vector<16xf32>
        %add3A_812 = arith.constant 1.000000e+00 : f32
        %add3A_813 = vector.broadcast %add3A_812 : f32 to vector<16xf32>
        %add3A_814 = arith.addf %exp3A_808, %add3A_813 : vector<16xf32>
        %div3A_815 = arith.divf %sub3A_811, %add3A_814 : vector<16xf32>
        %mul3A_816 = vector.broadcast %squeeze3A_199 : f32 to vector<16xf32>
        %mul3A_817 = arith.mulf %mul3A_816, %div3A_815 : vector<16xf32>
        %add3A_818 = vector.broadcast %sub3A_309 : f32 to vector<16xf32>
        %add3A_819 = arith.addf %mul3A_817, %add3A_818 : vector<16xf32>
        %swap3A_820 = arith.constant 16 : i32
        %swap3A_821 = arith.index_cast %swap3A_820 : i32 to index
        %swap3A_822 = arith.constant 0 : index
        %swap3A_823 = tpu.vector_load %arg5[%swap3A_821, %swap3A_822] {strides = array<i32>} : memref<28x16xf32, #tpu.memory_space<vmem>>, vector<1x16xf32>,
        %swap3A_824 = vector.shape_cast %swap3A_823 : vector<1x16xf32> to vector<16xf32>
        %swap3A_825 = vector.shape_cast %add3A_819 : vector<16xf32> to vector<1x16xf32>
        tpu.vector_store %arg5[%swap3A_821, %swap3A_822], %swap3A_825 {strides = array<i32>} : memref<28x16xf32, #tpu.memory_space<vmem>>, vector<1x16xf32>,
        %mul3A_826 = arith.mulf %mul3A_742, %add3A_819 : vector<16xf32>
        %mul3A_827 = arith.mulf %mul3A_763, %mul3A_591 : vector<16xf32>
        %mul3A_828 = arith.mulf %sign3A_82, %mul3A_827 : vector<16xf32>
        %exp3A_829 = math.exp %mul3A_828 : vector<16xf32>
        %sub3A_830 = arith.constant 1.000000e+00 : f32
        %sub3A_831 = vector.broadcast %sub3A_830 : f32 to vector<16xf32>
        %sub3A_832 = arith.subf %exp3A_829, %sub3A_831 : vector<16xf32>
        %add3A_833 = arith.constant 1.000000e+00 : f32
        %add3A_834 = vector.broadcast %add3A_833 : f32 to vector<16xf32>
        %add3A_835 = arith.addf %exp3A_829, %add3A_834 : vector<16xf32>
        %div3A_836 = arith.divf %sub3A_832, %add3A_835 : vector<16xf32>
        %mul3A_837 = vector.broadcast %squeeze3A_248 : f32 to vector<16xf32>
        %mul3A_838 = arith.mulf %mul3A_837, %div3A_836 : vector<16xf32>
        %add3A_839 = vector.broadcast %sub3A_323 : f32 to vector<16xf32>
        %add3A_840 = arith.addf %mul3A_838, %add3A_839 : vector<16xf32>
        %swap3A_841 = arith.constant 23 : i32
        %swap3A_842 = arith.index_cast %swap3A_841 : i32 to index
        %swap3A_843 = arith.constant 0 : index
        %swap3A_844 = tpu.vector_load %arg5[%swap3A_842, %swap3A_843] {strides = array<i32>} : memref<28x16xf32, #tpu.memory_space<vmem>>, vector<1x16xf32>,
        %swap3A_845 = vector.shape_cast %swap3A_844 : vector<1x16xf32> to vector<16xf32>
        %swap3A_846 = vector.shape_cast %add3A_840 : vector<16xf32> to vector<1x16xf32>
        tpu.vector_store %arg5[%swap3A_842, %swap3A_843], %swap3A_846 {strides = array<i32>} : memref<28x16xf32, #tpu.memory_space<vmem>>, vector<1x16xf32>,
        %mul3A_847 = arith.mulf %mul3A_763, %add3A_840 : vector<16xf32>
        %mul3A_848 = arith.mulf %mul3A_784, %mul3A_462 : vector<16xf32>
        %mul3A_849 = arith.mulf %sign3A_28, %mul3A_848 : vector<16xf32>
        %exp3A_850 = math.exp %mul3A_849 : vector<16xf32>
        %sub3A_851 = arith.constant 1.000000e+00 : f32
        %sub3A_852 = vector.broadcast %sub3A_851 : f32 to vector<16xf32>
        %sub3A_853 = arith.subf %exp3A_850, %sub3A_852 : vector<16xf32>
        %add3A_854 = arith.constant 1.000000e+00 : f32
        %add3A_855 = vector.broadcast %add3A_854 : f32 to vector<16xf32>
        %add3A_856 = arith.addf %exp3A_850, %add3A_855 : vector<16xf32>
        %div3A_857 = arith.divf %sub3A_853, %add3A_856 : vector<16xf32>
        %mul3A_858 = vector.broadcast %squeeze3A_108 : f32 to vector<16xf32>
        %mul3A_859 = arith.mulf %mul3A_858, %div3A_857 : vector<16xf32>
        %add3A_860 = vector.broadcast %sub3A_283 : f32 to vector<16xf32>
        %add3A_861 = arith.addf %mul3A_859, %add3A_860 : vector<16xf32>
        %swap3A_862 = arith.constant 3 : i32
        %swap3A_863 = arith.index_cast %swap3A_862 : i32 to index
        %swap3A_864 = arith.constant 0 : index
        %swap3A_865 = tpu.vector_load %arg5[%swap3A_863, %swap3A_864] {strides = array<i32>} : memref<28x16xf32, #tpu.memory_space<vmem>>, vector<1x16xf32>,
        %swap3A_866 = vector.shape_cast %swap3A_865 : vector<1x16xf32> to vector<16xf32>
        %swap3A_867 = vector.shape_cast %add3A_861 : vector<16xf32> to vector<1x16xf32>
        tpu.vector_store %arg5[%swap3A_863, %swap3A_864], %swap3A_867 {strides = array<i32>} : memref<28x16xf32, #tpu.memory_space<vmem>>, vector<1x16xf32>,
        %mul3A_868 = arith.mulf %mul3A_784, %add3A_861 : vector<16xf32>
        %mul3A_869 = arith.mulf %mul3A_805, %mul3A_503 : vector<16xf32>
        %mul3A_870 = arith.mulf %sign3A_46, %mul3A_869 : vector<16xf32>
        %exp3A_871 = math.exp %mul3A_870 : vector<16xf32>
        %sub3A_872 = arith.constant 1.000000e+00 : f32
        %sub3A_873 = vector.broadcast %sub3A_872 : f32 to vector<16xf32>
        %sub3A_874 = arith.subf %exp3A_871, %sub3A_873 : vector<16xf32>
        %add3A_875 = arith.constant 1.000000e+00 : f32
        %add3A_876 = vector.broadcast %add3A_875 : f32 to vector<16xf32>
        %add3A_877 = arith.addf %exp3A_871, %add3A_876 : vector<16xf32>
        %div3A_878 = arith.divf %sub3A_874, %add3A_877 : vector<16xf32>
        %mul3A_879 = vector.broadcast %squeeze3A_157 : f32 to vector<16xf32>
        %mul3A_880 = arith.mulf %mul3A_879, %div3A_878 : vector<16xf32>
        %add3A_881 = vector.broadcast %sub3A_297 : f32 to vector<16xf32>
        %add3A_882 = arith.addf %mul3A_880, %add3A_881 : vector<16xf32>
        %swap3A_883 = arith.constant 10 : i32
        %swap3A_884 = arith.index_cast %swap3A_883 : i32 to index
        %swap3A_885 = arith.constant 0 : index
        %swap3A_886 = tpu.vector_load %arg5[%swap3A_884, %swap3A_885] {strides = array<i32>} : memref<28x16xf32, #tpu.memory_space<vmem>>, vector<1x16xf32>,
        %swap3A_887 = vector.shape_cast %swap3A_886 : vector<1x16xf32> to vector<16xf32>
        %swap3A_888 = vector.shape_cast %add3A_882 : vector<16xf32> to vector<1x16xf32>
        tpu.vector_store %arg5[%swap3A_884, %swap3A_885], %swap3A_888 {strides = array<i32>} : memref<28x16xf32, #tpu.memory_space<vmem>>, vector<1x16xf32>,
        %mul3A_889 = arith.mulf %mul3A_805, %add3A_882 : vector<16xf32>
        %mul3A_890 = arith.mulf %mul3A_826, %mul3A_544 : vector<16xf32>
        %mul3A_891 = arith.mulf %sign3A_64, %mul3A_890 : vector<16xf32>
        %exp3A_892 = math.exp %mul3A_891 : vector<16xf32>
        %sub3A_893 = arith.constant 1.000000e+00 : f32
        %sub3A_894 = vector.broadcast %sub3A_893 : f32 to vector<16xf32>
        %sub3A_895 = arith.subf %exp3A_892, %sub3A_894 : vector<16xf32>
        %add3A_896 = arith.constant 1.000000e+00 : f32
        %add3A_897 = vector.broadcast %add3A_896 : f32 to vector<16xf32>
        %add3A_898 = arith.addf %exp3A_892, %add3A_897 : vector<16xf32>
        %div3A_899 = arith.divf %sub3A_895, %add3A_898 : vector<16xf32>
        %mul3A_900 = vector.broadcast %squeeze3A_206 : f32 to vector<16xf32>
        %mul3A_901 = arith.mulf %mul3A_900, %div3A_899 : vector<16xf32>
        %add3A_902 = vector.broadcast %sub3A_311 : f32 to vector<16xf32>
        %add3A_903 = arith.addf %mul3A_901, %add3A_902 : vector<16xf32>
        %swap3A_904 = arith.constant 17 : i32
        %swap3A_905 = arith.index_cast %swap3A_904 : i32 to index
        %swap3A_906 = arith.constant 0 : index
        %swap3A_907 = tpu.vector_load %arg5[%swap3A_905, %swap3A_906] {strides = array<i32>} : memref<28x16xf32, #tpu.memory_space<vmem>>, vector<1x16xf32>,
        %swap3A_908 = vector.shape_cast %swap3A_907 : vector<1x16xf32> to vector<16xf32>
        %swap3A_909 = vector.shape_cast %add3A_903 : vector<16xf32> to vector<1x16xf32>
        tpu.vector_store %arg5[%swap3A_905, %swap3A_906], %swap3A_909 {strides = array<i32>} : memref<28x16xf32, #tpu.memory_space<vmem>>, vector<1x16xf32>,
        %mul3A_910 = arith.mulf %mul3A_826, %add3A_903 : vector<16xf32>
        %mul3A_911 = arith.mulf %mul3A_847, %mul3A_585 : vector<16xf32>
        %mul3A_912 = arith.mulf %sign3A_82, %mul3A_911 : vector<16xf32>
        %exp3A_913 = math.exp %mul3A_912 : vector<16xf32>
        %sub3A_914 = arith.constant 1.000000e+00 : f32
        %sub3A_915 = vector.broadcast %sub3A_914 : f32 to vector<16xf32>
        %sub3A_916 = arith.subf %exp3A_913, %sub3A_915 : vector<16xf32>
        %add3A_917 = arith.constant 1.000000e+00 : f32
        %add3A_918 = vector.broadcast %add3A_917 : f32 to vector<16xf32>
        %add3A_919 = arith.addf %exp3A_913, %add3A_918 : vector<16xf32>
        %div3A_920 = arith.divf %sub3A_916, %add3A_919 : vector<16xf32>
        %mul3A_921 = vector.broadcast %squeeze3A_255 : f32 to vector<16xf32>
        %mul3A_922 = arith.mulf %mul3A_921, %div3A_920 : vector<16xf32>
        %add3A_923 = vector.broadcast %sub3A_325 : f32 to vector<16xf32>
        %add3A_924 = arith.addf %mul3A_922, %add3A_923 : vector<16xf32>
        %swap3A_925 = arith.constant 24 : i32
        %swap3A_926 = arith.index_cast %swap3A_925 : i32 to index
        %swap3A_927 = arith.constant 0 : index
        %swap3A_928 = tpu.vector_load %arg5[%swap3A_926, %swap3A_927] {strides = array<i32>} : memref<28x16xf32, #tpu.memory_space<vmem>>, vector<1x16xf32>,
        %swap3A_929 = vector.shape_cast %swap3A_928 : vector<1x16xf32> to vector<16xf32>
        %swap3A_930 = vector.shape_cast %add3A_924 : vector<16xf32> to vector<1x16xf32>
        tpu.vector_store %arg5[%swap3A_926, %swap3A_927], %swap3A_930 {strides = array<i32>} : memref<28x16xf32, #tpu.memory_space<vmem>>, vector<1x16xf32>,
        %mul3A_931 = arith.mulf %mul3A_847, %add3A_924 : vector<16xf32>
        %mul3A_932 = arith.mulf %mul3A_868, %mul3A_456 : vector<16xf32>
        %mul3A_933 = arith.mulf %sign3A_28, %mul3A_932 : vector<16xf32>
        %exp3A_934 = math.exp %mul3A_933 : vector<16xf32>
        %sub3A_935 = arith.constant 1.000000e+00 : f32
        %sub3A_936 = vector.broadcast %sub3A_935 : f32 to vector<16xf32>
        %sub3A_937 = arith.subf %exp3A_934, %sub3A_936 : vector<16xf32>
        %add3A_938 = arith.constant 1.000000e+00 : f32
        %add3A_939 = vector.broadcast %add3A_938 : f32 to vector<16xf32>
        %add3A_940 = arith.addf %exp3A_934, %add3A_939 : vector<16xf32>
        %div3A_941 = arith.divf %sub3A_937, %add3A_940 : vector<16xf32>
        %mul3A_942 = vector.broadcast %squeeze3A_115 : f32 to vector<16xf32>
        %mul3A_943 = arith.mulf %mul3A_942, %div3A_941 : vector<16xf32>
        %add3A_944 = vector.broadcast %sub3A_285 : f32 to vector<16xf32>
        %add3A_945 = arith.addf %mul3A_943, %add3A_944 : vector<16xf32>
        %swap3A_946 = arith.constant 4 : i32
        %swap3A_947 = arith.index_cast %swap3A_946 : i32 to index
        %swap3A_948 = arith.constant 0 : index
        %swap3A_949 = tpu.vector_load %arg5[%swap3A_947, %swap3A_948] {strides = array<i32>} : memref<28x16xf32, #tpu.memory_space<vmem>>, vector<1x16xf32>,
        %swap3A_950 = vector.shape_cast %swap3A_949 : vector<1x16xf32> to vector<16xf32>
        %swap3A_951 = vector.shape_cast %add3A_945 : vector<16xf32> to vector<1x16xf32>
        tpu.vector_store %arg5[%swap3A_947, %swap3A_948], %swap3A_951 {strides = array<i32>} : memref<28x16xf32, #tpu.memory_space<vmem>>, vector<1x16xf32>,
        %mul3A_952 = arith.mulf %mul3A_868, %add3A_945 : vector<16xf32>
        %mul3A_953 = arith.mulf %mul3A_889, %mul3A_497 : vector<16xf32>
        %mul3A_954 = arith.mulf %sign3A_46, %mul3A_953 : vector<16xf32>
        %exp3A_955 = math.exp %mul3A_954 : vector<16xf32>
        %sub3A_956 = arith.constant 1.000000e+00 : f32
        %sub3A_957 = vector.broadcast %sub3A_956 : f32 to vector<16xf32>
        %sub3A_958 = arith.subf %exp3A_955, %sub3A_957 : vector<16xf32>
        %add3A_959 = arith.constant 1.000000e+00 : f32
        %add3A_960 = vector.broadcast %add3A_959 : f32 to vector<16xf32>
        %add3A_961 = arith.addf %exp3A_955, %add3A_960 : vector<16xf32>
        %div3A_962 = arith.divf %sub3A_958, %add3A_961 : vector<16xf32>
        %mul3A_963 = vector.broadcast %squeeze3A_164 : f32 to vector<16xf32>
        %mul3A_964 = arith.mulf %mul3A_963, %div3A_962 : vector<16xf32>
        %add3A_965 = vector.broadcast %sub3A_299 : f32 to vector<16xf32>
        %add3A_966 = arith.addf %mul3A_964, %add3A_965 : vector<16xf32>
        %swap3A_967 = arith.constant 11 : i32
        %swap3A_968 = arith.index_cast %swap3A_967 : i32 to index
        %swap3A_969 = arith.constant 0 : index
        %swap3A_970 = tpu.vector_load %arg5[%swap3A_968, %swap3A_969] {strides = array<i32>} : memref<28x16xf32, #tpu.memory_space<vmem>>, vector<1x16xf32>,
        %swap3A_971 = vector.shape_cast %swap3A_970 : vector<1x16xf32> to vector<16xf32>
        %swap3A_972 = vector.shape_cast %add3A_966 : vector<16xf32> to vector<1x16xf32>
        tpu.vector_store %arg5[%swap3A_968, %swap3A_969], %swap3A_972 {strides = array<i32>} : memref<28x16xf32, #tpu.memory_space<vmem>>, vector<1x16xf32>,
        %mul3A_973 = arith.mulf %mul3A_889, %add3A_966 : vector<16xf32>
        %mul3A_974 = arith.mulf %mul3A_910, %mul3A_538 : vector<16xf32>
        %mul3A_975 = arith.mulf %sign3A_64, %mul3A_974 : vector<16xf32>
        %exp3A_976 = math.exp %mul3A_975 : vector<16xf32>
        %sub3A_977 = arith.constant 1.000000e+00 : f32
        %sub3A_978 = vector.broadcast %sub3A_977 : f32 to vector<16xf32>
        %sub3A_979 = arith.subf %exp3A_976, %sub3A_978 : vector<16xf32>
        %add3A_980 = arith.constant 1.000000e+00 : f32
        %add3A_981 = vector.broadcast %add3A_980 : f32 to vector<16xf32>
        %add3A_982 = arith.addf %exp3A_976, %add3A_981 : vector<16xf32>
        %div3A_983 = arith.divf %sub3A_979, %add3A_982 : vector<16xf32>
        %mul3A_984 = vector.broadcast %squeeze3A_213 : f32 to vector<16xf32>
        %mul3A_985 = arith.mulf %mul3A_984, %div3A_983 : vector<16xf32>
        %add3A_986 = vector.broadcast %sub3A_313 : f32 to vector<16xf32>
        %add3A_987 = arith.addf %mul3A_985, %add3A_986 : vector<16xf32>
        %swap3A_988 = arith.constant 18 : i32
        %swap3A_989 = arith.index_cast %swap3A_988 : i32 to index
        %swap3A_990 = arith.constant 0 : index
        %swap3A_991 = tpu.vector_load %arg5[%swap3A_989, %swap3A_990] {strides = array<i32>} : memref<28x16xf32, #tpu.memory_space<vmem>>, vector<1x16xf32>,
        %swap3A_992 = vector.shape_cast %swap3A_991 : vector<1x16xf32> to vector<16xf32>
        %swap3A_993 = vector.shape_cast %add3A_987 : vector<16xf32> to vector<1x16xf32>
        tpu.vector_store %arg5[%swap3A_989, %swap3A_990], %swap3A_993 {strides = array<i32>} : memref<28x16xf32, #tpu.memory_space<vmem>>, vector<1x16xf32>,
        %mul3A_994 = arith.mulf %mul3A_910, %add3A_987 : vector<16xf32>
        %mul3A_995 = arith.mulf %mul3A_931, %mul3A_579 : vector<16xf32>
        %mul3A_996 = arith.mulf %sign3A_82, %mul3A_995 : vector<16xf32>
        %exp3A_997 = math.exp %mul3A_996 : vector<16xf32>
        %sub3A_998 = arith.constant 1.000000e+00 : f32
        %sub3A_999 = vector.broadcast %sub3A_998 : f32 to vector<16xf32>
        %sub3A_1000 = arith.subf %exp3A_997, %sub3A_999 : vector<16xf32>
        %add3A_1001 = arith.constant 1.000000e+00 : f32
        %add3A_1002 = vector.broadcast %add3A_1001 : f32 to vector<16xf32>
        %add3A_1003 = arith.addf %exp3A_997, %add3A_1002 : vector<16xf32>
        %div3A_1004 = arith.divf %sub3A_1000, %add3A_1003 : vector<16xf32>
        %mul3A_1005 = vector.broadcast %squeeze3A_262 : f32 to vector<16xf32>
        %mul3A_1006 = arith.mulf %mul3A_1005, %div3A_1004 : vector<16xf32>
        %add3A_1007 = vector.broadcast %sub3A_327 : f32 to vector<16xf32>
        %add3A_1008 = arith.addf %mul3A_1006, %add3A_1007 : vector<16xf32>
        %swap3A_1009 = arith.constant 25 : i32
        %swap3A_1010 = arith.index_cast %swap3A_1009 : i32 to index
        %swap3A_1011 = arith.constant 0 : index
        %swap3A_1012 = tpu.vector_load %arg5[%swap3A_1010, %swap3A_1011] {strides = array<i32>} : memref<28x16xf32, #tpu.memory_space<vmem>>, vector<1x16xf32>,
        %swap3A_1013 = vector.shape_cast %swap3A_1012 : vector<1x16xf32> to vector<16xf32>
        %swap3A_1014 = vector.shape_cast %add3A_1008 : vector<16xf32> to vector<1x16xf32>
        tpu.vector_store %arg5[%swap3A_1010, %swap3A_1011], %swap3A_1014 {strides = array<i32>} : memref<28x16xf32, #tpu.memory_space<vmem>>, vector<1x16xf32>,
        %mul3A_1015 = arith.mulf %mul3A_931, %add3A_1008 : vector<16xf32>
        %mul3A_1016 = arith.mulf %mul3A_952, %mul3A_450 : vector<16xf32>
        %mul3A_1017 = arith.mulf %sign3A_28, %mul3A_1016 : vector<16xf32>
        %exp3A_1018 = math.exp %mul3A_1017 : vector<16xf32>
        %sub3A_1019 = arith.constant 1.000000e+00 : f32
        %sub3A_1020 = vector.broadcast %sub3A_1019 : f32 to vector<16xf32>
        %sub3A_1021 = arith.subf %exp3A_1018, %sub3A_1020 : vector<16xf32>
        %add3A_1022 = arith.constant 1.000000e+00 : f32
        %add3A_1023 = vector.broadcast %add3A_1022 : f32 to vector<16xf32>
        %add3A_1024 = arith.addf %exp3A_1018, %add3A_1023 : vector<16xf32>
        %div3A_1025 = arith.divf %sub3A_1021, %add3A_1024 : vector<16xf32>
        %mul3A_1026 = vector.broadcast %squeeze3A_122 : f32 to vector<16xf32>
        %mul3A_1027 = arith.mulf %mul3A_1026, %div3A_1025 : vector<16xf32>
        %add3A_1028 = vector.broadcast %sub3A_287 : f32 to vector<16xf32>
        %add3A_1029 = arith.addf %mul3A_1027, %add3A_1028 : vector<16xf32>
        %swap3A_1030 = arith.constant 5 : i32
        %swap3A_1031 = arith.index_cast %swap3A_1030 : i32 to index
        %swap3A_1032 = arith.constant 0 : index
        %swap3A_1033 = tpu.vector_load %arg5[%swap3A_1031, %swap3A_1032] {strides = array<i32>} : memref<28x16xf32, #tpu.memory_space<vmem>>, vector<1x16xf32>,
        %swap3A_1034 = vector.shape_cast %swap3A_1033 : vector<1x16xf32> to vector<16xf32>
        %swap3A_1035 = vector.shape_cast %add3A_1029 : vector<16xf32> to vector<1x16xf32>
        tpu.vector_store %arg5[%swap3A_1031, %swap3A_1032], %swap3A_1035 {strides = array<i32>} : memref<28x16xf32, #tpu.memory_space<vmem>>, vector<1x16xf32>,
        %mul3A_1036 = arith.mulf %mul3A_952, %add3A_1029 : vector<16xf32>
        %mul3A_1037 = arith.mulf %mul3A_973, %mul3A_491 : vector<16xf32>
        %mul3A_1038 = arith.mulf %sign3A_46, %mul3A_1037 : vector<16xf32>
        %exp3A_1039 = math.exp %mul3A_1038 : vector<16xf32>
        %sub3A_1040 = arith.constant 1.000000e+00 : f32
        %sub3A_1041 = vector.broadcast %sub3A_1040 : f32 to vector<16xf32>
        %sub3A_1042 = arith.subf %exp3A_1039, %sub3A_1041 : vector<16xf32>
        %add3A_1043 = arith.constant 1.000000e+00 : f32
        %add3A_1044 = vector.broadcast %add3A_1043 : f32 to vector<16xf32>
        %add3A_1045 = arith.addf %exp3A_1039, %add3A_1044 : vector<16xf32>
        %div3A_1046 = arith.divf %sub3A_1042, %add3A_1045 : vector<16xf32>
        %mul3A_1047 = vector.broadcast %squeeze3A_171 : f32 to vector<16xf32>
        %mul3A_1048 = arith.mulf %mul3A_1047, %div3A_1046 : vector<16xf32>
        %add3A_1049 = vector.broadcast %sub3A_301 : f32 to vector<16xf32>
        %add3A_1050 = arith.addf %mul3A_1048, %add3A_1049 : vector<16xf32>
        %swap3A_1051 = arith.constant 12 : i32
        %swap3A_1052 = arith.index_cast %swap3A_1051 : i32 to index
        %swap3A_1053 = arith.constant 0 : index
        %swap3A_1054 = tpu.vector_load %arg5[%swap3A_1052, %swap3A_1053] {strides = array<i32>} : memref<28x16xf32, #tpu.memory_space<vmem>>, vector<1x16xf32>,
        %swap3A_1055 = vector.shape_cast %swap3A_1054 : vector<1x16xf32> to vector<16xf32>
        %swap3A_1056 = vector.shape_cast %add3A_1050 : vector<16xf32> to vector<1x16xf32>
        tpu.vector_store %arg5[%swap3A_1052, %swap3A_1053], %swap3A_1056 {strides = array<i32>} : memref<28x16xf32, #tpu.memory_space<vmem>>, vector<1x16xf32>,
        %mul3A_1057 = arith.mulf %mul3A_973, %add3A_1050 : vector<16xf32>
        %mul3A_1058 = arith.mulf %mul3A_994, %mul3A_532 : vector<16xf32>
        %mul3A_1059 = arith.mulf %sign3A_64, %mul3A_1058 : vector<16xf32>
        %exp3A_1060 = math.exp %mul3A_1059 : vector<16xf32>
        %sub3A_1061 = arith.constant 1.000000e+00 : f32
        %sub3A_1062 = vector.broadcast %sub3A_1061 : f32 to vector<16xf32>
        %sub3A_1063 = arith.subf %exp3A_1060, %sub3A_1062 : vector<16xf32>
        %add3A_1064 = arith.constant 1.000000e+00 : f32
        %add3A_1065 = vector.broadcast %add3A_1064 : f32 to vector<16xf32>
        %add3A_1066 = arith.addf %exp3A_1060, %add3A_1065 : vector<16xf32>
        %div3A_1067 = arith.divf %sub3A_1063, %add3A_1066 : vector<16xf32>
        %mul3A_1068 = vector.broadcast %squeeze3A_220 : f32 to vector<16xf32>
        %mul3A_1069 = arith.mulf %mul3A_1068, %div3A_1067 : vector<16xf32>
        %add3A_1070 = vector.broadcast %sub3A_315 : f32 to vector<16xf32>
        %add3A_1071 = arith.addf %mul3A_1069, %add3A_1070 : vector<16xf32>
        %swap3A_1072 = arith.constant 19 : i32
        %swap3A_1073 = arith.index_cast %swap3A_1072 : i32 to index
        %swap3A_1074 = arith.constant 0 : index
        %swap3A_1075 = tpu.vector_load %arg5[%swap3A_1073, %swap3A_1074] {strides = array<i32>} : memref<28x16xf32, #tpu.memory_space<vmem>>, vector<1x16xf32>,
        %swap3A_1076 = vector.shape_cast %swap3A_1075 : vector<1x16xf32> to vector<16xf32>
        %swap3A_1077 = vector.shape_cast %add3A_1071 : vector<16xf32> to vector<1x16xf32>
        tpu.vector_store %arg5[%swap3A_1073, %swap3A_1074], %swap3A_1077 {strides = array<i32>} : memref<28x16xf32, #tpu.memory_space<vmem>>, vector<1x16xf32>,
        %mul3A_1078 = arith.mulf %mul3A_994, %add3A_1071 : vector<16xf32>
        %mul3A_1079 = arith.mulf %mul3A_1015, %mul3A_573 : vector<16xf32>
        %mul3A_1080 = arith.mulf %sign3A_82, %mul3A_1079 : vector<16xf32>
        %exp3A_1081 = math.exp %mul3A_1080 : vector<16xf32>
        %sub3A_1082 = arith.constant 1.000000e+00 : f32
        %sub3A_1083 = vector.broadcast %sub3A_1082 : f32 to vector<16xf32>
        %sub3A_1084 = arith.subf %exp3A_1081, %sub3A_1083 : vector<16xf32>
        %add3A_1085 = arith.constant 1.000000e+00 : f32
        %add3A_1086 = vector.broadcast %add3A_1085 : f32 to vector<16xf32>
        %add3A_1087 = arith.addf %exp3A_1081, %add3A_1086 : vector<16xf32>
        %div3A_1088 = arith.divf %sub3A_1084, %add3A_1087 : vector<16xf32>
        %mul3A_1089 = vector.broadcast %squeeze3A_269 : f32 to vector<16xf32>
        %mul3A_1090 = arith.mulf %mul3A_1089, %div3A_1088 : vector<16xf32>
        %add3A_1091 = vector.broadcast %sub3A_329 : f32 to vector<16xf32>
        %add3A_1092 = arith.addf %mul3A_1090, %add3A_1091 : vector<16xf32>
        %swap3A_1093 = arith.constant 26 : i32
        %swap3A_1094 = arith.index_cast %swap3A_1093 : i32 to index
        %swap3A_1095 = arith.constant 0 : index
        %swap3A_1096 = tpu.vector_load %arg5[%swap3A_1094, %swap3A_1095] {strides = array<i32>} : memref<28x16xf32, #tpu.memory_space<vmem>>, vector<1x16xf32>,
        %swap3A_1097 = vector.shape_cast %swap3A_1096 : vector<1x16xf32> to vector<16xf32>
        %swap3A_1098 = vector.shape_cast %add3A_1092 : vector<16xf32> to vector<1x16xf32>
        tpu.vector_store %arg5[%swap3A_1094, %swap3A_1095], %swap3A_1098 {strides = array<i32>} : memref<28x16xf32, #tpu.memory_space<vmem>>, vector<1x16xf32>,
        %mul3A_1099 = arith.mulf %mul3A_1015, %add3A_1092 : vector<16xf32>
        %mul3A_1100 = arith.mulf %mul3A_1036, %get3A_444 : vector<16xf32>
        %mul3A_1101 = arith.mulf %sign3A_28, %mul3A_1100 : vector<16xf32>
        %exp3A_1102 = math.exp %mul3A_1101 : vector<16xf32>
        %sub3A_1103 = arith.constant 1.000000e+00 : f32
        %sub3A_1104 = vector.broadcast %sub3A_1103 : f32 to vector<16xf32>
        %sub3A_1105 = arith.subf %exp3A_1102, %sub3A_1104 : vector<16xf32>
        %add3A_1106 = arith.constant 1.000000e+00 : f32
        %add3A_1107 = vector.broadcast %add3A_1106 : f32 to vector<16xf32>
        %add3A_1108 = arith.addf %exp3A_1102, %add3A_1107 : vector<16xf32>
        %div3A_1109 = arith.divf %sub3A_1105, %add3A_1108 : vector<16xf32>
        %mul3A_1110 = vector.broadcast %squeeze3A_129 : f32 to vector<16xf32>
        %mul3A_1111 = arith.mulf %mul3A_1110, %div3A_1109 : vector<16xf32>
        %add3A_1112 = vector.broadcast %sub3A_289 : f32 to vector<16xf32>
        %add3A_1113 = arith.addf %mul3A_1111, %add3A_1112 : vector<16xf32>
        %swap3A_1114 = arith.constant 6 : i32
        %swap3A_1115 = arith.index_cast %swap3A_1114 : i32 to index
        %swap3A_1116 = arith.constant 0 : index
        %swap3A_1117 = tpu.vector_load %arg5[%swap3A_1115, %swap3A_1116] {strides = array<i32>} : memref<28x16xf32, #tpu.memory_space<vmem>>, vector<1x16xf32>,
        %swap3A_1118 = vector.shape_cast %swap3A_1117 : vector<1x16xf32> to vector<16xf32>
        %swap3A_1119 = vector.shape_cast %add3A_1113 : vector<16xf32> to vector<1x16xf32>
        tpu.vector_store %arg5[%swap3A_1115, %swap3A_1116], %swap3A_1119 {strides = array<i32>} : memref<28x16xf32, #tpu.memory_space<vmem>>, vector<1x16xf32>,
        %mul3A_1120 = arith.mulf %mul3A_1036, %add3A_1113 : vector<16xf32>
        %mul3A_1121 = arith.mulf %mul3A_1057, %get3A_485 : vector<16xf32>
        %mul3A_1122 = arith.mulf %sign3A_46, %mul3A_1121 : vector<16xf32>
        %exp3A_1123 = math.exp %mul3A_1122 : vector<16xf32>
        %sub3A_1124 = arith.constant 1.000000e+00 : f32
        %sub3A_1125 = vector.broadcast %sub3A_1124 : f32 to vector<16xf32>
        %sub3A_1126 = arith.subf %exp3A_1123, %sub3A_1125 : vector<16xf32>
        %add3A_1127 = arith.constant 1.000000e+00 : f32
        %add3A_1128 = vector.broadcast %add3A_1127 : f32 to vector<16xf32>
        %add3A_1129 = arith.addf %exp3A_1123, %add3A_1128 : vector<16xf32>
        %div3A_1130 = arith.divf %sub3A_1126, %add3A_1129 : vector<16xf32>
        %mul3A_1131 = vector.broadcast %squeeze3A_178 : f32 to vector<16xf32>
        %mul3A_1132 = arith.mulf %mul3A_1131, %div3A_1130 : vector<16xf32>
        %add3A_1133 = vector.broadcast %sub3A_303 : f32 to vector<16xf32>
        %add3A_1134 = arith.addf %mul3A_1132, %add3A_1133 : vector<16xf32>
        %swap3A_1135 = arith.constant 13 : i32
        %swap3A_1136 = arith.index_cast %swap3A_1135 : i32 to index
        %swap3A_1137 = arith.constant 0 : index
        %swap3A_1138 = tpu.vector_load %arg5[%swap3A_1136, %swap3A_1137] {strides = array<i32>} : memref<28x16xf32, #tpu.memory_space<vmem>>, vector<1x16xf32>,
        %swap3A_1139 = vector.shape_cast %swap3A_1138 : vector<1x16xf32> to vector<16xf32>
        %swap3A_1140 = vector.shape_cast %add3A_1134 : vector<16xf32> to vector<1x16xf32>
        tpu.vector_store %arg5[%swap3A_1136, %swap3A_1137], %swap3A_1140 {strides = array<i32>} : memref<28x16xf32, #tpu.memory_space<vmem>>, vector<1x16xf32>,
        %mul3A_1141 = arith.mulf %mul3A_1057, %add3A_1134 : vector<16xf32>
        %mul3A_1142 = arith.mulf %mul3A_1078, %get3A_526 : vector<16xf32>
        %mul3A_1143 = arith.mulf %sign3A_64, %mul3A_1142 : vector<16xf32>
        %exp3A_1144 = math.exp %mul3A_1143 : vector<16xf32>
        %sub3A_1145 = arith.constant 1.000000e+00 : f32
        %sub3A_1146 = vector.broadcast %sub3A_1145 : f32 to vector<16xf32>
        %sub3A_1147 = arith.subf %exp3A_1144, %sub3A_1146 : vector<16xf32>
        %add3A_1148 = arith.constant 1.000000e+00 : f32
        %add3A_1149 = vector.broadcast %add3A_1148 : f32 to vector<16xf32>
        %add3A_1150 = arith.addf %exp3A_1144, %add3A_1149 : vector<16xf32>
        %div3A_1151 = arith.divf %sub3A_1147, %add3A_1150 : vector<16xf32>
        %mul3A_1152 = vector.broadcast %squeeze3A_227 : f32 to vector<16xf32>
        %mul3A_1153 = arith.mulf %mul3A_1152, %div3A_1151 : vector<16xf32>
        %add3A_1154 = vector.broadcast %sub3A_317 : f32 to vector<16xf32>
        %add3A_1155 = arith.addf %mul3A_1153, %add3A_1154 : vector<16xf32>
        %swap3A_1156 = arith.constant 20 : i32
        %swap3A_1157 = arith.index_cast %swap3A_1156 : i32 to index
        %swap3A_1158 = arith.constant 0 : index
        %swap3A_1159 = tpu.vector_load %arg5[%swap3A_1157, %swap3A_1158] {strides = array<i32>} : memref<28x16xf32, #tpu.memory_space<vmem>>, vector<1x16xf32>,
        %swap3A_1160 = vector.shape_cast %swap3A_1159 : vector<1x16xf32> to vector<16xf32>
        %swap3A_1161 = vector.shape_cast %add3A_1155 : vector<16xf32> to vector<1x16xf32>
        tpu.vector_store %arg5[%swap3A_1157, %swap3A_1158], %swap3A_1161 {strides = array<i32>} : memref<28x16xf32, #tpu.memory_space<vmem>>, vector<1x16xf32>,
        %mul3A_1162 = arith.mulf %mul3A_1078, %add3A_1155 : vector<16xf32>
        %mul3A_1163 = arith.mulf %mul3A_1099, %get3A_567 : vector<16xf32>
        %mul3A_1164 = arith.mulf %sign3A_82, %mul3A_1163 : vector<16xf32>
        %exp3A_1165 = math.exp %mul3A_1164 : vector<16xf32>
        %sub3A_1166 = arith.constant 1.000000e+00 : f32
        %sub3A_1167 = vector.broadcast %sub3A_1166 : f32 to vector<16xf32>
        %sub3A_1168 = arith.subf %exp3A_1165, %sub3A_1167 : vector<16xf32>
        %add3A_1169 = arith.constant 1.000000e+00 : f32
        %add3A_1170 = vector.broadcast %add3A_1169 : f32 to vector<16xf32>
        %add3A_1171 = arith.addf %exp3A_1165, %add3A_1170 : vector<16xf32>
        %div3A_1172 = arith.divf %sub3A_1168, %add3A_1171 : vector<16xf32>
        %mul3A_1173 = vector.broadcast %squeeze3A_276 : f32 to vector<16xf32>
        %mul3A_1174 = arith.mulf %mul3A_1173, %div3A_1172 : vector<16xf32>
        %add3A_1175 = vector.broadcast %sub3A_331 : f32 to vector<16xf32>
        %add3A_1176 = arith.addf %mul3A_1174, %add3A_1175 : vector<16xf32>
        %swap3A_1177 = arith.constant 27 : i32
        %swap3A_1178 = arith.index_cast %swap3A_1177 : i32 to index
        %swap3A_1179 = arith.constant 0 : index
        %swap3A_1180 = tpu.vector_load %arg5[%swap3A_1178, %swap3A_1179] {strides = array<i32>} : memref<28x16xf32, #tpu.memory_space<vmem>>, vector<1x16xf32>,
        %swap3A_1181 = vector.shape_cast %swap3A_1180 : vector<1x16xf32> to vector<16xf32>
        %swap3A_1182 = vector.shape_cast %add3A_1176 : vector<16xf32> to vector<1x16xf32>
        tpu.vector_store %arg5[%swap3A_1178, %swap3A_1179], %swap3A_1182 {strides = array<i32>} : memref<28x16xf32, #tpu.memory_space<vmem>>, vector<1x16xf32>,
        %mul3A_1183 = arith.mulf %mul3A_1099, %add3A_1176 : vector<16xf32>
        %get3A_1184 = arith.constant 0 : i32
        %get3A_1185 = arith.index_cast %get3A_1184 : i32 to index
        %get3A_1186 = arith.constant 0 : index
        %get3A_1187 = tpu.vector_load %arg6[%get3A_1185, %get3A_1186] {strides = array<i32>} : memref<28x16xf32, #tpu.memory_space<vmem>>, vector<1x16xf32>,
        %get3A_1188 = vector.shape_cast %get3A_1187 : vector<1x16xf32> to vector<16xf32>
        %broadcast_in_dim3A_1189 = vector.shape_cast %xor3A_5 : vector<16xi32> to vector<16x1xi32>
        %gather3A_1190 = vector.shape_cast %broadcast_in_dim3A_1189 : vector<16x1xi32> to vector<16xi32>
        %gather3A_1191 = tpu.dynamic_gather %get3A_1188[%gather3A_1190] in [0] : vector<16xf32>, vector<16xi32> -> vector<16xf32>
        %add3A_1192 = arith.addf %get3A_1188, %gather3A_1191 : vector<16xf32>
        %broadcast_in_dim3A_1193 = vector.shape_cast %xor3A_8 : vector<16xi32> to vector<16x1xi32>
        %gather3A_1194 = vector.shape_cast %broadcast_in_dim3A_1193 : vector<16x1xi32> to vector<16xi32>
        %gather3A_1195 = tpu.dynamic_gather %add3A_1192[%gather3A_1194] in [0] : vector<16xf32>, vector<16xi32> -> vector<16xf32>
        %add3A_1196 = arith.addf %add3A_1192, %gather3A_1195 : vector<16xf32>
        %broadcast_in_dim3A_1197 = vector.shape_cast %xor3A_11 : vector<16xi32> to vector<16x1xi32>
        %gather3A_1198 = vector.shape_cast %broadcast_in_dim3A_1197 : vector<16x1xi32> to vector<16xi32>
        %gather3A_1199 = tpu.dynamic_gather %add3A_1196[%gather3A_1198] in [0] : vector<16xf32>, vector<16xi32> -> vector<16xf32>
        %add3A_1200 = arith.addf %add3A_1196, %gather3A_1199 : vector<16xf32>
        %get3A_1201 = arith.constant 7 : i32
        %get3A_1202 = arith.index_cast %get3A_1201 : i32 to index
        %get3A_1203 = arith.constant 0 : index
        %get3A_1204 = tpu.vector_load %arg6[%get3A_1202, %get3A_1203] {strides = array<i32>} : memref<28x16xf32, #tpu.memory_space<vmem>>, vector<1x16xf32>,
        %get3A_1205 = vector.shape_cast %get3A_1204 : vector<1x16xf32> to vector<16xf32>
        %broadcast_in_dim3A_1206 = vector.shape_cast %xor3A_5 : vector<16xi32> to vector<16x1xi32>
        %gather3A_1207 = vector.shape_cast %broadcast_in_dim3A_1206 : vector<16x1xi32> to vector<16xi32>
        %gather3A_1208 = tpu.dynamic_gather %get3A_1205[%gather3A_1207] in [0] : vector<16xf32>, vector<16xi32> -> vector<16xf32>
        %add3A_1209 = arith.addf %get3A_1205, %gather3A_1208 : vector<16xf32>
        %broadcast_in_dim3A_1210 = vector.shape_cast %xor3A_8 : vector<16xi32> to vector<16x1xi32>
        %gather3A_1211 = vector.shape_cast %broadcast_in_dim3A_1210 : vector<16x1xi32> to vector<16xi32>
        %gather3A_1212 = tpu.dynamic_gather %add3A_1209[%gather3A_1211] in [0] : vector<16xf32>, vector<16xi32> -> vector<16xf32>
        %add3A_1213 = arith.addf %add3A_1209, %gather3A_1212 : vector<16xf32>
        %broadcast_in_dim3A_1214 = vector.shape_cast %xor3A_11 : vector<16xi32> to vector<16x1xi32>
        %gather3A_1215 = vector.shape_cast %broadcast_in_dim3A_1214 : vector<16x1xi32> to vector<16xi32>
        %gather3A_1216 = tpu.dynamic_gather %add3A_1213[%gather3A_1215] in [0] : vector<16xf32>, vector<16xi32> -> vector<16xf32>
        %add3A_1217 = arith.addf %add3A_1213, %gather3A_1216 : vector<16xf32>
        %get3A_1218 = arith.constant 14 : i32
        %get3A_1219 = arith.index_cast %get3A_1218 : i32 to index
        %get3A_1220 = arith.constant 0 : index
        %get3A_1221 = tpu.vector_load %arg6[%get3A_1219, %get3A_1220] {strides = array<i32>} : memref<28x16xf32, #tpu.memory_space<vmem>>, vector<1x16xf32>,
        %get3A_1222 = vector.shape_cast %get3A_1221 : vector<1x16xf32> to vector<16xf32>
        %broadcast_in_dim3A_1223 = vector.shape_cast %xor3A_5 : vector<16xi32> to vector<16x1xi32>
        %gather3A_1224 = vector.shape_cast %broadcast_in_dim3A_1223 : vector<16x1xi32> to vector<16xi32>
        %gather3A_1225 = tpu.dynamic_gather %get3A_1222[%gather3A_1224] in [0] : vector<16xf32>, vector<16xi32> -> vector<16xf32>
        %add3A_1226 = arith.addf %get3A_1222, %gather3A_1225 : vector<16xf32>
        %broadcast_in_dim3A_1227 = vector.shape_cast %xor3A_8 : vector<16xi32> to vector<16x1xi32>
        %gather3A_1228 = vector.shape_cast %broadcast_in_dim3A_1227 : vector<16x1xi32> to vector<16xi32>
        %gather3A_1229 = tpu.dynamic_gather %add3A_1226[%gather3A_1228] in [0] : vector<16xf32>, vector<16xi32> -> vector<16xf32>
        %add3A_1230 = arith.addf %add3A_1226, %gather3A_1229 : vector<16xf32>
        %broadcast_in_dim3A_1231 = vector.shape_cast %xor3A_11 : vector<16xi32> to vector<16x1xi32>
        %gather3A_1232 = vector.shape_cast %broadcast_in_dim3A_1231 : vector<16x1xi32> to vector<16xi32>
        %gather3A_1233 = tpu.dynamic_gather %add3A_1230[%gather3A_1232] in [0] : vector<16xf32>, vector<16xi32> -> vector<16xf32>
        %add3A_1234 = arith.addf %add3A_1230, %gather3A_1233 : vector<16xf32>
        %get3A_1235 = arith.constant 21 : i32
        %get3A_1236 = arith.index_cast %get3A_1235 : i32 to index
        %get3A_1237 = arith.constant 0 : index
        %get3A_1238 = tpu.vector_load %arg6[%get3A_1236, %get3A_1237] {strides = array<i32>} : memref<28x16xf32, #tpu.memory_space<vmem>>, vector<1x16xf32>,
        %get3A_1239 = vector.shape_cast %get3A_1238 : vector<1x16xf32> to vector<16xf32>
        %broadcast_in_dim3A_1240 = vector.shape_cast %xor3A_5 : vector<16xi32> to vector<16x1xi32>
        %gather3A_1241 = vector.shape_cast %broadcast_in_dim3A_1240 : vector<16x1xi32> to vector<16xi32>
        %gather3A_1242 = tpu.dynamic_gather %get3A_1239[%gather3A_1241] in [0] : vector<16xf32>, vector<16xi32> -> vector<16xf32>
        %add3A_1243 = arith.addf %get3A_1239, %gather3A_1242 : vector<16xf32>
        %broadcast_in_dim3A_1244 = vector.shape_cast %xor3A_8 : vector<16xi32> to vector<16x1xi32>
        %gather3A_1245 = vector.shape_cast %broadcast_in_dim3A_1244 : vector<16x1xi32> to vector<16xi32>
        %gather3A_1246 = tpu.dynamic_gather %add3A_1243[%gather3A_1245] in [0] : vector<16xf32>, vector<16xi32> -> vector<16xf32>
        %add3A_1247 = arith.addf %add3A_1243, %gather3A_1246 : vector<16xf32>
        %broadcast_in_dim3A_1248 = vector.shape_cast %xor3A_11 : vector<16xi32> to vector<16x1xi32>
        %gather3A_1249 = vector.shape_cast %broadcast_in_dim3A_1248 : vector<16x1xi32> to vector<16xi32>
        %gather3A_1250 = tpu.dynamic_gather %add3A_1247[%gather3A_1249] in [0] : vector<16xf32>, vector<16xi32> -> vector<16xf32>
        %add3A_1251 = arith.addf %add3A_1247, %gather3A_1250 : vector<16xf32>
        %mul3A_1252 = vector.broadcast %squeeze3A : f32 to vector<16xf32>
        %mul3A_1253 = arith.mulf %add3A_1200, %mul3A_1252 : vector<16xf32>
        %mul3A_1254 = vector.broadcast %squeeze3A_136 : f32 to vector<16xf32>
        %mul3A_1255 = arith.mulf %add3A_1217, %mul3A_1254 : vector<16xf32>
        %add3A_1256 = arith.addf %mul3A_1253, %mul3A_1255 : vector<16xf32>
        %mul3A_1257 = vector.broadcast %squeeze3A_185 : f32 to vector<16xf32>
        %mul3A_1258 = arith.mulf %add3A_1234, %mul3A_1257 : vector<16xf32>
        %add3A_1259 = arith.addf %add3A_1256, %mul3A_1258 : vector<16xf32>
        %mul3A_1260 = vector.broadcast %squeeze3A_234 : f32 to vector<16xf32>
        %mul3A_1261 = arith.mulf %add3A_1251, %mul3A_1260 : vector<16xf32>
        %add3A_1262 = arith.addf %add3A_1259, %mul3A_1261 : vector<16xf32>
        %sub3A_1263 = arith.subf %add3A_1262, %mul3A_604 : vector<16xf32>
        %mul3A_1264 = arith.constant 5.000000e-01 : f32
        %mul3A_1265 = vector.broadcast %mul3A_1264 : f32 to vector<16xf32>
        %mul3A_1266 = arith.mulf %mul3A_1265, %sub3A_1263 : vector<16xf32>
        %exp3A_1267 = math.exp %mul3A_1266 : vector<16xf32>
        %gt3A_1268 = arith.constant 1.000000e+00 : f32
        %gt3A_1269 = vector.broadcast %gt3A_1268 : f32 to vector<16xf32>
        %gt3A_1270 = arith.cmpf ogt, %exp3A_1267, %gt3A_1269 : vector<16xf32>
        %div3A_1271 = arith.constant 1.000000e+00 : f32
        %div3A_1272 = vector.broadcast %div3A_1271 : f32 to vector<16xf32>
        %div3A_1273 = arith.divf %div3A_1272, %exp3A_1267 : vector<16xf32>
        %select_n3A_1274 = arith.select %gt3A_1270, %div3A_1273, %exp3A_1267 : vector<16xi1>, vector<16xf32>
        %mul3A_1275 = arith.mulf %select_n3A_1274, %select_n3A_1274 : vector<16xf32>
        %mul3A_1276 = arith.constant -0.0817280039 : f32
        %mul3A_1277 = vector.broadcast %mul3A_1276 : f32 to vector<16xf32>
        %mul3A_1278 = arith.mulf %mul3A_1277, %mul3A_1275 : vector<16xf32>
        %add3A_1279 = arith.constant 0.298066169 : f32
        %add3A_1280 = vector.broadcast %add3A_1279 : f32 to vector<16xf32>
        %add3A_1281 = arith.addf %mul3A_1278, %add3A_1280 : vector<16xf32>
        %mul3A_1282 = arith.mulf %add3A_1281, %mul3A_1275 : vector<16xf32>
        %add3A_1283 = arith.constant -0.64457345 : f32
        %add3A_1284 = vector.broadcast %add3A_1283 : f32 to vector<16xf32>
        %add3A_1285 = arith.addf %mul3A_1282, %add3A_1284 : vector<16xf32>
        %mul3A_1286 = arith.mulf %add3A_1285, %mul3A_1275 : vector<16xf32>
        %add3A_1287 = arith.constant 1.99863315 : f32
        %add3A_1288 = vector.broadcast %add3A_1287 : f32 to vector<16xf32>
        %add3A_1289 = arith.addf %mul3A_1286, %add3A_1288 : vector<16xf32>
        %mul3A_1290 = arith.mulf %select_n3A_1274, %add3A_1289 : vector<16xf32>
        %sub3A_1291 = arith.constant 3.14159274 : f32
        %sub3A_1292 = vector.broadcast %sub3A_1291 : f32 to vector<16xf32>
        %sub3A_1293 = arith.subf %sub3A_1292, %mul3A_1290 : vector<16xf32>
        %select_n3A_1294 = arith.select %gt3A_1270, %sub3A_1293, %mul3A_1290 : vector<16xi1>, vector<16xf32>
        %swap3A_1295 = arith.constant 0 : i32
        %swap3A_1296 = arith.index_cast %swap3A_1295 : i32 to index
        %swap3A_1297 = arith.constant 0 : index
        %swap3A_1298 = tpu.vector_load %arg6[%swap3A_1296, %swap3A_1297] {strides = array<i32>} : memref<28x16xf32, #tpu.memory_space<vmem>>, vector<1x16xf32>,
        %swap3A_1299 = vector.shape_cast %swap3A_1298 : vector<1x16xf32> to vector<16xf32>
        %swap3A_1300 = vector.shape_cast %select_n3A_1294 : vector<16xf32> to vector<1x16xf32>
        tpu.vector_store %arg6[%swap3A_1296, %swap3A_1297], %swap3A_1300 {strides = array<i32>} : memref<28x16xf32, #tpu.memory_space<vmem>>, vector<1x16xf32>,
        %broadcast_in_dim3A_1301 = vector.shape_cast %xor3A_5 : vector<16xi32> to vector<16x1xi32>
        %gather3A_1302 = vector.shape_cast %broadcast_in_dim3A_1301 : vector<16x1xi32> to vector<16xi32>
        %gather3A_1303 = tpu.dynamic_gather %select_n3A_1294[%gather3A_1302] in [0] : vector<16xf32>, vector<16xi32> -> vector<16xf32>
        %add3A_1304 = arith.addf %select_n3A_1294, %gather3A_1303 : vector<16xf32>
        %broadcast_in_dim3A_1305 = vector.shape_cast %xor3A_8 : vector<16xi32> to vector<16x1xi32>
        %gather3A_1306 = vector.shape_cast %broadcast_in_dim3A_1305 : vector<16x1xi32> to vector<16xi32>
        %gather3A_1307 = tpu.dynamic_gather %add3A_1304[%gather3A_1306] in [0] : vector<16xf32>, vector<16xi32> -> vector<16xf32>
        %add3A_1308 = arith.addf %add3A_1304, %gather3A_1307 : vector<16xf32>
        %broadcast_in_dim3A_1309 = vector.shape_cast %xor3A_11 : vector<16xi32> to vector<16x1xi32>
        %gather3A_1310 = vector.shape_cast %broadcast_in_dim3A_1309 : vector<16x1xi32> to vector<16xi32>
        %gather3A_1311 = tpu.dynamic_gather %add3A_1308[%gather3A_1310] in [0] : vector<16xf32>, vector<16xi32> -> vector<16xf32>
        %add3A_1312 = arith.addf %add3A_1308, %gather3A_1311 : vector<16xf32>
        %mul3A_1313 = vector.broadcast %squeeze3A_94 : f32 to vector<16xf32>
        %mul3A_1314 = arith.mulf %add3A_1312, %mul3A_1313 : vector<16xf32>
        %mul3A_1315 = vector.broadcast %squeeze3A_143 : f32 to vector<16xf32>
        %mul3A_1316 = arith.mulf %add3A_1217, %mul3A_1315 : vector<16xf32>
        %add3A_1317 = arith.addf %mul3A_1314, %mul3A_1316 : vector<16xf32>
        %mul3A_1318 = vector.broadcast %squeeze3A_192 : f32 to vector<16xf32>
        %mul3A_1319 = arith.mulf %add3A_1234, %mul3A_1318 : vector<16xf32>
        %add3A_1320 = arith.addf %add3A_1317, %mul3A_1319 : vector<16xf32>
        %mul3A_1321 = vector.broadcast %squeeze3A_241 : f32 to vector<16xf32>
        %mul3A_1322 = arith.mulf %add3A_1251, %mul3A_1321 : vector<16xf32>
        %add3A_1323 = arith.addf %add3A_1320, %mul3A_1322 : vector<16xf32>
        %sub3A_1324 = arith.subf %add3A_1323, %mul3A_681 : vector<16xf32>
        %mul3A_1325 = arith.constant 5.000000e-01 : f32
        %mul3A_1326 = vector.broadcast %mul3A_1325 : f32 to vector<16xf32>
        %mul3A_1327 = arith.mulf %mul3A_1326, %sub3A_1324 : vector<16xf32>
        %exp3A_1328 = math.exp %mul3A_1327 : vector<16xf32>
        %gt3A_1329 = arith.constant 1.000000e+00 : f32
        %gt3A_1330 = vector.broadcast %gt3A_1329 : f32 to vector<16xf32>
        %gt3A_1331 = arith.cmpf ogt, %exp3A_1328, %gt3A_1330 : vector<16xf32>
        %div3A_1332 = arith.constant 1.000000e+00 : f32
        %div3A_1333 = vector.broadcast %div3A_1332 : f32 to vector<16xf32>
        %div3A_1334 = arith.divf %div3A_1333, %exp3A_1328 : vector<16xf32>
        %select_n3A_1335 = arith.select %gt3A_1331, %div3A_1334, %exp3A_1328 : vector<16xi1>, vector<16xf32>
        %mul3A_1336 = arith.mulf %select_n3A_1335, %select_n3A_1335 : vector<16xf32>
        %mul3A_1337 = arith.constant -0.0817280039 : f32
        %mul3A_1338 = vector.broadcast %mul3A_1337 : f32 to vector<16xf32>
        %mul3A_1339 = arith.mulf %mul3A_1338, %mul3A_1336 : vector<16xf32>
        %add3A_1340 = arith.constant 0.298066169 : f32
        %add3A_1341 = vector.broadcast %add3A_1340 : f32 to vector<16xf32>
        %add3A_1342 = arith.addf %mul3A_1339, %add3A_1341 : vector<16xf32>
        %mul3A_1343 = arith.mulf %add3A_1342, %mul3A_1336 : vector<16xf32>
        %add3A_1344 = arith.constant -0.64457345 : f32
        %add3A_1345 = vector.broadcast %add3A_1344 : f32 to vector<16xf32>
        %add3A_1346 = arith.addf %mul3A_1343, %add3A_1345 : vector<16xf32>
        %mul3A_1347 = arith.mulf %add3A_1346, %mul3A_1336 : vector<16xf32>
        %add3A_1348 = arith.constant 1.99863315 : f32
        %add3A_1349 = vector.broadcast %add3A_1348 : f32 to vector<16xf32>
        %add3A_1350 = arith.addf %mul3A_1347, %add3A_1349 : vector<16xf32>
        %mul3A_1351 = arith.mulf %select_n3A_1335, %add3A_1350 : vector<16xf32>
        %sub3A_1352 = arith.constant 3.14159274 : f32
        %sub3A_1353 = vector.broadcast %sub3A_1352 : f32 to vector<16xf32>
        %sub3A_1354 = arith.subf %sub3A_1353, %mul3A_1351 : vector<16xf32>
        %select_n3A_1355 = arith.select %gt3A_1331, %sub3A_1354, %mul3A_1351 : vector<16xi1>, vector<16xf32>
        %swap3A_1356 = arith.constant 1 : i32
        %swap3A_1357 = arith.index_cast %swap3A_1356 : i32 to index
        %swap3A_1358 = arith.constant 0 : index
        %swap3A_1359 = tpu.vector_load %arg6[%swap3A_1357, %swap3A_1358] {strides = array<i32>} : memref<28x16xf32, #tpu.memory_space<vmem>>, vector<1x16xf32>,
        %swap3A_1360 = vector.shape_cast %swap3A_1359 : vector<1x16xf32> to vector<16xf32>
        %swap3A_1361 = vector.shape_cast %select_n3A_1355 : vector<16xf32> to vector<1x16xf32>
        tpu.vector_store %arg6[%swap3A_1357, %swap3A_1358], %swap3A_1361 {strides = array<i32>} : memref<28x16xf32, #tpu.memory_space<vmem>>, vector<1x16xf32>,
        %mul3A_1362 = vector.broadcast %squeeze3A_101 : f32 to vector<16xf32>
        %mul3A_1363 = arith.mulf %add3A_1312, %mul3A_1362 : vector<16xf32>
        %mul3A_1364 = vector.broadcast %squeeze3A_150 : f32 to vector<16xf32>
        %mul3A_1365 = arith.mulf %add3A_1217, %mul3A_1364 : vector<16xf32>
        %add3A_1366 = arith.addf %mul3A_1363, %mul3A_1365 : vector<16xf32>
        %mul3A_1367 = vector.broadcast %squeeze3A_199 : f32 to vector<16xf32>
        %mul3A_1368 = arith.mulf %add3A_1234, %mul3A_1367 : vector<16xf32>
        %add3A_1369 = arith.addf %add3A_1366, %mul3A_1368 : vector<16xf32>
        %mul3A_1370 = vector.broadcast %squeeze3A_248 : f32 to vector<16xf32>
        %mul3A_1371 = arith.mulf %add3A_1251, %mul3A_1370 : vector<16xf32>
        %add3A_1372 = arith.addf %add3A_1369, %mul3A_1371 : vector<16xf32>
        %sub3A_1373 = arith.subf %add3A_1372, %mul3A_765 : vector<16xf32>
        %mul3A_1374 = arith.constant 5.000000e-01 : f32
        %mul3A_1375 = vector.broadcast %mul3A_1374 : f32 to vector<16xf32>
        %mul3A_1376 = arith.mulf %mul3A_1375, %sub3A_1373 : vector<16xf32>
        %exp3A_1377 = math.exp %mul3A_1376 : vector<16xf32>
        %gt3A_1378 = arith.constant 1.000000e+00 : f32
        %gt3A_1379 = vector.broadcast %gt3A_1378 : f32 to vector<16xf32>
        %gt3A_1380 = arith.cmpf ogt, %exp3A_1377, %gt3A_1379 : vector<16xf32>
        %div3A_1381 = arith.constant 1.000000e+00 : f32
        %div3A_1382 = vector.broadcast %div3A_1381 : f32 to vector<16xf32>
        %div3A_1383 = arith.divf %div3A_1382, %exp3A_1377 : vector<16xf32>
        %select_n3A_1384 = arith.select %gt3A_1380, %div3A_1383, %exp3A_1377 : vector<16xi1>, vector<16xf32>
        %mul3A_1385 = arith.mulf %select_n3A_1384, %select_n3A_1384 : vector<16xf32>
        %mul3A_1386 = arith.constant -0.0817280039 : f32
        %mul3A_1387 = vector.broadcast %mul3A_1386 : f32 to vector<16xf32>
        %mul3A_1388 = arith.mulf %mul3A_1387, %mul3A_1385 : vector<16xf32>
        %add3A_1389 = arith.constant 0.298066169 : f32
        %add3A_1390 = vector.broadcast %add3A_1389 : f32 to vector<16xf32>
        %add3A_1391 = arith.addf %mul3A_1388, %add3A_1390 : vector<16xf32>
        %mul3A_1392 = arith.mulf %add3A_1391, %mul3A_1385 : vector<16xf32>
        %add3A_1393 = arith.constant -0.64457345 : f32
        %add3A_1394 = vector.broadcast %add3A_1393 : f32 to vector<16xf32>
        %add3A_1395 = arith.addf %mul3A_1392, %add3A_1394 : vector<16xf32>
        %mul3A_1396 = arith.mulf %add3A_1395, %mul3A_1385 : vector<16xf32>
        %add3A_1397 = arith.constant 1.99863315 : f32
        %add3A_1398 = vector.broadcast %add3A_1397 : f32 to vector<16xf32>
        %add3A_1399 = arith.addf %mul3A_1396, %add3A_1398 : vector<16xf32>
        %mul3A_1400 = arith.mulf %select_n3A_1384, %add3A_1399 : vector<16xf32>
        %sub3A_1401 = arith.constant 3.14159274 : f32
        %sub3A_1402 = vector.broadcast %sub3A_1401 : f32 to vector<16xf32>
        %sub3A_1403 = arith.subf %sub3A_1402, %mul3A_1400 : vector<16xf32>
        %select_n3A_1404 = arith.select %gt3A_1380, %sub3A_1403, %mul3A_1400 : vector<16xi1>, vector<16xf32>
        %swap3A_1405 = arith.constant 2 : i32
        %swap3A_1406 = arith.index_cast %swap3A_1405 : i32 to index
        %swap3A_1407 = arith.constant 0 : index
        %swap3A_1408 = tpu.vector_load %arg6[%swap3A_1406, %swap3A_1407] {strides = array<i32>} : memref<28x16xf32, #tpu.memory_space<vmem>>, vector<1x16xf32>,
        %swap3A_1409 = vector.shape_cast %swap3A_1408 : vector<1x16xf32> to vector<16xf32>
        %swap3A_1410 = vector.shape_cast %select_n3A_1404 : vector<16xf32> to vector<1x16xf32>
        tpu.vector_store %arg6[%swap3A_1406, %swap3A_1407], %swap3A_1410 {strides = array<i32>} : memref<28x16xf32, #tpu.memory_space<vmem>>, vector<1x16xf32>,
        %mul3A_1411 = vector.broadcast %squeeze3A_108 : f32 to vector<16xf32>
        %mul3A_1412 = arith.mulf %add3A_1312, %mul3A_1411 : vector<16xf32>
        %mul3A_1413 = vector.broadcast %squeeze3A_157 : f32 to vector<16xf32>
        %mul3A_1414 = arith.mulf %add3A_1217, %mul3A_1413 : vector<16xf32>
        %add3A_1415 = arith.addf %mul3A_1412, %mul3A_1414 : vector<16xf32>
        %mul3A_1416 = vector.broadcast %squeeze3A_206 : f32 to vector<16xf32>
        %mul3A_1417 = arith.mulf %add3A_1234, %mul3A_1416 : vector<16xf32>
        %add3A_1418 = arith.addf %add3A_1415, %mul3A_1417 : vector<16xf32>
        %mul3A_1419 = vector.broadcast %squeeze3A_255 : f32 to vector<16xf32>
        %mul3A_1420 = arith.mulf %add3A_1251, %mul3A_1419 : vector<16xf32>
        %add3A_1421 = arith.addf %add3A_1418, %mul3A_1420 : vector<16xf32>
        %sub3A_1422 = arith.subf %add3A_1421, %mul3A_849 : vector<16xf32>
        %mul3A_1423 = arith.constant 5.000000e-01 : f32
        %mul3A_1424 = vector.broadcast %mul3A_1423 : f32 to vector<16xf32>
        %mul3A_1425 = arith.mulf %mul3A_1424, %sub3A_1422 : vector<16xf32>
        %exp3A_1426 = math.exp %mul3A_1425 : vector<16xf32>
        %gt3A_1427 = arith.constant 1.000000e+00 : f32
        %gt3A_1428 = vector.broadcast %gt3A_1427 : f32 to vector<16xf32>
        %gt3A_1429 = arith.cmpf ogt, %exp3A_1426, %gt3A_1428 : vector<16xf32>
        %div3A_1430 = arith.constant 1.000000e+00 : f32
        %div3A_1431 = vector.broadcast %div3A_1430 : f32 to vector<16xf32>
        %div3A_1432 = arith.divf %div3A_1431, %exp3A_1426 : vector<16xf32>
        %select_n3A_1433 = arith.select %gt3A_1429, %div3A_1432, %exp3A_1426 : vector<16xi1>, vector<16xf32>
        %mul3A_1434 = arith.mulf %select_n3A_1433, %select_n3A_1433 : vector<16xf32>
        %mul3A_1435 = arith.constant -0.0817280039 : f32
        %mul3A_1436 = vector.broadcast %mul3A_1435 : f32 to vector<16xf32>
        %mul3A_1437 = arith.mulf %mul3A_1436, %mul3A_1434 : vector<16xf32>
        %add3A_1438 = arith.constant 0.298066169 : f32
        %add3A_1439 = vector.broadcast %add3A_1438 : f32 to vector<16xf32>
        %add3A_1440 = arith.addf %mul3A_1437, %add3A_1439 : vector<16xf32>
        %mul3A_1441 = arith.mulf %add3A_1440, %mul3A_1434 : vector<16xf32>
        %add3A_1442 = arith.constant -0.64457345 : f32
        %add3A_1443 = vector.broadcast %add3A_1442 : f32 to vector<16xf32>
        %add3A_1444 = arith.addf %mul3A_1441, %add3A_1443 : vector<16xf32>
        %mul3A_1445 = arith.mulf %add3A_1444, %mul3A_1434 : vector<16xf32>
        %add3A_1446 = arith.constant 1.99863315 : f32
        %add3A_1447 = vector.broadcast %add3A_1446 : f32 to vector<16xf32>
        %add3A_1448 = arith.addf %mul3A_1445, %add3A_1447 : vector<16xf32>
        %mul3A_1449 = arith.mulf %select_n3A_1433, %add3A_1448 : vector<16xf32>
        %sub3A_1450 = arith.constant 3.14159274 : f32
        %sub3A_1451 = vector.broadcast %sub3A_1450 : f32 to vector<16xf32>
        %sub3A_1452 = arith.subf %sub3A_1451, %mul3A_1449 : vector<16xf32>
        %select_n3A_1453 = arith.select %gt3A_1429, %sub3A_1452, %mul3A_1449 : vector<16xi1>, vector<16xf32>
        %swap3A_1454 = arith.constant 3 : i32
        %swap3A_1455 = arith.index_cast %swap3A_1454 : i32 to index
        %swap3A_1456 = arith.constant 0 : index
        %swap3A_1457 = tpu.vector_load %arg6[%swap3A_1455, %swap3A_1456] {strides = array<i32>} : memref<28x16xf32, #tpu.memory_space<vmem>>, vector<1x16xf32>,
        %swap3A_1458 = vector.shape_cast %swap3A_1457 : vector<1x16xf32> to vector<16xf32>
        %swap3A_1459 = vector.shape_cast %select_n3A_1453 : vector<16xf32> to vector<1x16xf32>
        tpu.vector_store %arg6[%swap3A_1455, %swap3A_1456], %swap3A_1459 {strides = array<i32>} : memref<28x16xf32, #tpu.memory_space<vmem>>, vector<1x16xf32>,
        %mul3A_1460 = vector.broadcast %squeeze3A_115 : f32 to vector<16xf32>
        %mul3A_1461 = arith.mulf %add3A_1312, %mul3A_1460 : vector<16xf32>
        %mul3A_1462 = vector.broadcast %squeeze3A_164 : f32 to vector<16xf32>
        %mul3A_1463 = arith.mulf %add3A_1217, %mul3A_1462 : vector<16xf32>
        %add3A_1464 = arith.addf %mul3A_1461, %mul3A_1463 : vector<16xf32>
        %mul3A_1465 = vector.broadcast %squeeze3A_213 : f32 to vector<16xf32>
        %mul3A_1466 = arith.mulf %add3A_1234, %mul3A_1465 : vector<16xf32>
        %add3A_1467 = arith.addf %add3A_1464, %mul3A_1466 : vector<16xf32>
        %mul3A_1468 = vector.broadcast %squeeze3A_262 : f32 to vector<16xf32>
        %mul3A_1469 = arith.mulf %add3A_1251, %mul3A_1468 : vector<16xf32>
        %add3A_1470 = arith.addf %add3A_1467, %mul3A_1469 : vector<16xf32>
        %sub3A_1471 = arith.subf %add3A_1470, %mul3A_933 : vector<16xf32>
        %mul3A_1472 = arith.constant 5.000000e-01 : f32
        %mul3A_1473 = vector.broadcast %mul3A_1472 : f32 to vector<16xf32>
        %mul3A_1474 = arith.mulf %mul3A_1473, %sub3A_1471 : vector<16xf32>
        %exp3A_1475 = math.exp %mul3A_1474 : vector<16xf32>
        %gt3A_1476 = arith.constant 1.000000e+00 : f32
        %gt3A_1477 = vector.broadcast %gt3A_1476 : f32 to vector<16xf32>
        %gt3A_1478 = arith.cmpf ogt, %exp3A_1475, %gt3A_1477 : vector<16xf32>
        %div3A_1479 = arith.constant 1.000000e+00 : f32
        %div3A_1480 = vector.broadcast %div3A_1479 : f32 to vector<16xf32>
        %div3A_1481 = arith.divf %div3A_1480, %exp3A_1475 : vector<16xf32>
        %select_n3A_1482 = arith.select %gt3A_1478, %div3A_1481, %exp3A_1475 : vector<16xi1>, vector<16xf32>
        %mul3A_1483 = arith.mulf %select_n3A_1482, %select_n3A_1482 : vector<16xf32>
        %mul3A_1484 = arith.constant -0.0817280039 : f32
        %mul3A_1485 = vector.broadcast %mul3A_1484 : f32 to vector<16xf32>
        %mul3A_1486 = arith.mulf %mul3A_1485, %mul3A_1483 : vector<16xf32>
        %add3A_1487 = arith.constant 0.298066169 : f32
        %add3A_1488 = vector.broadcast %add3A_1487 : f32 to vector<16xf32>
        %add3A_1489 = arith.addf %mul3A_1486, %add3A_1488 : vector<16xf32>
        %mul3A_1490 = arith.mulf %add3A_1489, %mul3A_1483 : vector<16xf32>
        %add3A_1491 = arith.constant -0.64457345 : f32
        %add3A_1492 = vector.broadcast %add3A_1491 : f32 to vector<16xf32>
        %add3A_1493 = arith.addf %mul3A_1490, %add3A_1492 : vector<16xf32>
        %mul3A_1494 = arith.mulf %add3A_1493, %mul3A_1483 : vector<16xf32>
        %add3A_1495 = arith.constant 1.99863315 : f32
        %add3A_1496 = vector.broadcast %add3A_1495 : f32 to vector<16xf32>
        %add3A_1497 = arith.addf %mul3A_1494, %add3A_1496 : vector<16xf32>
        %mul3A_1498 = arith.mulf %select_n3A_1482, %add3A_1497 : vector<16xf32>
        %sub3A_1499 = arith.constant 3.14159274 : f32
        %sub3A_1500 = vector.broadcast %sub3A_1499 : f32 to vector<16xf32>
        %sub3A_1501 = arith.subf %sub3A_1500, %mul3A_1498 : vector<16xf32>
        %select_n3A_1502 = arith.select %gt3A_1478, %sub3A_1501, %mul3A_1498 : vector<16xi1>, vector<16xf32>
        %swap3A_1503 = arith.constant 4 : i32
        %swap3A_1504 = arith.index_cast %swap3A_1503 : i32 to index
        %swap3A_1505 = arith.constant 0 : index
        %swap3A_1506 = tpu.vector_load %arg6[%swap3A_1504, %swap3A_1505] {strides = array<i32>} : memref<28x16xf32, #tpu.memory_space<vmem>>, vector<1x16xf32>,
        %swap3A_1507 = vector.shape_cast %swap3A_1506 : vector<1x16xf32> to vector<16xf32>
        %swap3A_1508 = vector.shape_cast %select_n3A_1502 : vector<16xf32> to vector<1x16xf32>
        tpu.vector_store %arg6[%swap3A_1504, %swap3A_1505], %swap3A_1508 {strides = array<i32>} : memref<28x16xf32, #tpu.memory_space<vmem>>, vector<1x16xf32>,
        %mul3A_1509 = vector.broadcast %squeeze3A_122 : f32 to vector<16xf32>
        %mul3A_1510 = arith.mulf %add3A_1312, %mul3A_1509 : vector<16xf32>
        %mul3A_1511 = vector.broadcast %squeeze3A_171 : f32 to vector<16xf32>
        %mul3A_1512 = arith.mulf %add3A_1217, %mul3A_1511 : vector<16xf32>
        %add3A_1513 = arith.addf %mul3A_1510, %mul3A_1512 : vector<16xf32>
        %mul3A_1514 = vector.broadcast %squeeze3A_220 : f32 to vector<16xf32>
        %mul3A_1515 = arith.mulf %add3A_1234, %mul3A_1514 : vector<16xf32>
        %add3A_1516 = arith.addf %add3A_1513, %mul3A_1515 : vector<16xf32>
        %mul3A_1517 = vector.broadcast %squeeze3A_269 : f32 to vector<16xf32>
        %mul3A_1518 = arith.mulf %add3A_1251, %mul3A_1517 : vector<16xf32>
        %add3A_1519 = arith.addf %add3A_1516, %mul3A_1518 : vector<16xf32>
        %sub3A_1520 = arith.subf %add3A_1519, %mul3A_1017 : vector<16xf32>
        %mul3A_1521 = arith.constant 5.000000e-01 : f32
        %mul3A_1522 = vector.broadcast %mul3A_1521 : f32 to vector<16xf32>
        %mul3A_1523 = arith.mulf %mul3A_1522, %sub3A_1520 : vector<16xf32>
        %exp3A_1524 = math.exp %mul3A_1523 : vector<16xf32>
        %gt3A_1525 = arith.constant 1.000000e+00 : f32
        %gt3A_1526 = vector.broadcast %gt3A_1525 : f32 to vector<16xf32>
        %gt3A_1527 = arith.cmpf ogt, %exp3A_1524, %gt3A_1526 : vector<16xf32>
        %div3A_1528 = arith.constant 1.000000e+00 : f32
        %div3A_1529 = vector.broadcast %div3A_1528 : f32 to vector<16xf32>
        %div3A_1530 = arith.divf %div3A_1529, %exp3A_1524 : vector<16xf32>
        %select_n3A_1531 = arith.select %gt3A_1527, %div3A_1530, %exp3A_1524 : vector<16xi1>, vector<16xf32>
        %mul3A_1532 = arith.mulf %select_n3A_1531, %select_n3A_1531 : vector<16xf32>
        %mul3A_1533 = arith.constant -0.0817280039 : f32
        %mul3A_1534 = vector.broadcast %mul3A_1533 : f32 to vector<16xf32>
        %mul3A_1535 = arith.mulf %mul3A_1534, %mul3A_1532 : vector<16xf32>
        %add3A_1536 = arith.constant 0.298066169 : f32
        %add3A_1537 = vector.broadcast %add3A_1536 : f32 to vector<16xf32>
        %add3A_1538 = arith.addf %mul3A_1535, %add3A_1537 : vector<16xf32>
        %mul3A_1539 = arith.mulf %add3A_1538, %mul3A_1532 : vector<16xf32>
        %add3A_1540 = arith.constant -0.64457345 : f32
        %add3A_1541 = vector.broadcast %add3A_1540 : f32 to vector<16xf32>
        %add3A_1542 = arith.addf %mul3A_1539, %add3A_1541 : vector<16xf32>
        %mul3A_1543 = arith.mulf %add3A_1542, %mul3A_1532 : vector<16xf32>
        %add3A_1544 = arith.constant 1.99863315 : f32
        %add3A_1545 = vector.broadcast %add3A_1544 : f32 to vector<16xf32>
        %add3A_1546 = arith.addf %mul3A_1543, %add3A_1545 : vector<16xf32>
        %mul3A_1547 = arith.mulf %select_n3A_1531, %add3A_1546 : vector<16xf32>
        %sub3A_1548 = arith.constant 3.14159274 : f32
        %sub3A_1549 = vector.broadcast %sub3A_1548 : f32 to vector<16xf32>
        %sub3A_1550 = arith.subf %sub3A_1549, %mul3A_1547 : vector<16xf32>
        %select_n3A_1551 = arith.select %gt3A_1527, %sub3A_1550, %mul3A_1547 : vector<16xi1>, vector<16xf32>
        %swap3A_1552 = arith.constant 5 : i32
        %swap3A_1553 = arith.index_cast %swap3A_1552 : i32 to index
        %swap3A_1554 = arith.constant 0 : index
        %swap3A_1555 = tpu.vector_load %arg6[%swap3A_1553, %swap3A_1554] {strides = array<i32>} : memref<28x16xf32, #tpu.memory_space<vmem>>, vector<1x16xf32>,
        %swap3A_1556 = vector.shape_cast %swap3A_1555 : vector<1x16xf32> to vector<16xf32>
        %swap3A_1557 = vector.shape_cast %select_n3A_1551 : vector<16xf32> to vector<1x16xf32>
        tpu.vector_store %arg6[%swap3A_1553, %swap3A_1554], %swap3A_1557 {strides = array<i32>} : memref<28x16xf32, #tpu.memory_space<vmem>>, vector<1x16xf32>,
        %mul3A_1558 = vector.broadcast %squeeze3A_129 : f32 to vector<16xf32>
        %mul3A_1559 = arith.mulf %add3A_1312, %mul3A_1558 : vector<16xf32>
        %mul3A_1560 = vector.broadcast %squeeze3A_178 : f32 to vector<16xf32>
        %mul3A_1561 = arith.mulf %add3A_1217, %mul3A_1560 : vector<16xf32>
        %add3A_1562 = arith.addf %mul3A_1559, %mul3A_1561 : vector<16xf32>
        %mul3A_1563 = vector.broadcast %squeeze3A_227 : f32 to vector<16xf32>
        %mul3A_1564 = arith.mulf %add3A_1234, %mul3A_1563 : vector<16xf32>
        %add3A_1565 = arith.addf %add3A_1562, %mul3A_1564 : vector<16xf32>
        %mul3A_1566 = vector.broadcast %squeeze3A_276 : f32 to vector<16xf32>
        %mul3A_1567 = arith.mulf %add3A_1251, %mul3A_1566 : vector<16xf32>
        %add3A_1568 = arith.addf %add3A_1565, %mul3A_1567 : vector<16xf32>
        %sub3A_1569 = arith.subf %add3A_1568, %mul3A_1101 : vector<16xf32>
        %mul3A_1570 = arith.constant 5.000000e-01 : f32
        %mul3A_1571 = vector.broadcast %mul3A_1570 : f32 to vector<16xf32>
        %mul3A_1572 = arith.mulf %mul3A_1571, %sub3A_1569 : vector<16xf32>
        %exp3A_1573 = math.exp %mul3A_1572 : vector<16xf32>
        %gt3A_1574 = arith.constant 1.000000e+00 : f32
        %gt3A_1575 = vector.broadcast %gt3A_1574 : f32 to vector<16xf32>
        %gt3A_1576 = arith.cmpf ogt, %exp3A_1573, %gt3A_1575 : vector<16xf32>
        %div3A_1577 = arith.constant 1.000000e+00 : f32
        %div3A_1578 = vector.broadcast %div3A_1577 : f32 to vector<16xf32>
        %div3A_1579 = arith.divf %div3A_1578, %exp3A_1573 : vector<16xf32>
        %select_n3A_1580 = arith.select %gt3A_1576, %div3A_1579, %exp3A_1573 : vector<16xi1>, vector<16xf32>
        %mul3A_1581 = arith.mulf %select_n3A_1580, %select_n3A_1580 : vector<16xf32>
        %mul3A_1582 = arith.constant -0.0817280039 : f32
        %mul3A_1583 = vector.broadcast %mul3A_1582 : f32 to vector<16xf32>
        %mul3A_1584 = arith.mulf %mul3A_1583, %mul3A_1581 : vector<16xf32>
        %add3A_1585 = arith.constant 0.298066169 : f32
        %add3A_1586 = vector.broadcast %add3A_1585 : f32 to vector<16xf32>
        %add3A_1587 = arith.addf %mul3A_1584, %add3A_1586 : vector<16xf32>
        %mul3A_1588 = arith.mulf %add3A_1587, %mul3A_1581 : vector<16xf32>
        %add3A_1589 = arith.constant -0.64457345 : f32
        %add3A_1590 = vector.broadcast %add3A_1589 : f32 to vector<16xf32>
        %add3A_1591 = arith.addf %mul3A_1588, %add3A_1590 : vector<16xf32>
        %mul3A_1592 = arith.mulf %add3A_1591, %mul3A_1581 : vector<16xf32>
        %add3A_1593 = arith.constant 1.99863315 : f32
        %add3A_1594 = vector.broadcast %add3A_1593 : f32 to vector<16xf32>
        %add3A_1595 = arith.addf %mul3A_1592, %add3A_1594 : vector<16xf32>
        %mul3A_1596 = arith.mulf %select_n3A_1580, %add3A_1595 : vector<16xf32>
        %sub3A_1597 = arith.constant 3.14159274 : f32
        %sub3A_1598 = vector.broadcast %sub3A_1597 : f32 to vector<16xf32>
        %sub3A_1599 = arith.subf %sub3A_1598, %mul3A_1596 : vector<16xf32>
        %select_n3A_1600 = arith.select %gt3A_1576, %sub3A_1599, %mul3A_1596 : vector<16xi1>, vector<16xf32>
        %swap3A_1601 = arith.constant 6 : i32
        %swap3A_1602 = arith.index_cast %swap3A_1601 : i32 to index
        %swap3A_1603 = arith.constant 0 : index
        %swap3A_1604 = tpu.vector_load %arg6[%swap3A_1602, %swap3A_1603] {strides = array<i32>} : memref<28x16xf32, #tpu.memory_space<vmem>>, vector<1x16xf32>,
        %swap3A_1605 = vector.shape_cast %swap3A_1604 : vector<1x16xf32> to vector<16xf32>
        %swap3A_1606 = vector.shape_cast %select_n3A_1600 : vector<16xf32> to vector<1x16xf32>
        tpu.vector_store %arg6[%swap3A_1602, %swap3A_1603], %swap3A_1606 {strides = array<i32>} : memref<28x16xf32, #tpu.memory_space<vmem>>, vector<1x16xf32>,
        %get3A_1607 = arith.constant 1 : i32
        %get3A_1608 = arith.index_cast %get3A_1607 : i32 to index
        %get3A_1609 = arith.constant 0 : index
        %get3A_1610 = tpu.vector_load %arg6[%get3A_1608, %get3A_1609] {strides = array<i32>} : memref<28x16xf32, #tpu.memory_space<vmem>>, vector<1x16xf32>,
        %get3A_1611 = vector.shape_cast %get3A_1610 : vector<1x16xf32> to vector<16xf32>
        %broadcast_in_dim3A_1612 = vector.shape_cast %xor3A_5 : vector<16xi32> to vector<16x1xi32>
        %gather3A_1613 = vector.shape_cast %broadcast_in_dim3A_1612 : vector<16x1xi32> to vector<16xi32>
        %gather3A_1614 = tpu.dynamic_gather %get3A_1611[%gather3A_1613] in [0] : vector<16xf32>, vector<16xi32> -> vector<16xf32>
        %add3A_1615 = arith.addf %get3A_1611, %gather3A_1614 : vector<16xf32>
        %broadcast_in_dim3A_1616 = vector.shape_cast %xor3A_8 : vector<16xi32> to vector<16x1xi32>
        %gather3A_1617 = vector.shape_cast %broadcast_in_dim3A_1616 : vector<16x1xi32> to vector<16xi32>
        %gather3A_1618 = tpu.dynamic_gather %add3A_1615[%gather3A_1617] in [0] : vector<16xf32>, vector<16xi32> -> vector<16xf32>
        %add3A_1619 = arith.addf %add3A_1615, %gather3A_1618 : vector<16xf32>
        %broadcast_in_dim3A_1620 = vector.shape_cast %xor3A_11 : vector<16xi32> to vector<16x1xi32>
        %gather3A_1621 = vector.shape_cast %broadcast_in_dim3A_1620 : vector<16x1xi32> to vector<16xi32>
        %gather3A_1622 = tpu.dynamic_gather %add3A_1619[%gather3A_1621] in [0] : vector<16xf32>, vector<16xi32> -> vector<16xf32>
        %add3A_1623 = arith.addf %add3A_1619, %gather3A_1622 : vector<16xf32>
        %get3A_1624 = arith.constant 8 : i32
        %get3A_1625 = arith.index_cast %get3A_1624 : i32 to index
        %get3A_1626 = arith.constant 0 : index
        %get3A_1627 = tpu.vector_load %arg6[%get3A_1625, %get3A_1626] {strides = array<i32>} : memref<28x16xf32, #tpu.memory_space<vmem>>, vector<1x16xf32>,
        %get3A_1628 = vector.shape_cast %get3A_1627 : vector<1x16xf32> to vector<16xf32>
        %broadcast_in_dim3A_1629 = vector.shape_cast %xor3A_5 : vector<16xi32> to vector<16x1xi32>
        %gather3A_1630 = vector.shape_cast %broadcast_in_dim3A_1629 : vector<16x1xi32> to vector<16xi32>
        %gather3A_1631 = tpu.dynamic_gather %get3A_1628[%gather3A_1630] in [0] : vector<16xf32>, vector<16xi32> -> vector<16xf32>
        %add3A_1632 = arith.addf %get3A_1628, %gather3A_1631 : vector<16xf32>
        %broadcast_in_dim3A_1633 = vector.shape_cast %xor3A_8 : vector<16xi32> to vector<16x1xi32>
        %gather3A_1634 = vector.shape_cast %broadcast_in_dim3A_1633 : vector<16x1xi32> to vector<16xi32>
        %gather3A_1635 = tpu.dynamic_gather %add3A_1632[%gather3A_1634] in [0] : vector<16xf32>, vector<16xi32> -> vector<16xf32>
        %add3A_1636 = arith.addf %add3A_1632, %gather3A_1635 : vector<16xf32>
        %broadcast_in_dim3A_1637 = vector.shape_cast %xor3A_11 : vector<16xi32> to vector<16x1xi32>
        %gather3A_1638 = vector.shape_cast %broadcast_in_dim3A_1637 : vector<16x1xi32> to vector<16xi32>
        %gather3A_1639 = tpu.dynamic_gather %add3A_1636[%gather3A_1638] in [0] : vector<16xf32>, vector<16xi32> -> vector<16xf32>
        %add3A_1640 = arith.addf %add3A_1636, %gather3A_1639 : vector<16xf32>
        %get3A_1641 = arith.constant 15 : i32
        %get3A_1642 = arith.index_cast %get3A_1641 : i32 to index
        %get3A_1643 = arith.constant 0 : index
        %get3A_1644 = tpu.vector_load %arg6[%get3A_1642, %get3A_1643] {strides = array<i32>} : memref<28x16xf32, #tpu.memory_space<vmem>>, vector<1x16xf32>,
        %get3A_1645 = vector.shape_cast %get3A_1644 : vector<1x16xf32> to vector<16xf32>
        %broadcast_in_dim3A_1646 = vector.shape_cast %xor3A_5 : vector<16xi32> to vector<16x1xi32>
        %gather3A_1647 = vector.shape_cast %broadcast_in_dim3A_1646 : vector<16x1xi32> to vector<16xi32>
        %gather3A_1648 = tpu.dynamic_gather %get3A_1645[%gather3A_1647] in [0] : vector<16xf32>, vector<16xi32> -> vector<16xf32>
        %add3A_1649 = arith.addf %get3A_1645, %gather3A_1648 : vector<16xf32>
        %broadcast_in_dim3A_1650 = vector.shape_cast %xor3A_8 : vector<16xi32> to vector<16x1xi32>
        %gather3A_1651 = vector.shape_cast %broadcast_in_dim3A_1650 : vector<16x1xi32> to vector<16xi32>
        %gather3A_1652 = tpu.dynamic_gather %add3A_1649[%gather3A_1651] in [0] : vector<16xf32>, vector<16xi32> -> vector<16xf32>
        %add3A_1653 = arith.addf %add3A_1649, %gather3A_1652 : vector<16xf32>
        %broadcast_in_dim3A_1654 = vector.shape_cast %xor3A_11 : vector<16xi32> to vector<16x1xi32>
        %gather3A_1655 = vector.shape_cast %broadcast_in_dim3A_1654 : vector<16x1xi32> to vector<16xi32>
        %gather3A_1656 = tpu.dynamic_gather %add3A_1653[%gather3A_1655] in [0] : vector<16xf32>, vector<16xi32> -> vector<16xf32>
        %add3A_1657 = arith.addf %add3A_1653, %gather3A_1656 : vector<16xf32>
        %get3A_1658 = arith.constant 22 : i32
        %get3A_1659 = arith.index_cast %get3A_1658 : i32 to index
        %get3A_1660 = arith.constant 0 : index
        %get3A_1661 = tpu.vector_load %arg6[%get3A_1659, %get3A_1660] {strides = array<i32>} : memref<28x16xf32, #tpu.memory_space<vmem>>, vector<1x16xf32>,
        %get3A_1662 = vector.shape_cast %get3A_1661 : vector<1x16xf32> to vector<16xf32>
        %broadcast_in_dim3A_1663 = vector.shape_cast %xor3A_5 : vector<16xi32> to vector<16x1xi32>
        %gather3A_1664 = vector.shape_cast %broadcast_in_dim3A_1663 : vector<16x1xi32> to vector<16xi32>
        %gather3A_1665 = tpu.dynamic_gather %get3A_1662[%gather3A_1664] in [0] : vector<16xf32>, vector<16xi32> -> vector<16xf32>
        %add3A_1666 = arith.addf %get3A_1662, %gather3A_1665 : vector<16xf32>
        %broadcast_in_dim3A_1667 = vector.shape_cast %xor3A_8 : vector<16xi32> to vector<16x1xi32>
        %gather3A_1668 = vector.shape_cast %broadcast_in_dim3A_1667 : vector<16x1xi32> to vector<16xi32>
        %gather3A_1669 = tpu.dynamic_gather %add3A_1666[%gather3A_1668] in [0] : vector<16xf32>, vector<16xi32> -> vector<16xf32>
        %add3A_1670 = arith.addf %add3A_1666, %gather3A_1669 : vector<16xf32>
        %broadcast_in_dim3A_1671 = vector.shape_cast %xor3A_11 : vector<16xi32> to vector<16x1xi32>
        %gather3A_1672 = vector.shape_cast %broadcast_in_dim3A_1671 : vector<16x1xi32> to vector<16xi32>
        %gather3A_1673 = tpu.dynamic_gather %add3A_1670[%gather3A_1672] in [0] : vector<16xf32>, vector<16xi32> -> vector<16xf32>
        %add3A_1674 = arith.addf %add3A_1670, %gather3A_1673 : vector<16xf32>
        %mul3A_1675 = vector.broadcast %squeeze3A : f32 to vector<16xf32>
        %mul3A_1676 = arith.mulf %add3A_1623, %mul3A_1675 : vector<16xf32>
        %mul3A_1677 = vector.broadcast %squeeze3A_136 : f32 to vector<16xf32>
        %mul3A_1678 = arith.mulf %add3A_1640, %mul3A_1677 : vector<16xf32>
        %add3A_1679 = arith.addf %mul3A_1676, %mul3A_1678 : vector<16xf32>
        %mul3A_1680 = vector.broadcast %squeeze3A_185 : f32 to vector<16xf32>
        %mul3A_1681 = arith.mulf %add3A_1657, %mul3A_1680 : vector<16xf32>
        %add3A_1682 = arith.addf %add3A_1679, %mul3A_1681 : vector<16xf32>
        %mul3A_1683 = vector.broadcast %squeeze3A_234 : f32 to vector<16xf32>
        %mul3A_1684 = arith.mulf %add3A_1674, %mul3A_1683 : vector<16xf32>
        %add3A_1685 = arith.addf %add3A_1682, %mul3A_1684 : vector<16xf32>
        %sub3A_1686 = arith.subf %add3A_1685, %mul3A_623 : vector<16xf32>
        %mul3A_1687 = arith.constant 5.000000e-01 : f32
        %mul3A_1688 = vector.broadcast %mul3A_1687 : f32 to vector<16xf32>
        %mul3A_1689 = arith.mulf %mul3A_1688, %sub3A_1686 : vector<16xf32>
        %exp3A_1690 = math.exp %mul3A_1689 : vector<16xf32>
        %gt3A_1691 = arith.constant 1.000000e+00 : f32
        %gt3A_1692 = vector.broadcast %gt3A_1691 : f32 to vector<16xf32>
        %gt3A_1693 = arith.cmpf ogt, %exp3A_1690, %gt3A_1692 : vector<16xf32>
        %div3A_1694 = arith.constant 1.000000e+00 : f32
        %div3A_1695 = vector.broadcast %div3A_1694 : f32 to vector<16xf32>
        %div3A_1696 = arith.divf %div3A_1695, %exp3A_1690 : vector<16xf32>
        %select_n3A_1697 = arith.select %gt3A_1693, %div3A_1696, %exp3A_1690 : vector<16xi1>, vector<16xf32>
        %mul3A_1698 = arith.mulf %select_n3A_1697, %select_n3A_1697 : vector<16xf32>
        %mul3A_1699 = arith.constant -0.0817280039 : f32
        %mul3A_1700 = vector.broadcast %mul3A_1699 : f32 to vector<16xf32>
        %mul3A_1701 = arith.mulf %mul3A_1700, %mul3A_1698 : vector<16xf32>
        %add3A_1702 = arith.constant 0.298066169 : f32
        %add3A_1703 = vector.broadcast %add3A_1702 : f32 to vector<16xf32>
        %add3A_1704 = arith.addf %mul3A_1701, %add3A_1703 : vector<16xf32>
        %mul3A_1705 = arith.mulf %add3A_1704, %mul3A_1698 : vector<16xf32>
        %add3A_1706 = arith.constant -0.64457345 : f32
        %add3A_1707 = vector.broadcast %add3A_1706 : f32 to vector<16xf32>
        %add3A_1708 = arith.addf %mul3A_1705, %add3A_1707 : vector<16xf32>
        %mul3A_1709 = arith.mulf %add3A_1708, %mul3A_1698 : vector<16xf32>
        %add3A_1710 = arith.constant 1.99863315 : f32
        %add3A_1711 = vector.broadcast %add3A_1710 : f32 to vector<16xf32>
        %add3A_1712 = arith.addf %mul3A_1709, %add3A_1711 : vector<16xf32>
        %mul3A_1713 = arith.mulf %select_n3A_1697, %add3A_1712 : vector<16xf32>
        %sub3A_1714 = arith.constant 3.14159274 : f32
        %sub3A_1715 = vector.broadcast %sub3A_1714 : f32 to vector<16xf32>
        %sub3A_1716 = arith.subf %sub3A_1715, %mul3A_1713 : vector<16xf32>
        %select_n3A_1717 = arith.select %gt3A_1693, %sub3A_1716, %mul3A_1713 : vector<16xi1>, vector<16xf32>
        %swap3A_1718 = arith.constant 7 : i32
        %swap3A_1719 = arith.index_cast %swap3A_1718 : i32 to index
        %swap3A_1720 = arith.constant 0 : index
        %swap3A_1721 = tpu.vector_load %arg6[%swap3A_1719, %swap3A_1720] {strides = array<i32>} : memref<28x16xf32, #tpu.memory_space<vmem>>, vector<1x16xf32>,
        %swap3A_1722 = vector.shape_cast %swap3A_1721 : vector<1x16xf32> to vector<16xf32>
        %swap3A_1723 = vector.shape_cast %select_n3A_1717 : vector<16xf32> to vector<1x16xf32>
        tpu.vector_store %arg6[%swap3A_1719, %swap3A_1720], %swap3A_1723 {strides = array<i32>} : memref<28x16xf32, #tpu.memory_space<vmem>>, vector<1x16xf32>,
        %mul3A_1724 = vector.broadcast %squeeze3A_94 : f32 to vector<16xf32>
        %mul3A_1725 = arith.mulf %add3A_1623, %mul3A_1724 : vector<16xf32>
        %mul3A_1726 = vector.broadcast %squeeze3A_143 : f32 to vector<16xf32>
        %mul3A_1727 = arith.mulf %add3A_1640, %mul3A_1726 : vector<16xf32>
        %add3A_1728 = arith.addf %mul3A_1725, %mul3A_1727 : vector<16xf32>
        %mul3A_1729 = vector.broadcast %squeeze3A_192 : f32 to vector<16xf32>
        %mul3A_1730 = arith.mulf %add3A_1657, %mul3A_1729 : vector<16xf32>
        %add3A_1731 = arith.addf %add3A_1728, %mul3A_1730 : vector<16xf32>
        %mul3A_1732 = vector.broadcast %squeeze3A_241 : f32 to vector<16xf32>
        %mul3A_1733 = arith.mulf %add3A_1674, %mul3A_1732 : vector<16xf32>
        %add3A_1734 = arith.addf %add3A_1731, %mul3A_1733 : vector<16xf32>
        %sub3A_1735 = arith.subf %add3A_1734, %mul3A_702 : vector<16xf32>
        %mul3A_1736 = arith.constant 5.000000e-01 : f32
        %mul3A_1737 = vector.broadcast %mul3A_1736 : f32 to vector<16xf32>
        %mul3A_1738 = arith.mulf %mul3A_1737, %sub3A_1735 : vector<16xf32>
        %exp3A_1739 = math.exp %mul3A_1738 : vector<16xf32>
        %gt3A_1740 = arith.constant 1.000000e+00 : f32
        %gt3A_1741 = vector.broadcast %gt3A_1740 : f32 to vector<16xf32>
        %gt3A_1742 = arith.cmpf ogt, %exp3A_1739, %gt3A_1741 : vector<16xf32>
        %div3A_1743 = arith.constant 1.000000e+00 : f32
        %div3A_1744 = vector.broadcast %div3A_1743 : f32 to vector<16xf32>
        %div3A_1745 = arith.divf %div3A_1744, %exp3A_1739 : vector<16xf32>
        %select_n3A_1746 = arith.select %gt3A_1742, %div3A_1745, %exp3A_1739 : vector<16xi1>, vector<16xf32>
        %mul3A_1747 = arith.mulf %select_n3A_1746, %select_n3A_1746 : vector<16xf32>
        %mul3A_1748 = arith.constant -0.0817280039 : f32
        %mul3A_1749 = vector.broadcast %mul3A_1748 : f32 to vector<16xf32>
        %mul3A_1750 = arith.mulf %mul3A_1749, %mul3A_1747 : vector<16xf32>
        %add3A_1751 = arith.constant 0.298066169 : f32
        %add3A_1752 = vector.broadcast %add3A_1751 : f32 to vector<16xf32>
        %add3A_1753 = arith.addf %mul3A_1750, %add3A_1752 : vector<16xf32>
        %mul3A_1754 = arith.mulf %add3A_1753, %mul3A_1747 : vector<16xf32>
        %add3A_1755 = arith.constant -0.64457345 : f32
        %add3A_1756 = vector.broadcast %add3A_1755 : f32 to vector<16xf32>
        %add3A_1757 = arith.addf %mul3A_1754, %add3A_1756 : vector<16xf32>
        %mul3A_1758 = arith.mulf %add3A_1757, %mul3A_1747 : vector<16xf32>
        %add3A_1759 = arith.constant 1.99863315 : f32
        %add3A_1760 = vector.broadcast %add3A_1759 : f32 to vector<16xf32>
        %add3A_1761 = arith.addf %mul3A_1758, %add3A_1760 : vector<16xf32>
        %mul3A_1762 = arith.mulf %select_n3A_1746, %add3A_1761 : vector<16xf32>
        %sub3A_1763 = arith.constant 3.14159274 : f32
        %sub3A_1764 = vector.broadcast %sub3A_1763 : f32 to vector<16xf32>
        %sub3A_1765 = arith.subf %sub3A_1764, %mul3A_1762 : vector<16xf32>
        %select_n3A_1766 = arith.select %gt3A_1742, %sub3A_1765, %mul3A_1762 : vector<16xi1>, vector<16xf32>
        %swap3A_1767 = arith.constant 8 : i32
        %swap3A_1768 = arith.index_cast %swap3A_1767 : i32 to index
        %swap3A_1769 = arith.constant 0 : index
        %swap3A_1770 = tpu.vector_load %arg6[%swap3A_1768, %swap3A_1769] {strides = array<i32>} : memref<28x16xf32, #tpu.memory_space<vmem>>, vector<1x16xf32>,
        %swap3A_1771 = vector.shape_cast %swap3A_1770 : vector<1x16xf32> to vector<16xf32>
        %swap3A_1772 = vector.shape_cast %select_n3A_1766 : vector<16xf32> to vector<1x16xf32>
        tpu.vector_store %arg6[%swap3A_1768, %swap3A_1769], %swap3A_1772 {strides = array<i32>} : memref<28x16xf32, #tpu.memory_space<vmem>>, vector<1x16xf32>,
        %broadcast_in_dim3A_1773 = vector.shape_cast %xor3A_5 : vector<16xi32> to vector<16x1xi32>
        %gather3A_1774 = vector.shape_cast %broadcast_in_dim3A_1773 : vector<16x1xi32> to vector<16xi32>
        %gather3A_1775 = tpu.dynamic_gather %select_n3A_1766[%gather3A_1774] in [0] : vector<16xf32>, vector<16xi32> -> vector<16xf32>
        %add3A_1776 = arith.addf %select_n3A_1766, %gather3A_1775 : vector<16xf32>
        %broadcast_in_dim3A_1777 = vector.shape_cast %xor3A_8 : vector<16xi32> to vector<16x1xi32>
        %gather3A_1778 = vector.shape_cast %broadcast_in_dim3A_1777 : vector<16x1xi32> to vector<16xi32>
        %gather3A_1779 = tpu.dynamic_gather %add3A_1776[%gather3A_1778] in [0] : vector<16xf32>, vector<16xi32> -> vector<16xf32>
        %add3A_1780 = arith.addf %add3A_1776, %gather3A_1779 : vector<16xf32>
        %broadcast_in_dim3A_1781 = vector.shape_cast %xor3A_11 : vector<16xi32> to vector<16x1xi32>
        %gather3A_1782 = vector.shape_cast %broadcast_in_dim3A_1781 : vector<16x1xi32> to vector<16xi32>
        %gather3A_1783 = tpu.dynamic_gather %add3A_1780[%gather3A_1782] in [0] : vector<16xf32>, vector<16xi32> -> vector<16xf32>
        %add3A_1784 = arith.addf %add3A_1780, %gather3A_1783 : vector<16xf32>
        %mul3A_1785 = vector.broadcast %squeeze3A_101 : f32 to vector<16xf32>
        %mul3A_1786 = arith.mulf %add3A_1623, %mul3A_1785 : vector<16xf32>
        %mul3A_1787 = vector.broadcast %squeeze3A_150 : f32 to vector<16xf32>
        %mul3A_1788 = arith.mulf %add3A_1784, %mul3A_1787 : vector<16xf32>
        %add3A_1789 = arith.addf %mul3A_1786, %mul3A_1788 : vector<16xf32>
        %mul3A_1790 = vector.broadcast %squeeze3A_199 : f32 to vector<16xf32>
        %mul3A_1791 = arith.mulf %add3A_1657, %mul3A_1790 : vector<16xf32>
        %add3A_1792 = arith.addf %add3A_1789, %mul3A_1791 : vector<16xf32>
        %mul3A_1793 = vector.broadcast %squeeze3A_248 : f32 to vector<16xf32>
        %mul3A_1794 = arith.mulf %add3A_1674, %mul3A_1793 : vector<16xf32>
        %add3A_1795 = arith.addf %add3A_1792, %mul3A_1794 : vector<16xf32>
        %sub3A_1796 = arith.subf %add3A_1795, %mul3A_786 : vector<16xf32>
        %mul3A_1797 = arith.constant 5.000000e-01 : f32
        %mul3A_1798 = vector.broadcast %mul3A_1797 : f32 to vector<16xf32>
        %mul3A_1799 = arith.mulf %mul3A_1798, %sub3A_1796 : vector<16xf32>
        %exp3A_1800 = math.exp %mul3A_1799 : vector<16xf32>
        %gt3A_1801 = arith.constant 1.000000e+00 : f32
        %gt3A_1802 = vector.broadcast %gt3A_1801 : f32 to vector<16xf32>
        %gt3A_1803 = arith.cmpf ogt, %exp3A_1800, %gt3A_1802 : vector<16xf32>
        %div3A_1804 = arith.constant 1.000000e+00 : f32
        %div3A_1805 = vector.broadcast %div3A_1804 : f32 to vector<16xf32>
        %div3A_1806 = arith.divf %div3A_1805, %exp3A_1800 : vector<16xf32>
        %select_n3A_1807 = arith.select %gt3A_1803, %div3A_1806, %exp3A_1800 : vector<16xi1>, vector<16xf32>
        %mul3A_1808 = arith.mulf %select_n3A_1807, %select_n3A_1807 : vector<16xf32>
        %mul3A_1809 = arith.constant -0.0817280039 : f32
        %mul3A_1810 = vector.broadcast %mul3A_1809 : f32 to vector<16xf32>
        %mul3A_1811 = arith.mulf %mul3A_1810, %mul3A_1808 : vector<16xf32>
        %add3A_1812 = arith.constant 0.298066169 : f32
        %add3A_1813 = vector.broadcast %add3A_1812 : f32 to vector<16xf32>
        %add3A_1814 = arith.addf %mul3A_1811, %add3A_1813 : vector<16xf32>
        %mul3A_1815 = arith.mulf %add3A_1814, %mul3A_1808 : vector<16xf32>
        %add3A_1816 = arith.constant -0.64457345 : f32
        %add3A_1817 = vector.broadcast %add3A_1816 : f32 to vector<16xf32>
        %add3A_1818 = arith.addf %mul3A_1815, %add3A_1817 : vector<16xf32>
        %mul3A_1819 = arith.mulf %add3A_1818, %mul3A_1808 : vector<16xf32>
        %add3A_1820 = arith.constant 1.99863315 : f32
        %add3A_1821 = vector.broadcast %add3A_1820 : f32 to vector<16xf32>
        %add3A_1822 = arith.addf %mul3A_1819, %add3A_1821 : vector<16xf32>
        %mul3A_1823 = arith.mulf %select_n3A_1807, %add3A_1822 : vector<16xf32>
        %sub3A_1824 = arith.constant 3.14159274 : f32
        %sub3A_1825 = vector.broadcast %sub3A_1824 : f32 to vector<16xf32>
        %sub3A_1826 = arith.subf %sub3A_1825, %mul3A_1823 : vector<16xf32>
        %select_n3A_1827 = arith.select %gt3A_1803, %sub3A_1826, %mul3A_1823 : vector<16xi1>, vector<16xf32>
        %swap3A_1828 = arith.constant 9 : i32
        %swap3A_1829 = arith.index_cast %swap3A_1828 : i32 to index
        %swap3A_1830 = arith.constant 0 : index
        %swap3A_1831 = tpu.vector_load %arg6[%swap3A_1829, %swap3A_1830] {strides = array<i32>} : memref<28x16xf32, #tpu.memory_space<vmem>>, vector<1x16xf32>,
        %swap3A_1832 = vector.shape_cast %swap3A_1831 : vector<1x16xf32> to vector<16xf32>
        %swap3A_1833 = vector.shape_cast %select_n3A_1827 : vector<16xf32> to vector<1x16xf32>
        tpu.vector_store %arg6[%swap3A_1829, %swap3A_1830], %swap3A_1833 {strides = array<i32>} : memref<28x16xf32, #tpu.memory_space<vmem>>, vector<1x16xf32>,
        %mul3A_1834 = vector.broadcast %squeeze3A_108 : f32 to vector<16xf32>
        %mul3A_1835 = arith.mulf %add3A_1623, %mul3A_1834 : vector<16xf32>
        %mul3A_1836 = vector.broadcast %squeeze3A_157 : f32 to vector<16xf32>
        %mul3A_1837 = arith.mulf %add3A_1784, %mul3A_1836 : vector<16xf32>
        %add3A_1838 = arith.addf %mul3A_1835, %mul3A_1837 : vector<16xf32>
        %mul3A_1839 = vector.broadcast %squeeze3A_206 : f32 to vector<16xf32>
        %mul3A_1840 = arith.mulf %add3A_1657, %mul3A_1839 : vector<16xf32>
        %add3A_1841 = arith.addf %add3A_1838, %mul3A_1840 : vector<16xf32>
        %mul3A_1842 = vector.broadcast %squeeze3A_255 : f32 to vector<16xf32>
        %mul3A_1843 = arith.mulf %add3A_1674, %mul3A_1842 : vector<16xf32>
        %add3A_1844 = arith.addf %add3A_1841, %mul3A_1843 : vector<16xf32>
        %sub3A_1845 = arith.subf %add3A_1844, %mul3A_870 : vector<16xf32>
        %mul3A_1846 = arith.constant 5.000000e-01 : f32
        %mul3A_1847 = vector.broadcast %mul3A_1846 : f32 to vector<16xf32>
        %mul3A_1848 = arith.mulf %mul3A_1847, %sub3A_1845 : vector<16xf32>
        %exp3A_1849 = math.exp %mul3A_1848 : vector<16xf32>
        %gt3A_1850 = arith.constant 1.000000e+00 : f32
        %gt3A_1851 = vector.broadcast %gt3A_1850 : f32 to vector<16xf32>
        %gt3A_1852 = arith.cmpf ogt, %exp3A_1849, %gt3A_1851 : vector<16xf32>
        %div3A_1853 = arith.constant 1.000000e+00 : f32
        %div3A_1854 = vector.broadcast %div3A_1853 : f32 to vector<16xf32>
        %div3A_1855 = arith.divf %div3A_1854, %exp3A_1849 : vector<16xf32>
        %select_n3A_1856 = arith.select %gt3A_1852, %div3A_1855, %exp3A_1849 : vector<16xi1>, vector<16xf32>
        %mul3A_1857 = arith.mulf %select_n3A_1856, %select_n3A_1856 : vector<16xf32>
        %mul3A_1858 = arith.constant -0.0817280039 : f32
        %mul3A_1859 = vector.broadcast %mul3A_1858 : f32 to vector<16xf32>
        %mul3A_1860 = arith.mulf %mul3A_1859, %mul3A_1857 : vector<16xf32>
        %add3A_1861 = arith.constant 0.298066169 : f32
        %add3A_1862 = vector.broadcast %add3A_1861 : f32 to vector<16xf32>
        %add3A_1863 = arith.addf %mul3A_1860, %add3A_1862 : vector<16xf32>
        %mul3A_1864 = arith.mulf %add3A_1863, %mul3A_1857 : vector<16xf32>
        %add3A_1865 = arith.constant -0.64457345 : f32
        %add3A_1866 = vector.broadcast %add3A_1865 : f32 to vector<16xf32>
        %add3A_1867 = arith.addf %mul3A_1864, %add3A_1866 : vector<16xf32>
        %mul3A_1868 = arith.mulf %add3A_1867, %mul3A_1857 : vector<16xf32>
        %add3A_1869 = arith.constant 1.99863315 : f32
        %add3A_1870 = vector.broadcast %add3A_1869 : f32 to vector<16xf32>
        %add3A_1871 = arith.addf %mul3A_1868, %add3A_1870 : vector<16xf32>
        %mul3A_1872 = arith.mulf %select_n3A_1856, %add3A_1871 : vector<16xf32>
        %sub3A_1873 = arith.constant 3.14159274 : f32
        %sub3A_1874 = vector.broadcast %sub3A_1873 : f32 to vector<16xf32>
        %sub3A_1875 = arith.subf %sub3A_1874, %mul3A_1872 : vector<16xf32>
        %select_n3A_1876 = arith.select %gt3A_1852, %sub3A_1875, %mul3A_1872 : vector<16xi1>, vector<16xf32>
        %swap3A_1877 = arith.constant 10 : i32
        %swap3A_1878 = arith.index_cast %swap3A_1877 : i32 to index
        %swap3A_1879 = arith.constant 0 : index
        %swap3A_1880 = tpu.vector_load %arg6[%swap3A_1878, %swap3A_1879] {strides = array<i32>} : memref<28x16xf32, #tpu.memory_space<vmem>>, vector<1x16xf32>,
        %swap3A_1881 = vector.shape_cast %swap3A_1880 : vector<1x16xf32> to vector<16xf32>
        %swap3A_1882 = vector.shape_cast %select_n3A_1876 : vector<16xf32> to vector<1x16xf32>
        tpu.vector_store %arg6[%swap3A_1878, %swap3A_1879], %swap3A_1882 {strides = array<i32>} : memref<28x16xf32, #tpu.memory_space<vmem>>, vector<1x16xf32>,
        %mul3A_1883 = vector.broadcast %squeeze3A_115 : f32 to vector<16xf32>
        %mul3A_1884 = arith.mulf %add3A_1623, %mul3A_1883 : vector<16xf32>
        %mul3A_1885 = vector.broadcast %squeeze3A_164 : f32 to vector<16xf32>
        %mul3A_1886 = arith.mulf %add3A_1784, %mul3A_1885 : vector<16xf32>
        %add3A_1887 = arith.addf %mul3A_1884, %mul3A_1886 : vector<16xf32>
        %mul3A_1888 = vector.broadcast %squeeze3A_213 : f32 to vector<16xf32>
        %mul3A_1889 = arith.mulf %add3A_1657, %mul3A_1888 : vector<16xf32>
        %add3A_1890 = arith.addf %add3A_1887, %mul3A_1889 : vector<16xf32>
        %mul3A_1891 = vector.broadcast %squeeze3A_262 : f32 to vector<16xf32>
        %mul3A_1892 = arith.mulf %add3A_1674, %mul3A_1891 : vector<16xf32>
        %add3A_1893 = arith.addf %add3A_1890, %mul3A_1892 : vector<16xf32>
        %sub3A_1894 = arith.subf %add3A_1893, %mul3A_954 : vector<16xf32>
        %mul3A_1895 = arith.constant 5.000000e-01 : f32
        %mul3A_1896 = vector.broadcast %mul3A_1895 : f32 to vector<16xf32>
        %mul3A_1897 = arith.mulf %mul3A_1896, %sub3A_1894 : vector<16xf32>
        %exp3A_1898 = math.exp %mul3A_1897 : vector<16xf32>
        %gt3A_1899 = arith.constant 1.000000e+00 : f32
        %gt3A_1900 = vector.broadcast %gt3A_1899 : f32 to vector<16xf32>
        %gt3A_1901 = arith.cmpf ogt, %exp3A_1898, %gt3A_1900 : vector<16xf32>
        %div3A_1902 = arith.constant 1.000000e+00 : f32
        %div3A_1903 = vector.broadcast %div3A_1902 : f32 to vector<16xf32>
        %div3A_1904 = arith.divf %div3A_1903, %exp3A_1898 : vector<16xf32>
        %select_n3A_1905 = arith.select %gt3A_1901, %div3A_1904, %exp3A_1898 : vector<16xi1>, vector<16xf32>
        %mul3A_1906 = arith.mulf %select_n3A_1905, %select_n3A_1905 : vector<16xf32>
        %mul3A_1907 = arith.constant -0.0817280039 : f32
        %mul3A_1908 = vector.broadcast %mul3A_1907 : f32 to vector<16xf32>
        %mul3A_1909 = arith.mulf %mul3A_1908, %mul3A_1906 : vector<16xf32>
        %add3A_1910 = arith.constant 0.298066169 : f32
        %add3A_1911 = vector.broadcast %add3A_1910 : f32 to vector<16xf32>
        %add3A_1912 = arith.addf %mul3A_1909, %add3A_1911 : vector<16xf32>
        %mul3A_1913 = arith.mulf %add3A_1912, %mul3A_1906 : vector<16xf32>
        %add3A_1914 = arith.constant -0.64457345 : f32
        %add3A_1915 = vector.broadcast %add3A_1914 : f32 to vector<16xf32>
        %add3A_1916 = arith.addf %mul3A_1913, %add3A_1915 : vector<16xf32>
        %mul3A_1917 = arith.mulf %add3A_1916, %mul3A_1906 : vector<16xf32>
        %add3A_1918 = arith.constant 1.99863315 : f32
        %add3A_1919 = vector.broadcast %add3A_1918 : f32 to vector<16xf32>
        %add3A_1920 = arith.addf %mul3A_1917, %add3A_1919 : vector<16xf32>
        %mul3A_1921 = arith.mulf %select_n3A_1905, %add3A_1920 : vector<16xf32>
        %sub3A_1922 = arith.constant 3.14159274 : f32
        %sub3A_1923 = vector.broadcast %sub3A_1922 : f32 to vector<16xf32>
        %sub3A_1924 = arith.subf %sub3A_1923, %mul3A_1921 : vector<16xf32>
        %select_n3A_1925 = arith.select %gt3A_1901, %sub3A_1924, %mul3A_1921 : vector<16xi1>, vector<16xf32>
        %swap3A_1926 = arith.constant 11 : i32
        %swap3A_1927 = arith.index_cast %swap3A_1926 : i32 to index
        %swap3A_1928 = arith.constant 0 : index
        %swap3A_1929 = tpu.vector_load %arg6[%swap3A_1927, %swap3A_1928] {strides = array<i32>} : memref<28x16xf32, #tpu.memory_space<vmem>>, vector<1x16xf32>,
        %swap3A_1930 = vector.shape_cast %swap3A_1929 : vector<1x16xf32> to vector<16xf32>
        %swap3A_1931 = vector.shape_cast %select_n3A_1925 : vector<16xf32> to vector<1x16xf32>
        tpu.vector_store %arg6[%swap3A_1927, %swap3A_1928], %swap3A_1931 {strides = array<i32>} : memref<28x16xf32, #tpu.memory_space<vmem>>, vector<1x16xf32>,
        %mul3A_1932 = vector.broadcast %squeeze3A_122 : f32 to vector<16xf32>
        %mul3A_1933 = arith.mulf %add3A_1623, %mul3A_1932 : vector<16xf32>
        %mul3A_1934 = vector.broadcast %squeeze3A_171 : f32 to vector<16xf32>
        %mul3A_1935 = arith.mulf %add3A_1784, %mul3A_1934 : vector<16xf32>
        %add3A_1936 = arith.addf %mul3A_1933, %mul3A_1935 : vector<16xf32>
        %mul3A_1937 = vector.broadcast %squeeze3A_220 : f32 to vector<16xf32>
        %mul3A_1938 = arith.mulf %add3A_1657, %mul3A_1937 : vector<16xf32>
        %add3A_1939 = arith.addf %add3A_1936, %mul3A_1938 : vector<16xf32>
        %mul3A_1940 = vector.broadcast %squeeze3A_269 : f32 to vector<16xf32>
        %mul3A_1941 = arith.mulf %add3A_1674, %mul3A_1940 : vector<16xf32>
        %add3A_1942 = arith.addf %add3A_1939, %mul3A_1941 : vector<16xf32>
        %sub3A_1943 = arith.subf %add3A_1942, %mul3A_1038 : vector<16xf32>
        %mul3A_1944 = arith.constant 5.000000e-01 : f32
        %mul3A_1945 = vector.broadcast %mul3A_1944 : f32 to vector<16xf32>
        %mul3A_1946 = arith.mulf %mul3A_1945, %sub3A_1943 : vector<16xf32>
        %exp3A_1947 = math.exp %mul3A_1946 : vector<16xf32>
        %gt3A_1948 = arith.constant 1.000000e+00 : f32
        %gt3A_1949 = vector.broadcast %gt3A_1948 : f32 to vector<16xf32>
        %gt3A_1950 = arith.cmpf ogt, %exp3A_1947, %gt3A_1949 : vector<16xf32>
        %div3A_1951 = arith.constant 1.000000e+00 : f32
        %div3A_1952 = vector.broadcast %div3A_1951 : f32 to vector<16xf32>
        %div3A_1953 = arith.divf %div3A_1952, %exp3A_1947 : vector<16xf32>
        %select_n3A_1954 = arith.select %gt3A_1950, %div3A_1953, %exp3A_1947 : vector<16xi1>, vector<16xf32>
        %mul3A_1955 = arith.mulf %select_n3A_1954, %select_n3A_1954 : vector<16xf32>
        %mul3A_1956 = arith.constant -0.0817280039 : f32
        %mul3A_1957 = vector.broadcast %mul3A_1956 : f32 to vector<16xf32>
        %mul3A_1958 = arith.mulf %mul3A_1957, %mul3A_1955 : vector<16xf32>
        %add3A_1959 = arith.constant 0.298066169 : f32
        %add3A_1960 = vector.broadcast %add3A_1959 : f32 to vector<16xf32>
        %add3A_1961 = arith.addf %mul3A_1958, %add3A_1960 : vector<16xf32>
        %mul3A_1962 = arith.mulf %add3A_1961, %mul3A_1955 : vector<16xf32>
        %add3A_1963 = arith.constant -0.64457345 : f32
        %add3A_1964 = vector.broadcast %add3A_1963 : f32 to vector<16xf32>
        %add3A_1965 = arith.addf %mul3A_1962, %add3A_1964 : vector<16xf32>
        %mul3A_1966 = arith.mulf %add3A_1965, %mul3A_1955 : vector<16xf32>
        %add3A_1967 = arith.constant 1.99863315 : f32
        %add3A_1968 = vector.broadcast %add3A_1967 : f32 to vector<16xf32>
        %add3A_1969 = arith.addf %mul3A_1966, %add3A_1968 : vector<16xf32>
        %mul3A_1970 = arith.mulf %select_n3A_1954, %add3A_1969 : vector<16xf32>
        %sub3A_1971 = arith.constant 3.14159274 : f32
        %sub3A_1972 = vector.broadcast %sub3A_1971 : f32 to vector<16xf32>
        %sub3A_1973 = arith.subf %sub3A_1972, %mul3A_1970 : vector<16xf32>
        %select_n3A_1974 = arith.select %gt3A_1950, %sub3A_1973, %mul3A_1970 : vector<16xi1>, vector<16xf32>
        %swap3A_1975 = arith.constant 12 : i32
        %swap3A_1976 = arith.index_cast %swap3A_1975 : i32 to index
        %swap3A_1977 = arith.constant 0 : index
        %swap3A_1978 = tpu.vector_load %arg6[%swap3A_1976, %swap3A_1977] {strides = array<i32>} : memref<28x16xf32, #tpu.memory_space<vmem>>, vector<1x16xf32>,
        %swap3A_1979 = vector.shape_cast %swap3A_1978 : vector<1x16xf32> to vector<16xf32>
        %swap3A_1980 = vector.shape_cast %select_n3A_1974 : vector<16xf32> to vector<1x16xf32>
        tpu.vector_store %arg6[%swap3A_1976, %swap3A_1977], %swap3A_1980 {strides = array<i32>} : memref<28x16xf32, #tpu.memory_space<vmem>>, vector<1x16xf32>,
        %mul3A_1981 = vector.broadcast %squeeze3A_129 : f32 to vector<16xf32>
        %mul3A_1982 = arith.mulf %add3A_1623, %mul3A_1981 : vector<16xf32>
        %mul3A_1983 = vector.broadcast %squeeze3A_178 : f32 to vector<16xf32>
        %mul3A_1984 = arith.mulf %add3A_1784, %mul3A_1983 : vector<16xf32>
        %add3A_1985 = arith.addf %mul3A_1982, %mul3A_1984 : vector<16xf32>
        %mul3A_1986 = vector.broadcast %squeeze3A_227 : f32 to vector<16xf32>
        %mul3A_1987 = arith.mulf %add3A_1657, %mul3A_1986 : vector<16xf32>
        %add3A_1988 = arith.addf %add3A_1985, %mul3A_1987 : vector<16xf32>
        %mul3A_1989 = vector.broadcast %squeeze3A_276 : f32 to vector<16xf32>
        %mul3A_1990 = arith.mulf %add3A_1674, %mul3A_1989 : vector<16xf32>
        %add3A_1991 = arith.addf %add3A_1988, %mul3A_1990 : vector<16xf32>
        %sub3A_1992 = arith.subf %add3A_1991, %mul3A_1122 : vector<16xf32>
        %mul3A_1993 = arith.constant 5.000000e-01 : f32
        %mul3A_1994 = vector.broadcast %mul3A_1993 : f32 to vector<16xf32>
        %mul3A_1995 = arith.mulf %mul3A_1994, %sub3A_1992 : vector<16xf32>
        %exp3A_1996 = math.exp %mul3A_1995 : vector<16xf32>
        %gt3A_1997 = arith.constant 1.000000e+00 : f32
        %gt3A_1998 = vector.broadcast %gt3A_1997 : f32 to vector<16xf32>
        %gt3A_1999 = arith.cmpf ogt, %exp3A_1996, %gt3A_1998 : vector<16xf32>
        %div3A_2000 = arith.constant 1.000000e+00 : f32
        %div3A_2001 = vector.broadcast %div3A_2000 : f32 to vector<16xf32>
        %div3A_2002 = arith.divf %div3A_2001, %exp3A_1996 : vector<16xf32>
        %select_n3A_2003 = arith.select %gt3A_1999, %div3A_2002, %exp3A_1996 : vector<16xi1>, vector<16xf32>
        %mul3A_2004 = arith.mulf %select_n3A_2003, %select_n3A_2003 : vector<16xf32>
        %mul3A_2005 = arith.constant -0.0817280039 : f32
        %mul3A_2006 = vector.broadcast %mul3A_2005 : f32 to vector<16xf32>
        %mul3A_2007 = arith.mulf %mul3A_2006, %mul3A_2004 : vector<16xf32>
        %add3A_2008 = arith.constant 0.298066169 : f32
        %add3A_2009 = vector.broadcast %add3A_2008 : f32 to vector<16xf32>
        %add3A_2010 = arith.addf %mul3A_2007, %add3A_2009 : vector<16xf32>
        %mul3A_2011 = arith.mulf %add3A_2010, %mul3A_2004 : vector<16xf32>
        %add3A_2012 = arith.constant -0.64457345 : f32
        %add3A_2013 = vector.broadcast %add3A_2012 : f32 to vector<16xf32>
        %add3A_2014 = arith.addf %mul3A_2011, %add3A_2013 : vector<16xf32>
        %mul3A_2015 = arith.mulf %add3A_2014, %mul3A_2004 : vector<16xf32>
        %add3A_2016 = arith.constant 1.99863315 : f32
        %add3A_2017 = vector.broadcast %add3A_2016 : f32 to vector<16xf32>
        %add3A_2018 = arith.addf %mul3A_2015, %add3A_2017 : vector<16xf32>
        %mul3A_2019 = arith.mulf %select_n3A_2003, %add3A_2018 : vector<16xf32>
        %sub3A_2020 = arith.constant 3.14159274 : f32
        %sub3A_2021 = vector.broadcast %sub3A_2020 : f32 to vector<16xf32>
        %sub3A_2022 = arith.subf %sub3A_2021, %mul3A_2019 : vector<16xf32>
        %select_n3A_2023 = arith.select %gt3A_1999, %sub3A_2022, %mul3A_2019 : vector<16xi1>, vector<16xf32>
        %swap3A_2024 = arith.constant 13 : i32
        %swap3A_2025 = arith.index_cast %swap3A_2024 : i32 to index
        %swap3A_2026 = arith.constant 0 : index
        %swap3A_2027 = tpu.vector_load %arg6[%swap3A_2025, %swap3A_2026] {strides = array<i32>} : memref<28x16xf32, #tpu.memory_space<vmem>>, vector<1x16xf32>,
        %swap3A_2028 = vector.shape_cast %swap3A_2027 : vector<1x16xf32> to vector<16xf32>
        %swap3A_2029 = vector.shape_cast %select_n3A_2023 : vector<16xf32> to vector<1x16xf32>
        tpu.vector_store %arg6[%swap3A_2025, %swap3A_2026], %swap3A_2029 {strides = array<i32>} : memref<28x16xf32, #tpu.memory_space<vmem>>, vector<1x16xf32>,
        %get3A_2030 = arith.constant 2 : i32
        %get3A_2031 = arith.index_cast %get3A_2030 : i32 to index
        %get3A_2032 = arith.constant 0 : index
        %get3A_2033 = tpu.vector_load %arg6[%get3A_2031, %get3A_2032] {strides = array<i32>} : memref<28x16xf32, #tpu.memory_space<vmem>>, vector<1x16xf32>,
        %get3A_2034 = vector.shape_cast %get3A_2033 : vector<1x16xf32> to vector<16xf32>
        %broadcast_in_dim3A_2035 = vector.shape_cast %xor3A_5 : vector<16xi32> to vector<16x1xi32>
        %gather3A_2036 = vector.shape_cast %broadcast_in_dim3A_2035 : vector<16x1xi32> to vector<16xi32>
        %gather3A_2037 = tpu.dynamic_gather %get3A_2034[%gather3A_2036] in [0] : vector<16xf32>, vector<16xi32> -> vector<16xf32>
        %add3A_2038 = arith.addf %get3A_2034, %gather3A_2037 : vector<16xf32>
        %broadcast_in_dim3A_2039 = vector.shape_cast %xor3A_8 : vector<16xi32> to vector<16x1xi32>
        %gather3A_2040 = vector.shape_cast %broadcast_in_dim3A_2039 : vector<16x1xi32> to vector<16xi32>
        %gather3A_2041 = tpu.dynamic_gather %add3A_2038[%gather3A_2040] in [0] : vector<16xf32>, vector<16xi32> -> vector<16xf32>
        %add3A_2042 = arith.addf %add3A_2038, %gather3A_2041 : vector<16xf32>
        %broadcast_in_dim3A_2043 = vector.shape_cast %xor3A_11 : vector<16xi32> to vector<16x1xi32>
        %gather3A_2044 = vector.shape_cast %broadcast_in_dim3A_2043 : vector<16x1xi32> to vector<16xi32>
        %gather3A_2045 = tpu.dynamic_gather %add3A_2042[%gather3A_2044] in [0] : vector<16xf32>, vector<16xi32> -> vector<16xf32>
        %add3A_2046 = arith.addf %add3A_2042, %gather3A_2045 : vector<16xf32>
        %get3A_2047 = arith.constant 9 : i32
        %get3A_2048 = arith.index_cast %get3A_2047 : i32 to index
        %get3A_2049 = arith.constant 0 : index
        %get3A_2050 = tpu.vector_load %arg6[%get3A_2048, %get3A_2049] {strides = array<i32>} : memref<28x16xf32, #tpu.memory_space<vmem>>, vector<1x16xf32>,
        %get3A_2051 = vector.shape_cast %get3A_2050 : vector<1x16xf32> to vector<16xf32>
        %broadcast_in_dim3A_2052 = vector.shape_cast %xor3A_5 : vector<16xi32> to vector<16x1xi32>
        %gather3A_2053 = vector.shape_cast %broadcast_in_dim3A_2052 : vector<16x1xi32> to vector<16xi32>
        %gather3A_2054 = tpu.dynamic_gather %get3A_2051[%gather3A_2053] in [0] : vector<16xf32>, vector<16xi32> -> vector<16xf32>
        %add3A_2055 = arith.addf %get3A_2051, %gather3A_2054 : vector<16xf32>
        %broadcast_in_dim3A_2056 = vector.shape_cast %xor3A_8 : vector<16xi32> to vector<16x1xi32>
        %gather3A_2057 = vector.shape_cast %broadcast_in_dim3A_2056 : vector<16x1xi32> to vector<16xi32>
        %gather3A_2058 = tpu.dynamic_gather %add3A_2055[%gather3A_2057] in [0] : vector<16xf32>, vector<16xi32> -> vector<16xf32>
        %add3A_2059 = arith.addf %add3A_2055, %gather3A_2058 : vector<16xf32>
        %broadcast_in_dim3A_2060 = vector.shape_cast %xor3A_11 : vector<16xi32> to vector<16x1xi32>
        %gather3A_2061 = vector.shape_cast %broadcast_in_dim3A_2060 : vector<16x1xi32> to vector<16xi32>
        %gather3A_2062 = tpu.dynamic_gather %add3A_2059[%gather3A_2061] in [0] : vector<16xf32>, vector<16xi32> -> vector<16xf32>
        %add3A_2063 = arith.addf %add3A_2059, %gather3A_2062 : vector<16xf32>
        %get3A_2064 = arith.constant 16 : i32
        %get3A_2065 = arith.index_cast %get3A_2064 : i32 to index
        %get3A_2066 = arith.constant 0 : index
        %get3A_2067 = tpu.vector_load %arg6[%get3A_2065, %get3A_2066] {strides = array<i32>} : memref<28x16xf32, #tpu.memory_space<vmem>>, vector<1x16xf32>,
        %get3A_2068 = vector.shape_cast %get3A_2067 : vector<1x16xf32> to vector<16xf32>
        %broadcast_in_dim3A_2069 = vector.shape_cast %xor3A_5 : vector<16xi32> to vector<16x1xi32>
        %gather3A_2070 = vector.shape_cast %broadcast_in_dim3A_2069 : vector<16x1xi32> to vector<16xi32>
        %gather3A_2071 = tpu.dynamic_gather %get3A_2068[%gather3A_2070] in [0] : vector<16xf32>, vector<16xi32> -> vector<16xf32>
        %add3A_2072 = arith.addf %get3A_2068, %gather3A_2071 : vector<16xf32>
        %broadcast_in_dim3A_2073 = vector.shape_cast %xor3A_8 : vector<16xi32> to vector<16x1xi32>
        %gather3A_2074 = vector.shape_cast %broadcast_in_dim3A_2073 : vector<16x1xi32> to vector<16xi32>
        %gather3A_2075 = tpu.dynamic_gather %add3A_2072[%gather3A_2074] in [0] : vector<16xf32>, vector<16xi32> -> vector<16xf32>
        %add3A_2076 = arith.addf %add3A_2072, %gather3A_2075 : vector<16xf32>
        %broadcast_in_dim3A_2077 = vector.shape_cast %xor3A_11 : vector<16xi32> to vector<16x1xi32>
        %gather3A_2078 = vector.shape_cast %broadcast_in_dim3A_2077 : vector<16x1xi32> to vector<16xi32>
        %gather3A_2079 = tpu.dynamic_gather %add3A_2076[%gather3A_2078] in [0] : vector<16xf32>, vector<16xi32> -> vector<16xf32>
        %add3A_2080 = arith.addf %add3A_2076, %gather3A_2079 : vector<16xf32>
        %get3A_2081 = arith.constant 23 : i32
        %get3A_2082 = arith.index_cast %get3A_2081 : i32 to index
        %get3A_2083 = arith.constant 0 : index
        %get3A_2084 = tpu.vector_load %arg6[%get3A_2082, %get3A_2083] {strides = array<i32>} : memref<28x16xf32, #tpu.memory_space<vmem>>, vector<1x16xf32>,
        %get3A_2085 = vector.shape_cast %get3A_2084 : vector<1x16xf32> to vector<16xf32>
        %broadcast_in_dim3A_2086 = vector.shape_cast %xor3A_5 : vector<16xi32> to vector<16x1xi32>
        %gather3A_2087 = vector.shape_cast %broadcast_in_dim3A_2086 : vector<16x1xi32> to vector<16xi32>
        %gather3A_2088 = tpu.dynamic_gather %get3A_2085[%gather3A_2087] in [0] : vector<16xf32>, vector<16xi32> -> vector<16xf32>
        %add3A_2089 = arith.addf %get3A_2085, %gather3A_2088 : vector<16xf32>
        %broadcast_in_dim3A_2090 = vector.shape_cast %xor3A_8 : vector<16xi32> to vector<16x1xi32>
        %gather3A_2091 = vector.shape_cast %broadcast_in_dim3A_2090 : vector<16x1xi32> to vector<16xi32>
        %gather3A_2092 = tpu.dynamic_gather %add3A_2089[%gather3A_2091] in [0] : vector<16xf32>, vector<16xi32> -> vector<16xf32>
        %add3A_2093 = arith.addf %add3A_2089, %gather3A_2092 : vector<16xf32>
        %broadcast_in_dim3A_2094 = vector.shape_cast %xor3A_11 : vector<16xi32> to vector<16x1xi32>
        %gather3A_2095 = vector.shape_cast %broadcast_in_dim3A_2094 : vector<16x1xi32> to vector<16xi32>
        %gather3A_2096 = tpu.dynamic_gather %add3A_2093[%gather3A_2095] in [0] : vector<16xf32>, vector<16xi32> -> vector<16xf32>
        %add3A_2097 = arith.addf %add3A_2093, %gather3A_2096 : vector<16xf32>
        %mul3A_2098 = vector.broadcast %squeeze3A : f32 to vector<16xf32>
        %mul3A_2099 = arith.mulf %add3A_2046, %mul3A_2098 : vector<16xf32>
        %mul3A_2100 = vector.broadcast %squeeze3A_136 : f32 to vector<16xf32>
        %mul3A_2101 = arith.mulf %add3A_2063, %mul3A_2100 : vector<16xf32>
        %add3A_2102 = arith.addf %mul3A_2099, %mul3A_2101 : vector<16xf32>
        %mul3A_2103 = vector.broadcast %squeeze3A_185 : f32 to vector<16xf32>
        %mul3A_2104 = arith.mulf %add3A_2080, %mul3A_2103 : vector<16xf32>
        %add3A_2105 = arith.addf %add3A_2102, %mul3A_2104 : vector<16xf32>
        %mul3A_2106 = vector.broadcast %squeeze3A_234 : f32 to vector<16xf32>
        %mul3A_2107 = arith.mulf %add3A_2097, %mul3A_2106 : vector<16xf32>
        %add3A_2108 = arith.addf %add3A_2105, %mul3A_2107 : vector<16xf32>
        %sub3A_2109 = arith.subf %add3A_2108, %mul3A_642 : vector<16xf32>
        %mul3A_2110 = arith.constant 5.000000e-01 : f32
        %mul3A_2111 = vector.broadcast %mul3A_2110 : f32 to vector<16xf32>
        %mul3A_2112 = arith.mulf %mul3A_2111, %sub3A_2109 : vector<16xf32>
        %exp3A_2113 = math.exp %mul3A_2112 : vector<16xf32>
        %gt3A_2114 = arith.constant 1.000000e+00 : f32
        %gt3A_2115 = vector.broadcast %gt3A_2114 : f32 to vector<16xf32>
        %gt3A_2116 = arith.cmpf ogt, %exp3A_2113, %gt3A_2115 : vector<16xf32>
        %div3A_2117 = arith.constant 1.000000e+00 : f32
        %div3A_2118 = vector.broadcast %div3A_2117 : f32 to vector<16xf32>
        %div3A_2119 = arith.divf %div3A_2118, %exp3A_2113 : vector<16xf32>
        %select_n3A_2120 = arith.select %gt3A_2116, %div3A_2119, %exp3A_2113 : vector<16xi1>, vector<16xf32>
        %mul3A_2121 = arith.mulf %select_n3A_2120, %select_n3A_2120 : vector<16xf32>
        %mul3A_2122 = arith.constant -0.0817280039 : f32
        %mul3A_2123 = vector.broadcast %mul3A_2122 : f32 to vector<16xf32>
        %mul3A_2124 = arith.mulf %mul3A_2123, %mul3A_2121 : vector<16xf32>
        %add3A_2125 = arith.constant 0.298066169 : f32
        %add3A_2126 = vector.broadcast %add3A_2125 : f32 to vector<16xf32>
        %add3A_2127 = arith.addf %mul3A_2124, %add3A_2126 : vector<16xf32>
        %mul3A_2128 = arith.mulf %add3A_2127, %mul3A_2121 : vector<16xf32>
        %add3A_2129 = arith.constant -0.64457345 : f32
        %add3A_2130 = vector.broadcast %add3A_2129 : f32 to vector<16xf32>
        %add3A_2131 = arith.addf %mul3A_2128, %add3A_2130 : vector<16xf32>
        %mul3A_2132 = arith.mulf %add3A_2131, %mul3A_2121 : vector<16xf32>
        %add3A_2133 = arith.constant 1.99863315 : f32
        %add3A_2134 = vector.broadcast %add3A_2133 : f32 to vector<16xf32>
        %add3A_2135 = arith.addf %mul3A_2132, %add3A_2134 : vector<16xf32>
        %mul3A_2136 = arith.mulf %select_n3A_2120, %add3A_2135 : vector<16xf32>
        %sub3A_2137 = arith.constant 3.14159274 : f32
        %sub3A_2138 = vector.broadcast %sub3A_2137 : f32 to vector<16xf32>
        %sub3A_2139 = arith.subf %sub3A_2138, %mul3A_2136 : vector<16xf32>
        %select_n3A_2140 = arith.select %gt3A_2116, %sub3A_2139, %mul3A_2136 : vector<16xi1>, vector<16xf32>
        %swap3A_2141 = arith.constant 14 : i32
        %swap3A_2142 = arith.index_cast %swap3A_2141 : i32 to index
        %swap3A_2143 = arith.constant 0 : index
        %swap3A_2144 = tpu.vector_load %arg6[%swap3A_2142, %swap3A_2143] {strides = array<i32>} : memref<28x16xf32, #tpu.memory_space<vmem>>, vector<1x16xf32>,
        %swap3A_2145 = vector.shape_cast %swap3A_2144 : vector<1x16xf32> to vector<16xf32>
        %swap3A_2146 = vector.shape_cast %select_n3A_2140 : vector<16xf32> to vector<1x16xf32>
        tpu.vector_store %arg6[%swap3A_2142, %swap3A_2143], %swap3A_2146 {strides = array<i32>} : memref<28x16xf32, #tpu.memory_space<vmem>>, vector<1x16xf32>,
        %mul3A_2147 = vector.broadcast %squeeze3A_94 : f32 to vector<16xf32>
        %mul3A_2148 = arith.mulf %add3A_2046, %mul3A_2147 : vector<16xf32>
        %mul3A_2149 = vector.broadcast %squeeze3A_143 : f32 to vector<16xf32>
        %mul3A_2150 = arith.mulf %add3A_2063, %mul3A_2149 : vector<16xf32>
        %add3A_2151 = arith.addf %mul3A_2148, %mul3A_2150 : vector<16xf32>
        %mul3A_2152 = vector.broadcast %squeeze3A_192 : f32 to vector<16xf32>
        %mul3A_2153 = arith.mulf %add3A_2080, %mul3A_2152 : vector<16xf32>
        %add3A_2154 = arith.addf %add3A_2151, %mul3A_2153 : vector<16xf32>
        %mul3A_2155 = vector.broadcast %squeeze3A_241 : f32 to vector<16xf32>
        %mul3A_2156 = arith.mulf %add3A_2097, %mul3A_2155 : vector<16xf32>
        %add3A_2157 = arith.addf %add3A_2154, %mul3A_2156 : vector<16xf32>
        %sub3A_2158 = arith.subf %add3A_2157, %mul3A_723 : vector<16xf32>
        %mul3A_2159 = arith.constant 5.000000e-01 : f32
        %mul3A_2160 = vector.broadcast %mul3A_2159 : f32 to vector<16xf32>
        %mul3A_2161 = arith.mulf %mul3A_2160, %sub3A_2158 : vector<16xf32>
        %exp3A_2162 = math.exp %mul3A_2161 : vector<16xf32>
        %gt3A_2163 = arith.constant 1.000000e+00 : f32
        %gt3A_2164 = vector.broadcast %gt3A_2163 : f32 to vector<16xf32>
        %gt3A_2165 = arith.cmpf ogt, %exp3A_2162, %gt3A_2164 : vector<16xf32>
        %div3A_2166 = arith.constant 1.000000e+00 : f32
        %div3A_2167 = vector.broadcast %div3A_2166 : f32 to vector<16xf32>
        %div3A_2168 = arith.divf %div3A_2167, %exp3A_2162 : vector<16xf32>
        %select_n3A_2169 = arith.select %gt3A_2165, %div3A_2168, %exp3A_2162 : vector<16xi1>, vector<16xf32>
        %mul3A_2170 = arith.mulf %select_n3A_2169, %select_n3A_2169 : vector<16xf32>
        %mul3A_2171 = arith.constant -0.0817280039 : f32
        %mul3A_2172 = vector.broadcast %mul3A_2171 : f32 to vector<16xf32>
        %mul3A_2173 = arith.mulf %mul3A_2172, %mul3A_2170 : vector<16xf32>
        %add3A_2174 = arith.constant 0.298066169 : f32
        %add3A_2175 = vector.broadcast %add3A_2174 : f32 to vector<16xf32>
        %add3A_2176 = arith.addf %mul3A_2173, %add3A_2175 : vector<16xf32>
        %mul3A_2177 = arith.mulf %add3A_2176, %mul3A_2170 : vector<16xf32>
        %add3A_2178 = arith.constant -0.64457345 : f32
        %add3A_2179 = vector.broadcast %add3A_2178 : f32 to vector<16xf32>
        %add3A_2180 = arith.addf %mul3A_2177, %add3A_2179 : vector<16xf32>
        %mul3A_2181 = arith.mulf %add3A_2180, %mul3A_2170 : vector<16xf32>
        %add3A_2182 = arith.constant 1.99863315 : f32
        %add3A_2183 = vector.broadcast %add3A_2182 : f32 to vector<16xf32>
        %add3A_2184 = arith.addf %mul3A_2181, %add3A_2183 : vector<16xf32>
        %mul3A_2185 = arith.mulf %select_n3A_2169, %add3A_2184 : vector<16xf32>
        %sub3A_2186 = arith.constant 3.14159274 : f32
        %sub3A_2187 = vector.broadcast %sub3A_2186 : f32 to vector<16xf32>
        %sub3A_2188 = arith.subf %sub3A_2187, %mul3A_2185 : vector<16xf32>
        %select_n3A_2189 = arith.select %gt3A_2165, %sub3A_2188, %mul3A_2185 : vector<16xi1>, vector<16xf32>
        %swap3A_2190 = arith.constant 15 : i32
        %swap3A_2191 = arith.index_cast %swap3A_2190 : i32 to index
        %swap3A_2192 = arith.constant 0 : index
        %swap3A_2193 = tpu.vector_load %arg6[%swap3A_2191, %swap3A_2192] {strides = array<i32>} : memref<28x16xf32, #tpu.memory_space<vmem>>, vector<1x16xf32>,
        %swap3A_2194 = vector.shape_cast %swap3A_2193 : vector<1x16xf32> to vector<16xf32>
        %swap3A_2195 = vector.shape_cast %select_n3A_2189 : vector<16xf32> to vector<1x16xf32>
        tpu.vector_store %arg6[%swap3A_2191, %swap3A_2192], %swap3A_2195 {strides = array<i32>} : memref<28x16xf32, #tpu.memory_space<vmem>>, vector<1x16xf32>,
        %mul3A_2196 = vector.broadcast %squeeze3A_101 : f32 to vector<16xf32>
        %mul3A_2197 = arith.mulf %add3A_2046, %mul3A_2196 : vector<16xf32>
        %mul3A_2198 = vector.broadcast %squeeze3A_150 : f32 to vector<16xf32>
        %mul3A_2199 = arith.mulf %add3A_2063, %mul3A_2198 : vector<16xf32>
        %add3A_2200 = arith.addf %mul3A_2197, %mul3A_2199 : vector<16xf32>
        %mul3A_2201 = vector.broadcast %squeeze3A_199 : f32 to vector<16xf32>
        %mul3A_2202 = arith.mulf %add3A_2080, %mul3A_2201 : vector<16xf32>
        %add3A_2203 = arith.addf %add3A_2200, %mul3A_2202 : vector<16xf32>
        %mul3A_2204 = vector.broadcast %squeeze3A_248 : f32 to vector<16xf32>
        %mul3A_2205 = arith.mulf %add3A_2097, %mul3A_2204 : vector<16xf32>
        %add3A_2206 = arith.addf %add3A_2203, %mul3A_2205 : vector<16xf32>
        %sub3A_2207 = arith.subf %add3A_2206, %mul3A_807 : vector<16xf32>
        %mul3A_2208 = arith.constant 5.000000e-01 : f32
        %mul3A_2209 = vector.broadcast %mul3A_2208 : f32 to vector<16xf32>
        %mul3A_2210 = arith.mulf %mul3A_2209, %sub3A_2207 : vector<16xf32>
        %exp3A_2211 = math.exp %mul3A_2210 : vector<16xf32>
        %gt3A_2212 = arith.constant 1.000000e+00 : f32
        %gt3A_2213 = vector.broadcast %gt3A_2212 : f32 to vector<16xf32>
        %gt3A_2214 = arith.cmpf ogt, %exp3A_2211, %gt3A_2213 : vector<16xf32>
        %div3A_2215 = arith.constant 1.000000e+00 : f32
        %div3A_2216 = vector.broadcast %div3A_2215 : f32 to vector<16xf32>
        %div3A_2217 = arith.divf %div3A_2216, %exp3A_2211 : vector<16xf32>
        %select_n3A_2218 = arith.select %gt3A_2214, %div3A_2217, %exp3A_2211 : vector<16xi1>, vector<16xf32>
        %mul3A_2219 = arith.mulf %select_n3A_2218, %select_n3A_2218 : vector<16xf32>
        %mul3A_2220 = arith.constant -0.0817280039 : f32
        %mul3A_2221 = vector.broadcast %mul3A_2220 : f32 to vector<16xf32>
        %mul3A_2222 = arith.mulf %mul3A_2221, %mul3A_2219 : vector<16xf32>
        %add3A_2223 = arith.constant 0.298066169 : f32
        %add3A_2224 = vector.broadcast %add3A_2223 : f32 to vector<16xf32>
        %add3A_2225 = arith.addf %mul3A_2222, %add3A_2224 : vector<16xf32>
        %mul3A_2226 = arith.mulf %add3A_2225, %mul3A_2219 : vector<16xf32>
        %add3A_2227 = arith.constant -0.64457345 : f32
        %add3A_2228 = vector.broadcast %add3A_2227 : f32 to vector<16xf32>
        %add3A_2229 = arith.addf %mul3A_2226, %add3A_2228 : vector<16xf32>
        %mul3A_2230 = arith.mulf %add3A_2229, %mul3A_2219 : vector<16xf32>
        %add3A_2231 = arith.constant 1.99863315 : f32
        %add3A_2232 = vector.broadcast %add3A_2231 : f32 to vector<16xf32>
        %add3A_2233 = arith.addf %mul3A_2230, %add3A_2232 : vector<16xf32>
        %mul3A_2234 = arith.mulf %select_n3A_2218, %add3A_2233 : vector<16xf32>
        %sub3A_2235 = arith.constant 3.14159274 : f32
        %sub3A_2236 = vector.broadcast %sub3A_2235 : f32 to vector<16xf32>
        %sub3A_2237 = arith.subf %sub3A_2236, %mul3A_2234 : vector<16xf32>
        %select_n3A_2238 = arith.select %gt3A_2214, %sub3A_2237, %mul3A_2234 : vector<16xi1>, vector<16xf32>
        %swap3A_2239 = arith.constant 16 : i32
        %swap3A_2240 = arith.index_cast %swap3A_2239 : i32 to index
        %swap3A_2241 = arith.constant 0 : index
        %swap3A_2242 = tpu.vector_load %arg6[%swap3A_2240, %swap3A_2241] {strides = array<i32>} : memref<28x16xf32, #tpu.memory_space<vmem>>, vector<1x16xf32>,
        %swap3A_2243 = vector.shape_cast %swap3A_2242 : vector<1x16xf32> to vector<16xf32>
        %swap3A_2244 = vector.shape_cast %select_n3A_2238 : vector<16xf32> to vector<1x16xf32>
        tpu.vector_store %arg6[%swap3A_2240, %swap3A_2241], %swap3A_2244 {strides = array<i32>} : memref<28x16xf32, #tpu.memory_space<vmem>>, vector<1x16xf32>,
        %broadcast_in_dim3A_2245 = vector.shape_cast %xor3A_5 : vector<16xi32> to vector<16x1xi32>
        %gather3A_2246 = vector.shape_cast %broadcast_in_dim3A_2245 : vector<16x1xi32> to vector<16xi32>
        %gather3A_2247 = tpu.dynamic_gather %select_n3A_2238[%gather3A_2246] in [0] : vector<16xf32>, vector<16xi32> -> vector<16xf32>
        %add3A_2248 = arith.addf %select_n3A_2238, %gather3A_2247 : vector<16xf32>
        %broadcast_in_dim3A_2249 = vector.shape_cast %xor3A_8 : vector<16xi32> to vector<16x1xi32>
        %gather3A_2250 = vector.shape_cast %broadcast_in_dim3A_2249 : vector<16x1xi32> to vector<16xi32>
        %gather3A_2251 = tpu.dynamic_gather %add3A_2248[%gather3A_2250] in [0] : vector<16xf32>, vector<16xi32> -> vector<16xf32>
        %add3A_2252 = arith.addf %add3A_2248, %gather3A_2251 : vector<16xf32>
        %broadcast_in_dim3A_2253 = vector.shape_cast %xor3A_11 : vector<16xi32> to vector<16x1xi32>
        %gather3A_2254 = vector.shape_cast %broadcast_in_dim3A_2253 : vector<16x1xi32> to vector<16xi32>
        %gather3A_2255 = tpu.dynamic_gather %add3A_2252[%gather3A_2254] in [0] : vector<16xf32>, vector<16xi32> -> vector<16xf32>
        %add3A_2256 = arith.addf %add3A_2252, %gather3A_2255 : vector<16xf32>
        %mul3A_2257 = vector.broadcast %squeeze3A_108 : f32 to vector<16xf32>
        %mul3A_2258 = arith.mulf %add3A_2046, %mul3A_2257 : vector<16xf32>
        %mul3A_2259 = vector.broadcast %squeeze3A_157 : f32 to vector<16xf32>
        %mul3A_2260 = arith.mulf %add3A_2063, %mul3A_2259 : vector<16xf32>
        %add3A_2261 = arith.addf %mul3A_2258, %mul3A_2260 : vector<16xf32>
        %mul3A_2262 = vector.broadcast %squeeze3A_206 : f32 to vector<16xf32>
        %mul3A_2263 = arith.mulf %add3A_2256, %mul3A_2262 : vector<16xf32>
        %add3A_2264 = arith.addf %add3A_2261, %mul3A_2263 : vector<16xf32>
        %mul3A_2265 = vector.broadcast %squeeze3A_255 : f32 to vector<16xf32>
        %mul3A_2266 = arith.mulf %add3A_2097, %mul3A_2265 : vector<16xf32>
        %add3A_2267 = arith.addf %add3A_2264, %mul3A_2266 : vector<16xf32>
        %sub3A_2268 = arith.subf %add3A_2267, %mul3A_891 : vector<16xf32>
        %mul3A_2269 = arith.constant 5.000000e-01 : f32
        %mul3A_2270 = vector.broadcast %mul3A_2269 : f32 to vector<16xf32>
        %mul3A_2271 = arith.mulf %mul3A_2270, %sub3A_2268 : vector<16xf32>
        %exp3A_2272 = math.exp %mul3A_2271 : vector<16xf32>
        %gt3A_2273 = arith.constant 1.000000e+00 : f32
        %gt3A_2274 = vector.broadcast %gt3A_2273 : f32 to vector<16xf32>
        %gt3A_2275 = arith.cmpf ogt, %exp3A_2272, %gt3A_2274 : vector<16xf32>
        %div3A_2276 = arith.constant 1.000000e+00 : f32
        %div3A_2277 = vector.broadcast %div3A_2276 : f32 to vector<16xf32>
        %div3A_2278 = arith.divf %div3A_2277, %exp3A_2272 : vector<16xf32>
        %select_n3A_2279 = arith.select %gt3A_2275, %div3A_2278, %exp3A_2272 : vector<16xi1>, vector<16xf32>
        %mul3A_2280 = arith.mulf %select_n3A_2279, %select_n3A_2279 : vector<16xf32>
        %mul3A_2281 = arith.constant -0.0817280039 : f32
        %mul3A_2282 = vector.broadcast %mul3A_2281 : f32 to vector<16xf32>
        %mul3A_2283 = arith.mulf %mul3A_2282, %mul3A_2280 : vector<16xf32>
        %add3A_2284 = arith.constant 0.298066169 : f32
        %add3A_2285 = vector.broadcast %add3A_2284 : f32 to vector<16xf32>
        %add3A_2286 = arith.addf %mul3A_2283, %add3A_2285 : vector<16xf32>
        %mul3A_2287 = arith.mulf %add3A_2286, %mul3A_2280 : vector<16xf32>
        %add3A_2288 = arith.constant -0.64457345 : f32
        %add3A_2289 = vector.broadcast %add3A_2288 : f32 to vector<16xf32>
        %add3A_2290 = arith.addf %mul3A_2287, %add3A_2289 : vector<16xf32>
        %mul3A_2291 = arith.mulf %add3A_2290, %mul3A_2280 : vector<16xf32>
        %add3A_2292 = arith.constant 1.99863315 : f32
        %add3A_2293 = vector.broadcast %add3A_2292 : f32 to vector<16xf32>
        %add3A_2294 = arith.addf %mul3A_2291, %add3A_2293 : vector<16xf32>
        %mul3A_2295 = arith.mulf %select_n3A_2279, %add3A_2294 : vector<16xf32>
        %sub3A_2296 = arith.constant 3.14159274 : f32
        %sub3A_2297 = vector.broadcast %sub3A_2296 : f32 to vector<16xf32>
        %sub3A_2298 = arith.subf %sub3A_2297, %mul3A_2295 : vector<16xf32>
        %select_n3A_2299 = arith.select %gt3A_2275, %sub3A_2298, %mul3A_2295 : vector<16xi1>, vector<16xf32>
        %swap3A_2300 = arith.constant 17 : i32
        %swap3A_2301 = arith.index_cast %swap3A_2300 : i32 to index
        %swap3A_2302 = arith.constant 0 : index
        %swap3A_2303 = tpu.vector_load %arg6[%swap3A_2301, %swap3A_2302] {strides = array<i32>} : memref<28x16xf32, #tpu.memory_space<vmem>>, vector<1x16xf32>,
        %swap3A_2304 = vector.shape_cast %swap3A_2303 : vector<1x16xf32> to vector<16xf32>
        %swap3A_2305 = vector.shape_cast %select_n3A_2299 : vector<16xf32> to vector<1x16xf32>
        tpu.vector_store %arg6[%swap3A_2301, %swap3A_2302], %swap3A_2305 {strides = array<i32>} : memref<28x16xf32, #tpu.memory_space<vmem>>, vector<1x16xf32>,
        %mul3A_2306 = vector.broadcast %squeeze3A_115 : f32 to vector<16xf32>
        %mul3A_2307 = arith.mulf %add3A_2046, %mul3A_2306 : vector<16xf32>
        %mul3A_2308 = vector.broadcast %squeeze3A_164 : f32 to vector<16xf32>
        %mul3A_2309 = arith.mulf %add3A_2063, %mul3A_2308 : vector<16xf32>
        %add3A_2310 = arith.addf %mul3A_2307, %mul3A_2309 : vector<16xf32>
        %mul3A_2311 = vector.broadcast %squeeze3A_213 : f32 to vector<16xf32>
        %mul3A_2312 = arith.mulf %add3A_2256, %mul3A_2311 : vector<16xf32>
        %add3A_2313 = arith.addf %add3A_2310, %mul3A_2312 : vector<16xf32>
        %mul3A_2314 = vector.broadcast %squeeze3A_262 : f32 to vector<16xf32>
        %mul3A_2315 = arith.mulf %add3A_2097, %mul3A_2314 : vector<16xf32>
        %add3A_2316 = arith.addf %add3A_2313, %mul3A_2315 : vector<16xf32>
        %sub3A_2317 = arith.subf %add3A_2316, %mul3A_975 : vector<16xf32>
        %mul3A_2318 = arith.constant 5.000000e-01 : f32
        %mul3A_2319 = vector.broadcast %mul3A_2318 : f32 to vector<16xf32>
        %mul3A_2320 = arith.mulf %mul3A_2319, %sub3A_2317 : vector<16xf32>
        %exp3A_2321 = math.exp %mul3A_2320 : vector<16xf32>
        %gt3A_2322 = arith.constant 1.000000e+00 : f32
        %gt3A_2323 = vector.broadcast %gt3A_2322 : f32 to vector<16xf32>
        %gt3A_2324 = arith.cmpf ogt, %exp3A_2321, %gt3A_2323 : vector<16xf32>
        %div3A_2325 = arith.constant 1.000000e+00 : f32
        %div3A_2326 = vector.broadcast %div3A_2325 : f32 to vector<16xf32>
        %div3A_2327 = arith.divf %div3A_2326, %exp3A_2321 : vector<16xf32>
        %select_n3A_2328 = arith.select %gt3A_2324, %div3A_2327, %exp3A_2321 : vector<16xi1>, vector<16xf32>
        %mul3A_2329 = arith.mulf %select_n3A_2328, %select_n3A_2328 : vector<16xf32>
        %mul3A_2330 = arith.constant -0.0817280039 : f32
        %mul3A_2331 = vector.broadcast %mul3A_2330 : f32 to vector<16xf32>
        %mul3A_2332 = arith.mulf %mul3A_2331, %mul3A_2329 : vector<16xf32>
        %add3A_2333 = arith.constant 0.298066169 : f32
        %add3A_2334 = vector.broadcast %add3A_2333 : f32 to vector<16xf32>
        %add3A_2335 = arith.addf %mul3A_2332, %add3A_2334 : vector<16xf32>
        %mul3A_2336 = arith.mulf %add3A_2335, %mul3A_2329 : vector<16xf32>
        %add3A_2337 = arith.constant -0.64457345 : f32
        %add3A_2338 = vector.broadcast %add3A_2337 : f32 to vector<16xf32>
        %add3A_2339 = arith.addf %mul3A_2336, %add3A_2338 : vector<16xf32>
        %mul3A_2340 = arith.mulf %add3A_2339, %mul3A_2329 : vector<16xf32>
        %add3A_2341 = arith.constant 1.99863315 : f32
        %add3A_2342 = vector.broadcast %add3A_2341 : f32 to vector<16xf32>
        %add3A_2343 = arith.addf %mul3A_2340, %add3A_2342 : vector<16xf32>
        %mul3A_2344 = arith.mulf %select_n3A_2328, %add3A_2343 : vector<16xf32>
        %sub3A_2345 = arith.constant 3.14159274 : f32
        %sub3A_2346 = vector.broadcast %sub3A_2345 : f32 to vector<16xf32>
        %sub3A_2347 = arith.subf %sub3A_2346, %mul3A_2344 : vector<16xf32>
        %select_n3A_2348 = arith.select %gt3A_2324, %sub3A_2347, %mul3A_2344 : vector<16xi1>, vector<16xf32>
        %swap3A_2349 = arith.constant 18 : i32
        %swap3A_2350 = arith.index_cast %swap3A_2349 : i32 to index
        %swap3A_2351 = arith.constant 0 : index
        %swap3A_2352 = tpu.vector_load %arg6[%swap3A_2350, %swap3A_2351] {strides = array<i32>} : memref<28x16xf32, #tpu.memory_space<vmem>>, vector<1x16xf32>,
        %swap3A_2353 = vector.shape_cast %swap3A_2352 : vector<1x16xf32> to vector<16xf32>
        %swap3A_2354 = vector.shape_cast %select_n3A_2348 : vector<16xf32> to vector<1x16xf32>
        tpu.vector_store %arg6[%swap3A_2350, %swap3A_2351], %swap3A_2354 {strides = array<i32>} : memref<28x16xf32, #tpu.memory_space<vmem>>, vector<1x16xf32>,
        %mul3A_2355 = vector.broadcast %squeeze3A_122 : f32 to vector<16xf32>
        %mul3A_2356 = arith.mulf %add3A_2046, %mul3A_2355 : vector<16xf32>
        %mul3A_2357 = vector.broadcast %squeeze3A_171 : f32 to vector<16xf32>
        %mul3A_2358 = arith.mulf %add3A_2063, %mul3A_2357 : vector<16xf32>
        %add3A_2359 = arith.addf %mul3A_2356, %mul3A_2358 : vector<16xf32>
        %mul3A_2360 = vector.broadcast %squeeze3A_220 : f32 to vector<16xf32>
        %mul3A_2361 = arith.mulf %add3A_2256, %mul3A_2360 : vector<16xf32>
        %add3A_2362 = arith.addf %add3A_2359, %mul3A_2361 : vector<16xf32>
        %mul3A_2363 = vector.broadcast %squeeze3A_269 : f32 to vector<16xf32>
        %mul3A_2364 = arith.mulf %add3A_2097, %mul3A_2363 : vector<16xf32>
        %add3A_2365 = arith.addf %add3A_2362, %mul3A_2364 : vector<16xf32>
        %sub3A_2366 = arith.subf %add3A_2365, %mul3A_1059 : vector<16xf32>
        %mul3A_2367 = arith.constant 5.000000e-01 : f32
        %mul3A_2368 = vector.broadcast %mul3A_2367 : f32 to vector<16xf32>
        %mul3A_2369 = arith.mulf %mul3A_2368, %sub3A_2366 : vector<16xf32>
        %exp3A_2370 = math.exp %mul3A_2369 : vector<16xf32>
        %gt3A_2371 = arith.constant 1.000000e+00 : f32
        %gt3A_2372 = vector.broadcast %gt3A_2371 : f32 to vector<16xf32>
        %gt3A_2373 = arith.cmpf ogt, %exp3A_2370, %gt3A_2372 : vector<16xf32>
        %div3A_2374 = arith.constant 1.000000e+00 : f32
        %div3A_2375 = vector.broadcast %div3A_2374 : f32 to vector<16xf32>
        %div3A_2376 = arith.divf %div3A_2375, %exp3A_2370 : vector<16xf32>
        %select_n3A_2377 = arith.select %gt3A_2373, %div3A_2376, %exp3A_2370 : vector<16xi1>, vector<16xf32>
        %mul3A_2378 = arith.mulf %select_n3A_2377, %select_n3A_2377 : vector<16xf32>
        %mul3A_2379 = arith.constant -0.0817280039 : f32
        %mul3A_2380 = vector.broadcast %mul3A_2379 : f32 to vector<16xf32>
        %mul3A_2381 = arith.mulf %mul3A_2380, %mul3A_2378 : vector<16xf32>
        %add3A_2382 = arith.constant 0.298066169 : f32
        %add3A_2383 = vector.broadcast %add3A_2382 : f32 to vector<16xf32>
        %add3A_2384 = arith.addf %mul3A_2381, %add3A_2383 : vector<16xf32>
        %mul3A_2385 = arith.mulf %add3A_2384, %mul3A_2378 : vector<16xf32>
        %add3A_2386 = arith.constant -0.64457345 : f32
        %add3A_2387 = vector.broadcast %add3A_2386 : f32 to vector<16xf32>
        %add3A_2388 = arith.addf %mul3A_2385, %add3A_2387 : vector<16xf32>
        %mul3A_2389 = arith.mulf %add3A_2388, %mul3A_2378 : vector<16xf32>
        %add3A_2390 = arith.constant 1.99863315 : f32
        %add3A_2391 = vector.broadcast %add3A_2390 : f32 to vector<16xf32>
        %add3A_2392 = arith.addf %mul3A_2389, %add3A_2391 : vector<16xf32>
        %mul3A_2393 = arith.mulf %select_n3A_2377, %add3A_2392 : vector<16xf32>
        %sub3A_2394 = arith.constant 3.14159274 : f32
        %sub3A_2395 = vector.broadcast %sub3A_2394 : f32 to vector<16xf32>
        %sub3A_2396 = arith.subf %sub3A_2395, %mul3A_2393 : vector<16xf32>
        %select_n3A_2397 = arith.select %gt3A_2373, %sub3A_2396, %mul3A_2393 : vector<16xi1>, vector<16xf32>
        %swap3A_2398 = arith.constant 19 : i32
        %swap3A_2399 = arith.index_cast %swap3A_2398 : i32 to index
        %swap3A_2400 = arith.constant 0 : index
        %swap3A_2401 = tpu.vector_load %arg6[%swap3A_2399, %swap3A_2400] {strides = array<i32>} : memref<28x16xf32, #tpu.memory_space<vmem>>, vector<1x16xf32>,
        %swap3A_2402 = vector.shape_cast %swap3A_2401 : vector<1x16xf32> to vector<16xf32>
        %swap3A_2403 = vector.shape_cast %select_n3A_2397 : vector<16xf32> to vector<1x16xf32>
        tpu.vector_store %arg6[%swap3A_2399, %swap3A_2400], %swap3A_2403 {strides = array<i32>} : memref<28x16xf32, #tpu.memory_space<vmem>>, vector<1x16xf32>,
        %mul3A_2404 = vector.broadcast %squeeze3A_129 : f32 to vector<16xf32>
        %mul3A_2405 = arith.mulf %add3A_2046, %mul3A_2404 : vector<16xf32>
        %mul3A_2406 = vector.broadcast %squeeze3A_178 : f32 to vector<16xf32>
        %mul3A_2407 = arith.mulf %add3A_2063, %mul3A_2406 : vector<16xf32>
        %add3A_2408 = arith.addf %mul3A_2405, %mul3A_2407 : vector<16xf32>
        %mul3A_2409 = vector.broadcast %squeeze3A_227 : f32 to vector<16xf32>
        %mul3A_2410 = arith.mulf %add3A_2256, %mul3A_2409 : vector<16xf32>
        %add3A_2411 = arith.addf %add3A_2408, %mul3A_2410 : vector<16xf32>
        %mul3A_2412 = vector.broadcast %squeeze3A_276 : f32 to vector<16xf32>
        %mul3A_2413 = arith.mulf %add3A_2097, %mul3A_2412 : vector<16xf32>
        %add3A_2414 = arith.addf %add3A_2411, %mul3A_2413 : vector<16xf32>
        %sub3A_2415 = arith.subf %add3A_2414, %mul3A_1143 : vector<16xf32>
        %mul3A_2416 = arith.constant 5.000000e-01 : f32
        %mul3A_2417 = vector.broadcast %mul3A_2416 : f32 to vector<16xf32>
        %mul3A_2418 = arith.mulf %mul3A_2417, %sub3A_2415 : vector<16xf32>
        %exp3A_2419 = math.exp %mul3A_2418 : vector<16xf32>
        %gt3A_2420 = arith.constant 1.000000e+00 : f32
        %gt3A_2421 = vector.broadcast %gt3A_2420 : f32 to vector<16xf32>
        %gt3A_2422 = arith.cmpf ogt, %exp3A_2419, %gt3A_2421 : vector<16xf32>
        %div3A_2423 = arith.constant 1.000000e+00 : f32
        %div3A_2424 = vector.broadcast %div3A_2423 : f32 to vector<16xf32>
        %div3A_2425 = arith.divf %div3A_2424, %exp3A_2419 : vector<16xf32>
        %select_n3A_2426 = arith.select %gt3A_2422, %div3A_2425, %exp3A_2419 : vector<16xi1>, vector<16xf32>
        %mul3A_2427 = arith.mulf %select_n3A_2426, %select_n3A_2426 : vector<16xf32>
        %mul3A_2428 = arith.constant -0.0817280039 : f32
        %mul3A_2429 = vector.broadcast %mul3A_2428 : f32 to vector<16xf32>
        %mul3A_2430 = arith.mulf %mul3A_2429, %mul3A_2427 : vector<16xf32>
        %add3A_2431 = arith.constant 0.298066169 : f32
        %add3A_2432 = vector.broadcast %add3A_2431 : f32 to vector<16xf32>
        %add3A_2433 = arith.addf %mul3A_2430, %add3A_2432 : vector<16xf32>
        %mul3A_2434 = arith.mulf %add3A_2433, %mul3A_2427 : vector<16xf32>
        %add3A_2435 = arith.constant -0.64457345 : f32
        %add3A_2436 = vector.broadcast %add3A_2435 : f32 to vector<16xf32>
        %add3A_2437 = arith.addf %mul3A_2434, %add3A_2436 : vector<16xf32>
        %mul3A_2438 = arith.mulf %add3A_2437, %mul3A_2427 : vector<16xf32>
        %add3A_2439 = arith.constant 1.99863315 : f32
        %add3A_2440 = vector.broadcast %add3A_2439 : f32 to vector<16xf32>
        %add3A_2441 = arith.addf %mul3A_2438, %add3A_2440 : vector<16xf32>
        %mul3A_2442 = arith.mulf %select_n3A_2426, %add3A_2441 : vector<16xf32>
        %sub3A_2443 = arith.constant 3.14159274 : f32
        %sub3A_2444 = vector.broadcast %sub3A_2443 : f32 to vector<16xf32>
        %sub3A_2445 = arith.subf %sub3A_2444, %mul3A_2442 : vector<16xf32>
        %select_n3A_2446 = arith.select %gt3A_2422, %sub3A_2445, %mul3A_2442 : vector<16xi1>, vector<16xf32>
        %swap3A_2447 = arith.constant 20 : i32
        %swap3A_2448 = arith.index_cast %swap3A_2447 : i32 to index
        %swap3A_2449 = arith.constant 0 : index
        %swap3A_2450 = tpu.vector_load %arg6[%swap3A_2448, %swap3A_2449] {strides = array<i32>} : memref<28x16xf32, #tpu.memory_space<vmem>>, vector<1x16xf32>,
        %swap3A_2451 = vector.shape_cast %swap3A_2450 : vector<1x16xf32> to vector<16xf32>
        %swap3A_2452 = vector.shape_cast %select_n3A_2446 : vector<16xf32> to vector<1x16xf32>
        tpu.vector_store %arg6[%swap3A_2448, %swap3A_2449], %swap3A_2452 {strides = array<i32>} : memref<28x16xf32, #tpu.memory_space<vmem>>, vector<1x16xf32>,
        %get3A_2453 = arith.constant 3 : i32
        %get3A_2454 = arith.index_cast %get3A_2453 : i32 to index
        %get3A_2455 = arith.constant 0 : index
        %get3A_2456 = tpu.vector_load %arg6[%get3A_2454, %get3A_2455] {strides = array<i32>} : memref<28x16xf32, #tpu.memory_space<vmem>>, vector<1x16xf32>,
        %get3A_2457 = vector.shape_cast %get3A_2456 : vector<1x16xf32> to vector<16xf32>
        %broadcast_in_dim3A_2458 = vector.shape_cast %xor3A_5 : vector<16xi32> to vector<16x1xi32>
        %gather3A_2459 = vector.shape_cast %broadcast_in_dim3A_2458 : vector<16x1xi32> to vector<16xi32>
        %gather3A_2460 = tpu.dynamic_gather %get3A_2457[%gather3A_2459] in [0] : vector<16xf32>, vector<16xi32> -> vector<16xf32>
        %add3A_2461 = arith.addf %get3A_2457, %gather3A_2460 : vector<16xf32>
        %broadcast_in_dim3A_2462 = vector.shape_cast %xor3A_8 : vector<16xi32> to vector<16x1xi32>
        %gather3A_2463 = vector.shape_cast %broadcast_in_dim3A_2462 : vector<16x1xi32> to vector<16xi32>
        %gather3A_2464 = tpu.dynamic_gather %add3A_2461[%gather3A_2463] in [0] : vector<16xf32>, vector<16xi32> -> vector<16xf32>
        %add3A_2465 = arith.addf %add3A_2461, %gather3A_2464 : vector<16xf32>
        %broadcast_in_dim3A_2466 = vector.shape_cast %xor3A_11 : vector<16xi32> to vector<16x1xi32>
        %gather3A_2467 = vector.shape_cast %broadcast_in_dim3A_2466 : vector<16x1xi32> to vector<16xi32>
        %gather3A_2468 = tpu.dynamic_gather %add3A_2465[%gather3A_2467] in [0] : vector<16xf32>, vector<16xi32> -> vector<16xf32>
        %add3A_2469 = arith.addf %add3A_2465, %gather3A_2468 : vector<16xf32>
        %get3A_2470 = arith.constant 10 : i32
        %get3A_2471 = arith.index_cast %get3A_2470 : i32 to index
        %get3A_2472 = arith.constant 0 : index
        %get3A_2473 = tpu.vector_load %arg6[%get3A_2471, %get3A_2472] {strides = array<i32>} : memref<28x16xf32, #tpu.memory_space<vmem>>, vector<1x16xf32>,
        %get3A_2474 = vector.shape_cast %get3A_2473 : vector<1x16xf32> to vector<16xf32>
        %broadcast_in_dim3A_2475 = vector.shape_cast %xor3A_5 : vector<16xi32> to vector<16x1xi32>
        %gather3A_2476 = vector.shape_cast %broadcast_in_dim3A_2475 : vector<16x1xi32> to vector<16xi32>
        %gather3A_2477 = tpu.dynamic_gather %get3A_2474[%gather3A_2476] in [0] : vector<16xf32>, vector<16xi32> -> vector<16xf32>
        %add3A_2478 = arith.addf %get3A_2474, %gather3A_2477 : vector<16xf32>
        %broadcast_in_dim3A_2479 = vector.shape_cast %xor3A_8 : vector<16xi32> to vector<16x1xi32>
        %gather3A_2480 = vector.shape_cast %broadcast_in_dim3A_2479 : vector<16x1xi32> to vector<16xi32>
        %gather3A_2481 = tpu.dynamic_gather %add3A_2478[%gather3A_2480] in [0] : vector<16xf32>, vector<16xi32> -> vector<16xf32>
        %add3A_2482 = arith.addf %add3A_2478, %gather3A_2481 : vector<16xf32>
        %broadcast_in_dim3A_2483 = vector.shape_cast %xor3A_11 : vector<16xi32> to vector<16x1xi32>
        %gather3A_2484 = vector.shape_cast %broadcast_in_dim3A_2483 : vector<16x1xi32> to vector<16xi32>
        %gather3A_2485 = tpu.dynamic_gather %add3A_2482[%gather3A_2484] in [0] : vector<16xf32>, vector<16xi32> -> vector<16xf32>
        %add3A_2486 = arith.addf %add3A_2482, %gather3A_2485 : vector<16xf32>
        %get3A_2487 = arith.constant 17 : i32
        %get3A_2488 = arith.index_cast %get3A_2487 : i32 to index
        %get3A_2489 = arith.constant 0 : index
        %get3A_2490 = tpu.vector_load %arg6[%get3A_2488, %get3A_2489] {strides = array<i32>} : memref<28x16xf32, #tpu.memory_space<vmem>>, vector<1x16xf32>,
        %get3A_2491 = vector.shape_cast %get3A_2490 : vector<1x16xf32> to vector<16xf32>
        %broadcast_in_dim3A_2492 = vector.shape_cast %xor3A_5 : vector<16xi32> to vector<16x1xi32>
        %gather3A_2493 = vector.shape_cast %broadcast_in_dim3A_2492 : vector<16x1xi32> to vector<16xi32>
        %gather3A_2494 = tpu.dynamic_gather %get3A_2491[%gather3A_2493] in [0] : vector<16xf32>, vector<16xi32> -> vector<16xf32>
        %add3A_2495 = arith.addf %get3A_2491, %gather3A_2494 : vector<16xf32>
        %broadcast_in_dim3A_2496 = vector.shape_cast %xor3A_8 : vector<16xi32> to vector<16x1xi32>
        %gather3A_2497 = vector.shape_cast %broadcast_in_dim3A_2496 : vector<16x1xi32> to vector<16xi32>
        %gather3A_2498 = tpu.dynamic_gather %add3A_2495[%gather3A_2497] in [0] : vector<16xf32>, vector<16xi32> -> vector<16xf32>
        %add3A_2499 = arith.addf %add3A_2495, %gather3A_2498 : vector<16xf32>
        %broadcast_in_dim3A_2500 = vector.shape_cast %xor3A_11 : vector<16xi32> to vector<16x1xi32>
        %gather3A_2501 = vector.shape_cast %broadcast_in_dim3A_2500 : vector<16x1xi32> to vector<16xi32>
        %gather3A_2502 = tpu.dynamic_gather %add3A_2499[%gather3A_2501] in [0] : vector<16xf32>, vector<16xi32> -> vector<16xf32>
        %add3A_2503 = arith.addf %add3A_2499, %gather3A_2502 : vector<16xf32>
        %get3A_2504 = arith.constant 24 : i32
        %get3A_2505 = arith.index_cast %get3A_2504 : i32 to index
        %get3A_2506 = arith.constant 0 : index
        %get3A_2507 = tpu.vector_load %arg6[%get3A_2505, %get3A_2506] {strides = array<i32>} : memref<28x16xf32, #tpu.memory_space<vmem>>, vector<1x16xf32>,
        %get3A_2508 = vector.shape_cast %get3A_2507 : vector<1x16xf32> to vector<16xf32>
        %broadcast_in_dim3A_2509 = vector.shape_cast %xor3A_5 : vector<16xi32> to vector<16x1xi32>
        %gather3A_2510 = vector.shape_cast %broadcast_in_dim3A_2509 : vector<16x1xi32> to vector<16xi32>
        %gather3A_2511 = tpu.dynamic_gather %get3A_2508[%gather3A_2510] in [0] : vector<16xf32>, vector<16xi32> -> vector<16xf32>
        %add3A_2512 = arith.addf %get3A_2508, %gather3A_2511 : vector<16xf32>
        %broadcast_in_dim3A_2513 = vector.shape_cast %xor3A_8 : vector<16xi32> to vector<16x1xi32>
        %gather3A_2514 = vector.shape_cast %broadcast_in_dim3A_2513 : vector<16x1xi32> to vector<16xi32>
        %gather3A_2515 = tpu.dynamic_gather %add3A_2512[%gather3A_2514] in [0] : vector<16xf32>, vector<16xi32> -> vector<16xf32>
        %add3A_2516 = arith.addf %add3A_2512, %gather3A_2515 : vector<16xf32>
        %broadcast_in_dim3A_2517 = vector.shape_cast %xor3A_11 : vector<16xi32> to vector<16x1xi32>
        %gather3A_2518 = vector.shape_cast %broadcast_in_dim3A_2517 : vector<16x1xi32> to vector<16xi32>
        %gather3A_2519 = tpu.dynamic_gather %add3A_2516[%gather3A_2518] in [0] : vector<16xf32>, vector<16xi32> -> vector<16xf32>
        %add3A_2520 = arith.addf %add3A_2516, %gather3A_2519 : vector<16xf32>
        %mul3A_2521 = vector.broadcast %squeeze3A : f32 to vector<16xf32>
        %mul3A_2522 = arith.mulf %add3A_2469, %mul3A_2521 : vector<16xf32>
        %mul3A_2523 = vector.broadcast %squeeze3A_136 : f32 to vector<16xf32>
        %mul3A_2524 = arith.mulf %add3A_2486, %mul3A_2523 : vector<16xf32>
        %add3A_2525 = arith.addf %mul3A_2522, %mul3A_2524 : vector<16xf32>
        %mul3A_2526 = vector.broadcast %squeeze3A_185 : f32 to vector<16xf32>
        %mul3A_2527 = arith.mulf %add3A_2503, %mul3A_2526 : vector<16xf32>
        %add3A_2528 = arith.addf %add3A_2525, %mul3A_2527 : vector<16xf32>
        %mul3A_2529 = vector.broadcast %squeeze3A_234 : f32 to vector<16xf32>
        %mul3A_2530 = arith.mulf %add3A_2520, %mul3A_2529 : vector<16xf32>
        %add3A_2531 = arith.addf %add3A_2528, %mul3A_2530 : vector<16xf32>
        %sub3A_2532 = arith.subf %add3A_2531, %mul3A_661 : vector<16xf32>
        %mul3A_2533 = arith.constant 5.000000e-01 : f32
        %mul3A_2534 = vector.broadcast %mul3A_2533 : f32 to vector<16xf32>
        %mul3A_2535 = arith.mulf %mul3A_2534, %sub3A_2532 : vector<16xf32>
        %exp3A_2536 = math.exp %mul3A_2535 : vector<16xf32>
        %gt3A_2537 = arith.constant 1.000000e+00 : f32
        %gt3A_2538 = vector.broadcast %gt3A_2537 : f32 to vector<16xf32>
        %gt3A_2539 = arith.cmpf ogt, %exp3A_2536, %gt3A_2538 : vector<16xf32>
        %div3A_2540 = arith.constant 1.000000e+00 : f32
        %div3A_2541 = vector.broadcast %div3A_2540 : f32 to vector<16xf32>
        %div3A_2542 = arith.divf %div3A_2541, %exp3A_2536 : vector<16xf32>
        %select_n3A_2543 = arith.select %gt3A_2539, %div3A_2542, %exp3A_2536 : vector<16xi1>, vector<16xf32>
        %mul3A_2544 = arith.mulf %select_n3A_2543, %select_n3A_2543 : vector<16xf32>
        %mul3A_2545 = arith.constant -0.0817280039 : f32
        %mul3A_2546 = vector.broadcast %mul3A_2545 : f32 to vector<16xf32>
        %mul3A_2547 = arith.mulf %mul3A_2546, %mul3A_2544 : vector<16xf32>
        %add3A_2548 = arith.constant 0.298066169 : f32
        %add3A_2549 = vector.broadcast %add3A_2548 : f32 to vector<16xf32>
        %add3A_2550 = arith.addf %mul3A_2547, %add3A_2549 : vector<16xf32>
        %mul3A_2551 = arith.mulf %add3A_2550, %mul3A_2544 : vector<16xf32>
        %add3A_2552 = arith.constant -0.64457345 : f32
        %add3A_2553 = vector.broadcast %add3A_2552 : f32 to vector<16xf32>
        %add3A_2554 = arith.addf %mul3A_2551, %add3A_2553 : vector<16xf32>
        %mul3A_2555 = arith.mulf %add3A_2554, %mul3A_2544 : vector<16xf32>
        %add3A_2556 = arith.constant 1.99863315 : f32
        %add3A_2557 = vector.broadcast %add3A_2556 : f32 to vector<16xf32>
        %add3A_2558 = arith.addf %mul3A_2555, %add3A_2557 : vector<16xf32>
        %mul3A_2559 = arith.mulf %select_n3A_2543, %add3A_2558 : vector<16xf32>
        %sub3A_2560 = arith.constant 3.14159274 : f32
        %sub3A_2561 = vector.broadcast %sub3A_2560 : f32 to vector<16xf32>
        %sub3A_2562 = arith.subf %sub3A_2561, %mul3A_2559 : vector<16xf32>
        %select_n3A_2563 = arith.select %gt3A_2539, %sub3A_2562, %mul3A_2559 : vector<16xi1>, vector<16xf32>
        %swap3A_2564 = arith.constant 21 : i32
        %swap3A_2565 = arith.index_cast %swap3A_2564 : i32 to index
        %swap3A_2566 = arith.constant 0 : index
        %swap3A_2567 = tpu.vector_load %arg6[%swap3A_2565, %swap3A_2566] {strides = array<i32>} : memref<28x16xf32, #tpu.memory_space<vmem>>, vector<1x16xf32>,
        %swap3A_2568 = vector.shape_cast %swap3A_2567 : vector<1x16xf32> to vector<16xf32>
        %swap3A_2569 = vector.shape_cast %select_n3A_2563 : vector<16xf32> to vector<1x16xf32>
        tpu.vector_store %arg6[%swap3A_2565, %swap3A_2566], %swap3A_2569 {strides = array<i32>} : memref<28x16xf32, #tpu.memory_space<vmem>>, vector<1x16xf32>,
        %mul3A_2570 = vector.broadcast %squeeze3A_94 : f32 to vector<16xf32>
        %mul3A_2571 = arith.mulf %add3A_2469, %mul3A_2570 : vector<16xf32>
        %mul3A_2572 = vector.broadcast %squeeze3A_143 : f32 to vector<16xf32>
        %mul3A_2573 = arith.mulf %add3A_2486, %mul3A_2572 : vector<16xf32>
        %add3A_2574 = arith.addf %mul3A_2571, %mul3A_2573 : vector<16xf32>
        %mul3A_2575 = vector.broadcast %squeeze3A_192 : f32 to vector<16xf32>
        %mul3A_2576 = arith.mulf %add3A_2503, %mul3A_2575 : vector<16xf32>
        %add3A_2577 = arith.addf %add3A_2574, %mul3A_2576 : vector<16xf32>
        %mul3A_2578 = vector.broadcast %squeeze3A_241 : f32 to vector<16xf32>
        %mul3A_2579 = arith.mulf %add3A_2520, %mul3A_2578 : vector<16xf32>
        %add3A_2580 = arith.addf %add3A_2577, %mul3A_2579 : vector<16xf32>
        %sub3A_2581 = arith.subf %add3A_2580, %mul3A_744 : vector<16xf32>
        %mul3A_2582 = arith.constant 5.000000e-01 : f32
        %mul3A_2583 = vector.broadcast %mul3A_2582 : f32 to vector<16xf32>
        %mul3A_2584 = arith.mulf %mul3A_2583, %sub3A_2581 : vector<16xf32>
        %exp3A_2585 = math.exp %mul3A_2584 : vector<16xf32>
        %gt3A_2586 = arith.constant 1.000000e+00 : f32
        %gt3A_2587 = vector.broadcast %gt3A_2586 : f32 to vector<16xf32>
        %gt3A_2588 = arith.cmpf ogt, %exp3A_2585, %gt3A_2587 : vector<16xf32>
        %div3A_2589 = arith.constant 1.000000e+00 : f32
        %div3A_2590 = vector.broadcast %div3A_2589 : f32 to vector<16xf32>
        %div3A_2591 = arith.divf %div3A_2590, %exp3A_2585 : vector<16xf32>
        %select_n3A_2592 = arith.select %gt3A_2588, %div3A_2591, %exp3A_2585 : vector<16xi1>, vector<16xf32>
        %mul3A_2593 = arith.mulf %select_n3A_2592, %select_n3A_2592 : vector<16xf32>
        %mul3A_2594 = arith.constant -0.0817280039 : f32
        %mul3A_2595 = vector.broadcast %mul3A_2594 : f32 to vector<16xf32>
        %mul3A_2596 = arith.mulf %mul3A_2595, %mul3A_2593 : vector<16xf32>
        %add3A_2597 = arith.constant 0.298066169 : f32
        %add3A_2598 = vector.broadcast %add3A_2597 : f32 to vector<16xf32>
        %add3A_2599 = arith.addf %mul3A_2596, %add3A_2598 : vector<16xf32>
        %mul3A_2600 = arith.mulf %add3A_2599, %mul3A_2593 : vector<16xf32>
        %add3A_2601 = arith.constant -0.64457345 : f32
        %add3A_2602 = vector.broadcast %add3A_2601 : f32 to vector<16xf32>
        %add3A_2603 = arith.addf %mul3A_2600, %add3A_2602 : vector<16xf32>
        %mul3A_2604 = arith.mulf %add3A_2603, %mul3A_2593 : vector<16xf32>
        %add3A_2605 = arith.constant 1.99863315 : f32
        %add3A_2606 = vector.broadcast %add3A_2605 : f32 to vector<16xf32>
        %add3A_2607 = arith.addf %mul3A_2604, %add3A_2606 : vector<16xf32>
        %mul3A_2608 = arith.mulf %select_n3A_2592, %add3A_2607 : vector<16xf32>
        %sub3A_2609 = arith.constant 3.14159274 : f32
        %sub3A_2610 = vector.broadcast %sub3A_2609 : f32 to vector<16xf32>
        %sub3A_2611 = arith.subf %sub3A_2610, %mul3A_2608 : vector<16xf32>
        %select_n3A_2612 = arith.select %gt3A_2588, %sub3A_2611, %mul3A_2608 : vector<16xi1>, vector<16xf32>
        %swap3A_2613 = arith.constant 22 : i32
        %swap3A_2614 = arith.index_cast %swap3A_2613 : i32 to index
        %swap3A_2615 = arith.constant 0 : index
        %swap3A_2616 = tpu.vector_load %arg6[%swap3A_2614, %swap3A_2615] {strides = array<i32>} : memref<28x16xf32, #tpu.memory_space<vmem>>, vector<1x16xf32>,
        %swap3A_2617 = vector.shape_cast %swap3A_2616 : vector<1x16xf32> to vector<16xf32>
        %swap3A_2618 = vector.shape_cast %select_n3A_2612 : vector<16xf32> to vector<1x16xf32>
        tpu.vector_store %arg6[%swap3A_2614, %swap3A_2615], %swap3A_2618 {strides = array<i32>} : memref<28x16xf32, #tpu.memory_space<vmem>>, vector<1x16xf32>,
        %mul3A_2619 = vector.broadcast %squeeze3A_101 : f32 to vector<16xf32>
        %mul3A_2620 = arith.mulf %add3A_2469, %mul3A_2619 : vector<16xf32>
        %mul3A_2621 = vector.broadcast %squeeze3A_150 : f32 to vector<16xf32>
        %mul3A_2622 = arith.mulf %add3A_2486, %mul3A_2621 : vector<16xf32>
        %add3A_2623 = arith.addf %mul3A_2620, %mul3A_2622 : vector<16xf32>
        %mul3A_2624 = vector.broadcast %squeeze3A_199 : f32 to vector<16xf32>
        %mul3A_2625 = arith.mulf %add3A_2503, %mul3A_2624 : vector<16xf32>
        %add3A_2626 = arith.addf %add3A_2623, %mul3A_2625 : vector<16xf32>
        %mul3A_2627 = vector.broadcast %squeeze3A_248 : f32 to vector<16xf32>
        %mul3A_2628 = arith.mulf %add3A_2520, %mul3A_2627 : vector<16xf32>
        %add3A_2629 = arith.addf %add3A_2626, %mul3A_2628 : vector<16xf32>
        %sub3A_2630 = arith.subf %add3A_2629, %mul3A_828 : vector<16xf32>
        %mul3A_2631 = arith.constant 5.000000e-01 : f32
        %mul3A_2632 = vector.broadcast %mul3A_2631 : f32 to vector<16xf32>
        %mul3A_2633 = arith.mulf %mul3A_2632, %sub3A_2630 : vector<16xf32>
        %exp3A_2634 = math.exp %mul3A_2633 : vector<16xf32>
        %gt3A_2635 = arith.constant 1.000000e+00 : f32
        %gt3A_2636 = vector.broadcast %gt3A_2635 : f32 to vector<16xf32>
        %gt3A_2637 = arith.cmpf ogt, %exp3A_2634, %gt3A_2636 : vector<16xf32>
        %div3A_2638 = arith.constant 1.000000e+00 : f32
        %div3A_2639 = vector.broadcast %div3A_2638 : f32 to vector<16xf32>
        %div3A_2640 = arith.divf %div3A_2639, %exp3A_2634 : vector<16xf32>
        %select_n3A_2641 = arith.select %gt3A_2637, %div3A_2640, %exp3A_2634 : vector<16xi1>, vector<16xf32>
        %mul3A_2642 = arith.mulf %select_n3A_2641, %select_n3A_2641 : vector<16xf32>
        %mul3A_2643 = arith.constant -0.0817280039 : f32
        %mul3A_2644 = vector.broadcast %mul3A_2643 : f32 to vector<16xf32>
        %mul3A_2645 = arith.mulf %mul3A_2644, %mul3A_2642 : vector<16xf32>
        %add3A_2646 = arith.constant 0.298066169 : f32
        %add3A_2647 = vector.broadcast %add3A_2646 : f32 to vector<16xf32>
        %add3A_2648 = arith.addf %mul3A_2645, %add3A_2647 : vector<16xf32>
        %mul3A_2649 = arith.mulf %add3A_2648, %mul3A_2642 : vector<16xf32>
        %add3A_2650 = arith.constant -0.64457345 : f32
        %add3A_2651 = vector.broadcast %add3A_2650 : f32 to vector<16xf32>
        %add3A_2652 = arith.addf %mul3A_2649, %add3A_2651 : vector<16xf32>
        %mul3A_2653 = arith.mulf %add3A_2652, %mul3A_2642 : vector<16xf32>
        %add3A_2654 = arith.constant 1.99863315 : f32
        %add3A_2655 = vector.broadcast %add3A_2654 : f32 to vector<16xf32>
        %add3A_2656 = arith.addf %mul3A_2653, %add3A_2655 : vector<16xf32>
        %mul3A_2657 = arith.mulf %select_n3A_2641, %add3A_2656 : vector<16xf32>
        %sub3A_2658 = arith.constant 3.14159274 : f32
        %sub3A_2659 = vector.broadcast %sub3A_2658 : f32 to vector<16xf32>
        %sub3A_2660 = arith.subf %sub3A_2659, %mul3A_2657 : vector<16xf32>
        %select_n3A_2661 = arith.select %gt3A_2637, %sub3A_2660, %mul3A_2657 : vector<16xi1>, vector<16xf32>
        %swap3A_2662 = arith.constant 23 : i32
        %swap3A_2663 = arith.index_cast %swap3A_2662 : i32 to index
        %swap3A_2664 = arith.constant 0 : index
        %swap3A_2665 = tpu.vector_load %arg6[%swap3A_2663, %swap3A_2664] {strides = array<i32>} : memref<28x16xf32, #tpu.memory_space<vmem>>, vector<1x16xf32>,
        %swap3A_2666 = vector.shape_cast %swap3A_2665 : vector<1x16xf32> to vector<16xf32>
        %swap3A_2667 = vector.shape_cast %select_n3A_2661 : vector<16xf32> to vector<1x16xf32>
        tpu.vector_store %arg6[%swap3A_2663, %swap3A_2664], %swap3A_2667 {strides = array<i32>} : memref<28x16xf32, #tpu.memory_space<vmem>>, vector<1x16xf32>,
        %mul3A_2668 = vector.broadcast %squeeze3A_108 : f32 to vector<16xf32>
        %mul3A_2669 = arith.mulf %add3A_2469, %mul3A_2668 : vector<16xf32>
        %mul3A_2670 = vector.broadcast %squeeze3A_157 : f32 to vector<16xf32>
        %mul3A_2671 = arith.mulf %add3A_2486, %mul3A_2670 : vector<16xf32>
        %add3A_2672 = arith.addf %mul3A_2669, %mul3A_2671 : vector<16xf32>
        %mul3A_2673 = vector.broadcast %squeeze3A_206 : f32 to vector<16xf32>
        %mul3A_2674 = arith.mulf %add3A_2503, %mul3A_2673 : vector<16xf32>
        %add3A_2675 = arith.addf %add3A_2672, %mul3A_2674 : vector<16xf32>
        %mul3A_2676 = vector.broadcast %squeeze3A_255 : f32 to vector<16xf32>
        %mul3A_2677 = arith.mulf %add3A_2520, %mul3A_2676 : vector<16xf32>
        %add3A_2678 = arith.addf %add3A_2675, %mul3A_2677 : vector<16xf32>
        %sub3A_2679 = arith.subf %add3A_2678, %mul3A_912 : vector<16xf32>
        %mul3A_2680 = arith.constant 5.000000e-01 : f32
        %mul3A_2681 = vector.broadcast %mul3A_2680 : f32 to vector<16xf32>
        %mul3A_2682 = arith.mulf %mul3A_2681, %sub3A_2679 : vector<16xf32>
        %exp3A_2683 = math.exp %mul3A_2682 : vector<16xf32>
        %gt3A_2684 = arith.constant 1.000000e+00 : f32
        %gt3A_2685 = vector.broadcast %gt3A_2684 : f32 to vector<16xf32>
        %gt3A_2686 = arith.cmpf ogt, %exp3A_2683, %gt3A_2685 : vector<16xf32>
        %div3A_2687 = arith.constant 1.000000e+00 : f32
        %div3A_2688 = vector.broadcast %div3A_2687 : f32 to vector<16xf32>
        %div3A_2689 = arith.divf %div3A_2688, %exp3A_2683 : vector<16xf32>
        %select_n3A_2690 = arith.select %gt3A_2686, %div3A_2689, %exp3A_2683 : vector<16xi1>, vector<16xf32>
        %mul3A_2691 = arith.mulf %select_n3A_2690, %select_n3A_2690 : vector<16xf32>
        %mul3A_2692 = arith.constant -0.0817280039 : f32
        %mul3A_2693 = vector.broadcast %mul3A_2692 : f32 to vector<16xf32>
        %mul3A_2694 = arith.mulf %mul3A_2693, %mul3A_2691 : vector<16xf32>
        %add3A_2695 = arith.constant 0.298066169 : f32
        %add3A_2696 = vector.broadcast %add3A_2695 : f32 to vector<16xf32>
        %add3A_2697 = arith.addf %mul3A_2694, %add3A_2696 : vector<16xf32>
        %mul3A_2698 = arith.mulf %add3A_2697, %mul3A_2691 : vector<16xf32>
        %add3A_2699 = arith.constant -0.64457345 : f32
        %add3A_2700 = vector.broadcast %add3A_2699 : f32 to vector<16xf32>
        %add3A_2701 = arith.addf %mul3A_2698, %add3A_2700 : vector<16xf32>
        %mul3A_2702 = arith.mulf %add3A_2701, %mul3A_2691 : vector<16xf32>
        %add3A_2703 = arith.constant 1.99863315 : f32
        %add3A_2704 = vector.broadcast %add3A_2703 : f32 to vector<16xf32>
        %add3A_2705 = arith.addf %mul3A_2702, %add3A_2704 : vector<16xf32>
        %mul3A_2706 = arith.mulf %select_n3A_2690, %add3A_2705 : vector<16xf32>
        %sub3A_2707 = arith.constant 3.14159274 : f32
        %sub3A_2708 = vector.broadcast %sub3A_2707 : f32 to vector<16xf32>
        %sub3A_2709 = arith.subf %sub3A_2708, %mul3A_2706 : vector<16xf32>
        %select_n3A_2710 = arith.select %gt3A_2686, %sub3A_2709, %mul3A_2706 : vector<16xi1>, vector<16xf32>
        %swap3A_2711 = arith.constant 24 : i32
        %swap3A_2712 = arith.index_cast %swap3A_2711 : i32 to index
        %swap3A_2713 = arith.constant 0 : index
        %swap3A_2714 = tpu.vector_load %arg6[%swap3A_2712, %swap3A_2713] {strides = array<i32>} : memref<28x16xf32, #tpu.memory_space<vmem>>, vector<1x16xf32>,
        %swap3A_2715 = vector.shape_cast %swap3A_2714 : vector<1x16xf32> to vector<16xf32>
        %swap3A_2716 = vector.shape_cast %select_n3A_2710 : vector<16xf32> to vector<1x16xf32>
        tpu.vector_store %arg6[%swap3A_2712, %swap3A_2713], %swap3A_2716 {strides = array<i32>} : memref<28x16xf32, #tpu.memory_space<vmem>>, vector<1x16xf32>,
        %broadcast_in_dim3A_2717 = vector.shape_cast %xor3A_5 : vector<16xi32> to vector<16x1xi32>
        %gather3A_2718 = vector.shape_cast %broadcast_in_dim3A_2717 : vector<16x1xi32> to vector<16xi32>
        %gather3A_2719 = tpu.dynamic_gather %select_n3A_2710[%gather3A_2718] in [0] : vector<16xf32>, vector<16xi32> -> vector<16xf32>
        %add3A_2720 = arith.addf %select_n3A_2710, %gather3A_2719 : vector<16xf32>
        %broadcast_in_dim3A_2721 = vector.shape_cast %xor3A_8 : vector<16xi32> to vector<16x1xi32>
        %gather3A_2722 = vector.shape_cast %broadcast_in_dim3A_2721 : vector<16x1xi32> to vector<16xi32>
        %gather3A_2723 = tpu.dynamic_gather %add3A_2720[%gather3A_2722] in [0] : vector<16xf32>, vector<16xi32> -> vector<16xf32>
        %add3A_2724 = arith.addf %add3A_2720, %gather3A_2723 : vector<16xf32>
        %broadcast_in_dim3A_2725 = vector.shape_cast %xor3A_11 : vector<16xi32> to vector<16x1xi32>
        %gather3A_2726 = vector.shape_cast %broadcast_in_dim3A_2725 : vector<16x1xi32> to vector<16xi32>
        %gather3A_2727 = tpu.dynamic_gather %add3A_2724[%gather3A_2726] in [0] : vector<16xf32>, vector<16xi32> -> vector<16xf32>
        %add3A_2728 = arith.addf %add3A_2724, %gather3A_2727 : vector<16xf32>
        %mul3A_2729 = vector.broadcast %squeeze3A_115 : f32 to vector<16xf32>
        %mul3A_2730 = arith.mulf %add3A_2469, %mul3A_2729 : vector<16xf32>
        %mul3A_2731 = vector.broadcast %squeeze3A_164 : f32 to vector<16xf32>
        %mul3A_2732 = arith.mulf %add3A_2486, %mul3A_2731 : vector<16xf32>
        %add3A_2733 = arith.addf %mul3A_2730, %mul3A_2732 : vector<16xf32>
        %mul3A_2734 = vector.broadcast %squeeze3A_213 : f32 to vector<16xf32>
        %mul3A_2735 = arith.mulf %add3A_2503, %mul3A_2734 : vector<16xf32>
        %add3A_2736 = arith.addf %add3A_2733, %mul3A_2735 : vector<16xf32>
        %mul3A_2737 = vector.broadcast %squeeze3A_262 : f32 to vector<16xf32>
        %mul3A_2738 = arith.mulf %add3A_2728, %mul3A_2737 : vector<16xf32>
        %add3A_2739 = arith.addf %add3A_2736, %mul3A_2738 : vector<16xf32>
        %sub3A_2740 = arith.subf %add3A_2739, %mul3A_996 : vector<16xf32>
        %mul3A_2741 = arith.constant 5.000000e-01 : f32
        %mul3A_2742 = vector.broadcast %mul3A_2741 : f32 to vector<16xf32>
        %mul3A_2743 = arith.mulf %mul3A_2742, %sub3A_2740 : vector<16xf32>
        %exp3A_2744 = math.exp %mul3A_2743 : vector<16xf32>
        %gt3A_2745 = arith.constant 1.000000e+00 : f32
        %gt3A_2746 = vector.broadcast %gt3A_2745 : f32 to vector<16xf32>
        %gt3A_2747 = arith.cmpf ogt, %exp3A_2744, %gt3A_2746 : vector<16xf32>
        %div3A_2748 = arith.constant 1.000000e+00 : f32
        %div3A_2749 = vector.broadcast %div3A_2748 : f32 to vector<16xf32>
        %div3A_2750 = arith.divf %div3A_2749, %exp3A_2744 : vector<16xf32>
        %select_n3A_2751 = arith.select %gt3A_2747, %div3A_2750, %exp3A_2744 : vector<16xi1>, vector<16xf32>
        %mul3A_2752 = arith.mulf %select_n3A_2751, %select_n3A_2751 : vector<16xf32>
        %mul3A_2753 = arith.constant -0.0817280039 : f32
        %mul3A_2754 = vector.broadcast %mul3A_2753 : f32 to vector<16xf32>
        %mul3A_2755 = arith.mulf %mul3A_2754, %mul3A_2752 : vector<16xf32>
        %add3A_2756 = arith.constant 0.298066169 : f32
        %add3A_2757 = vector.broadcast %add3A_2756 : f32 to vector<16xf32>
        %add3A_2758 = arith.addf %mul3A_2755, %add3A_2757 : vector<16xf32>
        %mul3A_2759 = arith.mulf %add3A_2758, %mul3A_2752 : vector<16xf32>
        %add3A_2760 = arith.constant -0.64457345 : f32
        %add3A_2761 = vector.broadcast %add3A_2760 : f32 to vector<16xf32>
        %add3A_2762 = arith.addf %mul3A_2759, %add3A_2761 : vector<16xf32>
        %mul3A_2763 = arith.mulf %add3A_2762, %mul3A_2752 : vector<16xf32>
        %add3A_2764 = arith.constant 1.99863315 : f32
        %add3A_2765 = vector.broadcast %add3A_2764 : f32 to vector<16xf32>
        %add3A_2766 = arith.addf %mul3A_2763, %add3A_2765 : vector<16xf32>
        %mul3A_2767 = arith.mulf %select_n3A_2751, %add3A_2766 : vector<16xf32>
        %sub3A_2768 = arith.constant 3.14159274 : f32
        %sub3A_2769 = vector.broadcast %sub3A_2768 : f32 to vector<16xf32>
        %sub3A_2770 = arith.subf %sub3A_2769, %mul3A_2767 : vector<16xf32>
        %select_n3A_2771 = arith.select %gt3A_2747, %sub3A_2770, %mul3A_2767 : vector<16xi1>, vector<16xf32>
        %swap3A_2772 = arith.constant 25 : i32
        %swap3A_2773 = arith.index_cast %swap3A_2772 : i32 to index
        %swap3A_2774 = arith.constant 0 : index
        %swap3A_2775 = tpu.vector_load %arg6[%swap3A_2773, %swap3A_2774] {strides = array<i32>} : memref<28x16xf32, #tpu.memory_space<vmem>>, vector<1x16xf32>,
        %swap3A_2776 = vector.shape_cast %swap3A_2775 : vector<1x16xf32> to vector<16xf32>
        %swap3A_2777 = vector.shape_cast %select_n3A_2771 : vector<16xf32> to vector<1x16xf32>
        tpu.vector_store %arg6[%swap3A_2773, %swap3A_2774], %swap3A_2777 {strides = array<i32>} : memref<28x16xf32, #tpu.memory_space<vmem>>, vector<1x16xf32>,
        %mul3A_2778 = vector.broadcast %squeeze3A_122 : f32 to vector<16xf32>
        %mul3A_2779 = arith.mulf %add3A_2469, %mul3A_2778 : vector<16xf32>
        %mul3A_2780 = vector.broadcast %squeeze3A_171 : f32 to vector<16xf32>
        %mul3A_2781 = arith.mulf %add3A_2486, %mul3A_2780 : vector<16xf32>
        %add3A_2782 = arith.addf %mul3A_2779, %mul3A_2781 : vector<16xf32>
        %mul3A_2783 = vector.broadcast %squeeze3A_220 : f32 to vector<16xf32>
        %mul3A_2784 = arith.mulf %add3A_2503, %mul3A_2783 : vector<16xf32>
        %add3A_2785 = arith.addf %add3A_2782, %mul3A_2784 : vector<16xf32>
        %mul3A_2786 = vector.broadcast %squeeze3A_269 : f32 to vector<16xf32>
        %mul3A_2787 = arith.mulf %add3A_2728, %mul3A_2786 : vector<16xf32>
        %add3A_2788 = arith.addf %add3A_2785, %mul3A_2787 : vector<16xf32>
        %sub3A_2789 = arith.subf %add3A_2788, %mul3A_1080 : vector<16xf32>
        %mul3A_2790 = arith.constant 5.000000e-01 : f32
        %mul3A_2791 = vector.broadcast %mul3A_2790 : f32 to vector<16xf32>
        %mul3A_2792 = arith.mulf %mul3A_2791, %sub3A_2789 : vector<16xf32>
        %exp3A_2793 = math.exp %mul3A_2792 : vector<16xf32>
        %gt3A_2794 = arith.constant 1.000000e+00 : f32
        %gt3A_2795 = vector.broadcast %gt3A_2794 : f32 to vector<16xf32>
        %gt3A_2796 = arith.cmpf ogt, %exp3A_2793, %gt3A_2795 : vector<16xf32>
        %div3A_2797 = arith.constant 1.000000e+00 : f32
        %div3A_2798 = vector.broadcast %div3A_2797 : f32 to vector<16xf32>
        %div3A_2799 = arith.divf %div3A_2798, %exp3A_2793 : vector<16xf32>
        %select_n3A_2800 = arith.select %gt3A_2796, %div3A_2799, %exp3A_2793 : vector<16xi1>, vector<16xf32>
        %mul3A_2801 = arith.mulf %select_n3A_2800, %select_n3A_2800 : vector<16xf32>
        %mul3A_2802 = arith.constant -0.0817280039 : f32
        %mul3A_2803 = vector.broadcast %mul3A_2802 : f32 to vector<16xf32>
        %mul3A_2804 = arith.mulf %mul3A_2803, %mul3A_2801 : vector<16xf32>
        %add3A_2805 = arith.constant 0.298066169 : f32
        %add3A_2806 = vector.broadcast %add3A_2805 : f32 to vector<16xf32>
        %add3A_2807 = arith.addf %mul3A_2804, %add3A_2806 : vector<16xf32>
        %mul3A_2808 = arith.mulf %add3A_2807, %mul3A_2801 : vector<16xf32>
        %add3A_2809 = arith.constant -0.64457345 : f32
        %add3A_2810 = vector.broadcast %add3A_2809 : f32 to vector<16xf32>
        %add3A_2811 = arith.addf %mul3A_2808, %add3A_2810 : vector<16xf32>
        %mul3A_2812 = arith.mulf %add3A_2811, %mul3A_2801 : vector<16xf32>
        %add3A_2813 = arith.constant 1.99863315 : f32
        %add3A_2814 = vector.broadcast %add3A_2813 : f32 to vector<16xf32>
        %add3A_2815 = arith.addf %mul3A_2812, %add3A_2814 : vector<16xf32>
        %mul3A_2816 = arith.mulf %select_n3A_2800, %add3A_2815 : vector<16xf32>
        %sub3A_2817 = arith.constant 3.14159274 : f32
        %sub3A_2818 = vector.broadcast %sub3A_2817 : f32 to vector<16xf32>
        %sub3A_2819 = arith.subf %sub3A_2818, %mul3A_2816 : vector<16xf32>
        %select_n3A_2820 = arith.select %gt3A_2796, %sub3A_2819, %mul3A_2816 : vector<16xi1>, vector<16xf32>
        %swap3A_2821 = arith.constant 26 : i32
        %swap3A_2822 = arith.index_cast %swap3A_2821 : i32 to index
        %swap3A_2823 = arith.constant 0 : index
        %swap3A_2824 = tpu.vector_load %arg6[%swap3A_2822, %swap3A_2823] {strides = array<i32>} : memref<28x16xf32, #tpu.memory_space<vmem>>, vector<1x16xf32>,
        %swap3A_2825 = vector.shape_cast %swap3A_2824 : vector<1x16xf32> to vector<16xf32>
        %swap3A_2826 = vector.shape_cast %select_n3A_2820 : vector<16xf32> to vector<1x16xf32>
        tpu.vector_store %arg6[%swap3A_2822, %swap3A_2823], %swap3A_2826 {strides = array<i32>} : memref<28x16xf32, #tpu.memory_space<vmem>>, vector<1x16xf32>,
        %mul3A_2827 = vector.broadcast %squeeze3A_129 : f32 to vector<16xf32>
        %mul3A_2828 = arith.mulf %add3A_2469, %mul3A_2827 : vector<16xf32>
        %mul3A_2829 = vector.broadcast %squeeze3A_178 : f32 to vector<16xf32>
        %mul3A_2830 = arith.mulf %add3A_2486, %mul3A_2829 : vector<16xf32>
        %add3A_2831 = arith.addf %mul3A_2828, %mul3A_2830 : vector<16xf32>
        %mul3A_2832 = vector.broadcast %squeeze3A_227 : f32 to vector<16xf32>
        %mul3A_2833 = arith.mulf %add3A_2503, %mul3A_2832 : vector<16xf32>
        %add3A_2834 = arith.addf %add3A_2831, %mul3A_2833 : vector<16xf32>
        %mul3A_2835 = vector.broadcast %squeeze3A_276 : f32 to vector<16xf32>
        %mul3A_2836 = arith.mulf %add3A_2728, %mul3A_2835 : vector<16xf32>
        %add3A_2837 = arith.addf %add3A_2834, %mul3A_2836 : vector<16xf32>
        %sub3A_2838 = arith.subf %add3A_2837, %mul3A_1164 : vector<16xf32>
        %mul3A_2839 = arith.constant 5.000000e-01 : f32
        %mul3A_2840 = vector.broadcast %mul3A_2839 : f32 to vector<16xf32>
        %mul3A_2841 = arith.mulf %mul3A_2840, %sub3A_2838 : vector<16xf32>
        %exp3A_2842 = math.exp %mul3A_2841 : vector<16xf32>
        %gt3A_2843 = arith.constant 1.000000e+00 : f32
        %gt3A_2844 = vector.broadcast %gt3A_2843 : f32 to vector<16xf32>
        %gt3A_2845 = arith.cmpf ogt, %exp3A_2842, %gt3A_2844 : vector<16xf32>
        %div3A_2846 = arith.constant 1.000000e+00 : f32
        %div3A_2847 = vector.broadcast %div3A_2846 : f32 to vector<16xf32>
        %div3A_2848 = arith.divf %div3A_2847, %exp3A_2842 : vector<16xf32>
        %select_n3A_2849 = arith.select %gt3A_2845, %div3A_2848, %exp3A_2842 : vector<16xi1>, vector<16xf32>
        %mul3A_2850 = arith.mulf %select_n3A_2849, %select_n3A_2849 : vector<16xf32>
        %mul3A_2851 = arith.constant -0.0817280039 : f32
        %mul3A_2852 = vector.broadcast %mul3A_2851 : f32 to vector<16xf32>
        %mul3A_2853 = arith.mulf %mul3A_2852, %mul3A_2850 : vector<16xf32>
        %add3A_2854 = arith.constant 0.298066169 : f32
        %add3A_2855 = vector.broadcast %add3A_2854 : f32 to vector<16xf32>
        %add3A_2856 = arith.addf %mul3A_2853, %add3A_2855 : vector<16xf32>
        %mul3A_2857 = arith.mulf %add3A_2856, %mul3A_2850 : vector<16xf32>
        %add3A_2858 = arith.constant -0.64457345 : f32
        %add3A_2859 = vector.broadcast %add3A_2858 : f32 to vector<16xf32>
        %add3A_2860 = arith.addf %mul3A_2857, %add3A_2859 : vector<16xf32>
        %mul3A_2861 = arith.mulf %add3A_2860, %mul3A_2850 : vector<16xf32>
        %add3A_2862 = arith.constant 1.99863315 : f32
        %add3A_2863 = vector.broadcast %add3A_2862 : f32 to vector<16xf32>
        %add3A_2864 = arith.addf %mul3A_2861, %add3A_2863 : vector<16xf32>
        %mul3A_2865 = arith.mulf %select_n3A_2849, %add3A_2864 : vector<16xf32>
        %sub3A_2866 = arith.constant 3.14159274 : f32
        %sub3A_2867 = vector.broadcast %sub3A_2866 : f32 to vector<16xf32>
        %sub3A_2868 = arith.subf %sub3A_2867, %mul3A_2865 : vector<16xf32>
        %select_n3A_2869 = arith.select %gt3A_2845, %sub3A_2868, %mul3A_2865 : vector<16xi1>, vector<16xf32>
        %swap3A_2870 = arith.constant 27 : i32
        %swap3A_2871 = arith.index_cast %swap3A_2870 : i32 to index
        %swap3A_2872 = arith.constant 0 : index
        %swap3A_2873 = tpu.vector_load %arg6[%swap3A_2871, %swap3A_2872] {strides = array<i32>} : memref<28x16xf32, #tpu.memory_space<vmem>>, vector<1x16xf32>,
        %swap3A_2874 = vector.shape_cast %swap3A_2873 : vector<1x16xf32> to vector<16xf32>
        %swap3A_2875 = vector.shape_cast %select_n3A_2869 : vector<16xf32> to vector<1x16xf32>
        tpu.vector_store %arg6[%swap3A_2871, %swap3A_2872], %swap3A_2875 {strides = array<i32>} : memref<28x16xf32, #tpu.memory_space<vmem>>, vector<1x16xf32>,
      }
      %while3A_363 = arith.constant 1 : i32
      scf.for %while3A_439 = %while3A_361 to %while3A_357 step %while3A_363  : i32 {
        %get3A_440 = arith.constant 6 : i32
        %get3A_441 = arith.index_cast %get3A_440 : i32 to index
        %get3A_442 = arith.constant 0 : index
        %get3A_443 = tpu.vector_load %arg5[%get3A_441, %get3A_442] {strides = array<i32>} : memref<28x16xf32, #tpu.memory_space<vmem>>, vector<1x16xf32>,
        %get3A_444 = vector.shape_cast %get3A_443 : vector<1x16xf32> to vector<16xf32>
        %get3A_445 = arith.constant 5 : i32
        %get3A_446 = arith.index_cast %get3A_445 : i32 to index
        %get3A_447 = arith.constant 0 : index
        %get3A_448 = tpu.vector_load %arg5[%get3A_446, %get3A_447] {strides = array<i32>} : memref<28x16xf32, #tpu.memory_space<vmem>>, vector<1x16xf32>,
        %get3A_449 = vector.shape_cast %get3A_448 : vector<1x16xf32> to vector<16xf32>
        %mul3A_450 = arith.mulf %get3A_449, %get3A_444 : vector<16xf32>
        %get3A_451 = arith.constant 4 : i32
        %get3A_452 = arith.index_cast %get3A_451 : i32 to index
        %get3A_453 = arith.constant 0 : index
        %get3A_454 = tpu.vector_load %arg5[%get3A_452, %get3A_453] {strides = array<i32>} : memref<28x16xf32, #tpu.memory_space<vmem>>, vector<1x16xf32>,
        %get3A_455 = vector.shape_cast %get3A_454 : vector<1x16xf32> to vector<16xf32>
        %mul3A_456 = arith.mulf %get3A_455, %mul3A_450 : vector<16xf32>
        %get3A_457 = arith.constant 3 : i32
        %get3A_458 = arith.index_cast %get3A_457 : i32 to index
        %get3A_459 = arith.constant 0 : index
        %get3A_460 = tpu.vector_load %arg5[%get3A_458, %get3A_459] {strides = array<i32>} : memref<28x16xf32, #tpu.memory_space<vmem>>, vector<1x16xf32>,
        %get3A_461 = vector.shape_cast %get3A_460 : vector<1x16xf32> to vector<16xf32>
        %mul3A_462 = arith.mulf %get3A_461, %mul3A_456 : vector<16xf32>
        %get3A_463 = arith.constant 2 : i32
        %get3A_464 = arith.index_cast %get3A_463 : i32 to index
        %get3A_465 = arith.constant 0 : index
        %get3A_466 = tpu.vector_load %arg5[%get3A_464, %get3A_465] {strides = array<i32>} : memref<28x16xf32, #tpu.memory_space<vmem>>, vector<1x16xf32>,
        %get3A_467 = vector.shape_cast %get3A_466 : vector<1x16xf32> to vector<16xf32>
        %mul3A_468 = arith.mulf %get3A_467, %mul3A_462 : vector<16xf32>
        %get3A_469 = arith.constant 1 : i32
        %get3A_470 = arith.index_cast %get3A_469 : i32 to index
        %get3A_471 = arith.constant 0 : index
        %get3A_472 = tpu.vector_load %arg5[%get3A_470, %get3A_471] {strides = array<i32>} : memref<28x16xf32, #tpu.memory_space<vmem>>, vector<1x16xf32>,
        %get3A_473 = vector.shape_cast %get3A_472 : vector<1x16xf32> to vector<16xf32>
        %mul3A_474 = arith.mulf %get3A_473, %mul3A_468 : vector<16xf32>
        %get3A_475 = arith.constant 0 : i32
        %get3A_476 = arith.index_cast %get3A_475 : i32 to index
        %get3A_477 = arith.constant 0 : index
        %get3A_478 = tpu.vector_load %arg5[%get3A_476, %get3A_477] {strides = array<i32>} : memref<28x16xf32, #tpu.memory_space<vmem>>, vector<1x16xf32>,
        %get3A_479 = vector.shape_cast %get3A_478 : vector<1x16xf32> to vector<16xf32>
        %mul3A_480 = arith.mulf %get3A_479, %mul3A_474 : vector<16xf32>
        %get3A_481 = arith.constant 13 : i32
        %get3A_482 = arith.index_cast %get3A_481 : i32 to index
        %get3A_483 = arith.constant 0 : index
        %get3A_484 = tpu.vector_load %arg5[%get3A_482, %get3A_483] {strides = array<i32>} : memref<28x16xf32, #tpu.memory_space<vmem>>, vector<1x16xf32>,
        %get3A_485 = vector.shape_cast %get3A_484 : vector<1x16xf32> to vector<16xf32>
        %get3A_486 = arith.constant 12 : i32
        %get3A_487 = arith.index_cast %get3A_486 : i32 to index
        %get3A_488 = arith.constant 0 : index
        %get3A_489 = tpu.vector_load %arg5[%get3A_487, %get3A_488] {strides = array<i32>} : memref<28x16xf32, #tpu.memory_space<vmem>>, vector<1x16xf32>,
        %get3A_490 = vector.shape_cast %get3A_489 : vector<1x16xf32> to vector<16xf32>
        %mul3A_491 = arith.mulf %get3A_490, %get3A_485 : vector<16xf32>
        %get3A_492 = arith.constant 11 : i32
        %get3A_493 = arith.index_cast %get3A_492 : i32 to index
        %get3A_494 = arith.constant 0 : index
        %get3A_495 = tpu.vector_load %arg5[%get3A_493, %get3A_494] {strides = array<i32>} : memref<28x16xf32, #tpu.memory_space<vmem>>, vector<1x16xf32>,
        %get3A_496 = vector.shape_cast %get3A_495 : vector<1x16xf32> to vector<16xf32>
        %mul3A_497 = arith.mulf %get3A_496, %mul3A_491 : vector<16xf32>
        %get3A_498 = arith.constant 10 : i32
        %get3A_499 = arith.index_cast %get3A_498 : i32 to index
        %get3A_500 = arith.constant 0 : index
        %get3A_501 = tpu.vector_load %arg5[%get3A_499, %get3A_500] {strides = array<i32>} : memref<28x16xf32, #tpu.memory_space<vmem>>, vector<1x16xf32>,
        %get3A_502 = vector.shape_cast %get3A_501 : vector<1x16xf32> to vector<16xf32>
        %mul3A_503 = arith.mulf %get3A_502, %mul3A_497 : vector<16xf32>
        %get3A_504 = arith.constant 9 : i32
        %get3A_505 = arith.index_cast %get3A_504 : i32 to index
        %get3A_506 = arith.constant 0 : index
        %get3A_507 = tpu.vector_load %arg5[%get3A_505, %get3A_506] {strides = array<i32>} : memref<28x16xf32, #tpu.memory_space<vmem>>, vector<1x16xf32>,
        %get3A_508 = vector.shape_cast %get3A_507 : vector<1x16xf32> to vector<16xf32>
        %mul3A_509 = arith.mulf %get3A_508, %mul3A_503 : vector<16xf32>
        %get3A_510 = arith.constant 8 : i32
        %get3A_511 = arith.index_cast %get3A_510 : i32 to index
        %get3A_512 = arith.constant 0 : index
        %get3A_513 = tpu.vector_load %arg5[%get3A_511, %get3A_512] {strides = array<i32>} : memref<28x16xf32, #tpu.memory_space<vmem>>, vector<1x16xf32>,
        %get3A_514 = vector.shape_cast %get3A_513 : vector<1x16xf32> to vector<16xf32>
        %mul3A_515 = arith.mulf %get3A_514, %mul3A_509 : vector<16xf32>
        %get3A_516 = arith.constant 7 : i32
        %get3A_517 = arith.index_cast %get3A_516 : i32 to index
        %get3A_518 = arith.constant 0 : index
        %get3A_519 = tpu.vector_load %arg5[%get3A_517, %get3A_518] {strides = array<i32>} : memref<28x16xf32, #tpu.memory_space<vmem>>, vector<1x16xf32>,
        %get3A_520 = vector.shape_cast %get3A_519 : vector<1x16xf32> to vector<16xf32>
        %mul3A_521 = arith.mulf %get3A_520, %mul3A_515 : vector<16xf32>
        %get3A_522 = arith.constant 20 : i32
        %get3A_523 = arith.index_cast %get3A_522 : i32 to index
        %get3A_524 = arith.constant 0 : index
        %get3A_525 = tpu.vector_load %arg5[%get3A_523, %get3A_524] {strides = array<i32>} : memref<28x16xf32, #tpu.memory_space<vmem>>, vector<1x16xf32>,
        %get3A_526 = vector.shape_cast %get3A_525 : vector<1x16xf32> to vector<16xf32>
        %get3A_527 = arith.constant 19 : i32
        %get3A_528 = arith.index_cast %get3A_527 : i32 to index
        %get3A_529 = arith.constant 0 : index
        %get3A_530 = tpu.vector_load %arg5[%get3A_528, %get3A_529] {strides = array<i32>} : memref<28x16xf32, #tpu.memory_space<vmem>>, vector<1x16xf32>,
        %get3A_531 = vector.shape_cast %get3A_530 : vector<1x16xf32> to vector<16xf32>
        %mul3A_532 = arith.mulf %get3A_531, %get3A_526 : vector<16xf32>
        %get3A_533 = arith.constant 18 : i32
        %get3A_534 = arith.index_cast %get3A_533 : i32 to index
        %get3A_535 = arith.constant 0 : index
        %get3A_536 = tpu.vector_load %arg5[%get3A_534, %get3A_535] {strides = array<i32>} : memref<28x16xf32, #tpu.memory_space<vmem>>, vector<1x16xf32>,
        %get3A_537 = vector.shape_cast %get3A_536 : vector<1x16xf32> to vector<16xf32>
        %mul3A_538 = arith.mulf %get3A_537, %mul3A_532 : vector<16xf32>
        %get3A_539 = arith.constant 17 : i32
        %get3A_540 = arith.index_cast %get3A_539 : i32 to index
        %get3A_541 = arith.constant 0 : index
        %get3A_542 = tpu.vector_load %arg5[%get3A_540, %get3A_541] {strides = array<i32>} : memref<28x16xf32, #tpu.memory_space<vmem>>, vector<1x16xf32>,
        %get3A_543 = vector.shape_cast %get3A_542 : vector<1x16xf32> to vector<16xf32>
        %mul3A_544 = arith.mulf %get3A_543, %mul3A_538 : vector<16xf32>
        %get3A_545 = arith.constant 16 : i32
        %get3A_546 = arith.index_cast %get3A_545 : i32 to index
        %get3A_547 = arith.constant 0 : index
        %get3A_548 = tpu.vector_load %arg5[%get3A_546, %get3A_547] {strides = array<i32>} : memref<28x16xf32, #tpu.memory_space<vmem>>, vector<1x16xf32>,
        %get3A_549 = vector.shape_cast %get3A_548 : vector<1x16xf32> to vector<16xf32>
        %mul3A_550 = arith.mulf %get3A_549, %mul3A_544 : vector<16xf32>
        %get3A_551 = arith.constant 15 : i32
        %get3A_552 = arith.index_cast %get3A_551 : i32 to index
        %get3A_553 = arith.constant 0 : index
        %get3A_554 = tpu.vector_load %arg5[%get3A_552, %get3A_553] {strides = array<i32>} : memref<28x16xf32, #tpu.memory_space<vmem>>, vector<1x16xf32>,
        %get3A_555 = vector.shape_cast %get3A_554 : vector<1x16xf32> to vector<16xf32>
        %mul3A_556 = arith.mulf %get3A_555, %mul3A_550 : vector<16xf32>
        %get3A_557 = arith.constant 14 : i32
        %get3A_558 = arith.index_cast %get3A_557 : i32 to index
        %get3A_559 = arith.constant 0 : index
        %get3A_560 = tpu.vector_load %arg5[%get3A_558, %get3A_559] {strides = array<i32>} : memref<28x16xf32, #tpu.memory_space<vmem>>, vector<1x16xf32>,
        %get3A_561 = vector.shape_cast %get3A_560 : vector<1x16xf32> to vector<16xf32>
        %mul3A_562 = arith.mulf %get3A_561, %mul3A_556 : vector<16xf32>
        %get3A_563 = arith.constant 27 : i32
        %get3A_564 = arith.index_cast %get3A_563 : i32 to index
        %get3A_565 = arith.constant 0 : index
        %get3A_566 = tpu.vector_load %arg5[%get3A_564, %get3A_565] {strides = array<i32>} : memref<28x16xf32, #tpu.memory_space<vmem>>, vector<1x16xf32>,
        %get3A_567 = vector.shape_cast %get3A_566 : vector<1x16xf32> to vector<16xf32>
        %get3A_568 = arith.constant 26 : i32
        %get3A_569 = arith.index_cast %get3A_568 : i32 to index
        %get3A_570 = arith.constant 0 : index
        %get3A_571 = tpu.vector_load %arg5[%get3A_569, %get3A_570] {strides = array<i32>} : memref<28x16xf32, #tpu.memory_space<vmem>>, vector<1x16xf32>,
        %get3A_572 = vector.shape_cast %get3A_571 : vector<1x16xf32> to vector<16xf32>
        %mul3A_573 = arith.mulf %get3A_572, %get3A_567 : vector<16xf32>
        %get3A_574 = arith.constant 25 : i32
        %get3A_575 = arith.index_cast %get3A_574 : i32 to index
        %get3A_576 = arith.constant 0 : index
        %get3A_577 = tpu.vector_load %arg5[%get3A_575, %get3A_576] {strides = array<i32>} : memref<28x16xf32, #tpu.memory_space<vmem>>, vector<1x16xf32>,
        %get3A_578 = vector.shape_cast %get3A_577 : vector<1x16xf32> to vector<16xf32>
        %mul3A_579 = arith.mulf %get3A_578, %mul3A_573 : vector<16xf32>
        %get3A_580 = arith.constant 24 : i32
        %get3A_581 = arith.index_cast %get3A_580 : i32 to index
        %get3A_582 = arith.constant 0 : index
        %get3A_583 = tpu.vector_load %arg5[%get3A_581, %get3A_582] {strides = array<i32>} : memref<28x16xf32, #tpu.memory_space<vmem>>, vector<1x16xf32>,
        %get3A_584 = vector.shape_cast %get3A_583 : vector<1x16xf32> to vector<16xf32>
        %mul3A_585 = arith.mulf %get3A_584, %mul3A_579 : vector<16xf32>
        %get3A_586 = arith.constant 23 : i32
        %get3A_587 = arith.index_cast %get3A_586 : i32 to index
        %get3A_588 = arith.constant 0 : index
        %get3A_589 = tpu.vector_load %arg5[%get3A_587, %get3A_588] {strides = array<i32>} : memref<28x16xf32, #tpu.memory_space<vmem>>, vector<1x16xf32>,
        %get3A_590 = vector.shape_cast %get3A_589 : vector<1x16xf32> to vector<16xf32>
        %mul3A_591 = arith.mulf %get3A_590, %mul3A_585 : vector<16xf32>
        %get3A_592 = arith.constant 22 : i32
        %get3A_593 = arith.index_cast %get3A_592 : i32 to index
        %get3A_594 = arith.constant 0 : index
        %get3A_595 = tpu.vector_load %arg5[%get3A_593, %get3A_594] {strides = array<i32>} : memref<28x16xf32, #tpu.memory_space<vmem>>, vector<1x16xf32>,
        %get3A_596 = vector.shape_cast %get3A_595 : vector<1x16xf32> to vector<16xf32>
        %mul3A_597 = arith.mulf %get3A_596, %mul3A_591 : vector<16xf32>
        %get3A_598 = arith.constant 21 : i32
        %get3A_599 = arith.index_cast %get3A_598 : i32 to index
        %get3A_600 = arith.constant 0 : index
        %get3A_601 = tpu.vector_load %arg5[%get3A_599, %get3A_600] {strides = array<i32>} : memref<28x16xf32, #tpu.memory_space<vmem>>, vector<1x16xf32>,
        %get3A_602 = vector.shape_cast %get3A_601 : vector<1x16xf32> to vector<16xf32>
        %mul3A_603 = arith.mulf %get3A_602, %mul3A_597 : vector<16xf32>
        %mul3A_604 = arith.mulf %sign3A_28, %mul3A_480 : vector<16xf32>
        %exp3A_605 = math.exp %mul3A_604 : vector<16xf32>
        %sub3A_606 = arith.constant 1.000000e+00 : f32
        %sub3A_607 = vector.broadcast %sub3A_606 : f32 to vector<16xf32>
        %sub3A_608 = arith.subf %exp3A_605, %sub3A_607 : vector<16xf32>
        %add3A_609 = arith.constant 1.000000e+00 : f32
        %add3A_610 = vector.broadcast %add3A_609 : f32 to vector<16xf32>
        %add3A_611 = arith.addf %exp3A_605, %add3A_610 : vector<16xf32>
        %div3A_612 = arith.divf %sub3A_608, %add3A_611 : vector<16xf32>
        %mul3A_613 = vector.broadcast %squeeze3A : f32 to vector<16xf32>
        %mul3A_614 = arith.mulf %mul3A_613, %div3A_612 : vector<16xf32>
        %add3A_615 = vector.broadcast %sub3A_277 : f32 to vector<16xf32>
        %add3A_616 = arith.addf %mul3A_614, %add3A_615 : vector<16xf32>
        %swap3A_617 = arith.constant 0 : i32
        %swap3A_618 = arith.index_cast %swap3A_617 : i32 to index
        %swap3A_619 = arith.constant 0 : index
        %swap3A_620 = tpu.vector_load %arg5[%swap3A_618, %swap3A_619] {strides = array<i32>} : memref<28x16xf32, #tpu.memory_space<vmem>>, vector<1x16xf32>,
        %swap3A_621 = vector.shape_cast %swap3A_620 : vector<1x16xf32> to vector<16xf32>
        %swap3A_622 = vector.shape_cast %add3A_616 : vector<16xf32> to vector<1x16xf32>
        tpu.vector_store %arg5[%swap3A_618, %swap3A_619], %swap3A_622 {strides = array<i32>} : memref<28x16xf32, #tpu.memory_space<vmem>>, vector<1x16xf32>,
        %mul3A_623 = arith.mulf %sign3A_46, %mul3A_521 : vector<16xf32>
        %exp3A_624 = math.exp %mul3A_623 : vector<16xf32>
        %sub3A_625 = arith.constant 1.000000e+00 : f32
        %sub3A_626 = vector.broadcast %sub3A_625 : f32 to vector<16xf32>
        %sub3A_627 = arith.subf %exp3A_624, %sub3A_626 : vector<16xf32>
        %add3A_628 = arith.constant 1.000000e+00 : f32
        %add3A_629 = vector.broadcast %add3A_628 : f32 to vector<16xf32>
        %add3A_630 = arith.addf %exp3A_624, %add3A_629 : vector<16xf32>
        %div3A_631 = arith.divf %sub3A_627, %add3A_630 : vector<16xf32>
        %mul3A_632 = vector.broadcast %squeeze3A_136 : f32 to vector<16xf32>
        %mul3A_633 = arith.mulf %mul3A_632, %div3A_631 : vector<16xf32>
        %add3A_634 = vector.broadcast %sub3A_291 : f32 to vector<16xf32>
        %add3A_635 = arith.addf %mul3A_633, %add3A_634 : vector<16xf32>
        %swap3A_636 = arith.constant 7 : i32
        %swap3A_637 = arith.index_cast %swap3A_636 : i32 to index
        %swap3A_638 = arith.constant 0 : index
        %swap3A_639 = tpu.vector_load %arg5[%swap3A_637, %swap3A_638] {strides = array<i32>} : memref<28x16xf32, #tpu.memory_space<vmem>>, vector<1x16xf32>,
        %swap3A_640 = vector.shape_cast %swap3A_639 : vector<1x16xf32> to vector<16xf32>
        %swap3A_641 = vector.shape_cast %add3A_635 : vector<16xf32> to vector<1x16xf32>
        tpu.vector_store %arg5[%swap3A_637, %swap3A_638], %swap3A_641 {strides = array<i32>} : memref<28x16xf32, #tpu.memory_space<vmem>>, vector<1x16xf32>,
        %mul3A_642 = arith.mulf %sign3A_64, %mul3A_562 : vector<16xf32>
        %exp3A_643 = math.exp %mul3A_642 : vector<16xf32>
        %sub3A_644 = arith.constant 1.000000e+00 : f32
        %sub3A_645 = vector.broadcast %sub3A_644 : f32 to vector<16xf32>
        %sub3A_646 = arith.subf %exp3A_643, %sub3A_645 : vector<16xf32>
        %add3A_647 = arith.constant 1.000000e+00 : f32
        %add3A_648 = vector.broadcast %add3A_647 : f32 to vector<16xf32>
        %add3A_649 = arith.addf %exp3A_643, %add3A_648 : vector<16xf32>
        %div3A_650 = arith.divf %sub3A_646, %add3A_649 : vector<16xf32>
        %mul3A_651 = vector.broadcast %squeeze3A_185 : f32 to vector<16xf32>
        %mul3A_652 = arith.mulf %mul3A_651, %div3A_650 : vector<16xf32>
        %add3A_653 = vector.broadcast %sub3A_305 : f32 to vector<16xf32>
        %add3A_654 = arith.addf %mul3A_652, %add3A_653 : vector<16xf32>
        %swap3A_655 = arith.constant 14 : i32
        %swap3A_656 = arith.index_cast %swap3A_655 : i32 to index
        %swap3A_657 = arith.constant 0 : index
        %swap3A_658 = tpu.vector_load %arg5[%swap3A_656, %swap3A_657] {strides = array<i32>} : memref<28x16xf32, #tpu.memory_space<vmem>>, vector<1x16xf32>,
        %swap3A_659 = vector.shape_cast %swap3A_658 : vector<1x16xf32> to vector<16xf32>
        %swap3A_660 = vector.shape_cast %add3A_654 : vector<16xf32> to vector<1x16xf32>
        tpu.vector_store %arg5[%swap3A_656, %swap3A_657], %swap3A_660 {strides = array<i32>} : memref<28x16xf32, #tpu.memory_space<vmem>>, vector<1x16xf32>,
        %mul3A_661 = arith.mulf %sign3A_82, %mul3A_603 : vector<16xf32>
        %exp3A_662 = math.exp %mul3A_661 : vector<16xf32>
        %sub3A_663 = arith.constant 1.000000e+00 : f32
        %sub3A_664 = vector.broadcast %sub3A_663 : f32 to vector<16xf32>
        %sub3A_665 = arith.subf %exp3A_662, %sub3A_664 : vector<16xf32>
        %add3A_666 = arith.constant 1.000000e+00 : f32
        %add3A_667 = vector.broadcast %add3A_666 : f32 to vector<16xf32>
        %add3A_668 = arith.addf %exp3A_662, %add3A_667 : vector<16xf32>
        %div3A_669 = arith.divf %sub3A_665, %add3A_668 : vector<16xf32>
        %mul3A_670 = vector.broadcast %squeeze3A_234 : f32 to vector<16xf32>
        %mul3A_671 = arith.mulf %mul3A_670, %div3A_669 : vector<16xf32>
        %add3A_672 = vector.broadcast %sub3A_319 : f32 to vector<16xf32>
        %add3A_673 = arith.addf %mul3A_671, %add3A_672 : vector<16xf32>
        %swap3A_674 = arith.constant 21 : i32
        %swap3A_675 = arith.index_cast %swap3A_674 : i32 to index
        %swap3A_676 = arith.constant 0 : index
        %swap3A_677 = tpu.vector_load %arg5[%swap3A_675, %swap3A_676] {strides = array<i32>} : memref<28x16xf32, #tpu.memory_space<vmem>>, vector<1x16xf32>,
        %swap3A_678 = vector.shape_cast %swap3A_677 : vector<1x16xf32> to vector<16xf32>
        %swap3A_679 = vector.shape_cast %add3A_673 : vector<16xf32> to vector<1x16xf32>
        tpu.vector_store %arg5[%swap3A_675, %swap3A_676], %swap3A_679 {strides = array<i32>} : memref<28x16xf32, #tpu.memory_space<vmem>>, vector<1x16xf32>,
        %mul3A_680 = arith.mulf %add3A_616, %mul3A_474 : vector<16xf32>
        %mul3A_681 = arith.mulf %sign3A_28, %mul3A_680 : vector<16xf32>
        %exp3A_682 = math.exp %mul3A_681 : vector<16xf32>
        %sub3A_683 = arith.constant 1.000000e+00 : f32
        %sub3A_684 = vector.broadcast %sub3A_683 : f32 to vector<16xf32>
        %sub3A_685 = arith.subf %exp3A_682, %sub3A_684 : vector<16xf32>
        %add3A_686 = arith.constant 1.000000e+00 : f32
        %add3A_687 = vector.broadcast %add3A_686 : f32 to vector<16xf32>
        %add3A_688 = arith.addf %exp3A_682, %add3A_687 : vector<16xf32>
        %div3A_689 = arith.divf %sub3A_685, %add3A_688 : vector<16xf32>
        %mul3A_690 = vector.broadcast %squeeze3A_94 : f32 to vector<16xf32>
        %mul3A_691 = arith.mulf %mul3A_690, %div3A_689 : vector<16xf32>
        %add3A_692 = vector.broadcast %sub3A_279 : f32 to vector<16xf32>
        %add3A_693 = arith.addf %mul3A_691, %add3A_692 : vector<16xf32>
        %swap3A_694 = arith.constant 1 : i32
        %swap3A_695 = arith.index_cast %swap3A_694 : i32 to index
        %swap3A_696 = arith.constant 0 : index
        %swap3A_697 = tpu.vector_load %arg5[%swap3A_695, %swap3A_696] {strides = array<i32>} : memref<28x16xf32, #tpu.memory_space<vmem>>, vector<1x16xf32>,
        %swap3A_698 = vector.shape_cast %swap3A_697 : vector<1x16xf32> to vector<16xf32>
        %swap3A_699 = vector.shape_cast %add3A_693 : vector<16xf32> to vector<1x16xf32>
        tpu.vector_store %arg5[%swap3A_695, %swap3A_696], %swap3A_699 {strides = array<i32>} : memref<28x16xf32, #tpu.memory_space<vmem>>, vector<1x16xf32>,
        %mul3A_700 = arith.mulf %add3A_616, %add3A_693 : vector<16xf32>
        %mul3A_701 = arith.mulf %add3A_635, %mul3A_515 : vector<16xf32>
        %mul3A_702 = arith.mulf %sign3A_46, %mul3A_701 : vector<16xf32>
        %exp3A_703 = math.exp %mul3A_702 : vector<16xf32>
        %sub3A_704 = arith.constant 1.000000e+00 : f32
        %sub3A_705 = vector.broadcast %sub3A_704 : f32 to vector<16xf32>
        %sub3A_706 = arith.subf %exp3A_703, %sub3A_705 : vector<16xf32>
        %add3A_707 = arith.constant 1.000000e+00 : f32
        %add3A_708 = vector.broadcast %add3A_707 : f32 to vector<16xf32>
        %add3A_709 = arith.addf %exp3A_703, %add3A_708 : vector<16xf32>
        %div3A_710 = arith.divf %sub3A_706, %add3A_709 : vector<16xf32>
        %mul3A_711 = vector.broadcast %squeeze3A_143 : f32 to vector<16xf32>
        %mul3A_712 = arith.mulf %mul3A_711, %div3A_710 : vector<16xf32>
        %add3A_713 = vector.broadcast %sub3A_293 : f32 to vector<16xf32>
        %add3A_714 = arith.addf %mul3A_712, %add3A_713 : vector<16xf32>
        %swap3A_715 = arith.constant 8 : i32
        %swap3A_716 = arith.index_cast %swap3A_715 : i32 to index
        %swap3A_717 = arith.constant 0 : index
        %swap3A_718 = tpu.vector_load %arg5[%swap3A_716, %swap3A_717] {strides = array<i32>} : memref<28x16xf32, #tpu.memory_space<vmem>>, vector<1x16xf32>,
        %swap3A_719 = vector.shape_cast %swap3A_718 : vector<1x16xf32> to vector<16xf32>
        %swap3A_720 = vector.shape_cast %add3A_714 : vector<16xf32> to vector<1x16xf32>
        tpu.vector_store %arg5[%swap3A_716, %swap3A_717], %swap3A_720 {strides = array<i32>} : memref<28x16xf32, #tpu.memory_space<vmem>>, vector<1x16xf32>,
        %mul3A_721 = arith.mulf %add3A_635, %add3A_714 : vector<16xf32>
        %mul3A_722 = arith.mulf %add3A_654, %mul3A_556 : vector<16xf32>
        %mul3A_723 = arith.mulf %sign3A_64, %mul3A_722 : vector<16xf32>
        %exp3A_724 = math.exp %mul3A_723 : vector<16xf32>
        %sub3A_725 = arith.constant 1.000000e+00 : f32
        %sub3A_726 = vector.broadcast %sub3A_725 : f32 to vector<16xf32>
        %sub3A_727 = arith.subf %exp3A_724, %sub3A_726 : vector<16xf32>
        %add3A_728 = arith.constant 1.000000e+00 : f32
        %add3A_729 = vector.broadcast %add3A_728 : f32 to vector<16xf32>
        %add3A_730 = arith.addf %exp3A_724, %add3A_729 : vector<16xf32>
        %div3A_731 = arith.divf %sub3A_727, %add3A_730 : vector<16xf32>
        %mul3A_732 = vector.broadcast %squeeze3A_192 : f32 to vector<16xf32>
        %mul3A_733 = arith.mulf %mul3A_732, %div3A_731 : vector<16xf32>
        %add3A_734 = vector.broadcast %sub3A_307 : f32 to vector<16xf32>
        %add3A_735 = arith.addf %mul3A_733, %add3A_734 : vector<16xf32>
        %swap3A_736 = arith.constant 15 : i32
        %swap3A_737 = arith.index_cast %swap3A_736 : i32 to index
        %swap3A_738 = arith.constant 0 : index
        %swap3A_739 = tpu.vector_load %arg5[%swap3A_737, %swap3A_738] {strides = array<i32>} : memref<28x16xf32, #tpu.memory_space<vmem>>, vector<1x16xf32>,
        %swap3A_740 = vector.shape_cast %swap3A_739 : vector<1x16xf32> to vector<16xf32>
        %swap3A_741 = vector.shape_cast %add3A_735 : vector<16xf32> to vector<1x16xf32>
        tpu.vector_store %arg5[%swap3A_737, %swap3A_738], %swap3A_741 {strides = array<i32>} : memref<28x16xf32, #tpu.memory_space<vmem>>, vector<1x16xf32>,
        %mul3A_742 = arith.mulf %add3A_654, %add3A_735 : vector<16xf32>
        %mul3A_743 = arith.mulf %add3A_673, %mul3A_597 : vector<16xf32>
        %mul3A_744 = arith.mulf %sign3A_82, %mul3A_743 : vector<16xf32>
        %exp3A_745 = math.exp %mul3A_744 : vector<16xf32>
        %sub3A_746 = arith.constant 1.000000e+00 : f32
        %sub3A_747 = vector.broadcast %sub3A_746 : f32 to vector<16xf32>
        %sub3A_748 = arith.subf %exp3A_745, %sub3A_747 : vector<16xf32>
        %add3A_749 = arith.constant 1.000000e+00 : f32
        %add3A_750 = vector.broadcast %add3A_749 : f32 to vector<16xf32>
        %add3A_751 = arith.addf %exp3A_745, %add3A_750 : vector<16xf32>
        %div3A_752 = arith.divf %sub3A_748, %add3A_751 : vector<16xf32>
        %mul3A_753 = vector.broadcast %squeeze3A_241 : f32 to vector<16xf32>
        %mul3A_754 = arith.mulf %mul3A_753, %div3A_752 : vector<16xf32>
        %add3A_755 = vector.broadcast %sub3A_321 : f32 to vector<16xf32>
        %add3A_756 = arith.addf %mul3A_754, %add3A_755 : vector<16xf32>
        %swap3A_757 = arith.constant 22 : i32
        %swap3A_758 = arith.index_cast %swap3A_757 : i32 to index
        %swap3A_759 = arith.constant 0 : index
        %swap3A_760 = tpu.vector_load %arg5[%swap3A_758, %swap3A_759] {strides = array<i32>} : memref<28x16xf32, #tpu.memory_space<vmem>>, vector<1x16xf32>,
        %swap3A_761 = vector.shape_cast %swap3A_760 : vector<1x16xf32> to vector<16xf32>
        %swap3A_762 = vector.shape_cast %add3A_756 : vector<16xf32> to vector<1x16xf32>
        tpu.vector_store %arg5[%swap3A_758, %swap3A_759], %swap3A_762 {strides = array<i32>} : memref<28x16xf32, #tpu.memory_space<vmem>>, vector<1x16xf32>,
        %mul3A_763 = arith.mulf %add3A_673, %add3A_756 : vector<16xf32>
        %mul3A_764 = arith.mulf %mul3A_700, %mul3A_468 : vector<16xf32>
        %mul3A_765 = arith.mulf %sign3A_28, %mul3A_764 : vector<16xf32>
        %exp3A_766 = math.exp %mul3A_765 : vector<16xf32>
        %sub3A_767 = arith.constant 1.000000e+00 : f32
        %sub3A_768 = vector.broadcast %sub3A_767 : f32 to vector<16xf32>
        %sub3A_769 = arith.subf %exp3A_766, %sub3A_768 : vector<16xf32>
        %add3A_770 = arith.constant 1.000000e+00 : f32
        %add3A_771 = vector.broadcast %add3A_770 : f32 to vector<16xf32>
        %add3A_772 = arith.addf %exp3A_766, %add3A_771 : vector<16xf32>
        %div3A_773 = arith.divf %sub3A_769, %add3A_772 : vector<16xf32>
        %mul3A_774 = vector.broadcast %squeeze3A_101 : f32 to vector<16xf32>
        %mul3A_775 = arith.mulf %mul3A_774, %div3A_773 : vector<16xf32>
        %add3A_776 = vector.broadcast %sub3A_281 : f32 to vector<16xf32>
        %add3A_777 = arith.addf %mul3A_775, %add3A_776 : vector<16xf32>
        %swap3A_778 = arith.constant 2 : i32
        %swap3A_779 = arith.index_cast %swap3A_778 : i32 to index
        %swap3A_780 = arith.constant 0 : index
        %swap3A_781 = tpu.vector_load %arg5[%swap3A_779, %swap3A_780] {strides = array<i32>} : memref<28x16xf32, #tpu.memory_space<vmem>>, vector<1x16xf32>,
        %swap3A_782 = vector.shape_cast %swap3A_781 : vector<1x16xf32> to vector<16xf32>
        %swap3A_783 = vector.shape_cast %add3A_777 : vector<16xf32> to vector<1x16xf32>
        tpu.vector_store %arg5[%swap3A_779, %swap3A_780], %swap3A_783 {strides = array<i32>} : memref<28x16xf32, #tpu.memory_space<vmem>>, vector<1x16xf32>,
        %mul3A_784 = arith.mulf %mul3A_700, %add3A_777 : vector<16xf32>
        %mul3A_785 = arith.mulf %mul3A_721, %mul3A_509 : vector<16xf32>
        %mul3A_786 = arith.mulf %sign3A_46, %mul3A_785 : vector<16xf32>
        %exp3A_787 = math.exp %mul3A_786 : vector<16xf32>
        %sub3A_788 = arith.constant 1.000000e+00 : f32
        %sub3A_789 = vector.broadcast %sub3A_788 : f32 to vector<16xf32>
        %sub3A_790 = arith.subf %exp3A_787, %sub3A_789 : vector<16xf32>
        %add3A_791 = arith.constant 1.000000e+00 : f32
        %add3A_792 = vector.broadcast %add3A_791 : f32 to vector<16xf32>
        %add3A_793 = arith.addf %exp3A_787, %add3A_792 : vector<16xf32>
        %div3A_794 = arith.divf %sub3A_790, %add3A_793 : vector<16xf32>
        %mul3A_795 = vector.broadcast %squeeze3A_150 : f32 to vector<16xf32>
        %mul3A_796 = arith.mulf %mul3A_795, %div3A_794 : vector<16xf32>
        %add3A_797 = vector.broadcast %sub3A_295 : f32 to vector<16xf32>
        %add3A_798 = arith.addf %mul3A_796, %add3A_797 : vector<16xf32>
        %swap3A_799 = arith.constant 9 : i32
        %swap3A_800 = arith.index_cast %swap3A_799 : i32 to index
        %swap3A_801 = arith.constant 0 : index
        %swap3A_802 = tpu.vector_load %arg5[%swap3A_800, %swap3A_801] {strides = array<i32>} : memref<28x16xf32, #tpu.memory_space<vmem>>, vector<1x16xf32>,
        %swap3A_803 = vector.shape_cast %swap3A_802 : vector<1x16xf32> to vector<16xf32>
        %swap3A_804 = vector.shape_cast %add3A_798 : vector<16xf32> to vector<1x16xf32>
        tpu.vector_store %arg5[%swap3A_800, %swap3A_801], %swap3A_804 {strides = array<i32>} : memref<28x16xf32, #tpu.memory_space<vmem>>, vector<1x16xf32>,
        %mul3A_805 = arith.mulf %mul3A_721, %add3A_798 : vector<16xf32>
        %mul3A_806 = arith.mulf %mul3A_742, %mul3A_550 : vector<16xf32>
        %mul3A_807 = arith.mulf %sign3A_64, %mul3A_806 : vector<16xf32>
        %exp3A_808 = math.exp %mul3A_807 : vector<16xf32>
        %sub3A_809 = arith.constant 1.000000e+00 : f32
        %sub3A_810 = vector.broadcast %sub3A_809 : f32 to vector<16xf32>
        %sub3A_811 = arith.subf %exp3A_808, %sub3A_810 : vector<16xf32>
        %add3A_812 = arith.constant 1.000000e+00 : f32
        %add3A_813 = vector.broadcast %add3A_812 : f32 to vector<16xf32>
        %add3A_814 = arith.addf %exp3A_808, %add3A_813 : vector<16xf32>
        %div3A_815 = arith.divf %sub3A_811, %add3A_814 : vector<16xf32>
        %mul3A_816 = vector.broadcast %squeeze3A_199 : f32 to vector<16xf32>
        %mul3A_817 = arith.mulf %mul3A_816, %div3A_815 : vector<16xf32>
        %add3A_818 = vector.broadcast %sub3A_309 : f32 to vector<16xf32>
        %add3A_819 = arith.addf %mul3A_817, %add3A_818 : vector<16xf32>
        %swap3A_820 = arith.constant 16 : i32
        %swap3A_821 = arith.index_cast %swap3A_820 : i32 to index
        %swap3A_822 = arith.constant 0 : index
        %swap3A_823 = tpu.vector_load %arg5[%swap3A_821, %swap3A_822] {strides = array<i32>} : memref<28x16xf32, #tpu.memory_space<vmem>>, vector<1x16xf32>,
        %swap3A_824 = vector.shape_cast %swap3A_823 : vector<1x16xf32> to vector<16xf32>
        %swap3A_825 = vector.shape_cast %add3A_819 : vector<16xf32> to vector<1x16xf32>
        tpu.vector_store %arg5[%swap3A_821, %swap3A_822], %swap3A_825 {strides = array<i32>} : memref<28x16xf32, #tpu.memory_space<vmem>>, vector<1x16xf32>,
        %mul3A_826 = arith.mulf %mul3A_742, %add3A_819 : vector<16xf32>
        %mul3A_827 = arith.mulf %mul3A_763, %mul3A_591 : vector<16xf32>
        %mul3A_828 = arith.mulf %sign3A_82, %mul3A_827 : vector<16xf32>
        %exp3A_829 = math.exp %mul3A_828 : vector<16xf32>
        %sub3A_830 = arith.constant 1.000000e+00 : f32
        %sub3A_831 = vector.broadcast %sub3A_830 : f32 to vector<16xf32>
        %sub3A_832 = arith.subf %exp3A_829, %sub3A_831 : vector<16xf32>
        %add3A_833 = arith.constant 1.000000e+00 : f32
        %add3A_834 = vector.broadcast %add3A_833 : f32 to vector<16xf32>
        %add3A_835 = arith.addf %exp3A_829, %add3A_834 : vector<16xf32>
        %div3A_836 = arith.divf %sub3A_832, %add3A_835 : vector<16xf32>
        %mul3A_837 = vector.broadcast %squeeze3A_248 : f32 to vector<16xf32>
        %mul3A_838 = arith.mulf %mul3A_837, %div3A_836 : vector<16xf32>
        %add3A_839 = vector.broadcast %sub3A_323 : f32 to vector<16xf32>
        %add3A_840 = arith.addf %mul3A_838, %add3A_839 : vector<16xf32>
        %swap3A_841 = arith.constant 23 : i32
        %swap3A_842 = arith.index_cast %swap3A_841 : i32 to index
        %swap3A_843 = arith.constant 0 : index
        %swap3A_844 = tpu.vector_load %arg5[%swap3A_842, %swap3A_843] {strides = array<i32>} : memref<28x16xf32, #tpu.memory_space<vmem>>, vector<1x16xf32>,
        %swap3A_845 = vector.shape_cast %swap3A_844 : vector<1x16xf32> to vector<16xf32>
        %swap3A_846 = vector.shape_cast %add3A_840 : vector<16xf32> to vector<1x16xf32>
        tpu.vector_store %arg5[%swap3A_842, %swap3A_843], %swap3A_846 {strides = array<i32>} : memref<28x16xf32, #tpu.memory_space<vmem>>, vector<1x16xf32>,
        %mul3A_847 = arith.mulf %mul3A_763, %add3A_840 : vector<16xf32>
        %mul3A_848 = arith.mulf %mul3A_784, %mul3A_462 : vector<16xf32>
        %mul3A_849 = arith.mulf %sign3A_28, %mul3A_848 : vector<16xf32>
        %exp3A_850 = math.exp %mul3A_849 : vector<16xf32>
        %sub3A_851 = arith.constant 1.000000e+00 : f32
        %sub3A_852 = vector.broadcast %sub3A_851 : f32 to vector<16xf32>
        %sub3A_853 = arith.subf %exp3A_850, %sub3A_852 : vector<16xf32>
        %add3A_854 = arith.constant 1.000000e+00 : f32
        %add3A_855 = vector.broadcast %add3A_854 : f32 to vector<16xf32>
        %add3A_856 = arith.addf %exp3A_850, %add3A_855 : vector<16xf32>
        %div3A_857 = arith.divf %sub3A_853, %add3A_856 : vector<16xf32>
        %mul3A_858 = vector.broadcast %squeeze3A_108 : f32 to vector<16xf32>
        %mul3A_859 = arith.mulf %mul3A_858, %div3A_857 : vector<16xf32>
        %add3A_860 = vector.broadcast %sub3A_283 : f32 to vector<16xf32>
        %add3A_861 = arith.addf %mul3A_859, %add3A_860 : vector<16xf32>
        %swap3A_862 = arith.constant 3 : i32
        %swap3A_863 = arith.index_cast %swap3A_862 : i32 to index
        %swap3A_864 = arith.constant 0 : index
        %swap3A_865 = tpu.vector_load %arg5[%swap3A_863, %swap3A_864] {strides = array<i32>} : memref<28x16xf32, #tpu.memory_space<vmem>>, vector<1x16xf32>,
        %swap3A_866 = vector.shape_cast %swap3A_865 : vector<1x16xf32> to vector<16xf32>
        %swap3A_867 = vector.shape_cast %add3A_861 : vector<16xf32> to vector<1x16xf32>
        tpu.vector_store %arg5[%swap3A_863, %swap3A_864], %swap3A_867 {strides = array<i32>} : memref<28x16xf32, #tpu.memory_space<vmem>>, vector<1x16xf32>,
        %mul3A_868 = arith.mulf %mul3A_784, %add3A_861 : vector<16xf32>
        %mul3A_869 = arith.mulf %mul3A_805, %mul3A_503 : vector<16xf32>
        %mul3A_870 = arith.mulf %sign3A_46, %mul3A_869 : vector<16xf32>
        %exp3A_871 = math.exp %mul3A_870 : vector<16xf32>
        %sub3A_872 = arith.constant 1.000000e+00 : f32
        %sub3A_873 = vector.broadcast %sub3A_872 : f32 to vector<16xf32>
        %sub3A_874 = arith.subf %exp3A_871, %sub3A_873 : vector<16xf32>
        %add3A_875 = arith.constant 1.000000e+00 : f32
        %add3A_876 = vector.broadcast %add3A_875 : f32 to vector<16xf32>
        %add3A_877 = arith.addf %exp3A_871, %add3A_876 : vector<16xf32>
        %div3A_878 = arith.divf %sub3A_874, %add3A_877 : vector<16xf32>
        %mul3A_879 = vector.broadcast %squeeze3A_157 : f32 to vector<16xf32>
        %mul3A_880 = arith.mulf %mul3A_879, %div3A_878 : vector<16xf32>
        %add3A_881 = vector.broadcast %sub3A_297 : f32 to vector<16xf32>
        %add3A_882 = arith.addf %mul3A_880, %add3A_881 : vector<16xf32>
        %swap3A_883 = arith.constant 10 : i32
        %swap3A_884 = arith.index_cast %swap3A_883 : i32 to index
        %swap3A_885 = arith.constant 0 : index
        %swap3A_886 = tpu.vector_load %arg5[%swap3A_884, %swap3A_885] {strides = array<i32>} : memref<28x16xf32, #tpu.memory_space<vmem>>, vector<1x16xf32>,
        %swap3A_887 = vector.shape_cast %swap3A_886 : vector<1x16xf32> to vector<16xf32>
        %swap3A_888 = vector.shape_cast %add3A_882 : vector<16xf32> to vector<1x16xf32>
        tpu.vector_store %arg5[%swap3A_884, %swap3A_885], %swap3A_888 {strides = array<i32>} : memref<28x16xf32, #tpu.memory_space<vmem>>, vector<1x16xf32>,
        %mul3A_889 = arith.mulf %mul3A_805, %add3A_882 : vector<16xf32>
        %mul3A_890 = arith.mulf %mul3A_826, %mul3A_544 : vector<16xf32>
        %mul3A_891 = arith.mulf %sign3A_64, %mul3A_890 : vector<16xf32>
        %exp3A_892 = math.exp %mul3A_891 : vector<16xf32>
        %sub3A_893 = arith.constant 1.000000e+00 : f32
        %sub3A_894 = vector.broadcast %sub3A_893 : f32 to vector<16xf32>
        %sub3A_895 = arith.subf %exp3A_892, %sub3A_894 : vector<16xf32>
        %add3A_896 = arith.constant 1.000000e+00 : f32
        %add3A_897 = vector.broadcast %add3A_896 : f32 to vector<16xf32>
        %add3A_898 = arith.addf %exp3A_892, %add3A_897 : vector<16xf32>
        %div3A_899 = arith.divf %sub3A_895, %add3A_898 : vector<16xf32>
        %mul3A_900 = vector.broadcast %squeeze3A_206 : f32 to vector<16xf32>
        %mul3A_901 = arith.mulf %mul3A_900, %div3A_899 : vector<16xf32>
        %add3A_902 = vector.broadcast %sub3A_311 : f32 to vector<16xf32>
        %add3A_903 = arith.addf %mul3A_901, %add3A_902 : vector<16xf32>
        %swap3A_904 = arith.constant 17 : i32
        %swap3A_905 = arith.index_cast %swap3A_904 : i32 to index
        %swap3A_906 = arith.constant 0 : index
        %swap3A_907 = tpu.vector_load %arg5[%swap3A_905, %swap3A_906] {strides = array<i32>} : memref<28x16xf32, #tpu.memory_space<vmem>>, vector<1x16xf32>,
        %swap3A_908 = vector.shape_cast %swap3A_907 : vector<1x16xf32> to vector<16xf32>
        %swap3A_909 = vector.shape_cast %add3A_903 : vector<16xf32> to vector<1x16xf32>
        tpu.vector_store %arg5[%swap3A_905, %swap3A_906], %swap3A_909 {strides = array<i32>} : memref<28x16xf32, #tpu.memory_space<vmem>>, vector<1x16xf32>,
        %mul3A_910 = arith.mulf %mul3A_826, %add3A_903 : vector<16xf32>
        %mul3A_911 = arith.mulf %mul3A_847, %mul3A_585 : vector<16xf32>
        %mul3A_912 = arith.mulf %sign3A_82, %mul3A_911 : vector<16xf32>
        %exp3A_913 = math.exp %mul3A_912 : vector<16xf32>
        %sub3A_914 = arith.constant 1.000000e+00 : f32
        %sub3A_915 = vector.broadcast %sub3A_914 : f32 to vector<16xf32>
        %sub3A_916 = arith.subf %exp3A_913, %sub3A_915 : vector<16xf32>
        %add3A_917 = arith.constant 1.000000e+00 : f32
        %add3A_918 = vector.broadcast %add3A_917 : f32 to vector<16xf32>
        %add3A_919 = arith.addf %exp3A_913, %add3A_918 : vector<16xf32>
        %div3A_920 = arith.divf %sub3A_916, %add3A_919 : vector<16xf32>
        %mul3A_921 = vector.broadcast %squeeze3A_255 : f32 to vector<16xf32>
        %mul3A_922 = arith.mulf %mul3A_921, %div3A_920 : vector<16xf32>
        %add3A_923 = vector.broadcast %sub3A_325 : f32 to vector<16xf32>
        %add3A_924 = arith.addf %mul3A_922, %add3A_923 : vector<16xf32>
        %swap3A_925 = arith.constant 24 : i32
        %swap3A_926 = arith.index_cast %swap3A_925 : i32 to index
        %swap3A_927 = arith.constant 0 : index
        %swap3A_928 = tpu.vector_load %arg5[%swap3A_926, %swap3A_927] {strides = array<i32>} : memref<28x16xf32, #tpu.memory_space<vmem>>, vector<1x16xf32>,
        %swap3A_929 = vector.shape_cast %swap3A_928 : vector<1x16xf32> to vector<16xf32>
        %swap3A_930 = vector.shape_cast %add3A_924 : vector<16xf32> to vector<1x16xf32>
        tpu.vector_store %arg5[%swap3A_926, %swap3A_927], %swap3A_930 {strides = array<i32>} : memref<28x16xf32, #tpu.memory_space<vmem>>, vector<1x16xf32>,
        %mul3A_931 = arith.mulf %mul3A_847, %add3A_924 : vector<16xf32>
        %mul3A_932 = arith.mulf %mul3A_868, %mul3A_456 : vector<16xf32>
        %mul3A_933 = arith.mulf %sign3A_28, %mul3A_932 : vector<16xf32>
        %exp3A_934 = math.exp %mul3A_933 : vector<16xf32>
        %sub3A_935 = arith.constant 1.000000e+00 : f32
        %sub3A_936 = vector.broadcast %sub3A_935 : f32 to vector<16xf32>
        %sub3A_937 = arith.subf %exp3A_934, %sub3A_936 : vector<16xf32>
        %add3A_938 = arith.constant 1.000000e+00 : f32
        %add3A_939 = vector.broadcast %add3A_938 : f32 to vector<16xf32>
        %add3A_940 = arith.addf %exp3A_934, %add3A_939 : vector<16xf32>
        %div3A_941 = arith.divf %sub3A_937, %add3A_940 : vector<16xf32>
        %mul3A_942 = vector.broadcast %squeeze3A_115 : f32 to vector<16xf32>
        %mul3A_943 = arith.mulf %mul3A_942, %div3A_941 : vector<16xf32>
        %add3A_944 = vector.broadcast %sub3A_285 : f32 to vector<16xf32>
        %add3A_945 = arith.addf %mul3A_943, %add3A_944 : vector<16xf32>
        %swap3A_946 = arith.constant 4 : i32
        %swap3A_947 = arith.index_cast %swap3A_946 : i32 to index
        %swap3A_948 = arith.constant 0 : index
        %swap3A_949 = tpu.vector_load %arg5[%swap3A_947, %swap3A_948] {strides = array<i32>} : memref<28x16xf32, #tpu.memory_space<vmem>>, vector<1x16xf32>,
        %swap3A_950 = vector.shape_cast %swap3A_949 : vector<1x16xf32> to vector<16xf32>
        %swap3A_951 = vector.shape_cast %add3A_945 : vector<16xf32> to vector<1x16xf32>
        tpu.vector_store %arg5[%swap3A_947, %swap3A_948], %swap3A_951 {strides = array<i32>} : memref<28x16xf32, #tpu.memory_space<vmem>>, vector<1x16xf32>,
        %mul3A_952 = arith.mulf %mul3A_868, %add3A_945 : vector<16xf32>
        %mul3A_953 = arith.mulf %mul3A_889, %mul3A_497 : vector<16xf32>
        %mul3A_954 = arith.mulf %sign3A_46, %mul3A_953 : vector<16xf32>
        %exp3A_955 = math.exp %mul3A_954 : vector<16xf32>
        %sub3A_956 = arith.constant 1.000000e+00 : f32
        %sub3A_957 = vector.broadcast %sub3A_956 : f32 to vector<16xf32>
        %sub3A_958 = arith.subf %exp3A_955, %sub3A_957 : vector<16xf32>
        %add3A_959 = arith.constant 1.000000e+00 : f32
        %add3A_960 = vector.broadcast %add3A_959 : f32 to vector<16xf32>
        %add3A_961 = arith.addf %exp3A_955, %add3A_960 : vector<16xf32>
        %div3A_962 = arith.divf %sub3A_958, %add3A_961 : vector<16xf32>
        %mul3A_963 = vector.broadcast %squeeze3A_164 : f32 to vector<16xf32>
        %mul3A_964 = arith.mulf %mul3A_963, %div3A_962 : vector<16xf32>
        %add3A_965 = vector.broadcast %sub3A_299 : f32 to vector<16xf32>
        %add3A_966 = arith.addf %mul3A_964, %add3A_965 : vector<16xf32>
        %swap3A_967 = arith.constant 11 : i32
        %swap3A_968 = arith.index_cast %swap3A_967 : i32 to index
        %swap3A_969 = arith.constant 0 : index
        %swap3A_970 = tpu.vector_load %arg5[%swap3A_968, %swap3A_969] {strides = array<i32>} : memref<28x16xf32, #tpu.memory_space<vmem>>, vector<1x16xf32>,
        %swap3A_971 = vector.shape_cast %swap3A_970 : vector<1x16xf32> to vector<16xf32>
        %swap3A_972 = vector.shape_cast %add3A_966 : vector<16xf32> to vector<1x16xf32>
        tpu.vector_store %arg5[%swap3A_968, %swap3A_969], %swap3A_972 {strides = array<i32>} : memref<28x16xf32, #tpu.memory_space<vmem>>, vector<1x16xf32>,
        %mul3A_973 = arith.mulf %mul3A_889, %add3A_966 : vector<16xf32>
        %mul3A_974 = arith.mulf %mul3A_910, %mul3A_538 : vector<16xf32>
        %mul3A_975 = arith.mulf %sign3A_64, %mul3A_974 : vector<16xf32>
        %exp3A_976 = math.exp %mul3A_975 : vector<16xf32>
        %sub3A_977 = arith.constant 1.000000e+00 : f32
        %sub3A_978 = vector.broadcast %sub3A_977 : f32 to vector<16xf32>
        %sub3A_979 = arith.subf %exp3A_976, %sub3A_978 : vector<16xf32>
        %add3A_980 = arith.constant 1.000000e+00 : f32
        %add3A_981 = vector.broadcast %add3A_980 : f32 to vector<16xf32>
        %add3A_982 = arith.addf %exp3A_976, %add3A_981 : vector<16xf32>
        %div3A_983 = arith.divf %sub3A_979, %add3A_982 : vector<16xf32>
        %mul3A_984 = vector.broadcast %squeeze3A_213 : f32 to vector<16xf32>
        %mul3A_985 = arith.mulf %mul3A_984, %div3A_983 : vector<16xf32>
        %add3A_986 = vector.broadcast %sub3A_313 : f32 to vector<16xf32>
        %add3A_987 = arith.addf %mul3A_985, %add3A_986 : vector<16xf32>
        %swap3A_988 = arith.constant 18 : i32
        %swap3A_989 = arith.index_cast %swap3A_988 : i32 to index
        %swap3A_990 = arith.constant 0 : index
        %swap3A_991 = tpu.vector_load %arg5[%swap3A_989, %swap3A_990] {strides = array<i32>} : memref<28x16xf32, #tpu.memory_space<vmem>>, vector<1x16xf32>,
        %swap3A_992 = vector.shape_cast %swap3A_991 : vector<1x16xf32> to vector<16xf32>
        %swap3A_993 = vector.shape_cast %add3A_987 : vector<16xf32> to vector<1x16xf32>
        tpu.vector_store %arg5[%swap3A_989, %swap3A_990], %swap3A_993 {strides = array<i32>} : memref<28x16xf32, #tpu.memory_space<vmem>>, vector<1x16xf32>,
        %mul3A_994 = arith.mulf %mul3A_910, %add3A_987 : vector<16xf32>
        %mul3A_995 = arith.mulf %mul3A_931, %mul3A_579 : vector<16xf32>
        %mul3A_996 = arith.mulf %sign3A_82, %mul3A_995 : vector<16xf32>
        %exp3A_997 = math.exp %mul3A_996 : vector<16xf32>
        %sub3A_998 = arith.constant 1.000000e+00 : f32
        %sub3A_999 = vector.broadcast %sub3A_998 : f32 to vector<16xf32>
        %sub3A_1000 = arith.subf %exp3A_997, %sub3A_999 : vector<16xf32>
        %add3A_1001 = arith.constant 1.000000e+00 : f32
        %add3A_1002 = vector.broadcast %add3A_1001 : f32 to vector<16xf32>
        %add3A_1003 = arith.addf %exp3A_997, %add3A_1002 : vector<16xf32>
        %div3A_1004 = arith.divf %sub3A_1000, %add3A_1003 : vector<16xf32>
        %mul3A_1005 = vector.broadcast %squeeze3A_262 : f32 to vector<16xf32>
        %mul3A_1006 = arith.mulf %mul3A_1005, %div3A_1004 : vector<16xf32>
        %add3A_1007 = vector.broadcast %sub3A_327 : f32 to vector<16xf32>
        %add3A_1008 = arith.addf %mul3A_1006, %add3A_1007 : vector<16xf32>
        %swap3A_1009 = arith.constant 25 : i32
        %swap3A_1010 = arith.index_cast %swap3A_1009 : i32 to index
        %swap3A_1011 = arith.constant 0 : index
        %swap3A_1012 = tpu.vector_load %arg5[%swap3A_1010, %swap3A_1011] {strides = array<i32>} : memref<28x16xf32, #tpu.memory_space<vmem>>, vector<1x16xf32>,
        %swap3A_1013 = vector.shape_cast %swap3A_1012 : vector<1x16xf32> to vector<16xf32>
        %swap3A_1014 = vector.shape_cast %add3A_1008 : vector<16xf32> to vector<1x16xf32>
        tpu.vector_store %arg5[%swap3A_1010, %swap3A_1011], %swap3A_1014 {strides = array<i32>} : memref<28x16xf32, #tpu.memory_space<vmem>>, vector<1x16xf32>,
        %mul3A_1015 = arith.mulf %mul3A_931, %add3A_1008 : vector<16xf32>
        %mul3A_1016 = arith.mulf %mul3A_952, %mul3A_450 : vector<16xf32>
        %mul3A_1017 = arith.mulf %sign3A_28, %mul3A_1016 : vector<16xf32>
        %exp3A_1018 = math.exp %mul3A_1017 : vector<16xf32>
        %sub3A_1019 = arith.constant 1.000000e+00 : f32
        %sub3A_1020 = vector.broadcast %sub3A_1019 : f32 to vector<16xf32>
        %sub3A_1021 = arith.subf %exp3A_1018, %sub3A_1020 : vector<16xf32>
        %add3A_1022 = arith.constant 1.000000e+00 : f32
        %add3A_1023 = vector.broadcast %add3A_1022 : f32 to vector<16xf32>
        %add3A_1024 = arith.addf %exp3A_1018, %add3A_1023 : vector<16xf32>
        %div3A_1025 = arith.divf %sub3A_1021, %add3A_1024 : vector<16xf32>
        %mul3A_1026 = vector.broadcast %squeeze3A_122 : f32 to vector<16xf32>
        %mul3A_1027 = arith.mulf %mul3A_1026, %div3A_1025 : vector<16xf32>
        %add3A_1028 = vector.broadcast %sub3A_287 : f32 to vector<16xf32>
        %add3A_1029 = arith.addf %mul3A_1027, %add3A_1028 : vector<16xf32>
        %swap3A_1030 = arith.constant 5 : i32
        %swap3A_1031 = arith.index_cast %swap3A_1030 : i32 to index
        %swap3A_1032 = arith.constant 0 : index
        %swap3A_1033 = tpu.vector_load %arg5[%swap3A_1031, %swap3A_1032] {strides = array<i32>} : memref<28x16xf32, #tpu.memory_space<vmem>>, vector<1x16xf32>,
        %swap3A_1034 = vector.shape_cast %swap3A_1033 : vector<1x16xf32> to vector<16xf32>
        %swap3A_1035 = vector.shape_cast %add3A_1029 : vector<16xf32> to vector<1x16xf32>
        tpu.vector_store %arg5[%swap3A_1031, %swap3A_1032], %swap3A_1035 {strides = array<i32>} : memref<28x16xf32, #tpu.memory_space<vmem>>, vector<1x16xf32>,
        %mul3A_1036 = arith.mulf %mul3A_952, %add3A_1029 : vector<16xf32>
        %mul3A_1037 = arith.mulf %mul3A_973, %mul3A_491 : vector<16xf32>
        %mul3A_1038 = arith.mulf %sign3A_46, %mul3A_1037 : vector<16xf32>
        %exp3A_1039 = math.exp %mul3A_1038 : vector<16xf32>
        %sub3A_1040 = arith.constant 1.000000e+00 : f32
        %sub3A_1041 = vector.broadcast %sub3A_1040 : f32 to vector<16xf32>
        %sub3A_1042 = arith.subf %exp3A_1039, %sub3A_1041 : vector<16xf32>
        %add3A_1043 = arith.constant 1.000000e+00 : f32
        %add3A_1044 = vector.broadcast %add3A_1043 : f32 to vector<16xf32>
        %add3A_1045 = arith.addf %exp3A_1039, %add3A_1044 : vector<16xf32>
        %div3A_1046 = arith.divf %sub3A_1042, %add3A_1045 : vector<16xf32>
        %mul3A_1047 = vector.broadcast %squeeze3A_171 : f32 to vector<16xf32>
        %mul3A_1048 = arith.mulf %mul3A_1047, %div3A_1046 : vector<16xf32>
        %add3A_1049 = vector.broadcast %sub3A_301 : f32 to vector<16xf32>
        %add3A_1050 = arith.addf %mul3A_1048, %add3A_1049 : vector<16xf32>
        %swap3A_1051 = arith.constant 12 : i32
        %swap3A_1052 = arith.index_cast %swap3A_1051 : i32 to index
        %swap3A_1053 = arith.constant 0 : index
        %swap3A_1054 = tpu.vector_load %arg5[%swap3A_1052, %swap3A_1053] {strides = array<i32>} : memref<28x16xf32, #tpu.memory_space<vmem>>, vector<1x16xf32>,
        %swap3A_1055 = vector.shape_cast %swap3A_1054 : vector<1x16xf32> to vector<16xf32>
        %swap3A_1056 = vector.shape_cast %add3A_1050 : vector<16xf32> to vector<1x16xf32>
        tpu.vector_store %arg5[%swap3A_1052, %swap3A_1053], %swap3A_1056 {strides = array<i32>} : memref<28x16xf32, #tpu.memory_space<vmem>>, vector<1x16xf32>,
        %mul3A_1057 = arith.mulf %mul3A_973, %add3A_1050 : vector<16xf32>
        %mul3A_1058 = arith.mulf %mul3A_994, %mul3A_532 : vector<16xf32>
        %mul3A_1059 = arith.mulf %sign3A_64, %mul3A_1058 : vector<16xf32>
        %exp3A_1060 = math.exp %mul3A_1059 : vector<16xf32>
        %sub3A_1061 = arith.constant 1.000000e+00 : f32
        %sub3A_1062 = vector.broadcast %sub3A_1061 : f32 to vector<16xf32>
        %sub3A_1063 = arith.subf %exp3A_1060, %sub3A_1062 : vector<16xf32>
        %add3A_1064 = arith.constant 1.000000e+00 : f32
        %add3A_1065 = vector.broadcast %add3A_1064 : f32 to vector<16xf32>
        %add3A_1066 = arith.addf %exp3A_1060, %add3A_1065 : vector<16xf32>
        %div3A_1067 = arith.divf %sub3A_1063, %add3A_1066 : vector<16xf32>
        %mul3A_1068 = vector.broadcast %squeeze3A_220 : f32 to vector<16xf32>
        %mul3A_1069 = arith.mulf %mul3A_1068, %div3A_1067 : vector<16xf32>
        %add3A_1070 = vector.broadcast %sub3A_315 : f32 to vector<16xf32>
        %add3A_1071 = arith.addf %mul3A_1069, %add3A_1070 : vector<16xf32>
        %swap3A_1072 = arith.constant 19 : i32
        %swap3A_1073 = arith.index_cast %swap3A_1072 : i32 to index
        %swap3A_1074 = arith.constant 0 : index
        %swap3A_1075 = tpu.vector_load %arg5[%swap3A_1073, %swap3A_1074] {strides = array<i32>} : memref<28x16xf32, #tpu.memory_space<vmem>>, vector<1x16xf32>,
        %swap3A_1076 = vector.shape_cast %swap3A_1075 : vector<1x16xf32> to vector<16xf32>
        %swap3A_1077 = vector.shape_cast %add3A_1071 : vector<16xf32> to vector<1x16xf32>
        tpu.vector_store %arg5[%swap3A_1073, %swap3A_1074], %swap3A_1077 {strides = array<i32>} : memref<28x16xf32, #tpu.memory_space<vmem>>, vector<1x16xf32>,
        %mul3A_1078 = arith.mulf %mul3A_994, %add3A_1071 : vector<16xf32>
        %mul3A_1079 = arith.mulf %mul3A_1015, %mul3A_573 : vector<16xf32>
        %mul3A_1080 = arith.mulf %sign3A_82, %mul3A_1079 : vector<16xf32>
        %exp3A_1081 = math.exp %mul3A_1080 : vector<16xf32>
        %sub3A_1082 = arith.constant 1.000000e+00 : f32
        %sub3A_1083 = vector.broadcast %sub3A_1082 : f32 to vector<16xf32>
        %sub3A_1084 = arith.subf %exp3A_1081, %sub3A_1083 : vector<16xf32>
        %add3A_1085 = arith.constant 1.000000e+00 : f32
        %add3A_1086 = vector.broadcast %add3A_1085 : f32 to vector<16xf32>
        %add3A_1087 = arith.addf %exp3A_1081, %add3A_1086 : vector<16xf32>
        %div3A_1088 = arith.divf %sub3A_1084, %add3A_1087 : vector<16xf32>
        %mul3A_1089 = vector.broadcast %squeeze3A_269 : f32 to vector<16xf32>
        %mul3A_1090 = arith.mulf %mul3A_1089, %div3A_1088 : vector<16xf32>
        %add3A_1091 = vector.broadcast %sub3A_329 : f32 to vector<16xf32>
        %add3A_1092 = arith.addf %mul3A_1090, %add3A_1091 : vector<16xf32>
        %swap3A_1093 = arith.constant 26 : i32
        %swap3A_1094 = arith.index_cast %swap3A_1093 : i32 to index
        %swap3A_1095 = arith.constant 0 : index
        %swap3A_1096 = tpu.vector_load %arg5[%swap3A_1094, %swap3A_1095] {strides = array<i32>} : memref<28x16xf32, #tpu.memory_space<vmem>>, vector<1x16xf32>,
        %swap3A_1097 = vector.shape_cast %swap3A_1096 : vector<1x16xf32> to vector<16xf32>
        %swap3A_1098 = vector.shape_cast %add3A_1092 : vector<16xf32> to vector<1x16xf32>
        tpu.vector_store %arg5[%swap3A_1094, %swap3A_1095], %swap3A_1098 {strides = array<i32>} : memref<28x16xf32, #tpu.memory_space<vmem>>, vector<1x16xf32>,
        %mul3A_1099 = arith.mulf %mul3A_1015, %add3A_1092 : vector<16xf32>
        %mul3A_1100 = arith.mulf %mul3A_1036, %get3A_444 : vector<16xf32>
        %mul3A_1101 = arith.mulf %sign3A_28, %mul3A_1100 : vector<16xf32>
        %exp3A_1102 = math.exp %mul3A_1101 : vector<16xf32>
        %sub3A_1103 = arith.constant 1.000000e+00 : f32
        %sub3A_1104 = vector.broadcast %sub3A_1103 : f32 to vector<16xf32>
        %sub3A_1105 = arith.subf %exp3A_1102, %sub3A_1104 : vector<16xf32>
        %add3A_1106 = arith.constant 1.000000e+00 : f32
        %add3A_1107 = vector.broadcast %add3A_1106 : f32 to vector<16xf32>
        %add3A_1108 = arith.addf %exp3A_1102, %add3A_1107 : vector<16xf32>
        %div3A_1109 = arith.divf %sub3A_1105, %add3A_1108 : vector<16xf32>
        %mul3A_1110 = vector.broadcast %squeeze3A_129 : f32 to vector<16xf32>
        %mul3A_1111 = arith.mulf %mul3A_1110, %div3A_1109 : vector<16xf32>
        %add3A_1112 = vector.broadcast %sub3A_289 : f32 to vector<16xf32>
        %add3A_1113 = arith.addf %mul3A_1111, %add3A_1112 : vector<16xf32>
        %swap3A_1114 = arith.constant 6 : i32
        %swap3A_1115 = arith.index_cast %swap3A_1114 : i32 to index
        %swap3A_1116 = arith.constant 0 : index
        %swap3A_1117 = tpu.vector_load %arg5[%swap3A_1115, %swap3A_1116] {strides = array<i32>} : memref<28x16xf32, #tpu.memory_space<vmem>>, vector<1x16xf32>,
        %swap3A_1118 = vector.shape_cast %swap3A_1117 : vector<1x16xf32> to vector<16xf32>
        %swap3A_1119 = vector.shape_cast %add3A_1113 : vector<16xf32> to vector<1x16xf32>
        tpu.vector_store %arg5[%swap3A_1115, %swap3A_1116], %swap3A_1119 {strides = array<i32>} : memref<28x16xf32, #tpu.memory_space<vmem>>, vector<1x16xf32>,
        %mul3A_1120 = arith.mulf %mul3A_1036, %add3A_1113 : vector<16xf32>
        %mul3A_1121 = arith.mulf %mul3A_1057, %get3A_485 : vector<16xf32>
        %mul3A_1122 = arith.mulf %sign3A_46, %mul3A_1121 : vector<16xf32>
        %exp3A_1123 = math.exp %mul3A_1122 : vector<16xf32>
        %sub3A_1124 = arith.constant 1.000000e+00 : f32
        %sub3A_1125 = vector.broadcast %sub3A_1124 : f32 to vector<16xf32>
        %sub3A_1126 = arith.subf %exp3A_1123, %sub3A_1125 : vector<16xf32>
        %add3A_1127 = arith.constant 1.000000e+00 : f32
        %add3A_1128 = vector.broadcast %add3A_1127 : f32 to vector<16xf32>
        %add3A_1129 = arith.addf %exp3A_1123, %add3A_1128 : vector<16xf32>
        %div3A_1130 = arith.divf %sub3A_1126, %add3A_1129 : vector<16xf32>
        %mul3A_1131 = vector.broadcast %squeeze3A_178 : f32 to vector<16xf32>
        %mul3A_1132 = arith.mulf %mul3A_1131, %div3A_1130 : vector<16xf32>
        %add3A_1133 = vector.broadcast %sub3A_303 : f32 to vector<16xf32>
        %add3A_1134 = arith.addf %mul3A_1132, %add3A_1133 : vector<16xf32>
        %swap3A_1135 = arith.constant 13 : i32
        %swap3A_1136 = arith.index_cast %swap3A_1135 : i32 to index
        %swap3A_1137 = arith.constant 0 : index
        %swap3A_1138 = tpu.vector_load %arg5[%swap3A_1136, %swap3A_1137] {strides = array<i32>} : memref<28x16xf32, #tpu.memory_space<vmem>>, vector<1x16xf32>,
        %swap3A_1139 = vector.shape_cast %swap3A_1138 : vector<1x16xf32> to vector<16xf32>
        %swap3A_1140 = vector.shape_cast %add3A_1134 : vector<16xf32> to vector<1x16xf32>
        tpu.vector_store %arg5[%swap3A_1136, %swap3A_1137], %swap3A_1140 {strides = array<i32>} : memref<28x16xf32, #tpu.memory_space<vmem>>, vector<1x16xf32>,
        %mul3A_1141 = arith.mulf %mul3A_1057, %add3A_1134 : vector<16xf32>
        %mul3A_1142 = arith.mulf %mul3A_1078, %get3A_526 : vector<16xf32>
        %mul3A_1143 = arith.mulf %sign3A_64, %mul3A_1142 : vector<16xf32>
        %exp3A_1144 = math.exp %mul3A_1143 : vector<16xf32>
        %sub3A_1145 = arith.constant 1.000000e+00 : f32
        %sub3A_1146 = vector.broadcast %sub3A_1145 : f32 to vector<16xf32>
        %sub3A_1147 = arith.subf %exp3A_1144, %sub3A_1146 : vector<16xf32>
        %add3A_1148 = arith.constant 1.000000e+00 : f32
        %add3A_1149 = vector.broadcast %add3A_1148 : f32 to vector<16xf32>
        %add3A_1150 = arith.addf %exp3A_1144, %add3A_1149 : vector<16xf32>
        %div3A_1151 = arith.divf %sub3A_1147, %add3A_1150 : vector<16xf32>
        %mul3A_1152 = vector.broadcast %squeeze3A_227 : f32 to vector<16xf32>
        %mul3A_1153 = arith.mulf %mul3A_1152, %div3A_1151 : vector<16xf32>
        %add3A_1154 = vector.broadcast %sub3A_317 : f32 to vector<16xf32>
        %add3A_1155 = arith.addf %mul3A_1153, %add3A_1154 : vector<16xf32>
        %swap3A_1156 = arith.constant 20 : i32
        %swap3A_1157 = arith.index_cast %swap3A_1156 : i32 to index
        %swap3A_1158 = arith.constant 0 : index
        %swap3A_1159 = tpu.vector_load %arg5[%swap3A_1157, %swap3A_1158] {strides = array<i32>} : memref<28x16xf32, #tpu.memory_space<vmem>>, vector<1x16xf32>,
        %swap3A_1160 = vector.shape_cast %swap3A_1159 : vector<1x16xf32> to vector<16xf32>
        %swap3A_1161 = vector.shape_cast %add3A_1155 : vector<16xf32> to vector<1x16xf32>
        tpu.vector_store %arg5[%swap3A_1157, %swap3A_1158], %swap3A_1161 {strides = array<i32>} : memref<28x16xf32, #tpu.memory_space<vmem>>, vector<1x16xf32>,
        %mul3A_1162 = arith.mulf %mul3A_1078, %add3A_1155 : vector<16xf32>
        %mul3A_1163 = arith.mulf %mul3A_1099, %get3A_567 : vector<16xf32>
        %mul3A_1164 = arith.mulf %sign3A_82, %mul3A_1163 : vector<16xf32>
        %exp3A_1165 = math.exp %mul3A_1164 : vector<16xf32>
        %sub3A_1166 = arith.constant 1.000000e+00 : f32
        %sub3A_1167 = vector.broadcast %sub3A_1166 : f32 to vector<16xf32>
        %sub3A_1168 = arith.subf %exp3A_1165, %sub3A_1167 : vector<16xf32>
        %add3A_1169 = arith.constant 1.000000e+00 : f32
        %add3A_1170 = vector.broadcast %add3A_1169 : f32 to vector<16xf32>
        %add3A_1171 = arith.addf %exp3A_1165, %add3A_1170 : vector<16xf32>
        %div3A_1172 = arith.divf %sub3A_1168, %add3A_1171 : vector<16xf32>
        %mul3A_1173 = vector.broadcast %squeeze3A_276 : f32 to vector<16xf32>
        %mul3A_1174 = arith.mulf %mul3A_1173, %div3A_1172 : vector<16xf32>
        %add3A_1175 = vector.broadcast %sub3A_331 : f32 to vector<16xf32>
        %add3A_1176 = arith.addf %mul3A_1174, %add3A_1175 : vector<16xf32>
        %swap3A_1177 = arith.constant 27 : i32
        %swap3A_1178 = arith.index_cast %swap3A_1177 : i32 to index
        %swap3A_1179 = arith.constant 0 : index
        %swap3A_1180 = tpu.vector_load %arg5[%swap3A_1178, %swap3A_1179] {strides = array<i32>} : memref<28x16xf32, #tpu.memory_space<vmem>>, vector<1x16xf32>,
        %swap3A_1181 = vector.shape_cast %swap3A_1180 : vector<1x16xf32> to vector<16xf32>
        %swap3A_1182 = vector.shape_cast %add3A_1176 : vector<16xf32> to vector<1x16xf32>
        tpu.vector_store %arg5[%swap3A_1178, %swap3A_1179], %swap3A_1182 {strides = array<i32>} : memref<28x16xf32, #tpu.memory_space<vmem>>, vector<1x16xf32>,
        %mul3A_1183 = arith.mulf %mul3A_1099, %add3A_1176 : vector<16xf32>
        %get3A_1184 = arith.constant 0 : i32
        %get3A_1185 = arith.index_cast %get3A_1184 : i32 to index
        %get3A_1186 = arith.constant 0 : index
        %get3A_1187 = tpu.vector_load %arg6[%get3A_1185, %get3A_1186] {strides = array<i32>} : memref<28x16xf32, #tpu.memory_space<vmem>>, vector<1x16xf32>,
        %get3A_1188 = vector.shape_cast %get3A_1187 : vector<1x16xf32> to vector<16xf32>
        %broadcast_in_dim3A_1189 = vector.shape_cast %xor3A_5 : vector<16xi32> to vector<16x1xi32>
        %gather3A_1190 = vector.shape_cast %broadcast_in_dim3A_1189 : vector<16x1xi32> to vector<16xi32>
        %gather3A_1191 = tpu.dynamic_gather %get3A_1188[%gather3A_1190] in [0] : vector<16xf32>, vector<16xi32> -> vector<16xf32>
        %add3A_1192 = arith.addf %get3A_1188, %gather3A_1191 : vector<16xf32>
        %broadcast_in_dim3A_1193 = vector.shape_cast %xor3A_8 : vector<16xi32> to vector<16x1xi32>
        %gather3A_1194 = vector.shape_cast %broadcast_in_dim3A_1193 : vector<16x1xi32> to vector<16xi32>
        %gather3A_1195 = tpu.dynamic_gather %add3A_1192[%gather3A_1194] in [0] : vector<16xf32>, vector<16xi32> -> vector<16xf32>
        %add3A_1196 = arith.addf %add3A_1192, %gather3A_1195 : vector<16xf32>
        %broadcast_in_dim3A_1197 = vector.shape_cast %xor3A_11 : vector<16xi32> to vector<16x1xi32>
        %gather3A_1198 = vector.shape_cast %broadcast_in_dim3A_1197 : vector<16x1xi32> to vector<16xi32>
        %gather3A_1199 = tpu.dynamic_gather %add3A_1196[%gather3A_1198] in [0] : vector<16xf32>, vector<16xi32> -> vector<16xf32>
        %add3A_1200 = arith.addf %add3A_1196, %gather3A_1199 : vector<16xf32>
        %get3A_1201 = arith.constant 7 : i32
        %get3A_1202 = arith.index_cast %get3A_1201 : i32 to index
        %get3A_1203 = arith.constant 0 : index
        %get3A_1204 = tpu.vector_load %arg6[%get3A_1202, %get3A_1203] {strides = array<i32>} : memref<28x16xf32, #tpu.memory_space<vmem>>, vector<1x16xf32>,
        %get3A_1205 = vector.shape_cast %get3A_1204 : vector<1x16xf32> to vector<16xf32>
        %broadcast_in_dim3A_1206 = vector.shape_cast %xor3A_5 : vector<16xi32> to vector<16x1xi32>
        %gather3A_1207 = vector.shape_cast %broadcast_in_dim3A_1206 : vector<16x1xi32> to vector<16xi32>
        %gather3A_1208 = tpu.dynamic_gather %get3A_1205[%gather3A_1207] in [0] : vector<16xf32>, vector<16xi32> -> vector<16xf32>
        %add3A_1209 = arith.addf %get3A_1205, %gather3A_1208 : vector<16xf32>
        %broadcast_in_dim3A_1210 = vector.shape_cast %xor3A_8 : vector<16xi32> to vector<16x1xi32>
        %gather3A_1211 = vector.shape_cast %broadcast_in_dim3A_1210 : vector<16x1xi32> to vector<16xi32>
        %gather3A_1212 = tpu.dynamic_gather %add3A_1209[%gather3A_1211] in [0] : vector<16xf32>, vector<16xi32> -> vector<16xf32>
        %add3A_1213 = arith.addf %add3A_1209, %gather3A_1212 : vector<16xf32>
        %broadcast_in_dim3A_1214 = vector.shape_cast %xor3A_11 : vector<16xi32> to vector<16x1xi32>
        %gather3A_1215 = vector.shape_cast %broadcast_in_dim3A_1214 : vector<16x1xi32> to vector<16xi32>
        %gather3A_1216 = tpu.dynamic_gather %add3A_1213[%gather3A_1215] in [0] : vector<16xf32>, vector<16xi32> -> vector<16xf32>
        %add3A_1217 = arith.addf %add3A_1213, %gather3A_1216 : vector<16xf32>
        %get3A_1218 = arith.constant 14 : i32
        %get3A_1219 = arith.index_cast %get3A_1218 : i32 to index
        %get3A_1220 = arith.constant 0 : index
        %get3A_1221 = tpu.vector_load %arg6[%get3A_1219, %get3A_1220] {strides = array<i32>} : memref<28x16xf32, #tpu.memory_space<vmem>>, vector<1x16xf32>,
        %get3A_1222 = vector.shape_cast %get3A_1221 : vector<1x16xf32> to vector<16xf32>
        %broadcast_in_dim3A_1223 = vector.shape_cast %xor3A_5 : vector<16xi32> to vector<16x1xi32>
        %gather3A_1224 = vector.shape_cast %broadcast_in_dim3A_1223 : vector<16x1xi32> to vector<16xi32>
        %gather3A_1225 = tpu.dynamic_gather %get3A_1222[%gather3A_1224] in [0] : vector<16xf32>, vector<16xi32> -> vector<16xf32>
        %add3A_1226 = arith.addf %get3A_1222, %gather3A_1225 : vector<16xf32>
        %broadcast_in_dim3A_1227 = vector.shape_cast %xor3A_8 : vector<16xi32> to vector<16x1xi32>
        %gather3A_1228 = vector.shape_cast %broadcast_in_dim3A_1227 : vector<16x1xi32> to vector<16xi32>
        %gather3A_1229 = tpu.dynamic_gather %add3A_1226[%gather3A_1228] in [0] : vector<16xf32>, vector<16xi32> -> vector<16xf32>
        %add3A_1230 = arith.addf %add3A_1226, %gather3A_1229 : vector<16xf32>
        %broadcast_in_dim3A_1231 = vector.shape_cast %xor3A_11 : vector<16xi32> to vector<16x1xi32>
        %gather3A_1232 = vector.shape_cast %broadcast_in_dim3A_1231 : vector<16x1xi32> to vector<16xi32>
        %gather3A_1233 = tpu.dynamic_gather %add3A_1230[%gather3A_1232] in [0] : vector<16xf32>, vector<16xi32> -> vector<16xf32>
        %add3A_1234 = arith.addf %add3A_1230, %gather3A_1233 : vector<16xf32>
        %get3A_1235 = arith.constant 21 : i32
        %get3A_1236 = arith.index_cast %get3A_1235 : i32 to index
        %get3A_1237 = arith.constant 0 : index
        %get3A_1238 = tpu.vector_load %arg6[%get3A_1236, %get3A_1237] {strides = array<i32>} : memref<28x16xf32, #tpu.memory_space<vmem>>, vector<1x16xf32>,
        %get3A_1239 = vector.shape_cast %get3A_1238 : vector<1x16xf32> to vector<16xf32>
        %broadcast_in_dim3A_1240 = vector.shape_cast %xor3A_5 : vector<16xi32> to vector<16x1xi32>
        %gather3A_1241 = vector.shape_cast %broadcast_in_dim3A_1240 : vector<16x1xi32> to vector<16xi32>
        %gather3A_1242 = tpu.dynamic_gather %get3A_1239[%gather3A_1241] in [0] : vector<16xf32>, vector<16xi32> -> vector<16xf32>
        %add3A_1243 = arith.addf %get3A_1239, %gather3A_1242 : vector<16xf32>
        %broadcast_in_dim3A_1244 = vector.shape_cast %xor3A_8 : vector<16xi32> to vector<16x1xi32>
        %gather3A_1245 = vector.shape_cast %broadcast_in_dim3A_1244 : vector<16x1xi32> to vector<16xi32>
        %gather3A_1246 = tpu.dynamic_gather %add3A_1243[%gather3A_1245] in [0] : vector<16xf32>, vector<16xi32> -> vector<16xf32>
        %add3A_1247 = arith.addf %add3A_1243, %gather3A_1246 : vector<16xf32>
        %broadcast_in_dim3A_1248 = vector.shape_cast %xor3A_11 : vector<16xi32> to vector<16x1xi32>
        %gather3A_1249 = vector.shape_cast %broadcast_in_dim3A_1248 : vector<16x1xi32> to vector<16xi32>
        %gather3A_1250 = tpu.dynamic_gather %add3A_1247[%gather3A_1249] in [0] : vector<16xf32>, vector<16xi32> -> vector<16xf32>
        %add3A_1251 = arith.addf %add3A_1247, %gather3A_1250 : vector<16xf32>
        %mul3A_1252 = vector.broadcast %squeeze3A : f32 to vector<16xf32>
        %mul3A_1253 = arith.mulf %add3A_1200, %mul3A_1252 : vector<16xf32>
        %mul3A_1254 = vector.broadcast %squeeze3A_136 : f32 to vector<16xf32>
        %mul3A_1255 = arith.mulf %add3A_1217, %mul3A_1254 : vector<16xf32>
        %add3A_1256 = arith.addf %mul3A_1253, %mul3A_1255 : vector<16xf32>
        %mul3A_1257 = vector.broadcast %squeeze3A_185 : f32 to vector<16xf32>
        %mul3A_1258 = arith.mulf %add3A_1234, %mul3A_1257 : vector<16xf32>
        %add3A_1259 = arith.addf %add3A_1256, %mul3A_1258 : vector<16xf32>
        %mul3A_1260 = vector.broadcast %squeeze3A_234 : f32 to vector<16xf32>
        %mul3A_1261 = arith.mulf %add3A_1251, %mul3A_1260 : vector<16xf32>
        %add3A_1262 = arith.addf %add3A_1259, %mul3A_1261 : vector<16xf32>
        %sub3A_1263 = arith.subf %add3A_1262, %mul3A_604 : vector<16xf32>
        %mul3A_1264 = arith.constant 5.000000e-01 : f32
        %mul3A_1265 = vector.broadcast %mul3A_1264 : f32 to vector<16xf32>
        %mul3A_1266 = arith.mulf %mul3A_1265, %sub3A_1263 : vector<16xf32>
        %exp3A_1267 = math.exp %mul3A_1266 : vector<16xf32>
        %gt3A_1268 = arith.constant 1.000000e+00 : f32
        %gt3A_1269 = vector.broadcast %gt3A_1268 : f32 to vector<16xf32>
        %gt3A_1270 = arith.cmpf ogt, %exp3A_1267, %gt3A_1269 : vector<16xf32>
        %div3A_1271 = arith.constant 1.000000e+00 : f32
        %div3A_1272 = vector.broadcast %div3A_1271 : f32 to vector<16xf32>
        %div3A_1273 = arith.divf %div3A_1272, %exp3A_1267 : vector<16xf32>
        %select_n3A_1274 = arith.select %gt3A_1270, %div3A_1273, %exp3A_1267 : vector<16xi1>, vector<16xf32>
        %mul3A_1275 = arith.mulf %select_n3A_1274, %select_n3A_1274 : vector<16xf32>
        %mul3A_1276 = arith.constant -0.0817280039 : f32
        %mul3A_1277 = vector.broadcast %mul3A_1276 : f32 to vector<16xf32>
        %mul3A_1278 = arith.mulf %mul3A_1277, %mul3A_1275 : vector<16xf32>
        %add3A_1279 = arith.constant 0.298066169 : f32
        %add3A_1280 = vector.broadcast %add3A_1279 : f32 to vector<16xf32>
        %add3A_1281 = arith.addf %mul3A_1278, %add3A_1280 : vector<16xf32>
        %mul3A_1282 = arith.mulf %add3A_1281, %mul3A_1275 : vector<16xf32>
        %add3A_1283 = arith.constant -0.64457345 : f32
        %add3A_1284 = vector.broadcast %add3A_1283 : f32 to vector<16xf32>
        %add3A_1285 = arith.addf %mul3A_1282, %add3A_1284 : vector<16xf32>
        %mul3A_1286 = arith.mulf %add3A_1285, %mul3A_1275 : vector<16xf32>
        %add3A_1287 = arith.constant 1.99863315 : f32
        %add3A_1288 = vector.broadcast %add3A_1287 : f32 to vector<16xf32>
        %add3A_1289 = arith.addf %mul3A_1286, %add3A_1288 : vector<16xf32>
        %mul3A_1290 = arith.mulf %select_n3A_1274, %add3A_1289 : vector<16xf32>
        %sub3A_1291 = arith.constant 3.14159274 : f32
        %sub3A_1292 = vector.broadcast %sub3A_1291 : f32 to vector<16xf32>
        %sub3A_1293 = arith.subf %sub3A_1292, %mul3A_1290 : vector<16xf32>
        %select_n3A_1294 = arith.select %gt3A_1270, %sub3A_1293, %mul3A_1290 : vector<16xi1>, vector<16xf32>
        %swap3A_1295 = arith.constant 0 : i32
        %swap3A_1296 = arith.index_cast %swap3A_1295 : i32 to index
        %swap3A_1297 = arith.constant 0 : index
        %swap3A_1298 = tpu.vector_load %arg6[%swap3A_1296, %swap3A_1297] {strides = array<i32>} : memref<28x16xf32, #tpu.memory_space<vmem>>, vector<1x16xf32>,
        %swap3A_1299 = vector.shape_cast %swap3A_1298 : vector<1x16xf32> to vector<16xf32>
        %swap3A_1300 = vector.shape_cast %select_n3A_1294 : vector<16xf32> to vector<1x16xf32>
        tpu.vector_store %arg6[%swap3A_1296, %swap3A_1297], %swap3A_1300 {strides = array<i32>} : memref<28x16xf32, #tpu.memory_space<vmem>>, vector<1x16xf32>,
        %broadcast_in_dim3A_1301 = vector.shape_cast %xor3A_5 : vector<16xi32> to vector<16x1xi32>
        %gather3A_1302 = vector.shape_cast %broadcast_in_dim3A_1301 : vector<16x1xi32> to vector<16xi32>
        %gather3A_1303 = tpu.dynamic_gather %select_n3A_1294[%gather3A_1302] in [0] : vector<16xf32>, vector<16xi32> -> vector<16xf32>
        %add3A_1304 = arith.addf %select_n3A_1294, %gather3A_1303 : vector<16xf32>
        %broadcast_in_dim3A_1305 = vector.shape_cast %xor3A_8 : vector<16xi32> to vector<16x1xi32>
        %gather3A_1306 = vector.shape_cast %broadcast_in_dim3A_1305 : vector<16x1xi32> to vector<16xi32>
        %gather3A_1307 = tpu.dynamic_gather %add3A_1304[%gather3A_1306] in [0] : vector<16xf32>, vector<16xi32> -> vector<16xf32>
        %add3A_1308 = arith.addf %add3A_1304, %gather3A_1307 : vector<16xf32>
        %broadcast_in_dim3A_1309 = vector.shape_cast %xor3A_11 : vector<16xi32> to vector<16x1xi32>
        %gather3A_1310 = vector.shape_cast %broadcast_in_dim3A_1309 : vector<16x1xi32> to vector<16xi32>
        %gather3A_1311 = tpu.dynamic_gather %add3A_1308[%gather3A_1310] in [0] : vector<16xf32>, vector<16xi32> -> vector<16xf32>
        %add3A_1312 = arith.addf %add3A_1308, %gather3A_1311 : vector<16xf32>
        %mul3A_1313 = vector.broadcast %squeeze3A_94 : f32 to vector<16xf32>
        %mul3A_1314 = arith.mulf %add3A_1312, %mul3A_1313 : vector<16xf32>
        %mul3A_1315 = vector.broadcast %squeeze3A_143 : f32 to vector<16xf32>
        %mul3A_1316 = arith.mulf %add3A_1217, %mul3A_1315 : vector<16xf32>
        %add3A_1317 = arith.addf %mul3A_1314, %mul3A_1316 : vector<16xf32>
        %mul3A_1318 = vector.broadcast %squeeze3A_192 : f32 to vector<16xf32>
        %mul3A_1319 = arith.mulf %add3A_1234, %mul3A_1318 : vector<16xf32>
        %add3A_1320 = arith.addf %add3A_1317, %mul3A_1319 : vector<16xf32>
        %mul3A_1321 = vector.broadcast %squeeze3A_241 : f32 to vector<16xf32>
        %mul3A_1322 = arith.mulf %add3A_1251, %mul3A_1321 : vector<16xf32>
        %add3A_1323 = arith.addf %add3A_1320, %mul3A_1322 : vector<16xf32>
        %sub3A_1324 = arith.subf %add3A_1323, %mul3A_681 : vector<16xf32>
        %mul3A_1325 = arith.constant 5.000000e-01 : f32
        %mul3A_1326 = vector.broadcast %mul3A_1325 : f32 to vector<16xf32>
        %mul3A_1327 = arith.mulf %mul3A_1326, %sub3A_1324 : vector<16xf32>
        %exp3A_1328 = math.exp %mul3A_1327 : vector<16xf32>
        %gt3A_1329 = arith.constant 1.000000e+00 : f32
        %gt3A_1330 = vector.broadcast %gt3A_1329 : f32 to vector<16xf32>
        %gt3A_1331 = arith.cmpf ogt, %exp3A_1328, %gt3A_1330 : vector<16xf32>
        %div3A_1332 = arith.constant 1.000000e+00 : f32
        %div3A_1333 = vector.broadcast %div3A_1332 : f32 to vector<16xf32>
        %div3A_1334 = arith.divf %div3A_1333, %exp3A_1328 : vector<16xf32>
        %select_n3A_1335 = arith.select %gt3A_1331, %div3A_1334, %exp3A_1328 : vector<16xi1>, vector<16xf32>
        %mul3A_1336 = arith.mulf %select_n3A_1335, %select_n3A_1335 : vector<16xf32>
        %mul3A_1337 = arith.constant -0.0817280039 : f32
        %mul3A_1338 = vector.broadcast %mul3A_1337 : f32 to vector<16xf32>
        %mul3A_1339 = arith.mulf %mul3A_1338, %mul3A_1336 : vector<16xf32>
        %add3A_1340 = arith.constant 0.298066169 : f32
        %add3A_1341 = vector.broadcast %add3A_1340 : f32 to vector<16xf32>
        %add3A_1342 = arith.addf %mul3A_1339, %add3A_1341 : vector<16xf32>
        %mul3A_1343 = arith.mulf %add3A_1342, %mul3A_1336 : vector<16xf32>
        %add3A_1344 = arith.constant -0.64457345 : f32
        %add3A_1345 = vector.broadcast %add3A_1344 : f32 to vector<16xf32>
        %add3A_1346 = arith.addf %mul3A_1343, %add3A_1345 : vector<16xf32>
        %mul3A_1347 = arith.mulf %add3A_1346, %mul3A_1336 : vector<16xf32>
        %add3A_1348 = arith.constant 1.99863315 : f32
        %add3A_1349 = vector.broadcast %add3A_1348 : f32 to vector<16xf32>
        %add3A_1350 = arith.addf %mul3A_1347, %add3A_1349 : vector<16xf32>
        %mul3A_1351 = arith.mulf %select_n3A_1335, %add3A_1350 : vector<16xf32>
        %sub3A_1352 = arith.constant 3.14159274 : f32
        %sub3A_1353 = vector.broadcast %sub3A_1352 : f32 to vector<16xf32>
        %sub3A_1354 = arith.subf %sub3A_1353, %mul3A_1351 : vector<16xf32>
        %select_n3A_1355 = arith.select %gt3A_1331, %sub3A_1354, %mul3A_1351 : vector<16xi1>, vector<16xf32>
        %swap3A_1356 = arith.constant 1 : i32
        %swap3A_1357 = arith.index_cast %swap3A_1356 : i32 to index
        %swap3A_1358 = arith.constant 0 : index
        %swap3A_1359 = tpu.vector_load %arg6[%swap3A_1357, %swap3A_1358] {strides = array<i32>} : memref<28x16xf32, #tpu.memory_space<vmem>>, vector<1x16xf32>,
        %swap3A_1360 = vector.shape_cast %swap3A_1359 : vector<1x16xf32> to vector<16xf32>
        %swap3A_1361 = vector.shape_cast %select_n3A_1355 : vector<16xf32> to vector<1x16xf32>
        tpu.vector_store %arg6[%swap3A_1357, %swap3A_1358], %swap3A_1361 {strides = array<i32>} : memref<28x16xf32, #tpu.memory_space<vmem>>, vector<1x16xf32>,
        %mul3A_1362 = vector.broadcast %squeeze3A_101 : f32 to vector<16xf32>
        %mul3A_1363 = arith.mulf %add3A_1312, %mul3A_1362 : vector<16xf32>
        %mul3A_1364 = vector.broadcast %squeeze3A_150 : f32 to vector<16xf32>
        %mul3A_1365 = arith.mulf %add3A_1217, %mul3A_1364 : vector<16xf32>
        %add3A_1366 = arith.addf %mul3A_1363, %mul3A_1365 : vector<16xf32>
        %mul3A_1367 = vector.broadcast %squeeze3A_199 : f32 to vector<16xf32>
        %mul3A_1368 = arith.mulf %add3A_1234, %mul3A_1367 : vector<16xf32>
        %add3A_1369 = arith.addf %add3A_1366, %mul3A_1368 : vector<16xf32>
        %mul3A_1370 = vector.broadcast %squeeze3A_248 : f32 to vector<16xf32>
        %mul3A_1371 = arith.mulf %add3A_1251, %mul3A_1370 : vector<16xf32>
        %add3A_1372 = arith.addf %add3A_1369, %mul3A_1371 : vector<16xf32>
        %sub3A_1373 = arith.subf %add3A_1372, %mul3A_765 : vector<16xf32>
        %mul3A_1374 = arith.constant 5.000000e-01 : f32
        %mul3A_1375 = vector.broadcast %mul3A_1374 : f32 to vector<16xf32>
        %mul3A_1376 = arith.mulf %mul3A_1375, %sub3A_1373 : vector<16xf32>
        %exp3A_1377 = math.exp %mul3A_1376 : vector<16xf32>
        %gt3A_1378 = arith.constant 1.000000e+00 : f32
        %gt3A_1379 = vector.broadcast %gt3A_1378 : f32 to vector<16xf32>
        %gt3A_1380 = arith.cmpf ogt, %exp3A_1377, %gt3A_1379 : vector<16xf32>
        %div3A_1381 = arith.constant 1.000000e+00 : f32
        %div3A_1382 = vector.broadcast %div3A_1381 : f32 to vector<16xf32>
        %div3A_1383 = arith.divf %div3A_1382, %exp3A_1377 : vector<16xf32>
        %select_n3A_1384 = arith.select %gt3A_1380, %div3A_1383, %exp3A_1377 : vector<16xi1>, vector<16xf32>
        %mul3A_1385 = arith.mulf %select_n3A_1384, %select_n3A_1384 : vector<16xf32>
        %mul3A_1386 = arith.constant -0.0817280039 : f32
        %mul3A_1387 = vector.broadcast %mul3A_1386 : f32 to vector<16xf32>
        %mul3A_1388 = arith.mulf %mul3A_1387, %mul3A_1385 : vector<16xf32>
        %add3A_1389 = arith.constant 0.298066169 : f32
        %add3A_1390 = vector.broadcast %add3A_1389 : f32 to vector<16xf32>
        %add3A_1391 = arith.addf %mul3A_1388, %add3A_1390 : vector<16xf32>
        %mul3A_1392 = arith.mulf %add3A_1391, %mul3A_1385 : vector<16xf32>
        %add3A_1393 = arith.constant -0.64457345 : f32
        %add3A_1394 = vector.broadcast %add3A_1393 : f32 to vector<16xf32>
        %add3A_1395 = arith.addf %mul3A_1392, %add3A_1394 : vector<16xf32>
        %mul3A_1396 = arith.mulf %add3A_1395, %mul3A_1385 : vector<16xf32>
        %add3A_1397 = arith.constant 1.99863315 : f32
        %add3A_1398 = vector.broadcast %add3A_1397 : f32 to vector<16xf32>
        %add3A_1399 = arith.addf %mul3A_1396, %add3A_1398 : vector<16xf32>
        %mul3A_1400 = arith.mulf %select_n3A_1384, %add3A_1399 : vector<16xf32>
        %sub3A_1401 = arith.constant 3.14159274 : f32
        %sub3A_1402 = vector.broadcast %sub3A_1401 : f32 to vector<16xf32>
        %sub3A_1403 = arith.subf %sub3A_1402, %mul3A_1400 : vector<16xf32>
        %select_n3A_1404 = arith.select %gt3A_1380, %sub3A_1403, %mul3A_1400 : vector<16xi1>, vector<16xf32>
        %swap3A_1405 = arith.constant 2 : i32
        %swap3A_1406 = arith.index_cast %swap3A_1405 : i32 to index
        %swap3A_1407 = arith.constant 0 : index
        %swap3A_1408 = tpu.vector_load %arg6[%swap3A_1406, %swap3A_1407] {strides = array<i32>} : memref<28x16xf32, #tpu.memory_space<vmem>>, vector<1x16xf32>,
        %swap3A_1409 = vector.shape_cast %swap3A_1408 : vector<1x16xf32> to vector<16xf32>
        %swap3A_1410 = vector.shape_cast %select_n3A_1404 : vector<16xf32> to vector<1x16xf32>
        tpu.vector_store %arg6[%swap3A_1406, %swap3A_1407], %swap3A_1410 {strides = array<i32>} : memref<28x16xf32, #tpu.memory_space<vmem>>, vector<1x16xf32>,
        %mul3A_1411 = vector.broadcast %squeeze3A_108 : f32 to vector<16xf32>
        %mul3A_1412 = arith.mulf %add3A_1312, %mul3A_1411 : vector<16xf32>
        %mul3A_1413 = vector.broadcast %squeeze3A_157 : f32 to vector<16xf32>
        %mul3A_1414 = arith.mulf %add3A_1217, %mul3A_1413 : vector<16xf32>
        %add3A_1415 = arith.addf %mul3A_1412, %mul3A_1414 : vector<16xf32>
        %mul3A_1416 = vector.broadcast %squeeze3A_206 : f32 to vector<16xf32>
        %mul3A_1417 = arith.mulf %add3A_1234, %mul3A_1416 : vector<16xf32>
        %add3A_1418 = arith.addf %add3A_1415, %mul3A_1417 : vector<16xf32>
        %mul3A_1419 = vector.broadcast %squeeze3A_255 : f32 to vector<16xf32>
        %mul3A_1420 = arith.mulf %add3A_1251, %mul3A_1419 : vector<16xf32>
        %add3A_1421 = arith.addf %add3A_1418, %mul3A_1420 : vector<16xf32>
        %sub3A_1422 = arith.subf %add3A_1421, %mul3A_849 : vector<16xf32>
        %mul3A_1423 = arith.constant 5.000000e-01 : f32
        %mul3A_1424 = vector.broadcast %mul3A_1423 : f32 to vector<16xf32>
        %mul3A_1425 = arith.mulf %mul3A_1424, %sub3A_1422 : vector<16xf32>
        %exp3A_1426 = math.exp %mul3A_1425 : vector<16xf32>
        %gt3A_1427 = arith.constant 1.000000e+00 : f32
        %gt3A_1428 = vector.broadcast %gt3A_1427 : f32 to vector<16xf32>
        %gt3A_1429 = arith.cmpf ogt, %exp3A_1426, %gt3A_1428 : vector<16xf32>
        %div3A_1430 = arith.constant 1.000000e+00 : f32
        %div3A_1431 = vector.broadcast %div3A_1430 : f32 to vector<16xf32>
        %div3A_1432 = arith.divf %div3A_1431, %exp3A_1426 : vector<16xf32>
        %select_n3A_1433 = arith.select %gt3A_1429, %div3A_1432, %exp3A_1426 : vector<16xi1>, vector<16xf32>
        %mul3A_1434 = arith.mulf %select_n3A_1433, %select_n3A_1433 : vector<16xf32>
        %mul3A_1435 = arith.constant -0.0817280039 : f32
        %mul3A_1436 = vector.broadcast %mul3A_1435 : f32 to vector<16xf32>
        %mul3A_1437 = arith.mulf %mul3A_1436, %mul3A_1434 : vector<16xf32>
        %add3A_1438 = arith.constant 0.298066169 : f32
        %add3A_1439 = vector.broadcast %add3A_1438 : f32 to vector<16xf32>
        %add3A_1440 = arith.addf %mul3A_1437, %add3A_1439 : vector<16xf32>
        %mul3A_1441 = arith.mulf %add3A_1440, %mul3A_1434 : vector<16xf32>
        %add3A_1442 = arith.constant -0.64457345 : f32
        %add3A_1443 = vector.broadcast %add3A_1442 : f32 to vector<16xf32>
        %add3A_1444 = arith.addf %mul3A_1441, %add3A_1443 : vector<16xf32>
        %mul3A_1445 = arith.mulf %add3A_1444, %mul3A_1434 : vector<16xf32>
        %add3A_1446 = arith.constant 1.99863315 : f32
        %add3A_1447 = vector.broadcast %add3A_1446 : f32 to vector<16xf32>
        %add3A_1448 = arith.addf %mul3A_1445, %add3A_1447 : vector<16xf32>
        %mul3A_1449 = arith.mulf %select_n3A_1433, %add3A_1448 : vector<16xf32>
        %sub3A_1450 = arith.constant 3.14159274 : f32
        %sub3A_1451 = vector.broadcast %sub3A_1450 : f32 to vector<16xf32>
        %sub3A_1452 = arith.subf %sub3A_1451, %mul3A_1449 : vector<16xf32>
        %select_n3A_1453 = arith.select %gt3A_1429, %sub3A_1452, %mul3A_1449 : vector<16xi1>, vector<16xf32>
        %swap3A_1454 = arith.constant 3 : i32
        %swap3A_1455 = arith.index_cast %swap3A_1454 : i32 to index
        %swap3A_1456 = arith.constant 0 : index
        %swap3A_1457 = tpu.vector_load %arg6[%swap3A_1455, %swap3A_1456] {strides = array<i32>} : memref<28x16xf32, #tpu.memory_space<vmem>>, vector<1x16xf32>,
        %swap3A_1458 = vector.shape_cast %swap3A_1457 : vector<1x16xf32> to vector<16xf32>
        %swap3A_1459 = vector.shape_cast %select_n3A_1453 : vector<16xf32> to vector<1x16xf32>
        tpu.vector_store %arg6[%swap3A_1455, %swap3A_1456], %swap3A_1459 {strides = array<i32>} : memref<28x16xf32, #tpu.memory_space<vmem>>, vector<1x16xf32>,
        %mul3A_1460 = vector.broadcast %squeeze3A_115 : f32 to vector<16xf32>
        %mul3A_1461 = arith.mulf %add3A_1312, %mul3A_1460 : vector<16xf32>
        %mul3A_1462 = vector.broadcast %squeeze3A_164 : f32 to vector<16xf32>
        %mul3A_1463 = arith.mulf %add3A_1217, %mul3A_1462 : vector<16xf32>
        %add3A_1464 = arith.addf %mul3A_1461, %mul3A_1463 : vector<16xf32>
        %mul3A_1465 = vector.broadcast %squeeze3A_213 : f32 to vector<16xf32>
        %mul3A_1466 = arith.mulf %add3A_1234, %mul3A_1465 : vector<16xf32>
        %add3A_1467 = arith.addf %add3A_1464, %mul3A_1466 : vector<16xf32>
        %mul3A_1468 = vector.broadcast %squeeze3A_262 : f32 to vector<16xf32>
        %mul3A_1469 = arith.mulf %add3A_1251, %mul3A_1468 : vector<16xf32>
        %add3A_1470 = arith.addf %add3A_1467, %mul3A_1469 : vector<16xf32>
        %sub3A_1471 = arith.subf %add3A_1470, %mul3A_933 : vector<16xf32>
        %mul3A_1472 = arith.constant 5.000000e-01 : f32
        %mul3A_1473 = vector.broadcast %mul3A_1472 : f32 to vector<16xf32>
        %mul3A_1474 = arith.mulf %mul3A_1473, %sub3A_1471 : vector<16xf32>
        %exp3A_1475 = math.exp %mul3A_1474 : vector<16xf32>
        %gt3A_1476 = arith.constant 1.000000e+00 : f32
        %gt3A_1477 = vector.broadcast %gt3A_1476 : f32 to vector<16xf32>
        %gt3A_1478 = arith.cmpf ogt, %exp3A_1475, %gt3A_1477 : vector<16xf32>
        %div3A_1479 = arith.constant 1.000000e+00 : f32
        %div3A_1480 = vector.broadcast %div3A_1479 : f32 to vector<16xf32>
        %div3A_1481 = arith.divf %div3A_1480, %exp3A_1475 : vector<16xf32>
        %select_n3A_1482 = arith.select %gt3A_1478, %div3A_1481, %exp3A_1475 : vector<16xi1>, vector<16xf32>
        %mul3A_1483 = arith.mulf %select_n3A_1482, %select_n3A_1482 : vector<16xf32>
        %mul3A_1484 = arith.constant -0.0817280039 : f32
        %mul3A_1485 = vector.broadcast %mul3A_1484 : f32 to vector<16xf32>
        %mul3A_1486 = arith.mulf %mul3A_1485, %mul3A_1483 : vector<16xf32>
        %add3A_1487 = arith.constant 0.298066169 : f32
        %add3A_1488 = vector.broadcast %add3A_1487 : f32 to vector<16xf32>
        %add3A_1489 = arith.addf %mul3A_1486, %add3A_1488 : vector<16xf32>
        %mul3A_1490 = arith.mulf %add3A_1489, %mul3A_1483 : vector<16xf32>
        %add3A_1491 = arith.constant -0.64457345 : f32
        %add3A_1492 = vector.broadcast %add3A_1491 : f32 to vector<16xf32>
        %add3A_1493 = arith.addf %mul3A_1490, %add3A_1492 : vector<16xf32>
        %mul3A_1494 = arith.mulf %add3A_1493, %mul3A_1483 : vector<16xf32>
        %add3A_1495 = arith.constant 1.99863315 : f32
        %add3A_1496 = vector.broadcast %add3A_1495 : f32 to vector<16xf32>
        %add3A_1497 = arith.addf %mul3A_1494, %add3A_1496 : vector<16xf32>
        %mul3A_1498 = arith.mulf %select_n3A_1482, %add3A_1497 : vector<16xf32>
        %sub3A_1499 = arith.constant 3.14159274 : f32
        %sub3A_1500 = vector.broadcast %sub3A_1499 : f32 to vector<16xf32>
        %sub3A_1501 = arith.subf %sub3A_1500, %mul3A_1498 : vector<16xf32>
        %select_n3A_1502 = arith.select %gt3A_1478, %sub3A_1501, %mul3A_1498 : vector<16xi1>, vector<16xf32>
        %swap3A_1503 = arith.constant 4 : i32
        %swap3A_1504 = arith.index_cast %swap3A_1503 : i32 to index
        %swap3A_1505 = arith.constant 0 : index
        %swap3A_1506 = tpu.vector_load %arg6[%swap3A_1504, %swap3A_1505] {strides = array<i32>} : memref<28x16xf32, #tpu.memory_space<vmem>>, vector<1x16xf32>,
        %swap3A_1507 = vector.shape_cast %swap3A_1506 : vector<1x16xf32> to vector<16xf32>
        %swap3A_1508 = vector.shape_cast %select_n3A_1502 : vector<16xf32> to vector<1x16xf32>
        tpu.vector_store %arg6[%swap3A_1504, %swap3A_1505], %swap3A_1508 {strides = array<i32>} : memref<28x16xf32, #tpu.memory_space<vmem>>, vector<1x16xf32>,
        %mul3A_1509 = vector.broadcast %squeeze3A_122 : f32 to vector<16xf32>
        %mul3A_1510 = arith.mulf %add3A_1312, %mul3A_1509 : vector<16xf32>
        %mul3A_1511 = vector.broadcast %squeeze3A_171 : f32 to vector<16xf32>
        %mul3A_1512 = arith.mulf %add3A_1217, %mul3A_1511 : vector<16xf32>
        %add3A_1513 = arith.addf %mul3A_1510, %mul3A_1512 : vector<16xf32>
        %mul3A_1514 = vector.broadcast %squeeze3A_220 : f32 to vector<16xf32>
        %mul3A_1515 = arith.mulf %add3A_1234, %mul3A_1514 : vector<16xf32>
        %add3A_1516 = arith.addf %add3A_1513, %mul3A_1515 : vector<16xf32>
        %mul3A_1517 = vector.broadcast %squeeze3A_269 : f32 to vector<16xf32>
        %mul3A_1518 = arith.mulf %add3A_1251, %mul3A_1517 : vector<16xf32>
        %add3A_1519 = arith.addf %add3A_1516, %mul3A_1518 : vector<16xf32>
        %sub3A_1520 = arith.subf %add3A_1519, %mul3A_1017 : vector<16xf32>
        %mul3A_1521 = arith.constant 5.000000e-01 : f32
        %mul3A_1522 = vector.broadcast %mul3A_1521 : f32 to vector<16xf32>
        %mul3A_1523 = arith.mulf %mul3A_1522, %sub3A_1520 : vector<16xf32>
        %exp3A_1524 = math.exp %mul3A_1523 : vector<16xf32>
        %gt3A_1525 = arith.constant 1.000000e+00 : f32
        %gt3A_1526 = vector.broadcast %gt3A_1525 : f32 to vector<16xf32>
        %gt3A_1527 = arith.cmpf ogt, %exp3A_1524, %gt3A_1526 : vector<16xf32>
        %div3A_1528 = arith.constant 1.000000e+00 : f32
        %div3A_1529 = vector.broadcast %div3A_1528 : f32 to vector<16xf32>
        %div3A_1530 = arith.divf %div3A_1529, %exp3A_1524 : vector<16xf32>
        %select_n3A_1531 = arith.select %gt3A_1527, %div3A_1530, %exp3A_1524 : vector<16xi1>, vector<16xf32>
        %mul3A_1532 = arith.mulf %select_n3A_1531, %select_n3A_1531 : vector<16xf32>
        %mul3A_1533 = arith.constant -0.0817280039 : f32
        %mul3A_1534 = vector.broadcast %mul3A_1533 : f32 to vector<16xf32>
        %mul3A_1535 = arith.mulf %mul3A_1534, %mul3A_1532 : vector<16xf32>
        %add3A_1536 = arith.constant 0.298066169 : f32
        %add3A_1537 = vector.broadcast %add3A_1536 : f32 to vector<16xf32>
        %add3A_1538 = arith.addf %mul3A_1535, %add3A_1537 : vector<16xf32>
        %mul3A_1539 = arith.mulf %add3A_1538, %mul3A_1532 : vector<16xf32>
        %add3A_1540 = arith.constant -0.64457345 : f32
        %add3A_1541 = vector.broadcast %add3A_1540 : f32 to vector<16xf32>
        %add3A_1542 = arith.addf %mul3A_1539, %add3A_1541 : vector<16xf32>
        %mul3A_1543 = arith.mulf %add3A_1542, %mul3A_1532 : vector<16xf32>
        %add3A_1544 = arith.constant 1.99863315 : f32
        %add3A_1545 = vector.broadcast %add3A_1544 : f32 to vector<16xf32>
        %add3A_1546 = arith.addf %mul3A_1543, %add3A_1545 : vector<16xf32>
        %mul3A_1547 = arith.mulf %select_n3A_1531, %add3A_1546 : vector<16xf32>
        %sub3A_1548 = arith.constant 3.14159274 : f32
        %sub3A_1549 = vector.broadcast %sub3A_1548 : f32 to vector<16xf32>
        %sub3A_1550 = arith.subf %sub3A_1549, %mul3A_1547 : vector<16xf32>
        %select_n3A_1551 = arith.select %gt3A_1527, %sub3A_1550, %mul3A_1547 : vector<16xi1>, vector<16xf32>
        %swap3A_1552 = arith.constant 5 : i32
        %swap3A_1553 = arith.index_cast %swap3A_1552 : i32 to index
        %swap3A_1554 = arith.constant 0 : index
        %swap3A_1555 = tpu.vector_load %arg6[%swap3A_1553, %swap3A_1554] {strides = array<i32>} : memref<28x16xf32, #tpu.memory_space<vmem>>, vector<1x16xf32>,
        %swap3A_1556 = vector.shape_cast %swap3A_1555 : vector<1x16xf32> to vector<16xf32>
        %swap3A_1557 = vector.shape_cast %select_n3A_1551 : vector<16xf32> to vector<1x16xf32>
        tpu.vector_store %arg6[%swap3A_1553, %swap3A_1554], %swap3A_1557 {strides = array<i32>} : memref<28x16xf32, #tpu.memory_space<vmem>>, vector<1x16xf32>,
        %mul3A_1558 = vector.broadcast %squeeze3A_129 : f32 to vector<16xf32>
        %mul3A_1559 = arith.mulf %add3A_1312, %mul3A_1558 : vector<16xf32>
        %mul3A_1560 = vector.broadcast %squeeze3A_178 : f32 to vector<16xf32>
        %mul3A_1561 = arith.mulf %add3A_1217, %mul3A_1560 : vector<16xf32>
        %add3A_1562 = arith.addf %mul3A_1559, %mul3A_1561 : vector<16xf32>
        %mul3A_1563 = vector.broadcast %squeeze3A_227 : f32 to vector<16xf32>
        %mul3A_1564 = arith.mulf %add3A_1234, %mul3A_1563 : vector<16xf32>
        %add3A_1565 = arith.addf %add3A_1562, %mul3A_1564 : vector<16xf32>
        %mul3A_1566 = vector.broadcast %squeeze3A_276 : f32 to vector<16xf32>
        %mul3A_1567 = arith.mulf %add3A_1251, %mul3A_1566 : vector<16xf32>
        %add3A_1568 = arith.addf %add3A_1565, %mul3A_1567 : vector<16xf32>
        %sub3A_1569 = arith.subf %add3A_1568, %mul3A_1101 : vector<16xf32>
        %mul3A_1570 = arith.constant 5.000000e-01 : f32
        %mul3A_1571 = vector.broadcast %mul3A_1570 : f32 to vector<16xf32>
        %mul3A_1572 = arith.mulf %mul3A_1571, %sub3A_1569 : vector<16xf32>
        %exp3A_1573 = math.exp %mul3A_1572 : vector<16xf32>
        %gt3A_1574 = arith.constant 1.000000e+00 : f32
        %gt3A_1575 = vector.broadcast %gt3A_1574 : f32 to vector<16xf32>
        %gt3A_1576 = arith.cmpf ogt, %exp3A_1573, %gt3A_1575 : vector<16xf32>
        %div3A_1577 = arith.constant 1.000000e+00 : f32
        %div3A_1578 = vector.broadcast %div3A_1577 : f32 to vector<16xf32>
        %div3A_1579 = arith.divf %div3A_1578, %exp3A_1573 : vector<16xf32>
        %select_n3A_1580 = arith.select %gt3A_1576, %div3A_1579, %exp3A_1573 : vector<16xi1>, vector<16xf32>
        %mul3A_1581 = arith.mulf %select_n3A_1580, %select_n3A_1580 : vector<16xf32>
        %mul3A_1582 = arith.constant -0.0817280039 : f32
        %mul3A_1583 = vector.broadcast %mul3A_1582 : f32 to vector<16xf32>
        %mul3A_1584 = arith.mulf %mul3A_1583, %mul3A_1581 : vector<16xf32>
        %add3A_1585 = arith.constant 0.298066169 : f32
        %add3A_1586 = vector.broadcast %add3A_1585 : f32 to vector<16xf32>
        %add3A_1587 = arith.addf %mul3A_1584, %add3A_1586 : vector<16xf32>
        %mul3A_1588 = arith.mulf %add3A_1587, %mul3A_1581 : vector<16xf32>
        %add3A_1589 = arith.constant -0.64457345 : f32
        %add3A_1590 = vector.broadcast %add3A_1589 : f32 to vector<16xf32>
        %add3A_1591 = arith.addf %mul3A_1588, %add3A_1590 : vector<16xf32>
        %mul3A_1592 = arith.mulf %add3A_1591, %mul3A_1581 : vector<16xf32>
        %add3A_1593 = arith.constant 1.99863315 : f32
        %add3A_1594 = vector.broadcast %add3A_1593 : f32 to vector<16xf32>
        %add3A_1595 = arith.addf %mul3A_1592, %add3A_1594 : vector<16xf32>
        %mul3A_1596 = arith.mulf %select_n3A_1580, %add3A_1595 : vector<16xf32>
        %sub3A_1597 = arith.constant 3.14159274 : f32
        %sub3A_1598 = vector.broadcast %sub3A_1597 : f32 to vector<16xf32>
        %sub3A_1599 = arith.subf %sub3A_1598, %mul3A_1596 : vector<16xf32>
        %select_n3A_1600 = arith.select %gt3A_1576, %sub3A_1599, %mul3A_1596 : vector<16xi1>, vector<16xf32>
        %swap3A_1601 = arith.constant 6 : i32
        %swap3A_1602 = arith.index_cast %swap3A_1601 : i32 to index
        %swap3A_1603 = arith.constant 0 : index
        %swap3A_1604 = tpu.vector_load %arg6[%swap3A_1602, %swap3A_1603] {strides = array<i32>} : memref<28x16xf32, #tpu.memory_space<vmem>>, vector<1x16xf32>,
        %swap3A_1605 = vector.shape_cast %swap3A_1604 : vector<1x16xf32> to vector<16xf32>
        %swap3A_1606 = vector.shape_cast %select_n3A_1600 : vector<16xf32> to vector<1x16xf32>
        tpu.vector_store %arg6[%swap3A_1602, %swap3A_1603], %swap3A_1606 {strides = array<i32>} : memref<28x16xf32, #tpu.memory_space<vmem>>, vector<1x16xf32>,
        %get3A_1607 = arith.constant 1 : i32
        %get3A_1608 = arith.index_cast %get3A_1607 : i32 to index
        %get3A_1609 = arith.constant 0 : index
        %get3A_1610 = tpu.vector_load %arg6[%get3A_1608, %get3A_1609] {strides = array<i32>} : memref<28x16xf32, #tpu.memory_space<vmem>>, vector<1x16xf32>,
        %get3A_1611 = vector.shape_cast %get3A_1610 : vector<1x16xf32> to vector<16xf32>
        %broadcast_in_dim3A_1612 = vector.shape_cast %xor3A_5 : vector<16xi32> to vector<16x1xi32>
        %gather3A_1613 = vector.shape_cast %broadcast_in_dim3A_1612 : vector<16x1xi32> to vector<16xi32>
        %gather3A_1614 = tpu.dynamic_gather %get3A_1611[%gather3A_1613] in [0] : vector<16xf32>, vector<16xi32> -> vector<16xf32>
        %add3A_1615 = arith.addf %get3A_1611, %gather3A_1614 : vector<16xf32>
        %broadcast_in_dim3A_1616 = vector.shape_cast %xor3A_8 : vector<16xi32> to vector<16x1xi32>
        %gather3A_1617 = vector.shape_cast %broadcast_in_dim3A_1616 : vector<16x1xi32> to vector<16xi32>
        %gather3A_1618 = tpu.dynamic_gather %add3A_1615[%gather3A_1617] in [0] : vector<16xf32>, vector<16xi32> -> vector<16xf32>
        %add3A_1619 = arith.addf %add3A_1615, %gather3A_1618 : vector<16xf32>
        %broadcast_in_dim3A_1620 = vector.shape_cast %xor3A_11 : vector<16xi32> to vector<16x1xi32>
        %gather3A_1621 = vector.shape_cast %broadcast_in_dim3A_1620 : vector<16x1xi32> to vector<16xi32>
        %gather3A_1622 = tpu.dynamic_gather %add3A_1619[%gather3A_1621] in [0] : vector<16xf32>, vector<16xi32> -> vector<16xf32>
        %add3A_1623 = arith.addf %add3A_1619, %gather3A_1622 : vector<16xf32>
        %get3A_1624 = arith.constant 8 : i32
        %get3A_1625 = arith.index_cast %get3A_1624 : i32 to index
        %get3A_1626 = arith.constant 0 : index
        %get3A_1627 = tpu.vector_load %arg6[%get3A_1625, %get3A_1626] {strides = array<i32>} : memref<28x16xf32, #tpu.memory_space<vmem>>, vector<1x16xf32>,
        %get3A_1628 = vector.shape_cast %get3A_1627 : vector<1x16xf32> to vector<16xf32>
        %broadcast_in_dim3A_1629 = vector.shape_cast %xor3A_5 : vector<16xi32> to vector<16x1xi32>
        %gather3A_1630 = vector.shape_cast %broadcast_in_dim3A_1629 : vector<16x1xi32> to vector<16xi32>
        %gather3A_1631 = tpu.dynamic_gather %get3A_1628[%gather3A_1630] in [0] : vector<16xf32>, vector<16xi32> -> vector<16xf32>
        %add3A_1632 = arith.addf %get3A_1628, %gather3A_1631 : vector<16xf32>
        %broadcast_in_dim3A_1633 = vector.shape_cast %xor3A_8 : vector<16xi32> to vector<16x1xi32>
        %gather3A_1634 = vector.shape_cast %broadcast_in_dim3A_1633 : vector<16x1xi32> to vector<16xi32>
        %gather3A_1635 = tpu.dynamic_gather %add3A_1632[%gather3A_1634] in [0] : vector<16xf32>, vector<16xi32> -> vector<16xf32>
        %add3A_1636 = arith.addf %add3A_1632, %gather3A_1635 : vector<16xf32>
        %broadcast_in_dim3A_1637 = vector.shape_cast %xor3A_11 : vector<16xi32> to vector<16x1xi32>
        %gather3A_1638 = vector.shape_cast %broadcast_in_dim3A_1637 : vector<16x1xi32> to vector<16xi32>
        %gather3A_1639 = tpu.dynamic_gather %add3A_1636[%gather3A_1638] in [0] : vector<16xf32>, vector<16xi32> -> vector<16xf32>
        %add3A_1640 = arith.addf %add3A_1636, %gather3A_1639 : vector<16xf32>
        %get3A_1641 = arith.constant 15 : i32
        %get3A_1642 = arith.index_cast %get3A_1641 : i32 to index
        %get3A_1643 = arith.constant 0 : index
        %get3A_1644 = tpu.vector_load %arg6[%get3A_1642, %get3A_1643] {strides = array<i32>} : memref<28x16xf32, #tpu.memory_space<vmem>>, vector<1x16xf32>,
        %get3A_1645 = vector.shape_cast %get3A_1644 : vector<1x16xf32> to vector<16xf32>
        %broadcast_in_dim3A_1646 = vector.shape_cast %xor3A_5 : vector<16xi32> to vector<16x1xi32>
        %gather3A_1647 = vector.shape_cast %broadcast_in_dim3A_1646 : vector<16x1xi32> to vector<16xi32>
        %gather3A_1648 = tpu.dynamic_gather %get3A_1645[%gather3A_1647] in [0] : vector<16xf32>, vector<16xi32> -> vector<16xf32>
        %add3A_1649 = arith.addf %get3A_1645, %gather3A_1648 : vector<16xf32>
        %broadcast_in_dim3A_1650 = vector.shape_cast %xor3A_8 : vector<16xi32> to vector<16x1xi32>
        %gather3A_1651 = vector.shape_cast %broadcast_in_dim3A_1650 : vector<16x1xi32> to vector<16xi32>
        %gather3A_1652 = tpu.dynamic_gather %add3A_1649[%gather3A_1651] in [0] : vector<16xf32>, vector<16xi32> -> vector<16xf32>
        %add3A_1653 = arith.addf %add3A_1649, %gather3A_1652 : vector<16xf32>
        %broadcast_in_dim3A_1654 = vector.shape_cast %xor3A_11 : vector<16xi32> to vector<16x1xi32>
        %gather3A_1655 = vector.shape_cast %broadcast_in_dim3A_1654 : vector<16x1xi32> to vector<16xi32>
        %gather3A_1656 = tpu.dynamic_gather %add3A_1653[%gather3A_1655] in [0] : vector<16xf32>, vector<16xi32> -> vector<16xf32>
        %add3A_1657 = arith.addf %add3A_1653, %gather3A_1656 : vector<16xf32>
        %get3A_1658 = arith.constant 22 : i32
        %get3A_1659 = arith.index_cast %get3A_1658 : i32 to index
        %get3A_1660 = arith.constant 0 : index
        %get3A_1661 = tpu.vector_load %arg6[%get3A_1659, %get3A_1660] {strides = array<i32>} : memref<28x16xf32, #tpu.memory_space<vmem>>, vector<1x16xf32>,
        %get3A_1662 = vector.shape_cast %get3A_1661 : vector<1x16xf32> to vector<16xf32>
        %broadcast_in_dim3A_1663 = vector.shape_cast %xor3A_5 : vector<16xi32> to vector<16x1xi32>
        %gather3A_1664 = vector.shape_cast %broadcast_in_dim3A_1663 : vector<16x1xi32> to vector<16xi32>
        %gather3A_1665 = tpu.dynamic_gather %get3A_1662[%gather3A_1664] in [0] : vector<16xf32>, vector<16xi32> -> vector<16xf32>
        %add3A_1666 = arith.addf %get3A_1662, %gather3A_1665 : vector<16xf32>
        %broadcast_in_dim3A_1667 = vector.shape_cast %xor3A_8 : vector<16xi32> to vector<16x1xi32>
        %gather3A_1668 = vector.shape_cast %broadcast_in_dim3A_1667 : vector<16x1xi32> to vector<16xi32>
        %gather3A_1669 = tpu.dynamic_gather %add3A_1666[%gather3A_1668] in [0] : vector<16xf32>, vector<16xi32> -> vector<16xf32>
        %add3A_1670 = arith.addf %add3A_1666, %gather3A_1669 : vector<16xf32>
        %broadcast_in_dim3A_1671 = vector.shape_cast %xor3A_11 : vector<16xi32> to vector<16x1xi32>
        %gather3A_1672 = vector.shape_cast %broadcast_in_dim3A_1671 : vector<16x1xi32> to vector<16xi32>
        %gather3A_1673 = tpu.dynamic_gather %add3A_1670[%gather3A_1672] in [0] : vector<16xf32>, vector<16xi32> -> vector<16xf32>
        %add3A_1674 = arith.addf %add3A_1670, %gather3A_1673 : vector<16xf32>
        %mul3A_1675 = vector.broadcast %squeeze3A : f32 to vector<16xf32>
        %mul3A_1676 = arith.mulf %add3A_1623, %mul3A_1675 : vector<16xf32>
        %mul3A_1677 = vector.broadcast %squeeze3A_136 : f32 to vector<16xf32>
        %mul3A_1678 = arith.mulf %add3A_1640, %mul3A_1677 : vector<16xf32>
        %add3A_1679 = arith.addf %mul3A_1676, %mul3A_1678 : vector<16xf32>
        %mul3A_1680 = vector.broadcast %squeeze3A_185 : f32 to vector<16xf32>
        %mul3A_1681 = arith.mulf %add3A_1657, %mul3A_1680 : vector<16xf32>
        %add3A_1682 = arith.addf %add3A_1679, %mul3A_1681 : vector<16xf32>
        %mul3A_1683 = vector.broadcast %squeeze3A_234 : f32 to vector<16xf32>
        %mul3A_1684 = arith.mulf %add3A_1674, %mul3A_1683 : vector<16xf32>
        %add3A_1685 = arith.addf %add3A_1682, %mul3A_1684 : vector<16xf32>
        %sub3A_1686 = arith.subf %add3A_1685, %mul3A_623 : vector<16xf32>
        %mul3A_1687 = arith.constant 5.000000e-01 : f32
        %mul3A_1688 = vector.broadcast %mul3A_1687 : f32 to vector<16xf32>
        %mul3A_1689 = arith.mulf %mul3A_1688, %sub3A_1686 : vector<16xf32>
        %exp3A_1690 = math.exp %mul3A_1689 : vector<16xf32>
        %gt3A_1691 = arith.constant 1.000000e+00 : f32
        %gt3A_1692 = vector.broadcast %gt3A_1691 : f32 to vector<16xf32>
        %gt3A_1693 = arith.cmpf ogt, %exp3A_1690, %gt3A_1692 : vector<16xf32>
        %div3A_1694 = arith.constant 1.000000e+00 : f32
        %div3A_1695 = vector.broadcast %div3A_1694 : f32 to vector<16xf32>
        %div3A_1696 = arith.divf %div3A_1695, %exp3A_1690 : vector<16xf32>
        %select_n3A_1697 = arith.select %gt3A_1693, %div3A_1696, %exp3A_1690 : vector<16xi1>, vector<16xf32>
        %mul3A_1698 = arith.mulf %select_n3A_1697, %select_n3A_1697 : vector<16xf32>
        %mul3A_1699 = arith.constant -0.0817280039 : f32
        %mul3A_1700 = vector.broadcast %mul3A_1699 : f32 to vector<16xf32>
        %mul3A_1701 = arith.mulf %mul3A_1700, %mul3A_1698 : vector<16xf32>
        %add3A_1702 = arith.constant 0.298066169 : f32
        %add3A_1703 = vector.broadcast %add3A_1702 : f32 to vector<16xf32>
        %add3A_1704 = arith.addf %mul3A_1701, %add3A_1703 : vector<16xf32>
        %mul3A_1705 = arith.mulf %add3A_1704, %mul3A_1698 : vector<16xf32>
        %add3A_1706 = arith.constant -0.64457345 : f32
        %add3A_1707 = vector.broadcast %add3A_1706 : f32 to vector<16xf32>
        %add3A_1708 = arith.addf %mul3A_1705, %add3A_1707 : vector<16xf32>
        %mul3A_1709 = arith.mulf %add3A_1708, %mul3A_1698 : vector<16xf32>
        %add3A_1710 = arith.constant 1.99863315 : f32
        %add3A_1711 = vector.broadcast %add3A_1710 : f32 to vector<16xf32>
        %add3A_1712 = arith.addf %mul3A_1709, %add3A_1711 : vector<16xf32>
        %mul3A_1713 = arith.mulf %select_n3A_1697, %add3A_1712 : vector<16xf32>
        %sub3A_1714 = arith.constant 3.14159274 : f32
        %sub3A_1715 = vector.broadcast %sub3A_1714 : f32 to vector<16xf32>
        %sub3A_1716 = arith.subf %sub3A_1715, %mul3A_1713 : vector<16xf32>
        %select_n3A_1717 = arith.select %gt3A_1693, %sub3A_1716, %mul3A_1713 : vector<16xi1>, vector<16xf32>
        %swap3A_1718 = arith.constant 7 : i32
        %swap3A_1719 = arith.index_cast %swap3A_1718 : i32 to index
        %swap3A_1720 = arith.constant 0 : index
        %swap3A_1721 = tpu.vector_load %arg6[%swap3A_1719, %swap3A_1720] {strides = array<i32>} : memref<28x16xf32, #tpu.memory_space<vmem>>, vector<1x16xf32>,
        %swap3A_1722 = vector.shape_cast %swap3A_1721 : vector<1x16xf32> to vector<16xf32>
        %swap3A_1723 = vector.shape_cast %select_n3A_1717 : vector<16xf32> to vector<1x16xf32>
        tpu.vector_store %arg6[%swap3A_1719, %swap3A_1720], %swap3A_1723 {strides = array<i32>} : memref<28x16xf32, #tpu.memory_space<vmem>>, vector<1x16xf32>,
        %mul3A_1724 = vector.broadcast %squeeze3A_94 : f32 to vector<16xf32>
        %mul3A_1725 = arith.mulf %add3A_1623, %mul3A_1724 : vector<16xf32>
        %mul3A_1726 = vector.broadcast %squeeze3A_143 : f32 to vector<16xf32>
        %mul3A_1727 = arith.mulf %add3A_1640, %mul3A_1726 : vector<16xf32>
        %add3A_1728 = arith.addf %mul3A_1725, %mul3A_1727 : vector<16xf32>
        %mul3A_1729 = vector.broadcast %squeeze3A_192 : f32 to vector<16xf32>
        %mul3A_1730 = arith.mulf %add3A_1657, %mul3A_1729 : vector<16xf32>
        %add3A_1731 = arith.addf %add3A_1728, %mul3A_1730 : vector<16xf32>
        %mul3A_1732 = vector.broadcast %squeeze3A_241 : f32 to vector<16xf32>
        %mul3A_1733 = arith.mulf %add3A_1674, %mul3A_1732 : vector<16xf32>
        %add3A_1734 = arith.addf %add3A_1731, %mul3A_1733 : vector<16xf32>
        %sub3A_1735 = arith.subf %add3A_1734, %mul3A_702 : vector<16xf32>
        %mul3A_1736 = arith.constant 5.000000e-01 : f32
        %mul3A_1737 = vector.broadcast %mul3A_1736 : f32 to vector<16xf32>
        %mul3A_1738 = arith.mulf %mul3A_1737, %sub3A_1735 : vector<16xf32>
        %exp3A_1739 = math.exp %mul3A_1738 : vector<16xf32>
        %gt3A_1740 = arith.constant 1.000000e+00 : f32
        %gt3A_1741 = vector.broadcast %gt3A_1740 : f32 to vector<16xf32>
        %gt3A_1742 = arith.cmpf ogt, %exp3A_1739, %gt3A_1741 : vector<16xf32>
        %div3A_1743 = arith.constant 1.000000e+00 : f32
        %div3A_1744 = vector.broadcast %div3A_1743 : f32 to vector<16xf32>
        %div3A_1745 = arith.divf %div3A_1744, %exp3A_1739 : vector<16xf32>
        %select_n3A_1746 = arith.select %gt3A_1742, %div3A_1745, %exp3A_1739 : vector<16xi1>, vector<16xf32>
        %mul3A_1747 = arith.mulf %select_n3A_1746, %select_n3A_1746 : vector<16xf32>
        %mul3A_1748 = arith.constant -0.0817280039 : f32
        %mul3A_1749 = vector.broadcast %mul3A_1748 : f32 to vector<16xf32>
        %mul3A_1750 = arith.mulf %mul3A_1749, %mul3A_1747 : vector<16xf32>
        %add3A_1751 = arith.constant 0.298066169 : f32
        %add3A_1752 = vector.broadcast %add3A_1751 : f32 to vector<16xf32>
        %add3A_1753 = arith.addf %mul3A_1750, %add3A_1752 : vector<16xf32>
        %mul3A_1754 = arith.mulf %add3A_1753, %mul3A_1747 : vector<16xf32>
        %add3A_1755 = arith.constant -0.64457345 : f32
        %add3A_1756 = vector.broadcast %add3A_1755 : f32 to vector<16xf32>
        %add3A_1757 = arith.addf %mul3A_1754, %add3A_1756 : vector<16xf32>
        %mul3A_1758 = arith.mulf %add3A_1757, %mul3A_1747 : vector<16xf32>
        %add3A_1759 = arith.constant 1.99863315 : f32
        %add3A_1760 = vector.broadcast %add3A_1759 : f32 to vector<16xf32>
        %add3A_1761 = arith.addf %mul3A_1758, %add3A_1760 : vector<16xf32>
        %mul3A_1762 = arith.mulf %select_n3A_1746, %add3A_1761 : vector<16xf32>
        %sub3A_1763 = arith.constant 3.14159274 : f32
        %sub3A_1764 = vector.broadcast %sub3A_1763 : f32 to vector<16xf32>
        %sub3A_1765 = arith.subf %sub3A_1764, %mul3A_1762 : vector<16xf32>
        %select_n3A_1766 = arith.select %gt3A_1742, %sub3A_1765, %mul3A_1762 : vector<16xi1>, vector<16xf32>
        %swap3A_1767 = arith.constant 8 : i32
        %swap3A_1768 = arith.index_cast %swap3A_1767 : i32 to index
        %swap3A_1769 = arith.constant 0 : index
        %swap3A_1770 = tpu.vector_load %arg6[%swap3A_1768, %swap3A_1769] {strides = array<i32>} : memref<28x16xf32, #tpu.memory_space<vmem>>, vector<1x16xf32>,
        %swap3A_1771 = vector.shape_cast %swap3A_1770 : vector<1x16xf32> to vector<16xf32>
        %swap3A_1772 = vector.shape_cast %select_n3A_1766 : vector<16xf32> to vector<1x16xf32>
        tpu.vector_store %arg6[%swap3A_1768, %swap3A_1769], %swap3A_1772 {strides = array<i32>} : memref<28x16xf32, #tpu.memory_space<vmem>>, vector<1x16xf32>,
        %broadcast_in_dim3A_1773 = vector.shape_cast %xor3A_5 : vector<16xi32> to vector<16x1xi32>
        %gather3A_1774 = vector.shape_cast %broadcast_in_dim3A_1773 : vector<16x1xi32> to vector<16xi32>
        %gather3A_1775 = tpu.dynamic_gather %select_n3A_1766[%gather3A_1774] in [0] : vector<16xf32>, vector<16xi32> -> vector<16xf32>
        %add3A_1776 = arith.addf %select_n3A_1766, %gather3A_1775 : vector<16xf32>
        %broadcast_in_dim3A_1777 = vector.shape_cast %xor3A_8 : vector<16xi32> to vector<16x1xi32>
        %gather3A_1778 = vector.shape_cast %broadcast_in_dim3A_1777 : vector<16x1xi32> to vector<16xi32>
        %gather3A_1779 = tpu.dynamic_gather %add3A_1776[%gather3A_1778] in [0] : vector<16xf32>, vector<16xi32> -> vector<16xf32>
        %add3A_1780 = arith.addf %add3A_1776, %gather3A_1779 : vector<16xf32>
        %broadcast_in_dim3A_1781 = vector.shape_cast %xor3A_11 : vector<16xi32> to vector<16x1xi32>
        %gather3A_1782 = vector.shape_cast %broadcast_in_dim3A_1781 : vector<16x1xi32> to vector<16xi32>
        %gather3A_1783 = tpu.dynamic_gather %add3A_1780[%gather3A_1782] in [0] : vector<16xf32>, vector<16xi32> -> vector<16xf32>
        %add3A_1784 = arith.addf %add3A_1780, %gather3A_1783 : vector<16xf32>
        %mul3A_1785 = vector.broadcast %squeeze3A_101 : f32 to vector<16xf32>
        %mul3A_1786 = arith.mulf %add3A_1623, %mul3A_1785 : vector<16xf32>
        %mul3A_1787 = vector.broadcast %squeeze3A_150 : f32 to vector<16xf32>
        %mul3A_1788 = arith.mulf %add3A_1784, %mul3A_1787 : vector<16xf32>
        %add3A_1789 = arith.addf %mul3A_1786, %mul3A_1788 : vector<16xf32>
        %mul3A_1790 = vector.broadcast %squeeze3A_199 : f32 to vector<16xf32>
        %mul3A_1791 = arith.mulf %add3A_1657, %mul3A_1790 : vector<16xf32>
        %add3A_1792 = arith.addf %add3A_1789, %mul3A_1791 : vector<16xf32>
        %mul3A_1793 = vector.broadcast %squeeze3A_248 : f32 to vector<16xf32>
        %mul3A_1794 = arith.mulf %add3A_1674, %mul3A_1793 : vector<16xf32>
        %add3A_1795 = arith.addf %add3A_1792, %mul3A_1794 : vector<16xf32>
        %sub3A_1796 = arith.subf %add3A_1795, %mul3A_786 : vector<16xf32>
        %mul3A_1797 = arith.constant 5.000000e-01 : f32
        %mul3A_1798 = vector.broadcast %mul3A_1797 : f32 to vector<16xf32>
        %mul3A_1799 = arith.mulf %mul3A_1798, %sub3A_1796 : vector<16xf32>
        %exp3A_1800 = math.exp %mul3A_1799 : vector<16xf32>
        %gt3A_1801 = arith.constant 1.000000e+00 : f32
        %gt3A_1802 = vector.broadcast %gt3A_1801 : f32 to vector<16xf32>
        %gt3A_1803 = arith.cmpf ogt, %exp3A_1800, %gt3A_1802 : vector<16xf32>
        %div3A_1804 = arith.constant 1.000000e+00 : f32
        %div3A_1805 = vector.broadcast %div3A_1804 : f32 to vector<16xf32>
        %div3A_1806 = arith.divf %div3A_1805, %exp3A_1800 : vector<16xf32>
        %select_n3A_1807 = arith.select %gt3A_1803, %div3A_1806, %exp3A_1800 : vector<16xi1>, vector<16xf32>
        %mul3A_1808 = arith.mulf %select_n3A_1807, %select_n3A_1807 : vector<16xf32>
        %mul3A_1809 = arith.constant -0.0817280039 : f32
        %mul3A_1810 = vector.broadcast %mul3A_1809 : f32 to vector<16xf32>
        %mul3A_1811 = arith.mulf %mul3A_1810, %mul3A_1808 : vector<16xf32>
        %add3A_1812 = arith.constant 0.298066169 : f32
        %add3A_1813 = vector.broadcast %add3A_1812 : f32 to vector<16xf32>
        %add3A_1814 = arith.addf %mul3A_1811, %add3A_1813 : vector<16xf32>
        %mul3A_1815 = arith.mulf %add3A_1814, %mul3A_1808 : vector<16xf32>
        %add3A_1816 = arith.constant -0.64457345 : f32
        %add3A_1817 = vector.broadcast %add3A_1816 : f32 to vector<16xf32>
        %add3A_1818 = arith.addf %mul3A_1815, %add3A_1817 : vector<16xf32>
        %mul3A_1819 = arith.mulf %add3A_1818, %mul3A_1808 : vector<16xf32>
        %add3A_1820 = arith.constant 1.99863315 : f32
        %add3A_1821 = vector.broadcast %add3A_1820 : f32 to vector<16xf32>
        %add3A_1822 = arith.addf %mul3A_1819, %add3A_1821 : vector<16xf32>
        %mul3A_1823 = arith.mulf %select_n3A_1807, %add3A_1822 : vector<16xf32>
        %sub3A_1824 = arith.constant 3.14159274 : f32
        %sub3A_1825 = vector.broadcast %sub3A_1824 : f32 to vector<16xf32>
        %sub3A_1826 = arith.subf %sub3A_1825, %mul3A_1823 : vector<16xf32>
        %select_n3A_1827 = arith.select %gt3A_1803, %sub3A_1826, %mul3A_1823 : vector<16xi1>, vector<16xf32>
        %swap3A_1828 = arith.constant 9 : i32
        %swap3A_1829 = arith.index_cast %swap3A_1828 : i32 to index
        %swap3A_1830 = arith.constant 0 : index
        %swap3A_1831 = tpu.vector_load %arg6[%swap3A_1829, %swap3A_1830] {strides = array<i32>} : memref<28x16xf32, #tpu.memory_space<vmem>>, vector<1x16xf32>,
        %swap3A_1832 = vector.shape_cast %swap3A_1831 : vector<1x16xf32> to vector<16xf32>
        %swap3A_1833 = vector.shape_cast %select_n3A_1827 : vector<16xf32> to vector<1x16xf32>
        tpu.vector_store %arg6[%swap3A_1829, %swap3A_1830], %swap3A_1833 {strides = array<i32>} : memref<28x16xf32, #tpu.memory_space<vmem>>, vector<1x16xf32>,
        %mul3A_1834 = vector.broadcast %squeeze3A_108 : f32 to vector<16xf32>
        %mul3A_1835 = arith.mulf %add3A_1623, %mul3A_1834 : vector<16xf32>
        %mul3A_1836 = vector.broadcast %squeeze3A_157 : f32 to vector<16xf32>
        %mul3A_1837 = arith.mulf %add3A_1784, %mul3A_1836 : vector<16xf32>
        %add3A_1838 = arith.addf %mul3A_1835, %mul3A_1837 : vector<16xf32>
        %mul3A_1839 = vector.broadcast %squeeze3A_206 : f32 to vector<16xf32>
        %mul3A_1840 = arith.mulf %add3A_1657, %mul3A_1839 : vector<16xf32>
        %add3A_1841 = arith.addf %add3A_1838, %mul3A_1840 : vector<16xf32>
        %mul3A_1842 = vector.broadcast %squeeze3A_255 : f32 to vector<16xf32>
        %mul3A_1843 = arith.mulf %add3A_1674, %mul3A_1842 : vector<16xf32>
        %add3A_1844 = arith.addf %add3A_1841, %mul3A_1843 : vector<16xf32>
        %sub3A_1845 = arith.subf %add3A_1844, %mul3A_870 : vector<16xf32>
        %mul3A_1846 = arith.constant 5.000000e-01 : f32
        %mul3A_1847 = vector.broadcast %mul3A_1846 : f32 to vector<16xf32>
        %mul3A_1848 = arith.mulf %mul3A_1847, %sub3A_1845 : vector<16xf32>
        %exp3A_1849 = math.exp %mul3A_1848 : vector<16xf32>
        %gt3A_1850 = arith.constant 1.000000e+00 : f32
        %gt3A_1851 = vector.broadcast %gt3A_1850 : f32 to vector<16xf32>
        %gt3A_1852 = arith.cmpf ogt, %exp3A_1849, %gt3A_1851 : vector<16xf32>
        %div3A_1853 = arith.constant 1.000000e+00 : f32
        %div3A_1854 = vector.broadcast %div3A_1853 : f32 to vector<16xf32>
        %div3A_1855 = arith.divf %div3A_1854, %exp3A_1849 : vector<16xf32>
        %select_n3A_1856 = arith.select %gt3A_1852, %div3A_1855, %exp3A_1849 : vector<16xi1>, vector<16xf32>
        %mul3A_1857 = arith.mulf %select_n3A_1856, %select_n3A_1856 : vector<16xf32>
        %mul3A_1858 = arith.constant -0.0817280039 : f32
        %mul3A_1859 = vector.broadcast %mul3A_1858 : f32 to vector<16xf32>
        %mul3A_1860 = arith.mulf %mul3A_1859, %mul3A_1857 : vector<16xf32>
        %add3A_1861 = arith.constant 0.298066169 : f32
        %add3A_1862 = vector.broadcast %add3A_1861 : f32 to vector<16xf32>
        %add3A_1863 = arith.addf %mul3A_1860, %add3A_1862 : vector<16xf32>
        %mul3A_1864 = arith.mulf %add3A_1863, %mul3A_1857 : vector<16xf32>
        %add3A_1865 = arith.constant -0.64457345 : f32
        %add3A_1866 = vector.broadcast %add3A_1865 : f32 to vector<16xf32>
        %add3A_1867 = arith.addf %mul3A_1864, %add3A_1866 : vector<16xf32>
        %mul3A_1868 = arith.mulf %add3A_1867, %mul3A_1857 : vector<16xf32>
        %add3A_1869 = arith.constant 1.99863315 : f32
        %add3A_1870 = vector.broadcast %add3A_1869 : f32 to vector<16xf32>
        %add3A_1871 = arith.addf %mul3A_1868, %add3A_1870 : vector<16xf32>
        %mul3A_1872 = arith.mulf %select_n3A_1856, %add3A_1871 : vector<16xf32>
        %sub3A_1873 = arith.constant 3.14159274 : f32
        %sub3A_1874 = vector.broadcast %sub3A_1873 : f32 to vector<16xf32>
        %sub3A_1875 = arith.subf %sub3A_1874, %mul3A_1872 : vector<16xf32>
        %select_n3A_1876 = arith.select %gt3A_1852, %sub3A_1875, %mul3A_1872 : vector<16xi1>, vector<16xf32>
        %swap3A_1877 = arith.constant 10 : i32
        %swap3A_1878 = arith.index_cast %swap3A_1877 : i32 to index
        %swap3A_1879 = arith.constant 0 : index
        %swap3A_1880 = tpu.vector_load %arg6[%swap3A_1878, %swap3A_1879] {strides = array<i32>} : memref<28x16xf32, #tpu.memory_space<vmem>>, vector<1x16xf32>,
        %swap3A_1881 = vector.shape_cast %swap3A_1880 : vector<1x16xf32> to vector<16xf32>
        %swap3A_1882 = vector.shape_cast %select_n3A_1876 : vector<16xf32> to vector<1x16xf32>
        tpu.vector_store %arg6[%swap3A_1878, %swap3A_1879], %swap3A_1882 {strides = array<i32>} : memref<28x16xf32, #tpu.memory_space<vmem>>, vector<1x16xf32>,
        %mul3A_1883 = vector.broadcast %squeeze3A_115 : f32 to vector<16xf32>
        %mul3A_1884 = arith.mulf %add3A_1623, %mul3A_1883 : vector<16xf32>
        %mul3A_1885 = vector.broadcast %squeeze3A_164 : f32 to vector<16xf32>
        %mul3A_1886 = arith.mulf %add3A_1784, %mul3A_1885 : vector<16xf32>
        %add3A_1887 = arith.addf %mul3A_1884, %mul3A_1886 : vector<16xf32>
        %mul3A_1888 = vector.broadcast %squeeze3A_213 : f32 to vector<16xf32>
        %mul3A_1889 = arith.mulf %add3A_1657, %mul3A_1888 : vector<16xf32>
        %add3A_1890 = arith.addf %add3A_1887, %mul3A_1889 : vector<16xf32>
        %mul3A_1891 = vector.broadcast %squeeze3A_262 : f32 to vector<16xf32>
        %mul3A_1892 = arith.mulf %add3A_1674, %mul3A_1891 : vector<16xf32>
        %add3A_1893 = arith.addf %add3A_1890, %mul3A_1892 : vector<16xf32>
        %sub3A_1894 = arith.subf %add3A_1893, %mul3A_954 : vector<16xf32>
        %mul3A_1895 = arith.constant 5.000000e-01 : f32
        %mul3A_1896 = vector.broadcast %mul3A_1895 : f32 to vector<16xf32>
        %mul3A_1897 = arith.mulf %mul3A_1896, %sub3A_1894 : vector<16xf32>
        %exp3A_1898 = math.exp %mul3A_1897 : vector<16xf32>
        %gt3A_1899 = arith.constant 1.000000e+00 : f32
        %gt3A_1900 = vector.broadcast %gt3A_1899 : f32 to vector<16xf32>
        %gt3A_1901 = arith.cmpf ogt, %exp3A_1898, %gt3A_1900 : vector<16xf32>
        %div3A_1902 = arith.constant 1.000000e+00 : f32
        %div3A_1903 = vector.broadcast %div3A_1902 : f32 to vector<16xf32>
        %div3A_1904 = arith.divf %div3A_1903, %exp3A_1898 : vector<16xf32>
        %select_n3A_1905 = arith.select %gt3A_1901, %div3A_1904, %exp3A_1898 : vector<16xi1>, vector<16xf32>
        %mul3A_1906 = arith.mulf %select_n3A_1905, %select_n3A_1905 : vector<16xf32>
        %mul3A_1907 = arith.constant -0.0817280039 : f32
        %mul3A_1908 = vector.broadcast %mul3A_1907 : f32 to vector<16xf32>
        %mul3A_1909 = arith.mulf %mul3A_1908, %mul3A_1906 : vector<16xf32>
        %add3A_1910 = arith.constant 0.298066169 : f32
        %add3A_1911 = vector.broadcast %add3A_1910 : f32 to vector<16xf32>
        %add3A_1912 = arith.addf %mul3A_1909, %add3A_1911 : vector<16xf32>
        %mul3A_1913 = arith.mulf %add3A_1912, %mul3A_1906 : vector<16xf32>
        %add3A_1914 = arith.constant -0.64457345 : f32
        %add3A_1915 = vector.broadcast %add3A_1914 : f32 to vector<16xf32>
        %add3A_1916 = arith.addf %mul3A_1913, %add3A_1915 : vector<16xf32>
        %mul3A_1917 = arith.mulf %add3A_1916, %mul3A_1906 : vector<16xf32>
        %add3A_1918 = arith.constant 1.99863315 : f32
        %add3A_1919 = vector.broadcast %add3A_1918 : f32 to vector<16xf32>
        %add3A_1920 = arith.addf %mul3A_1917, %add3A_1919 : vector<16xf32>
        %mul3A_1921 = arith.mulf %select_n3A_1905, %add3A_1920 : vector<16xf32>
        %sub3A_1922 = arith.constant 3.14159274 : f32
        %sub3A_1923 = vector.broadcast %sub3A_1922 : f32 to vector<16xf32>
        %sub3A_1924 = arith.subf %sub3A_1923, %mul3A_1921 : vector<16xf32>
        %select_n3A_1925 = arith.select %gt3A_1901, %sub3A_1924, %mul3A_1921 : vector<16xi1>, vector<16xf32>
        %swap3A_1926 = arith.constant 11 : i32
        %swap3A_1927 = arith.index_cast %swap3A_1926 : i32 to index
        %swap3A_1928 = arith.constant 0 : index
        %swap3A_1929 = tpu.vector_load %arg6[%swap3A_1927, %swap3A_1928] {strides = array<i32>} : memref<28x16xf32, #tpu.memory_space<vmem>>, vector<1x16xf32>,
        %swap3A_1930 = vector.shape_cast %swap3A_1929 : vector<1x16xf32> to vector<16xf32>
        %swap3A_1931 = vector.shape_cast %select_n3A_1925 : vector<16xf32> to vector<1x16xf32>
        tpu.vector_store %arg6[%swap3A_1927, %swap3A_1928], %swap3A_1931 {strides = array<i32>} : memref<28x16xf32, #tpu.memory_space<vmem>>, vector<1x16xf32>,
        %mul3A_1932 = vector.broadcast %squeeze3A_122 : f32 to vector<16xf32>
        %mul3A_1933 = arith.mulf %add3A_1623, %mul3A_1932 : vector<16xf32>
        %mul3A_1934 = vector.broadcast %squeeze3A_171 : f32 to vector<16xf32>
        %mul3A_1935 = arith.mulf %add3A_1784, %mul3A_1934 : vector<16xf32>
        %add3A_1936 = arith.addf %mul3A_1933, %mul3A_1935 : vector<16xf32>
        %mul3A_1937 = vector.broadcast %squeeze3A_220 : f32 to vector<16xf32>
        %mul3A_1938 = arith.mulf %add3A_1657, %mul3A_1937 : vector<16xf32>
        %add3A_1939 = arith.addf %add3A_1936, %mul3A_1938 : vector<16xf32>
        %mul3A_1940 = vector.broadcast %squeeze3A_269 : f32 to vector<16xf32>
        %mul3A_1941 = arith.mulf %add3A_1674, %mul3A_1940 : vector<16xf32>
        %add3A_1942 = arith.addf %add3A_1939, %mul3A_1941 : vector<16xf32>
        %sub3A_1943 = arith.subf %add3A_1942, %mul3A_1038 : vector<16xf32>
        %mul3A_1944 = arith.constant 5.000000e-01 : f32
        %mul3A_1945 = vector.broadcast %mul3A_1944 : f32 to vector<16xf32>
        %mul3A_1946 = arith.mulf %mul3A_1945, %sub3A_1943 : vector<16xf32>
        %exp3A_1947 = math.exp %mul3A_1946 : vector<16xf32>
        %gt3A_1948 = arith.constant 1.000000e+00 : f32
        %gt3A_1949 = vector.broadcast %gt3A_1948 : f32 to vector<16xf32>
        %gt3A_1950 = arith.cmpf ogt, %exp3A_1947, %gt3A_1949 : vector<16xf32>
        %div3A_1951 = arith.constant 1.000000e+00 : f32
        %div3A_1952 = vector.broadcast %div3A_1951 : f32 to vector<16xf32>
        %div3A_1953 = arith.divf %div3A_1952, %exp3A_1947 : vector<16xf32>
        %select_n3A_1954 = arith.select %gt3A_1950, %div3A_1953, %exp3A_1947 : vector<16xi1>, vector<16xf32>
        %mul3A_1955 = arith.mulf %select_n3A_1954, %select_n3A_1954 : vector<16xf32>
        %mul3A_1956 = arith.constant -0.0817280039 : f32
        %mul3A_1957 = vector.broadcast %mul3A_1956 : f32 to vector<16xf32>
        %mul3A_1958 = arith.mulf %mul3A_1957, %mul3A_1955 : vector<16xf32>
        %add3A_1959 = arith.constant 0.298066169 : f32
        %add3A_1960 = vector.broadcast %add3A_1959 : f32 to vector<16xf32>
        %add3A_1961 = arith.addf %mul3A_1958, %add3A_1960 : vector<16xf32>
        %mul3A_1962 = arith.mulf %add3A_1961, %mul3A_1955 : vector<16xf32>
        %add3A_1963 = arith.constant -0.64457345 : f32
        %add3A_1964 = vector.broadcast %add3A_1963 : f32 to vector<16xf32>
        %add3A_1965 = arith.addf %mul3A_1962, %add3A_1964 : vector<16xf32>
        %mul3A_1966 = arith.mulf %add3A_1965, %mul3A_1955 : vector<16xf32>
        %add3A_1967 = arith.constant 1.99863315 : f32
        %add3A_1968 = vector.broadcast %add3A_1967 : f32 to vector<16xf32>
        %add3A_1969 = arith.addf %mul3A_1966, %add3A_1968 : vector<16xf32>
        %mul3A_1970 = arith.mulf %select_n3A_1954, %add3A_1969 : vector<16xf32>
        %sub3A_1971 = arith.constant 3.14159274 : f32
        %sub3A_1972 = vector.broadcast %sub3A_1971 : f32 to vector<16xf32>
        %sub3A_1973 = arith.subf %sub3A_1972, %mul3A_1970 : vector<16xf32>
        %select_n3A_1974 = arith.select %gt3A_1950, %sub3A_1973, %mul3A_1970 : vector<16xi1>, vector<16xf32>
        %swap3A_1975 = arith.constant 12 : i32
        %swap3A_1976 = arith.index_cast %swap3A_1975 : i32 to index
        %swap3A_1977 = arith.constant 0 : index
        %swap3A_1978 = tpu.vector_load %arg6[%swap3A_1976, %swap3A_1977] {strides = array<i32>} : memref<28x16xf32, #tpu.memory_space<vmem>>, vector<1x16xf32>,
        %swap3A_1979 = vector.shape_cast %swap3A_1978 : vector<1x16xf32> to vector<16xf32>
        %swap3A_1980 = vector.shape_cast %select_n3A_1974 : vector<16xf32> to vector<1x16xf32>
        tpu.vector_store %arg6[%swap3A_1976, %swap3A_1977], %swap3A_1980 {strides = array<i32>} : memref<28x16xf32, #tpu.memory_space<vmem>>, vector<1x16xf32>,
        %mul3A_1981 = vector.broadcast %squeeze3A_129 : f32 to vector<16xf32>
        %mul3A_1982 = arith.mulf %add3A_1623, %mul3A_1981 : vector<16xf32>
        %mul3A_1983 = vector.broadcast %squeeze3A_178 : f32 to vector<16xf32>
        %mul3A_1984 = arith.mulf %add3A_1784, %mul3A_1983 : vector<16xf32>
        %add3A_1985 = arith.addf %mul3A_1982, %mul3A_1984 : vector<16xf32>
        %mul3A_1986 = vector.broadcast %squeeze3A_227 : f32 to vector<16xf32>
        %mul3A_1987 = arith.mulf %add3A_1657, %mul3A_1986 : vector<16xf32>
        %add3A_1988 = arith.addf %add3A_1985, %mul3A_1987 : vector<16xf32>
        %mul3A_1989 = vector.broadcast %squeeze3A_276 : f32 to vector<16xf32>
        %mul3A_1990 = arith.mulf %add3A_1674, %mul3A_1989 : vector<16xf32>
        %add3A_1991 = arith.addf %add3A_1988, %mul3A_1990 : vector<16xf32>
        %sub3A_1992 = arith.subf %add3A_1991, %mul3A_1122 : vector<16xf32>
        %mul3A_1993 = arith.constant 5.000000e-01 : f32
        %mul3A_1994 = vector.broadcast %mul3A_1993 : f32 to vector<16xf32>
        %mul3A_1995 = arith.mulf %mul3A_1994, %sub3A_1992 : vector<16xf32>
        %exp3A_1996 = math.exp %mul3A_1995 : vector<16xf32>
        %gt3A_1997 = arith.constant 1.000000e+00 : f32
        %gt3A_1998 = vector.broadcast %gt3A_1997 : f32 to vector<16xf32>
        %gt3A_1999 = arith.cmpf ogt, %exp3A_1996, %gt3A_1998 : vector<16xf32>
        %div3A_2000 = arith.constant 1.000000e+00 : f32
        %div3A_2001 = vector.broadcast %div3A_2000 : f32 to vector<16xf32>
        %div3A_2002 = arith.divf %div3A_2001, %exp3A_1996 : vector<16xf32>
        %select_n3A_2003 = arith.select %gt3A_1999, %div3A_2002, %exp3A_1996 : vector<16xi1>, vector<16xf32>
        %mul3A_2004 = arith.mulf %select_n3A_2003, %select_n3A_2003 : vector<16xf32>
        %mul3A_2005 = arith.constant -0.0817280039 : f32
        %mul3A_2006 = vector.broadcast %mul3A_2005 : f32 to vector<16xf32>
        %mul3A_2007 = arith.mulf %mul3A_2006, %mul3A_2004 : vector<16xf32>
        %add3A_2008 = arith.constant 0.298066169 : f32
        %add3A_2009 = vector.broadcast %add3A_2008 : f32 to vector<16xf32>
        %add3A_2010 = arith.addf %mul3A_2007, %add3A_2009 : vector<16xf32>
        %mul3A_2011 = arith.mulf %add3A_2010, %mul3A_2004 : vector<16xf32>
        %add3A_2012 = arith.constant -0.64457345 : f32
        %add3A_2013 = vector.broadcast %add3A_2012 : f32 to vector<16xf32>
        %add3A_2014 = arith.addf %mul3A_2011, %add3A_2013 : vector<16xf32>
        %mul3A_2015 = arith.mulf %add3A_2014, %mul3A_2004 : vector<16xf32>
        %add3A_2016 = arith.constant 1.99863315 : f32
        %add3A_2017 = vector.broadcast %add3A_2016 : f32 to vector<16xf32>
        %add3A_2018 = arith.addf %mul3A_2015, %add3A_2017 : vector<16xf32>
        %mul3A_2019 = arith.mulf %select_n3A_2003, %add3A_2018 : vector<16xf32>
        %sub3A_2020 = arith.constant 3.14159274 : f32
        %sub3A_2021 = vector.broadcast %sub3A_2020 : f32 to vector<16xf32>
        %sub3A_2022 = arith.subf %sub3A_2021, %mul3A_2019 : vector<16xf32>
        %select_n3A_2023 = arith.select %gt3A_1999, %sub3A_2022, %mul3A_2019 : vector<16xi1>, vector<16xf32>
        %swap3A_2024 = arith.constant 13 : i32
        %swap3A_2025 = arith.index_cast %swap3A_2024 : i32 to index
        %swap3A_2026 = arith.constant 0 : index
        %swap3A_2027 = tpu.vector_load %arg6[%swap3A_2025, %swap3A_2026] {strides = array<i32>} : memref<28x16xf32, #tpu.memory_space<vmem>>, vector<1x16xf32>,
        %swap3A_2028 = vector.shape_cast %swap3A_2027 : vector<1x16xf32> to vector<16xf32>
        %swap3A_2029 = vector.shape_cast %select_n3A_2023 : vector<16xf32> to vector<1x16xf32>
        tpu.vector_store %arg6[%swap3A_2025, %swap3A_2026], %swap3A_2029 {strides = array<i32>} : memref<28x16xf32, #tpu.memory_space<vmem>>, vector<1x16xf32>,
        %get3A_2030 = arith.constant 2 : i32
        %get3A_2031 = arith.index_cast %get3A_2030 : i32 to index
        %get3A_2032 = arith.constant 0 : index
        %get3A_2033 = tpu.vector_load %arg6[%get3A_2031, %get3A_2032] {strides = array<i32>} : memref<28x16xf32, #tpu.memory_space<vmem>>, vector<1x16xf32>,
        %get3A_2034 = vector.shape_cast %get3A_2033 : vector<1x16xf32> to vector<16xf32>
        %broadcast_in_dim3A_2035 = vector.shape_cast %xor3A_5 : vector<16xi32> to vector<16x1xi32>
        %gather3A_2036 = vector.shape_cast %broadcast_in_dim3A_2035 : vector<16x1xi32> to vector<16xi32>
        %gather3A_2037 = tpu.dynamic_gather %get3A_2034[%gather3A_2036] in [0] : vector<16xf32>, vector<16xi32> -> vector<16xf32>
        %add3A_2038 = arith.addf %get3A_2034, %gather3A_2037 : vector<16xf32>
        %broadcast_in_dim3A_2039 = vector.shape_cast %xor3A_8 : vector<16xi32> to vector<16x1xi32>
        %gather3A_2040 = vector.shape_cast %broadcast_in_dim3A_2039 : vector<16x1xi32> to vector<16xi32>
        %gather3A_2041 = tpu.dynamic_gather %add3A_2038[%gather3A_2040] in [0] : vector<16xf32>, vector<16xi32> -> vector<16xf32>
        %add3A_2042 = arith.addf %add3A_2038, %gather3A_2041 : vector<16xf32>
        %broadcast_in_dim3A_2043 = vector.shape_cast %xor3A_11 : vector<16xi32> to vector<16x1xi32>
        %gather3A_2044 = vector.shape_cast %broadcast_in_dim3A_2043 : vector<16x1xi32> to vector<16xi32>
        %gather3A_2045 = tpu.dynamic_gather %add3A_2042[%gather3A_2044] in [0] : vector<16xf32>, vector<16xi32> -> vector<16xf32>
        %add3A_2046 = arith.addf %add3A_2042, %gather3A_2045 : vector<16xf32>
        %get3A_2047 = arith.constant 9 : i32
        %get3A_2048 = arith.index_cast %get3A_2047 : i32 to index
        %get3A_2049 = arith.constant 0 : index
        %get3A_2050 = tpu.vector_load %arg6[%get3A_2048, %get3A_2049] {strides = array<i32>} : memref<28x16xf32, #tpu.memory_space<vmem>>, vector<1x16xf32>,
        %get3A_2051 = vector.shape_cast %get3A_2050 : vector<1x16xf32> to vector<16xf32>
        %broadcast_in_dim3A_2052 = vector.shape_cast %xor3A_5 : vector<16xi32> to vector<16x1xi32>
        %gather3A_2053 = vector.shape_cast %broadcast_in_dim3A_2052 : vector<16x1xi32> to vector<16xi32>
        %gather3A_2054 = tpu.dynamic_gather %get3A_2051[%gather3A_2053] in [0] : vector<16xf32>, vector<16xi32> -> vector<16xf32>
        %add3A_2055 = arith.addf %get3A_2051, %gather3A_2054 : vector<16xf32>
        %broadcast_in_dim3A_2056 = vector.shape_cast %xor3A_8 : vector<16xi32> to vector<16x1xi32>
        %gather3A_2057 = vector.shape_cast %broadcast_in_dim3A_2056 : vector<16x1xi32> to vector<16xi32>
        %gather3A_2058 = tpu.dynamic_gather %add3A_2055[%gather3A_2057] in [0] : vector<16xf32>, vector<16xi32> -> vector<16xf32>
        %add3A_2059 = arith.addf %add3A_2055, %gather3A_2058 : vector<16xf32>
        %broadcast_in_dim3A_2060 = vector.shape_cast %xor3A_11 : vector<16xi32> to vector<16x1xi32>
        %gather3A_2061 = vector.shape_cast %broadcast_in_dim3A_2060 : vector<16x1xi32> to vector<16xi32>
        %gather3A_2062 = tpu.dynamic_gather %add3A_2059[%gather3A_2061] in [0] : vector<16xf32>, vector<16xi32> -> vector<16xf32>
        %add3A_2063 = arith.addf %add3A_2059, %gather3A_2062 : vector<16xf32>
        %get3A_2064 = arith.constant 16 : i32
        %get3A_2065 = arith.index_cast %get3A_2064 : i32 to index
        %get3A_2066 = arith.constant 0 : index
        %get3A_2067 = tpu.vector_load %arg6[%get3A_2065, %get3A_2066] {strides = array<i32>} : memref<28x16xf32, #tpu.memory_space<vmem>>, vector<1x16xf32>,
        %get3A_2068 = vector.shape_cast %get3A_2067 : vector<1x16xf32> to vector<16xf32>
        %broadcast_in_dim3A_2069 = vector.shape_cast %xor3A_5 : vector<16xi32> to vector<16x1xi32>
        %gather3A_2070 = vector.shape_cast %broadcast_in_dim3A_2069 : vector<16x1xi32> to vector<16xi32>
        %gather3A_2071 = tpu.dynamic_gather %get3A_2068[%gather3A_2070] in [0] : vector<16xf32>, vector<16xi32> -> vector<16xf32>
        %add3A_2072 = arith.addf %get3A_2068, %gather3A_2071 : vector<16xf32>
        %broadcast_in_dim3A_2073 = vector.shape_cast %xor3A_8 : vector<16xi32> to vector<16x1xi32>
        %gather3A_2074 = vector.shape_cast %broadcast_in_dim3A_2073 : vector<16x1xi32> to vector<16xi32>
        %gather3A_2075 = tpu.dynamic_gather %add3A_2072[%gather3A_2074] in [0] : vector<16xf32>, vector<16xi32> -> vector<16xf32>
        %add3A_2076 = arith.addf %add3A_2072, %gather3A_2075 : vector<16xf32>
        %broadcast_in_dim3A_2077 = vector.shape_cast %xor3A_11 : vector<16xi32> to vector<16x1xi32>
        %gather3A_2078 = vector.shape_cast %broadcast_in_dim3A_2077 : vector<16x1xi32> to vector<16xi32>
        %gather3A_2079 = tpu.dynamic_gather %add3A_2076[%gather3A_2078] in [0] : vector<16xf32>, vector<16xi32> -> vector<16xf32>
        %add3A_2080 = arith.addf %add3A_2076, %gather3A_2079 : vector<16xf32>
        %get3A_2081 = arith.constant 23 : i32
        %get3A_2082 = arith.index_cast %get3A_2081 : i32 to index
        %get3A_2083 = arith.constant 0 : index
        %get3A_2084 = tpu.vector_load %arg6[%get3A_2082, %get3A_2083] {strides = array<i32>} : memref<28x16xf32, #tpu.memory_space<vmem>>, vector<1x16xf32>,
        %get3A_2085 = vector.shape_cast %get3A_2084 : vector<1x16xf32> to vector<16xf32>
        %broadcast_in_dim3A_2086 = vector.shape_cast %xor3A_5 : vector<16xi32> to vector<16x1xi32>
        %gather3A_2087 = vector.shape_cast %broadcast_in_dim3A_2086 : vector<16x1xi32> to vector<16xi32>
        %gather3A_2088 = tpu.dynamic_gather %get3A_2085[%gather3A_2087] in [0] : vector<16xf32>, vector<16xi32> -> vector<16xf32>
        %add3A_2089 = arith.addf %get3A_2085, %gather3A_2088 : vector<16xf32>
        %broadcast_in_dim3A_2090 = vector.shape_cast %xor3A_8 : vector<16xi32> to vector<16x1xi32>
        %gather3A_2091 = vector.shape_cast %broadcast_in_dim3A_2090 : vector<16x1xi32> to vector<16xi32>
        %gather3A_2092 = tpu.dynamic_gather %add3A_2089[%gather3A_2091] in [0] : vector<16xf32>, vector<16xi32> -> vector<16xf32>
        %add3A_2093 = arith.addf %add3A_2089, %gather3A_2092 : vector<16xf32>
        %broadcast_in_dim3A_2094 = vector.shape_cast %xor3A_11 : vector<16xi32> to vector<16x1xi32>
        %gather3A_2095 = vector.shape_cast %broadcast_in_dim3A_2094 : vector<16x1xi32> to vector<16xi32>
        %gather3A_2096 = tpu.dynamic_gather %add3A_2093[%gather3A_2095] in [0] : vector<16xf32>, vector<16xi32> -> vector<16xf32>
        %add3A_2097 = arith.addf %add3A_2093, %gather3A_2096 : vector<16xf32>
        %mul3A_2098 = vector.broadcast %squeeze3A : f32 to vector<16xf32>
        %mul3A_2099 = arith.mulf %add3A_2046, %mul3A_2098 : vector<16xf32>
        %mul3A_2100 = vector.broadcast %squeeze3A_136 : f32 to vector<16xf32>
        %mul3A_2101 = arith.mulf %add3A_2063, %mul3A_2100 : vector<16xf32>
        %add3A_2102 = arith.addf %mul3A_2099, %mul3A_2101 : vector<16xf32>
        %mul3A_2103 = vector.broadcast %squeeze3A_185 : f32 to vector<16xf32>
        %mul3A_2104 = arith.mulf %add3A_2080, %mul3A_2103 : vector<16xf32>
        %add3A_2105 = arith.addf %add3A_2102, %mul3A_2104 : vector<16xf32>
        %mul3A_2106 = vector.broadcast %squeeze3A_234 : f32 to vector<16xf32>
        %mul3A_2107 = arith.mulf %add3A_2097, %mul3A_2106 : vector<16xf32>
        %add3A_2108 = arith.addf %add3A_2105, %mul3A_2107 : vector<16xf32>
        %sub3A_2109 = arith.subf %add3A_2108, %mul3A_642 : vector<16xf32>
        %mul3A_2110 = arith.constant 5.000000e-01 : f32
        %mul3A_2111 = vector.broadcast %mul3A_2110 : f32 to vector<16xf32>
        %mul3A_2112 = arith.mulf %mul3A_2111, %sub3A_2109 : vector<16xf32>
        %exp3A_2113 = math.exp %mul3A_2112 : vector<16xf32>
        %gt3A_2114 = arith.constant 1.000000e+00 : f32
        %gt3A_2115 = vector.broadcast %gt3A_2114 : f32 to vector<16xf32>
        %gt3A_2116 = arith.cmpf ogt, %exp3A_2113, %gt3A_2115 : vector<16xf32>
        %div3A_2117 = arith.constant 1.000000e+00 : f32
        %div3A_2118 = vector.broadcast %div3A_2117 : f32 to vector<16xf32>
        %div3A_2119 = arith.divf %div3A_2118, %exp3A_2113 : vector<16xf32>
        %select_n3A_2120 = arith.select %gt3A_2116, %div3A_2119, %exp3A_2113 : vector<16xi1>, vector<16xf32>
        %mul3A_2121 = arith.mulf %select_n3A_2120, %select_n3A_2120 : vector<16xf32>
        %mul3A_2122 = arith.constant -0.0817280039 : f32
        %mul3A_2123 = vector.broadcast %mul3A_2122 : f32 to vector<16xf32>
        %mul3A_2124 = arith.mulf %mul3A_2123, %mul3A_2121 : vector<16xf32>
        %add3A_2125 = arith.constant 0.298066169 : f32
        %add3A_2126 = vector.broadcast %add3A_2125 : f32 to vector<16xf32>
        %add3A_2127 = arith.addf %mul3A_2124, %add3A_2126 : vector<16xf32>
        %mul3A_2128 = arith.mulf %add3A_2127, %mul3A_2121 : vector<16xf32>
        %add3A_2129 = arith.constant -0.64457345 : f32
        %add3A_2130 = vector.broadcast %add3A_2129 : f32 to vector<16xf32>
        %add3A_2131 = arith.addf %mul3A_2128, %add3A_2130 : vector<16xf32>
        %mul3A_2132 = arith.mulf %add3A_2131, %mul3A_2121 : vector<16xf32>
        %add3A_2133 = arith.constant 1.99863315 : f32
        %add3A_2134 = vector.broadcast %add3A_2133 : f32 to vector<16xf32>
        %add3A_2135 = arith.addf %mul3A_2132, %add3A_2134 : vector<16xf32>
        %mul3A_2136 = arith.mulf %select_n3A_2120, %add3A_2135 : vector<16xf32>
        %sub3A_2137 = arith.constant 3.14159274 : f32
        %sub3A_2138 = vector.broadcast %sub3A_2137 : f32 to vector<16xf32>
        %sub3A_2139 = arith.subf %sub3A_2138, %mul3A_2136 : vector<16xf32>
        %select_n3A_2140 = arith.select %gt3A_2116, %sub3A_2139, %mul3A_2136 : vector<16xi1>, vector<16xf32>
        %swap3A_2141 = arith.constant 14 : i32
        %swap3A_2142 = arith.index_cast %swap3A_2141 : i32 to index
        %swap3A_2143 = arith.constant 0 : index
        %swap3A_2144 = tpu.vector_load %arg6[%swap3A_2142, %swap3A_2143] {strides = array<i32>} : memref<28x16xf32, #tpu.memory_space<vmem>>, vector<1x16xf32>,
        %swap3A_2145 = vector.shape_cast %swap3A_2144 : vector<1x16xf32> to vector<16xf32>
        %swap3A_2146 = vector.shape_cast %select_n3A_2140 : vector<16xf32> to vector<1x16xf32>
        tpu.vector_store %arg6[%swap3A_2142, %swap3A_2143], %swap3A_2146 {strides = array<i32>} : memref<28x16xf32, #tpu.memory_space<vmem>>, vector<1x16xf32>,
        %mul3A_2147 = vector.broadcast %squeeze3A_94 : f32 to vector<16xf32>
        %mul3A_2148 = arith.mulf %add3A_2046, %mul3A_2147 : vector<16xf32>
        %mul3A_2149 = vector.broadcast %squeeze3A_143 : f32 to vector<16xf32>
        %mul3A_2150 = arith.mulf %add3A_2063, %mul3A_2149 : vector<16xf32>
        %add3A_2151 = arith.addf %mul3A_2148, %mul3A_2150 : vector<16xf32>
        %mul3A_2152 = vector.broadcast %squeeze3A_192 : f32 to vector<16xf32>
        %mul3A_2153 = arith.mulf %add3A_2080, %mul3A_2152 : vector<16xf32>
        %add3A_2154 = arith.addf %add3A_2151, %mul3A_2153 : vector<16xf32>
        %mul3A_2155 = vector.broadcast %squeeze3A_241 : f32 to vector<16xf32>
        %mul3A_2156 = arith.mulf %add3A_2097, %mul3A_2155 : vector<16xf32>
        %add3A_2157 = arith.addf %add3A_2154, %mul3A_2156 : vector<16xf32>
        %sub3A_2158 = arith.subf %add3A_2157, %mul3A_723 : vector<16xf32>
        %mul3A_2159 = arith.constant 5.000000e-01 : f32
        %mul3A_2160 = vector.broadcast %mul3A_2159 : f32 to vector<16xf32>
        %mul3A_2161 = arith.mulf %mul3A_2160, %sub3A_2158 : vector<16xf32>
        %exp3A_2162 = math.exp %mul3A_2161 : vector<16xf32>
        %gt3A_2163 = arith.constant 1.000000e+00 : f32
        %gt3A_2164 = vector.broadcast %gt3A_2163 : f32 to vector<16xf32>
        %gt3A_2165 = arith.cmpf ogt, %exp3A_2162, %gt3A_2164 : vector<16xf32>
        %div3A_2166 = arith.constant 1.000000e+00 : f32
        %div3A_2167 = vector.broadcast %div3A_2166 : f32 to vector<16xf32>
        %div3A_2168 = arith.divf %div3A_2167, %exp3A_2162 : vector<16xf32>
        %select_n3A_2169 = arith.select %gt3A_2165, %div3A_2168, %exp3A_2162 : vector<16xi1>, vector<16xf32>
        %mul3A_2170 = arith.mulf %select_n3A_2169, %select_n3A_2169 : vector<16xf32>
        %mul3A_2171 = arith.constant -0.0817280039 : f32
        %mul3A_2172 = vector.broadcast %mul3A_2171 : f32 to vector<16xf32>
        %mul3A_2173 = arith.mulf %mul3A_2172, %mul3A_2170 : vector<16xf32>
        %add3A_2174 = arith.constant 0.298066169 : f32
        %add3A_2175 = vector.broadcast %add3A_2174 : f32 to vector<16xf32>
        %add3A_2176 = arith.addf %mul3A_2173, %add3A_2175 : vector<16xf32>
        %mul3A_2177 = arith.mulf %add3A_2176, %mul3A_2170 : vector<16xf32>
        %add3A_2178 = arith.constant -0.64457345 : f32
        %add3A_2179 = vector.broadcast %add3A_2178 : f32 to vector<16xf32>
        %add3A_2180 = arith.addf %mul3A_2177, %add3A_2179 : vector<16xf32>
        %mul3A_2181 = arith.mulf %add3A_2180, %mul3A_2170 : vector<16xf32>
        %add3A_2182 = arith.constant 1.99863315 : f32
        %add3A_2183 = vector.broadcast %add3A_2182 : f32 to vector<16xf32>
        %add3A_2184 = arith.addf %mul3A_2181, %add3A_2183 : vector<16xf32>
        %mul3A_2185 = arith.mulf %select_n3A_2169, %add3A_2184 : vector<16xf32>
        %sub3A_2186 = arith.constant 3.14159274 : f32
        %sub3A_2187 = vector.broadcast %sub3A_2186 : f32 to vector<16xf32>
        %sub3A_2188 = arith.subf %sub3A_2187, %mul3A_2185 : vector<16xf32>
        %select_n3A_2189 = arith.select %gt3A_2165, %sub3A_2188, %mul3A_2185 : vector<16xi1>, vector<16xf32>
        %swap3A_2190 = arith.constant 15 : i32
        %swap3A_2191 = arith.index_cast %swap3A_2190 : i32 to index
        %swap3A_2192 = arith.constant 0 : index
        %swap3A_2193 = tpu.vector_load %arg6[%swap3A_2191, %swap3A_2192] {strides = array<i32>} : memref<28x16xf32, #tpu.memory_space<vmem>>, vector<1x16xf32>,
        %swap3A_2194 = vector.shape_cast %swap3A_2193 : vector<1x16xf32> to vector<16xf32>
        %swap3A_2195 = vector.shape_cast %select_n3A_2189 : vector<16xf32> to vector<1x16xf32>
        tpu.vector_store %arg6[%swap3A_2191, %swap3A_2192], %swap3A_2195 {strides = array<i32>} : memref<28x16xf32, #tpu.memory_space<vmem>>, vector<1x16xf32>,
        %mul3A_2196 = vector.broadcast %squeeze3A_101 : f32 to vector<16xf32>
        %mul3A_2197 = arith.mulf %add3A_2046, %mul3A_2196 : vector<16xf32>
        %mul3A_2198 = vector.broadcast %squeeze3A_150 : f32 to vector<16xf32>
        %mul3A_2199 = arith.mulf %add3A_2063, %mul3A_2198 : vector<16xf32>
        %add3A_2200 = arith.addf %mul3A_2197, %mul3A_2199 : vector<16xf32>
        %mul3A_2201 = vector.broadcast %squeeze3A_199 : f32 to vector<16xf32>
        %mul3A_2202 = arith.mulf %add3A_2080, %mul3A_2201 : vector<16xf32>
        %add3A_2203 = arith.addf %add3A_2200, %mul3A_2202 : vector<16xf32>
        %mul3A_2204 = vector.broadcast %squeeze3A_248 : f32 to vector<16xf32>
        %mul3A_2205 = arith.mulf %add3A_2097, %mul3A_2204 : vector<16xf32>
        %add3A_2206 = arith.addf %add3A_2203, %mul3A_2205 : vector<16xf32>
        %sub3A_2207 = arith.subf %add3A_2206, %mul3A_807 : vector<16xf32>
        %mul3A_2208 = arith.constant 5.000000e-01 : f32
        %mul3A_2209 = vector.broadcast %mul3A_2208 : f32 to vector<16xf32>
        %mul3A_2210 = arith.mulf %mul3A_2209, %sub3A_2207 : vector<16xf32>
        %exp3A_2211 = math.exp %mul3A_2210 : vector<16xf32>
        %gt3A_2212 = arith.constant 1.000000e+00 : f32
        %gt3A_2213 = vector.broadcast %gt3A_2212 : f32 to vector<16xf32>
        %gt3A_2214 = arith.cmpf ogt, %exp3A_2211, %gt3A_2213 : vector<16xf32>
        %div3A_2215 = arith.constant 1.000000e+00 : f32
        %div3A_2216 = vector.broadcast %div3A_2215 : f32 to vector<16xf32>
        %div3A_2217 = arith.divf %div3A_2216, %exp3A_2211 : vector<16xf32>
        %select_n3A_2218 = arith.select %gt3A_2214, %div3A_2217, %exp3A_2211 : vector<16xi1>, vector<16xf32>
        %mul3A_2219 = arith.mulf %select_n3A_2218, %select_n3A_2218 : vector<16xf32>
        %mul3A_2220 = arith.constant -0.0817280039 : f32
        %mul3A_2221 = vector.broadcast %mul3A_2220 : f32 to vector<16xf32>
        %mul3A_2222 = arith.mulf %mul3A_2221, %mul3A_2219 : vector<16xf32>
        %add3A_2223 = arith.constant 0.298066169 : f32
        %add3A_2224 = vector.broadcast %add3A_2223 : f32 to vector<16xf32>
        %add3A_2225 = arith.addf %mul3A_2222, %add3A_2224 : vector<16xf32>
        %mul3A_2226 = arith.mulf %add3A_2225, %mul3A_2219 : vector<16xf32>
        %add3A_2227 = arith.constant -0.64457345 : f32
        %add3A_2228 = vector.broadcast %add3A_2227 : f32 to vector<16xf32>
        %add3A_2229 = arith.addf %mul3A_2226, %add3A_2228 : vector<16xf32>
        %mul3A_2230 = arith.mulf %add3A_2229, %mul3A_2219 : vector<16xf32>
        %add3A_2231 = arith.constant 1.99863315 : f32
        %add3A_2232 = vector.broadcast %add3A_2231 : f32 to vector<16xf32>
        %add3A_2233 = arith.addf %mul3A_2230, %add3A_2232 : vector<16xf32>
        %mul3A_2234 = arith.mulf %select_n3A_2218, %add3A_2233 : vector<16xf32>
        %sub3A_2235 = arith.constant 3.14159274 : f32
        %sub3A_2236 = vector.broadcast %sub3A_2235 : f32 to vector<16xf32>
        %sub3A_2237 = arith.subf %sub3A_2236, %mul3A_2234 : vector<16xf32>
        %select_n3A_2238 = arith.select %gt3A_2214, %sub3A_2237, %mul3A_2234 : vector<16xi1>, vector<16xf32>
        %swap3A_2239 = arith.constant 16 : i32
        %swap3A_2240 = arith.index_cast %swap3A_2239 : i32 to index
        %swap3A_2241 = arith.constant 0 : index
        %swap3A_2242 = tpu.vector_load %arg6[%swap3A_2240, %swap3A_2241] {strides = array<i32>} : memref<28x16xf32, #tpu.memory_space<vmem>>, vector<1x16xf32>,
        %swap3A_2243 = vector.shape_cast %swap3A_2242 : vector<1x16xf32> to vector<16xf32>
        %swap3A_2244 = vector.shape_cast %select_n3A_2238 : vector<16xf32> to vector<1x16xf32>
        tpu.vector_store %arg6[%swap3A_2240, %swap3A_2241], %swap3A_2244 {strides = array<i32>} : memref<28x16xf32, #tpu.memory_space<vmem>>, vector<1x16xf32>,
        %broadcast_in_dim3A_2245 = vector.shape_cast %xor3A_5 : vector<16xi32> to vector<16x1xi32>
        %gather3A_2246 = vector.shape_cast %broadcast_in_dim3A_2245 : vector<16x1xi32> to vector<16xi32>
        %gather3A_2247 = tpu.dynamic_gather %select_n3A_2238[%gather3A_2246] in [0] : vector<16xf32>, vector<16xi32> -> vector<16xf32>
        %add3A_2248 = arith.addf %select_n3A_2238, %gather3A_2247 : vector<16xf32>
        %broadcast_in_dim3A_2249 = vector.shape_cast %xor3A_8 : vector<16xi32> to vector<16x1xi32>
        %gather3A_2250 = vector.shape_cast %broadcast_in_dim3A_2249 : vector<16x1xi32> to vector<16xi32>
        %gather3A_2251 = tpu.dynamic_gather %add3A_2248[%gather3A_2250] in [0] : vector<16xf32>, vector<16xi32> -> vector<16xf32>
        %add3A_2252 = arith.addf %add3A_2248, %gather3A_2251 : vector<16xf32>
        %broadcast_in_dim3A_2253 = vector.shape_cast %xor3A_11 : vector<16xi32> to vector<16x1xi32>
        %gather3A_2254 = vector.shape_cast %broadcast_in_dim3A_2253 : vector<16x1xi32> to vector<16xi32>
        %gather3A_2255 = tpu.dynamic_gather %add3A_2252[%gather3A_2254] in [0] : vector<16xf32>, vector<16xi32> -> vector<16xf32>
        %add3A_2256 = arith.addf %add3A_2252, %gather3A_2255 : vector<16xf32>
        %mul3A_2257 = vector.broadcast %squeeze3A_108 : f32 to vector<16xf32>
        %mul3A_2258 = arith.mulf %add3A_2046, %mul3A_2257 : vector<16xf32>
        %mul3A_2259 = vector.broadcast %squeeze3A_157 : f32 to vector<16xf32>
        %mul3A_2260 = arith.mulf %add3A_2063, %mul3A_2259 : vector<16xf32>
        %add3A_2261 = arith.addf %mul3A_2258, %mul3A_2260 : vector<16xf32>
        %mul3A_2262 = vector.broadcast %squeeze3A_206 : f32 to vector<16xf32>
        %mul3A_2263 = arith.mulf %add3A_2256, %mul3A_2262 : vector<16xf32>
        %add3A_2264 = arith.addf %add3A_2261, %mul3A_2263 : vector<16xf32>
        %mul3A_2265 = vector.broadcast %squeeze3A_255 : f32 to vector<16xf32>
        %mul3A_2266 = arith.mulf %add3A_2097, %mul3A_2265 : vector<16xf32>
        %add3A_2267 = arith.addf %add3A_2264, %mul3A_2266 : vector<16xf32>
        %sub3A_2268 = arith.subf %add3A_2267, %mul3A_891 : vector<16xf32>
        %mul3A_2269 = arith.constant 5.000000e-01 : f32
        %mul3A_2270 = vector.broadcast %mul3A_2269 : f32 to vector<16xf32>
        %mul3A_2271 = arith.mulf %mul3A_2270, %sub3A_2268 : vector<16xf32>
        %exp3A_2272 = math.exp %mul3A_2271 : vector<16xf32>
        %gt3A_2273 = arith.constant 1.000000e+00 : f32
        %gt3A_2274 = vector.broadcast %gt3A_2273 : f32 to vector<16xf32>
        %gt3A_2275 = arith.cmpf ogt, %exp3A_2272, %gt3A_2274 : vector<16xf32>
        %div3A_2276 = arith.constant 1.000000e+00 : f32
        %div3A_2277 = vector.broadcast %div3A_2276 : f32 to vector<16xf32>
        %div3A_2278 = arith.divf %div3A_2277, %exp3A_2272 : vector<16xf32>
        %select_n3A_2279 = arith.select %gt3A_2275, %div3A_2278, %exp3A_2272 : vector<16xi1>, vector<16xf32>
        %mul3A_2280 = arith.mulf %select_n3A_2279, %select_n3A_2279 : vector<16xf32>
        %mul3A_2281 = arith.constant -0.0817280039 : f32
        %mul3A_2282 = vector.broadcast %mul3A_2281 : f32 to vector<16xf32>
        %mul3A_2283 = arith.mulf %mul3A_2282, %mul3A_2280 : vector<16xf32>
        %add3A_2284 = arith.constant 0.298066169 : f32
        %add3A_2285 = vector.broadcast %add3A_2284 : f32 to vector<16xf32>
        %add3A_2286 = arith.addf %mul3A_2283, %add3A_2285 : vector<16xf32>
        %mul3A_2287 = arith.mulf %add3A_2286, %mul3A_2280 : vector<16xf32>
        %add3A_2288 = arith.constant -0.64457345 : f32
        %add3A_2289 = vector.broadcast %add3A_2288 : f32 to vector<16xf32>
        %add3A_2290 = arith.addf %mul3A_2287, %add3A_2289 : vector<16xf32>
        %mul3A_2291 = arith.mulf %add3A_2290, %mul3A_2280 : vector<16xf32>
        %add3A_2292 = arith.constant 1.99863315 : f32
        %add3A_2293 = vector.broadcast %add3A_2292 : f32 to vector<16xf32>
        %add3A_2294 = arith.addf %mul3A_2291, %add3A_2293 : vector<16xf32>
        %mul3A_2295 = arith.mulf %select_n3A_2279, %add3A_2294 : vector<16xf32>
        %sub3A_2296 = arith.constant 3.14159274 : f32
        %sub3A_2297 = vector.broadcast %sub3A_2296 : f32 to vector<16xf32>
        %sub3A_2298 = arith.subf %sub3A_2297, %mul3A_2295 : vector<16xf32>
        %select_n3A_2299 = arith.select %gt3A_2275, %sub3A_2298, %mul3A_2295 : vector<16xi1>, vector<16xf32>
        %swap3A_2300 = arith.constant 17 : i32
        %swap3A_2301 = arith.index_cast %swap3A_2300 : i32 to index
        %swap3A_2302 = arith.constant 0 : index
        %swap3A_2303 = tpu.vector_load %arg6[%swap3A_2301, %swap3A_2302] {strides = array<i32>} : memref<28x16xf32, #tpu.memory_space<vmem>>, vector<1x16xf32>,
        %swap3A_2304 = vector.shape_cast %swap3A_2303 : vector<1x16xf32> to vector<16xf32>
        %swap3A_2305 = vector.shape_cast %select_n3A_2299 : vector<16xf32> to vector<1x16xf32>
        tpu.vector_store %arg6[%swap3A_2301, %swap3A_2302], %swap3A_2305 {strides = array<i32>} : memref<28x16xf32, #tpu.memory_space<vmem>>, vector<1x16xf32>,
        %mul3A_2306 = vector.broadcast %squeeze3A_115 : f32 to vector<16xf32>
        %mul3A_2307 = arith.mulf %add3A_2046, %mul3A_2306 : vector<16xf32>
        %mul3A_2308 = vector.broadcast %squeeze3A_164 : f32 to vector<16xf32>
        %mul3A_2309 = arith.mulf %add3A_2063, %mul3A_2308 : vector<16xf32>
        %add3A_2310 = arith.addf %mul3A_2307, %mul3A_2309 : vector<16xf32>
        %mul3A_2311 = vector.broadcast %squeeze3A_213 : f32 to vector<16xf32>
        %mul3A_2312 = arith.mulf %add3A_2256, %mul3A_2311 : vector<16xf32>
        %add3A_2313 = arith.addf %add3A_2310, %mul3A_2312 : vector<16xf32>
        %mul3A_2314 = vector.broadcast %squeeze3A_262 : f32 to vector<16xf32>
        %mul3A_2315 = arith.mulf %add3A_2097, %mul3A_2314 : vector<16xf32>
        %add3A_2316 = arith.addf %add3A_2313, %mul3A_2315 : vector<16xf32>
        %sub3A_2317 = arith.subf %add3A_2316, %mul3A_975 : vector<16xf32>
        %mul3A_2318 = arith.constant 5.000000e-01 : f32
        %mul3A_2319 = vector.broadcast %mul3A_2318 : f32 to vector<16xf32>
        %mul3A_2320 = arith.mulf %mul3A_2319, %sub3A_2317 : vector<16xf32>
        %exp3A_2321 = math.exp %mul3A_2320 : vector<16xf32>
        %gt3A_2322 = arith.constant 1.000000e+00 : f32
        %gt3A_2323 = vector.broadcast %gt3A_2322 : f32 to vector<16xf32>
        %gt3A_2324 = arith.cmpf ogt, %exp3A_2321, %gt3A_2323 : vector<16xf32>
        %div3A_2325 = arith.constant 1.000000e+00 : f32
        %div3A_2326 = vector.broadcast %div3A_2325 : f32 to vector<16xf32>
        %div3A_2327 = arith.divf %div3A_2326, %exp3A_2321 : vector<16xf32>
        %select_n3A_2328 = arith.select %gt3A_2324, %div3A_2327, %exp3A_2321 : vector<16xi1>, vector<16xf32>
        %mul3A_2329 = arith.mulf %select_n3A_2328, %select_n3A_2328 : vector<16xf32>
        %mul3A_2330 = arith.constant -0.0817280039 : f32
        %mul3A_2331 = vector.broadcast %mul3A_2330 : f32 to vector<16xf32>
        %mul3A_2332 = arith.mulf %mul3A_2331, %mul3A_2329 : vector<16xf32>
        %add3A_2333 = arith.constant 0.298066169 : f32
        %add3A_2334 = vector.broadcast %add3A_2333 : f32 to vector<16xf32>
        %add3A_2335 = arith.addf %mul3A_2332, %add3A_2334 : vector<16xf32>
        %mul3A_2336 = arith.mulf %add3A_2335, %mul3A_2329 : vector<16xf32>
        %add3A_2337 = arith.constant -0.64457345 : f32
        %add3A_2338 = vector.broadcast %add3A_2337 : f32 to vector<16xf32>
        %add3A_2339 = arith.addf %mul3A_2336, %add3A_2338 : vector<16xf32>
        %mul3A_2340 = arith.mulf %add3A_2339, %mul3A_2329 : vector<16xf32>
        %add3A_2341 = arith.constant 1.99863315 : f32
        %add3A_2342 = vector.broadcast %add3A_2341 : f32 to vector<16xf32>
        %add3A_2343 = arith.addf %mul3A_2340, %add3A_2342 : vector<16xf32>
        %mul3A_2344 = arith.mulf %select_n3A_2328, %add3A_2343 : vector<16xf32>
        %sub3A_2345 = arith.constant 3.14159274 : f32
        %sub3A_2346 = vector.broadcast %sub3A_2345 : f32 to vector<16xf32>
        %sub3A_2347 = arith.subf %sub3A_2346, %mul3A_2344 : vector<16xf32>
        %select_n3A_2348 = arith.select %gt3A_2324, %sub3A_2347, %mul3A_2344 : vector<16xi1>, vector<16xf32>
        %swap3A_2349 = arith.constant 18 : i32
        %swap3A_2350 = arith.index_cast %swap3A_2349 : i32 to index
        %swap3A_2351 = arith.constant 0 : index
        %swap3A_2352 = tpu.vector_load %arg6[%swap3A_2350, %swap3A_2351] {strides = array<i32>} : memref<28x16xf32, #tpu.memory_space<vmem>>, vector<1x16xf32>,
        %swap3A_2353 = vector.shape_cast %swap3A_2352 : vector<1x16xf32> to vector<16xf32>
        %swap3A_2354 = vector.shape_cast %select_n3A_2348 : vector<16xf32> to vector<1x16xf32>
        tpu.vector_store %arg6[%swap3A_2350, %swap3A_2351], %swap3A_2354 {strides = array<i32>} : memref<28x16xf32, #tpu.memory_space<vmem>>, vector<1x16xf32>,
        %mul3A_2355 = vector.broadcast %squeeze3A_122 : f32 to vector<16xf32>
        %mul3A_2356 = arith.mulf %add3A_2046, %mul3A_2355 : vector<16xf32>
        %mul3A_2357 = vector.broadcast %squeeze3A_171 : f32 to vector<16xf32>
        %mul3A_2358 = arith.mulf %add3A_2063, %mul3A_2357 : vector<16xf32>
        %add3A_2359 = arith.addf %mul3A_2356, %mul3A_2358 : vector<16xf32>
        %mul3A_2360 = vector.broadcast %squeeze3A_220 : f32 to vector<16xf32>
        %mul3A_2361 = arith.mulf %add3A_2256, %mul3A_2360 : vector<16xf32>
        %add3A_2362 = arith.addf %add3A_2359, %mul3A_2361 : vector<16xf32>
        %mul3A_2363 = vector.broadcast %squeeze3A_269 : f32 to vector<16xf32>
        %mul3A_2364 = arith.mulf %add3A_2097, %mul3A_2363 : vector<16xf32>
        %add3A_2365 = arith.addf %add3A_2362, %mul3A_2364 : vector<16xf32>
        %sub3A_2366 = arith.subf %add3A_2365, %mul3A_1059 : vector<16xf32>
        %mul3A_2367 = arith.constant 5.000000e-01 : f32
        %mul3A_2368 = vector.broadcast %mul3A_2367 : f32 to vector<16xf32>
        %mul3A_2369 = arith.mulf %mul3A_2368, %sub3A_2366 : vector<16xf32>
        %exp3A_2370 = math.exp %mul3A_2369 : vector<16xf32>
        %gt3A_2371 = arith.constant 1.000000e+00 : f32
        %gt3A_2372 = vector.broadcast %gt3A_2371 : f32 to vector<16xf32>
        %gt3A_2373 = arith.cmpf ogt, %exp3A_2370, %gt3A_2372 : vector<16xf32>
        %div3A_2374 = arith.constant 1.000000e+00 : f32
        %div3A_2375 = vector.broadcast %div3A_2374 : f32 to vector<16xf32>
        %div3A_2376 = arith.divf %div3A_2375, %exp3A_2370 : vector<16xf32>
        %select_n3A_2377 = arith.select %gt3A_2373, %div3A_2376, %exp3A_2370 : vector<16xi1>, vector<16xf32>
        %mul3A_2378 = arith.mulf %select_n3A_2377, %select_n3A_2377 : vector<16xf32>
        %mul3A_2379 = arith.constant -0.0817280039 : f32
        %mul3A_2380 = vector.broadcast %mul3A_2379 : f32 to vector<16xf32>
        %mul3A_2381 = arith.mulf %mul3A_2380, %mul3A_2378 : vector<16xf32>
        %add3A_2382 = arith.constant 0.298066169 : f32
        %add3A_2383 = vector.broadcast %add3A_2382 : f32 to vector<16xf32>
        %add3A_2384 = arith.addf %mul3A_2381, %add3A_2383 : vector<16xf32>
        %mul3A_2385 = arith.mulf %add3A_2384, %mul3A_2378 : vector<16xf32>
        %add3A_2386 = arith.constant -0.64457345 : f32
        %add3A_2387 = vector.broadcast %add3A_2386 : f32 to vector<16xf32>
        %add3A_2388 = arith.addf %mul3A_2385, %add3A_2387 : vector<16xf32>
        %mul3A_2389 = arith.mulf %add3A_2388, %mul3A_2378 : vector<16xf32>
        %add3A_2390 = arith.constant 1.99863315 : f32
        %add3A_2391 = vector.broadcast %add3A_2390 : f32 to vector<16xf32>
        %add3A_2392 = arith.addf %mul3A_2389, %add3A_2391 : vector<16xf32>
        %mul3A_2393 = arith.mulf %select_n3A_2377, %add3A_2392 : vector<16xf32>
        %sub3A_2394 = arith.constant 3.14159274 : f32
        %sub3A_2395 = vector.broadcast %sub3A_2394 : f32 to vector<16xf32>
        %sub3A_2396 = arith.subf %sub3A_2395, %mul3A_2393 : vector<16xf32>
        %select_n3A_2397 = arith.select %gt3A_2373, %sub3A_2396, %mul3A_2393 : vector<16xi1>, vector<16xf32>
        %swap3A_2398 = arith.constant 19 : i32
        %swap3A_2399 = arith.index_cast %swap3A_2398 : i32 to index
        %swap3A_2400 = arith.constant 0 : index
        %swap3A_2401 = tpu.vector_load %arg6[%swap3A_2399, %swap3A_2400] {strides = array<i32>} : memref<28x16xf32, #tpu.memory_space<vmem>>, vector<1x16xf32>,
        %swap3A_2402 = vector.shape_cast %swap3A_2401 : vector<1x16xf32> to vector<16xf32>
        %swap3A_2403 = vector.shape_cast %select_n3A_2397 : vector<16xf32> to vector<1x16xf32>
        tpu.vector_store %arg6[%swap3A_2399, %swap3A_2400], %swap3A_2403 {strides = array<i32>} : memref<28x16xf32, #tpu.memory_space<vmem>>, vector<1x16xf32>,
        %mul3A_2404 = vector.broadcast %squeeze3A_129 : f32 to vector<16xf32>
        %mul3A_2405 = arith.mulf %add3A_2046, %mul3A_2404 : vector<16xf32>
        %mul3A_2406 = vector.broadcast %squeeze3A_178 : f32 to vector<16xf32>
        %mul3A_2407 = arith.mulf %add3A_2063, %mul3A_2406 : vector<16xf32>
        %add3A_2408 = arith.addf %mul3A_2405, %mul3A_2407 : vector<16xf32>
        %mul3A_2409 = vector.broadcast %squeeze3A_227 : f32 to vector<16xf32>
        %mul3A_2410 = arith.mulf %add3A_2256, %mul3A_2409 : vector<16xf32>
        %add3A_2411 = arith.addf %add3A_2408, %mul3A_2410 : vector<16xf32>
        %mul3A_2412 = vector.broadcast %squeeze3A_276 : f32 to vector<16xf32>
        %mul3A_2413 = arith.mulf %add3A_2097, %mul3A_2412 : vector<16xf32>
        %add3A_2414 = arith.addf %add3A_2411, %mul3A_2413 : vector<16xf32>
        %sub3A_2415 = arith.subf %add3A_2414, %mul3A_1143 : vector<16xf32>
        %mul3A_2416 = arith.constant 5.000000e-01 : f32
        %mul3A_2417 = vector.broadcast %mul3A_2416 : f32 to vector<16xf32>
        %mul3A_2418 = arith.mulf %mul3A_2417, %sub3A_2415 : vector<16xf32>
        %exp3A_2419 = math.exp %mul3A_2418 : vector<16xf32>
        %gt3A_2420 = arith.constant 1.000000e+00 : f32
        %gt3A_2421 = vector.broadcast %gt3A_2420 : f32 to vector<16xf32>
        %gt3A_2422 = arith.cmpf ogt, %exp3A_2419, %gt3A_2421 : vector<16xf32>
        %div3A_2423 = arith.constant 1.000000e+00 : f32
        %div3A_2424 = vector.broadcast %div3A_2423 : f32 to vector<16xf32>
        %div3A_2425 = arith.divf %div3A_2424, %exp3A_2419 : vector<16xf32>
        %select_n3A_2426 = arith.select %gt3A_2422, %div3A_2425, %exp3A_2419 : vector<16xi1>, vector<16xf32>
        %mul3A_2427 = arith.mulf %select_n3A_2426, %select_n3A_2426 : vector<16xf32>
        %mul3A_2428 = arith.constant -0.0817280039 : f32
        %mul3A_2429 = vector.broadcast %mul3A_2428 : f32 to vector<16xf32>
        %mul3A_2430 = arith.mulf %mul3A_2429, %mul3A_2427 : vector<16xf32>
        %add3A_2431 = arith.constant 0.298066169 : f32
        %add3A_2432 = vector.broadcast %add3A_2431 : f32 to vector<16xf32>
        %add3A_2433 = arith.addf %mul3A_2430, %add3A_2432 : vector<16xf32>
        %mul3A_2434 = arith.mulf %add3A_2433, %mul3A_2427 : vector<16xf32>
        %add3A_2435 = arith.constant -0.64457345 : f32
        %add3A_2436 = vector.broadcast %add3A_2435 : f32 to vector<16xf32>
        %add3A_2437 = arith.addf %mul3A_2434, %add3A_2436 : vector<16xf32>
        %mul3A_2438 = arith.mulf %add3A_2437, %mul3A_2427 : vector<16xf32>
        %add3A_2439 = arith.constant 1.99863315 : f32
        %add3A_2440 = vector.broadcast %add3A_2439 : f32 to vector<16xf32>
        %add3A_2441 = arith.addf %mul3A_2438, %add3A_2440 : vector<16xf32>
        %mul3A_2442 = arith.mulf %select_n3A_2426, %add3A_2441 : vector<16xf32>
        %sub3A_2443 = arith.constant 3.14159274 : f32
        %sub3A_2444 = vector.broadcast %sub3A_2443 : f32 to vector<16xf32>
        %sub3A_2445 = arith.subf %sub3A_2444, %mul3A_2442 : vector<16xf32>
        %select_n3A_2446 = arith.select %gt3A_2422, %sub3A_2445, %mul3A_2442 : vector<16xi1>, vector<16xf32>
        %swap3A_2447 = arith.constant 20 : i32
        %swap3A_2448 = arith.index_cast %swap3A_2447 : i32 to index
        %swap3A_2449 = arith.constant 0 : index
        %swap3A_2450 = tpu.vector_load %arg6[%swap3A_2448, %swap3A_2449] {strides = array<i32>} : memref<28x16xf32, #tpu.memory_space<vmem>>, vector<1x16xf32>,
        %swap3A_2451 = vector.shape_cast %swap3A_2450 : vector<1x16xf32> to vector<16xf32>
        %swap3A_2452 = vector.shape_cast %select_n3A_2446 : vector<16xf32> to vector<1x16xf32>
        tpu.vector_store %arg6[%swap3A_2448, %swap3A_2449], %swap3A_2452 {strides = array<i32>} : memref<28x16xf32, #tpu.memory_space<vmem>>, vector<1x16xf32>,
        %get3A_2453 = arith.constant 3 : i32
        %get3A_2454 = arith.index_cast %get3A_2453 : i32 to index
        %get3A_2455 = arith.constant 0 : index
        %get3A_2456 = tpu.vector_load %arg6[%get3A_2454, %get3A_2455] {strides = array<i32>} : memref<28x16xf32, #tpu.memory_space<vmem>>, vector<1x16xf32>,
        %get3A_2457 = vector.shape_cast %get3A_2456 : vector<1x16xf32> to vector<16xf32>
        %broadcast_in_dim3A_2458 = vector.shape_cast %xor3A_5 : vector<16xi32> to vector<16x1xi32>
        %gather3A_2459 = vector.shape_cast %broadcast_in_dim3A_2458 : vector<16x1xi32> to vector<16xi32>
        %gather3A_2460 = tpu.dynamic_gather %get3A_2457[%gather3A_2459] in [0] : vector<16xf32>, vector<16xi32> -> vector<16xf32>
        %add3A_2461 = arith.addf %get3A_2457, %gather3A_2460 : vector<16xf32>
        %broadcast_in_dim3A_2462 = vector.shape_cast %xor3A_8 : vector<16xi32> to vector<16x1xi32>
        %gather3A_2463 = vector.shape_cast %broadcast_in_dim3A_2462 : vector<16x1xi32> to vector<16xi32>
        %gather3A_2464 = tpu.dynamic_gather %add3A_2461[%gather3A_2463] in [0] : vector<16xf32>, vector<16xi32> -> vector<16xf32>
        %add3A_2465 = arith.addf %add3A_2461, %gather3A_2464 : vector<16xf32>
        %broadcast_in_dim3A_2466 = vector.shape_cast %xor3A_11 : vector<16xi32> to vector<16x1xi32>
        %gather3A_2467 = vector.shape_cast %broadcast_in_dim3A_2466 : vector<16x1xi32> to vector<16xi32>
        %gather3A_2468 = tpu.dynamic_gather %add3A_2465[%gather3A_2467] in [0] : vector<16xf32>, vector<16xi32> -> vector<16xf32>
        %add3A_2469 = arith.addf %add3A_2465, %gather3A_2468 : vector<16xf32>
        %get3A_2470 = arith.constant 10 : i32
        %get3A_2471 = arith.index_cast %get3A_2470 : i32 to index
        %get3A_2472 = arith.constant 0 : index
        %get3A_2473 = tpu.vector_load %arg6[%get3A_2471, %get3A_2472] {strides = array<i32>} : memref<28x16xf32, #tpu.memory_space<vmem>>, vector<1x16xf32>,
        %get3A_2474 = vector.shape_cast %get3A_2473 : vector<1x16xf32> to vector<16xf32>
        %broadcast_in_dim3A_2475 = vector.shape_cast %xor3A_5 : vector<16xi32> to vector<16x1xi32>
        %gather3A_2476 = vector.shape_cast %broadcast_in_dim3A_2475 : vector<16x1xi32> to vector<16xi32>
        %gather3A_2477 = tpu.dynamic_gather %get3A_2474[%gather3A_2476] in [0] : vector<16xf32>, vector<16xi32> -> vector<16xf32>
        %add3A_2478 = arith.addf %get3A_2474, %gather3A_2477 : vector<16xf32>
        %broadcast_in_dim3A_2479 = vector.shape_cast %xor3A_8 : vector<16xi32> to vector<16x1xi32>
        %gather3A_2480 = vector.shape_cast %broadcast_in_dim3A_2479 : vector<16x1xi32> to vector<16xi32>
        %gather3A_2481 = tpu.dynamic_gather %add3A_2478[%gather3A_2480] in [0] : vector<16xf32>, vector<16xi32> -> vector<16xf32>
        %add3A_2482 = arith.addf %add3A_2478, %gather3A_2481 : vector<16xf32>
        %broadcast_in_dim3A_2483 = vector.shape_cast %xor3A_11 : vector<16xi32> to vector<16x1xi32>
        %gather3A_2484 = vector.shape_cast %broadcast_in_dim3A_2483 : vector<16x1xi32> to vector<16xi32>
        %gather3A_2485 = tpu.dynamic_gather %add3A_2482[%gather3A_2484] in [0] : vector<16xf32>, vector<16xi32> -> vector<16xf32>
        %add3A_2486 = arith.addf %add3A_2482, %gather3A_2485 : vector<16xf32>
        %get3A_2487 = arith.constant 17 : i32
        %get3A_2488 = arith.index_cast %get3A_2487 : i32 to index
        %get3A_2489 = arith.constant 0 : index
        %get3A_2490 = tpu.vector_load %arg6[%get3A_2488, %get3A_2489] {strides = array<i32>} : memref<28x16xf32, #tpu.memory_space<vmem>>, vector<1x16xf32>,
        %get3A_2491 = vector.shape_cast %get3A_2490 : vector<1x16xf32> to vector<16xf32>
        %broadcast_in_dim3A_2492 = vector.shape_cast %xor3A_5 : vector<16xi32> to vector<16x1xi32>
        %gather3A_2493 = vector.shape_cast %broadcast_in_dim3A_2492 : vector<16x1xi32> to vector<16xi32>
        %gather3A_2494 = tpu.dynamic_gather %get3A_2491[%gather3A_2493] in [0] : vector<16xf32>, vector<16xi32> -> vector<16xf32>
        %add3A_2495 = arith.addf %get3A_2491, %gather3A_2494 : vector<16xf32>
        %broadcast_in_dim3A_2496 = vector.shape_cast %xor3A_8 : vector<16xi32> to vector<16x1xi32>
        %gather3A_2497 = vector.shape_cast %broadcast_in_dim3A_2496 : vector<16x1xi32> to vector<16xi32>
        %gather3A_2498 = tpu.dynamic_gather %add3A_2495[%gather3A_2497] in [0] : vector<16xf32>, vector<16xi32> -> vector<16xf32>
        %add3A_2499 = arith.addf %add3A_2495, %gather3A_2498 : vector<16xf32>
        %broadcast_in_dim3A_2500 = vector.shape_cast %xor3A_11 : vector<16xi32> to vector<16x1xi32>
        %gather3A_2501 = vector.shape_cast %broadcast_in_dim3A_2500 : vector<16x1xi32> to vector<16xi32>
        %gather3A_2502 = tpu.dynamic_gather %add3A_2499[%gather3A_2501] in [0] : vector<16xf32>, vector<16xi32> -> vector<16xf32>
        %add3A_2503 = arith.addf %add3A_2499, %gather3A_2502 : vector<16xf32>
        %get3A_2504 = arith.constant 24 : i32
        %get3A_2505 = arith.index_cast %get3A_2504 : i32 to index
        %get3A_2506 = arith.constant 0 : index
        %get3A_2507 = tpu.vector_load %arg6[%get3A_2505, %get3A_2506] {strides = array<i32>} : memref<28x16xf32, #tpu.memory_space<vmem>>, vector<1x16xf32>,
        %get3A_2508 = vector.shape_cast %get3A_2507 : vector<1x16xf32> to vector<16xf32>
        %broadcast_in_dim3A_2509 = vector.shape_cast %xor3A_5 : vector<16xi32> to vector<16x1xi32>
        %gather3A_2510 = vector.shape_cast %broadcast_in_dim3A_2509 : vector<16x1xi32> to vector<16xi32>
        %gather3A_2511 = tpu.dynamic_gather %get3A_2508[%gather3A_2510] in [0] : vector<16xf32>, vector<16xi32> -> vector<16xf32>
        %add3A_2512 = arith.addf %get3A_2508, %gather3A_2511 : vector<16xf32>
        %broadcast_in_dim3A_2513 = vector.shape_cast %xor3A_8 : vector<16xi32> to vector<16x1xi32>
        %gather3A_2514 = vector.shape_cast %broadcast_in_dim3A_2513 : vector<16x1xi32> to vector<16xi32>
        %gather3A_2515 = tpu.dynamic_gather %add3A_2512[%gather3A_2514] in [0] : vector<16xf32>, vector<16xi32> -> vector<16xf32>
        %add3A_2516 = arith.addf %add3A_2512, %gather3A_2515 : vector<16xf32>
        %broadcast_in_dim3A_2517 = vector.shape_cast %xor3A_11 : vector<16xi32> to vector<16x1xi32>
        %gather3A_2518 = vector.shape_cast %broadcast_in_dim3A_2517 : vector<16x1xi32> to vector<16xi32>
        %gather3A_2519 = tpu.dynamic_gather %add3A_2516[%gather3A_2518] in [0] : vector<16xf32>, vector<16xi32> -> vector<16xf32>
        %add3A_2520 = arith.addf %add3A_2516, %gather3A_2519 : vector<16xf32>
        %mul3A_2521 = vector.broadcast %squeeze3A : f32 to vector<16xf32>
        %mul3A_2522 = arith.mulf %add3A_2469, %mul3A_2521 : vector<16xf32>
        %mul3A_2523 = vector.broadcast %squeeze3A_136 : f32 to vector<16xf32>
        %mul3A_2524 = arith.mulf %add3A_2486, %mul3A_2523 : vector<16xf32>
        %add3A_2525 = arith.addf %mul3A_2522, %mul3A_2524 : vector<16xf32>
        %mul3A_2526 = vector.broadcast %squeeze3A_185 : f32 to vector<16xf32>
        %mul3A_2527 = arith.mulf %add3A_2503, %mul3A_2526 : vector<16xf32>
        %add3A_2528 = arith.addf %add3A_2525, %mul3A_2527 : vector<16xf32>
        %mul3A_2529 = vector.broadcast %squeeze3A_234 : f32 to vector<16xf32>
        %mul3A_2530 = arith.mulf %add3A_2520, %mul3A_2529 : vector<16xf32>
        %add3A_2531 = arith.addf %add3A_2528, %mul3A_2530 : vector<16xf32>
        %sub3A_2532 = arith.subf %add3A_2531, %mul3A_661 : vector<16xf32>
        %mul3A_2533 = arith.constant 5.000000e-01 : f32
        %mul3A_2534 = vector.broadcast %mul3A_2533 : f32 to vector<16xf32>
        %mul3A_2535 = arith.mulf %mul3A_2534, %sub3A_2532 : vector<16xf32>
        %exp3A_2536 = math.exp %mul3A_2535 : vector<16xf32>
        %gt3A_2537 = arith.constant 1.000000e+00 : f32
        %gt3A_2538 = vector.broadcast %gt3A_2537 : f32 to vector<16xf32>
        %gt3A_2539 = arith.cmpf ogt, %exp3A_2536, %gt3A_2538 : vector<16xf32>
        %div3A_2540 = arith.constant 1.000000e+00 : f32
        %div3A_2541 = vector.broadcast %div3A_2540 : f32 to vector<16xf32>
        %div3A_2542 = arith.divf %div3A_2541, %exp3A_2536 : vector<16xf32>
        %select_n3A_2543 = arith.select %gt3A_2539, %div3A_2542, %exp3A_2536 : vector<16xi1>, vector<16xf32>
        %mul3A_2544 = arith.mulf %select_n3A_2543, %select_n3A_2543 : vector<16xf32>
        %mul3A_2545 = arith.constant -0.0817280039 : f32
        %mul3A_2546 = vector.broadcast %mul3A_2545 : f32 to vector<16xf32>
        %mul3A_2547 = arith.mulf %mul3A_2546, %mul3A_2544 : vector<16xf32>
        %add3A_2548 = arith.constant 0.298066169 : f32
        %add3A_2549 = vector.broadcast %add3A_2548 : f32 to vector<16xf32>
        %add3A_2550 = arith.addf %mul3A_2547, %add3A_2549 : vector<16xf32>
        %mul3A_2551 = arith.mulf %add3A_2550, %mul3A_2544 : vector<16xf32>
        %add3A_2552 = arith.constant -0.64457345 : f32
        %add3A_2553 = vector.broadcast %add3A_2552 : f32 to vector<16xf32>
        %add3A_2554 = arith.addf %mul3A_2551, %add3A_2553 : vector<16xf32>
        %mul3A_2555 = arith.mulf %add3A_2554, %mul3A_2544 : vector<16xf32>
        %add3A_2556 = arith.constant 1.99863315 : f32
        %add3A_2557 = vector.broadcast %add3A_2556 : f32 to vector<16xf32>
        %add3A_2558 = arith.addf %mul3A_2555, %add3A_2557 : vector<16xf32>
        %mul3A_2559 = arith.mulf %select_n3A_2543, %add3A_2558 : vector<16xf32>
        %sub3A_2560 = arith.constant 3.14159274 : f32
        %sub3A_2561 = vector.broadcast %sub3A_2560 : f32 to vector<16xf32>
        %sub3A_2562 = arith.subf %sub3A_2561, %mul3A_2559 : vector<16xf32>
        %select_n3A_2563 = arith.select %gt3A_2539, %sub3A_2562, %mul3A_2559 : vector<16xi1>, vector<16xf32>
        %swap3A_2564 = arith.constant 21 : i32
        %swap3A_2565 = arith.index_cast %swap3A_2564 : i32 to index
        %swap3A_2566 = arith.constant 0 : index
        %swap3A_2567 = tpu.vector_load %arg6[%swap3A_2565, %swap3A_2566] {strides = array<i32>} : memref<28x16xf32, #tpu.memory_space<vmem>>, vector<1x16xf32>,
        %swap3A_2568 = vector.shape_cast %swap3A_2567 : vector<1x16xf32> to vector<16xf32>
        %swap3A_2569 = vector.shape_cast %select_n3A_2563 : vector<16xf32> to vector<1x16xf32>
        tpu.vector_store %arg6[%swap3A_2565, %swap3A_2566], %swap3A_2569 {strides = array<i32>} : memref<28x16xf32, #tpu.memory_space<vmem>>, vector<1x16xf32>,
        %mul3A_2570 = vector.broadcast %squeeze3A_94 : f32 to vector<16xf32>
        %mul3A_2571 = arith.mulf %add3A_2469, %mul3A_2570 : vector<16xf32>
        %mul3A_2572 = vector.broadcast %squeeze3A_143 : f32 to vector<16xf32>
        %mul3A_2573 = arith.mulf %add3A_2486, %mul3A_2572 : vector<16xf32>
        %add3A_2574 = arith.addf %mul3A_2571, %mul3A_2573 : vector<16xf32>
        %mul3A_2575 = vector.broadcast %squeeze3A_192 : f32 to vector<16xf32>
        %mul3A_2576 = arith.mulf %add3A_2503, %mul3A_2575 : vector<16xf32>
        %add3A_2577 = arith.addf %add3A_2574, %mul3A_2576 : vector<16xf32>
        %mul3A_2578 = vector.broadcast %squeeze3A_241 : f32 to vector<16xf32>
        %mul3A_2579 = arith.mulf %add3A_2520, %mul3A_2578 : vector<16xf32>
        %add3A_2580 = arith.addf %add3A_2577, %mul3A_2579 : vector<16xf32>
        %sub3A_2581 = arith.subf %add3A_2580, %mul3A_744 : vector<16xf32>
        %mul3A_2582 = arith.constant 5.000000e-01 : f32
        %mul3A_2583 = vector.broadcast %mul3A_2582 : f32 to vector<16xf32>
        %mul3A_2584 = arith.mulf %mul3A_2583, %sub3A_2581 : vector<16xf32>
        %exp3A_2585 = math.exp %mul3A_2584 : vector<16xf32>
        %gt3A_2586 = arith.constant 1.000000e+00 : f32
        %gt3A_2587 = vector.broadcast %gt3A_2586 : f32 to vector<16xf32>
        %gt3A_2588 = arith.cmpf ogt, %exp3A_2585, %gt3A_2587 : vector<16xf32>
        %div3A_2589 = arith.constant 1.000000e+00 : f32
        %div3A_2590 = vector.broadcast %div3A_2589 : f32 to vector<16xf32>
        %div3A_2591 = arith.divf %div3A_2590, %exp3A_2585 : vector<16xf32>
        %select_n3A_2592 = arith.select %gt3A_2588, %div3A_2591, %exp3A_2585 : vector<16xi1>, vector<16xf32>
        %mul3A_2593 = arith.mulf %select_n3A_2592, %select_n3A_2592 : vector<16xf32>
        %mul3A_2594 = arith.constant -0.0817280039 : f32
        %mul3A_2595 = vector.broadcast %mul3A_2594 : f32 to vector<16xf32>
        %mul3A_2596 = arith.mulf %mul3A_2595, %mul3A_2593 : vector<16xf32>
        %add3A_2597 = arith.constant 0.298066169 : f32
        %add3A_2598 = vector.broadcast %add3A_2597 : f32 to vector<16xf32>
        %add3A_2599 = arith.addf %mul3A_2596, %add3A_2598 : vector<16xf32>
        %mul3A_2600 = arith.mulf %add3A_2599, %mul3A_2593 : vector<16xf32>
        %add3A_2601 = arith.constant -0.64457345 : f32
        %add3A_2602 = vector.broadcast %add3A_2601 : f32 to vector<16xf32>
        %add3A_2603 = arith.addf %mul3A_2600, %add3A_2602 : vector<16xf32>
        %mul3A_2604 = arith.mulf %add3A_2603, %mul3A_2593 : vector<16xf32>
        %add3A_2605 = arith.constant 1.99863315 : f32
        %add3A_2606 = vector.broadcast %add3A_2605 : f32 to vector<16xf32>
        %add3A_2607 = arith.addf %mul3A_2604, %add3A_2606 : vector<16xf32>
        %mul3A_2608 = arith.mulf %select_n3A_2592, %add3A_2607 : vector<16xf32>
        %sub3A_2609 = arith.constant 3.14159274 : f32
        %sub3A_2610 = vector.broadcast %sub3A_2609 : f32 to vector<16xf32>
        %sub3A_2611 = arith.subf %sub3A_2610, %mul3A_2608 : vector<16xf32>
        %select_n3A_2612 = arith.select %gt3A_2588, %sub3A_2611, %mul3A_2608 : vector<16xi1>, vector<16xf32>
        %swap3A_2613 = arith.constant 22 : i32
        %swap3A_2614 = arith.index_cast %swap3A_2613 : i32 to index
        %swap3A_2615 = arith.constant 0 : index
        %swap3A_2616 = tpu.vector_load %arg6[%swap3A_2614, %swap3A_2615] {strides = array<i32>} : memref<28x16xf32, #tpu.memory_space<vmem>>, vector<1x16xf32>,
        %swap3A_2617 = vector.shape_cast %swap3A_2616 : vector<1x16xf32> to vector<16xf32>
        %swap3A_2618 = vector.shape_cast %select_n3A_2612 : vector<16xf32> to vector<1x16xf32>
        tpu.vector_store %arg6[%swap3A_2614, %swap3A_2615], %swap3A_2618 {strides = array<i32>} : memref<28x16xf32, #tpu.memory_space<vmem>>, vector<1x16xf32>,
        %mul3A_2619 = vector.broadcast %squeeze3A_101 : f32 to vector<16xf32>
        %mul3A_2620 = arith.mulf %add3A_2469, %mul3A_2619 : vector<16xf32>
        %mul3A_2621 = vector.broadcast %squeeze3A_150 : f32 to vector<16xf32>
        %mul3A_2622 = arith.mulf %add3A_2486, %mul3A_2621 : vector<16xf32>
        %add3A_2623 = arith.addf %mul3A_2620, %mul3A_2622 : vector<16xf32>
        %mul3A_2624 = vector.broadcast %squeeze3A_199 : f32 to vector<16xf32>
        %mul3A_2625 = arith.mulf %add3A_2503, %mul3A_2624 : vector<16xf32>
        %add3A_2626 = arith.addf %add3A_2623, %mul3A_2625 : vector<16xf32>
        %mul3A_2627 = vector.broadcast %squeeze3A_248 : f32 to vector<16xf32>
        %mul3A_2628 = arith.mulf %add3A_2520, %mul3A_2627 : vector<16xf32>
        %add3A_2629 = arith.addf %add3A_2626, %mul3A_2628 : vector<16xf32>
        %sub3A_2630 = arith.subf %add3A_2629, %mul3A_828 : vector<16xf32>
        %mul3A_2631 = arith.constant 5.000000e-01 : f32
        %mul3A_2632 = vector.broadcast %mul3A_2631 : f32 to vector<16xf32>
        %mul3A_2633 = arith.mulf %mul3A_2632, %sub3A_2630 : vector<16xf32>
        %exp3A_2634 = math.exp %mul3A_2633 : vector<16xf32>
        %gt3A_2635 = arith.constant 1.000000e+00 : f32
        %gt3A_2636 = vector.broadcast %gt3A_2635 : f32 to vector<16xf32>
        %gt3A_2637 = arith.cmpf ogt, %exp3A_2634, %gt3A_2636 : vector<16xf32>
        %div3A_2638 = arith.constant 1.000000e+00 : f32
        %div3A_2639 = vector.broadcast %div3A_2638 : f32 to vector<16xf32>
        %div3A_2640 = arith.divf %div3A_2639, %exp3A_2634 : vector<16xf32>
        %select_n3A_2641 = arith.select %gt3A_2637, %div3A_2640, %exp3A_2634 : vector<16xi1>, vector<16xf32>
        %mul3A_2642 = arith.mulf %select_n3A_2641, %select_n3A_2641 : vector<16xf32>
        %mul3A_2643 = arith.constant -0.0817280039 : f32
        %mul3A_2644 = vector.broadcast %mul3A_2643 : f32 to vector<16xf32>
        %mul3A_2645 = arith.mulf %mul3A_2644, %mul3A_2642 : vector<16xf32>
        %add3A_2646 = arith.constant 0.298066169 : f32
        %add3A_2647 = vector.broadcast %add3A_2646 : f32 to vector<16xf32>
        %add3A_2648 = arith.addf %mul3A_2645, %add3A_2647 : vector<16xf32>
        %mul3A_2649 = arith.mulf %add3A_2648, %mul3A_2642 : vector<16xf32>
        %add3A_2650 = arith.constant -0.64457345 : f32
        %add3A_2651 = vector.broadcast %add3A_2650 : f32 to vector<16xf32>
        %add3A_2652 = arith.addf %mul3A_2649, %add3A_2651 : vector<16xf32>
        %mul3A_2653 = arith.mulf %add3A_2652, %mul3A_2642 : vector<16xf32>
        %add3A_2654 = arith.constant 1.99863315 : f32
        %add3A_2655 = vector.broadcast %add3A_2654 : f32 to vector<16xf32>
        %add3A_2656 = arith.addf %mul3A_2653, %add3A_2655 : vector<16xf32>
        %mul3A_2657 = arith.mulf %select_n3A_2641, %add3A_2656 : vector<16xf32>
        %sub3A_2658 = arith.constant 3.14159274 : f32
        %sub3A_2659 = vector.broadcast %sub3A_2658 : f32 to vector<16xf32>
        %sub3A_2660 = arith.subf %sub3A_2659, %mul3A_2657 : vector<16xf32>
        %select_n3A_2661 = arith.select %gt3A_2637, %sub3A_2660, %mul3A_2657 : vector<16xi1>, vector<16xf32>
        %swap3A_2662 = arith.constant 23 : i32
        %swap3A_2663 = arith.index_cast %swap3A_2662 : i32 to index
        %swap3A_2664 = arith.constant 0 : index
        %swap3A_2665 = tpu.vector_load %arg6[%swap3A_2663, %swap3A_2664] {strides = array<i32>} : memref<28x16xf32, #tpu.memory_space<vmem>>, vector<1x16xf32>,
        %swap3A_2666 = vector.shape_cast %swap3A_2665 : vector<1x16xf32> to vector<16xf32>
        %swap3A_2667 = vector.shape_cast %select_n3A_2661 : vector<16xf32> to vector<1x16xf32>
        tpu.vector_store %arg6[%swap3A_2663, %swap3A_2664], %swap3A_2667 {strides = array<i32>} : memref<28x16xf32, #tpu.memory_space<vmem>>, vector<1x16xf32>,
        %mul3A_2668 = vector.broadcast %squeeze3A_108 : f32 to vector<16xf32>
        %mul3A_2669 = arith.mulf %add3A_2469, %mul3A_2668 : vector<16xf32>
        %mul3A_2670 = vector.broadcast %squeeze3A_157 : f32 to vector<16xf32>
        %mul3A_2671 = arith.mulf %add3A_2486, %mul3A_2670 : vector<16xf32>
        %add3A_2672 = arith.addf %mul3A_2669, %mul3A_2671 : vector<16xf32>
        %mul3A_2673 = vector.broadcast %squeeze3A_206 : f32 to vector<16xf32>
        %mul3A_2674 = arith.mulf %add3A_2503, %mul3A_2673 : vector<16xf32>
        %add3A_2675 = arith.addf %add3A_2672, %mul3A_2674 : vector<16xf32>
        %mul3A_2676 = vector.broadcast %squeeze3A_255 : f32 to vector<16xf32>
        %mul3A_2677 = arith.mulf %add3A_2520, %mul3A_2676 : vector<16xf32>
        %add3A_2678 = arith.addf %add3A_2675, %mul3A_2677 : vector<16xf32>
        %sub3A_2679 = arith.subf %add3A_2678, %mul3A_912 : vector<16xf32>
        %mul3A_2680 = arith.constant 5.000000e-01 : f32
        %mul3A_2681 = vector.broadcast %mul3A_2680 : f32 to vector<16xf32>
        %mul3A_2682 = arith.mulf %mul3A_2681, %sub3A_2679 : vector<16xf32>
        %exp3A_2683 = math.exp %mul3A_2682 : vector<16xf32>
        %gt3A_2684 = arith.constant 1.000000e+00 : f32
        %gt3A_2685 = vector.broadcast %gt3A_2684 : f32 to vector<16xf32>
        %gt3A_2686 = arith.cmpf ogt, %exp3A_2683, %gt3A_2685 : vector<16xf32>
        %div3A_2687 = arith.constant 1.000000e+00 : f32
        %div3A_2688 = vector.broadcast %div3A_2687 : f32 to vector<16xf32>
        %div3A_2689 = arith.divf %div3A_2688, %exp3A_2683 : vector<16xf32>
        %select_n3A_2690 = arith.select %gt3A_2686, %div3A_2689, %exp3A_2683 : vector<16xi1>, vector<16xf32>
        %mul3A_2691 = arith.mulf %select_n3A_2690, %select_n3A_2690 : vector<16xf32>
        %mul3A_2692 = arith.constant -0.0817280039 : f32
        %mul3A_2693 = vector.broadcast %mul3A_2692 : f32 to vector<16xf32>
        %mul3A_2694 = arith.mulf %mul3A_2693, %mul3A_2691 : vector<16xf32>
        %add3A_2695 = arith.constant 0.298066169 : f32
        %add3A_2696 = vector.broadcast %add3A_2695 : f32 to vector<16xf32>
        %add3A_2697 = arith.addf %mul3A_2694, %add3A_2696 : vector<16xf32>
        %mul3A_2698 = arith.mulf %add3A_2697, %mul3A_2691 : vector<16xf32>
        %add3A_2699 = arith.constant -0.64457345 : f32
        %add3A_2700 = vector.broadcast %add3A_2699 : f32 to vector<16xf32>
        %add3A_2701 = arith.addf %mul3A_2698, %add3A_2700 : vector<16xf32>
        %mul3A_2702 = arith.mulf %add3A_2701, %mul3A_2691 : vector<16xf32>
        %add3A_2703 = arith.constant 1.99863315 : f32
        %add3A_2704 = vector.broadcast %add3A_2703 : f32 to vector<16xf32>
        %add3A_2705 = arith.addf %mul3A_2702, %add3A_2704 : vector<16xf32>
        %mul3A_2706 = arith.mulf %select_n3A_2690, %add3A_2705 : vector<16xf32>
        %sub3A_2707 = arith.constant 3.14159274 : f32
        %sub3A_2708 = vector.broadcast %sub3A_2707 : f32 to vector<16xf32>
        %sub3A_2709 = arith.subf %sub3A_2708, %mul3A_2706 : vector<16xf32>
        %select_n3A_2710 = arith.select %gt3A_2686, %sub3A_2709, %mul3A_2706 : vector<16xi1>, vector<16xf32>
        %swap3A_2711 = arith.constant 24 : i32
        %swap3A_2712 = arith.index_cast %swap3A_2711 : i32 to index
        %swap3A_2713 = arith.constant 0 : index
        %swap3A_2714 = tpu.vector_load %arg6[%swap3A_2712, %swap3A_2713] {strides = array<i32>} : memref<28x16xf32, #tpu.memory_space<vmem>>, vector<1x16xf32>,
        %swap3A_2715 = vector.shape_cast %swap3A_2714 : vector<1x16xf32> to vector<16xf32>
        %swap3A_2716 = vector.shape_cast %select_n3A_2710 : vector<16xf32> to vector<1x16xf32>
        tpu.vector_store %arg6[%swap3A_2712, %swap3A_2713], %swap3A_2716 {strides = array<i32>} : memref<28x16xf32, #tpu.memory_space<vmem>>, vector<1x16xf32>,
        %broadcast_in_dim3A_2717 = vector.shape_cast %xor3A_5 : vector<16xi32> to vector<16x1xi32>
        %gather3A_2718 = vector.shape_cast %broadcast_in_dim3A_2717 : vector<16x1xi32> to vector<16xi32>
        %gather3A_2719 = tpu.dynamic_gather %select_n3A_2710[%gather3A_2718] in [0] : vector<16xf32>, vector<16xi32> -> vector<16xf32>
        %add3A_2720 = arith.addf %select_n3A_2710, %gather3A_2719 : vector<16xf32>
        %broadcast_in_dim3A_2721 = vector.shape_cast %xor3A_8 : vector<16xi32> to vector<16x1xi32>
        %gather3A_2722 = vector.shape_cast %broadcast_in_dim3A_2721 : vector<16x1xi32> to vector<16xi32>
        %gather3A_2723 = tpu.dynamic_gather %add3A_2720[%gather3A_2722] in [0] : vector<16xf32>, vector<16xi32> -> vector<16xf32>
        %add3A_2724 = arith.addf %add3A_2720, %gather3A_2723 : vector<16xf32>
        %broadcast_in_dim3A_2725 = vector.shape_cast %xor3A_11 : vector<16xi32> to vector<16x1xi32>
        %gather3A_2726 = vector.shape_cast %broadcast_in_dim3A_2725 : vector<16x1xi32> to vector<16xi32>
        %gather3A_2727 = tpu.dynamic_gather %add3A_2724[%gather3A_2726] in [0] : vector<16xf32>, vector<16xi32> -> vector<16xf32>
        %add3A_2728 = arith.addf %add3A_2724, %gather3A_2727 : vector<16xf32>
        %mul3A_2729 = vector.broadcast %squeeze3A_115 : f32 to vector<16xf32>
        %mul3A_2730 = arith.mulf %add3A_2469, %mul3A_2729 : vector<16xf32>
        %mul3A_2731 = vector.broadcast %squeeze3A_164 : f32 to vector<16xf32>
        %mul3A_2732 = arith.mulf %add3A_2486, %mul3A_2731 : vector<16xf32>
        %add3A_2733 = arith.addf %mul3A_2730, %mul3A_2732 : vector<16xf32>
        %mul3A_2734 = vector.broadcast %squeeze3A_213 : f32 to vector<16xf32>
        %mul3A_2735 = arith.mulf %add3A_2503, %mul3A_2734 : vector<16xf32>
        %add3A_2736 = arith.addf %add3A_2733, %mul3A_2735 : vector<16xf32>
        %mul3A_2737 = vector.broadcast %squeeze3A_262 : f32 to vector<16xf32>
        %mul3A_2738 = arith.mulf %add3A_2728, %mul3A_2737 : vector<16xf32>
        %add3A_2739 = arith.addf %add3A_2736, %mul3A_2738 : vector<16xf32>
        %sub3A_2740 = arith.subf %add3A_2739, %mul3A_996 : vector<16xf32>
        %mul3A_2741 = arith.constant 5.000000e-01 : f32
        %mul3A_2742 = vector.broadcast %mul3A_2741 : f32 to vector<16xf32>
        %mul3A_2743 = arith.mulf %mul3A_2742, %sub3A_2740 : vector<16xf32>
        %exp3A_2744 = math.exp %mul3A_2743 : vector<16xf32>
        %gt3A_2745 = arith.constant 1.000000e+00 : f32
        %gt3A_2746 = vector.broadcast %gt3A_2745 : f32 to vector<16xf32>
        %gt3A_2747 = arith.cmpf ogt, %exp3A_2744, %gt3A_2746 : vector<16xf32>
        %div3A_2748 = arith.constant 1.000000e+00 : f32
        %div3A_2749 = vector.broadcast %div3A_2748 : f32 to vector<16xf32>
        %div3A_2750 = arith.divf %div3A_2749, %exp3A_2744 : vector<16xf32>
        %select_n3A_2751 = arith.select %gt3A_2747, %div3A_2750, %exp3A_2744 : vector<16xi1>, vector<16xf32>
        %mul3A_2752 = arith.mulf %select_n3A_2751, %select_n3A_2751 : vector<16xf32>
        %mul3A_2753 = arith.constant -0.0817280039 : f32
        %mul3A_2754 = vector.broadcast %mul3A_2753 : f32 to vector<16xf32>
        %mul3A_2755 = arith.mulf %mul3A_2754, %mul3A_2752 : vector<16xf32>
        %add3A_2756 = arith.constant 0.298066169 : f32
        %add3A_2757 = vector.broadcast %add3A_2756 : f32 to vector<16xf32>
        %add3A_2758 = arith.addf %mul3A_2755, %add3A_2757 : vector<16xf32>
        %mul3A_2759 = arith.mulf %add3A_2758, %mul3A_2752 : vector<16xf32>
        %add3A_2760 = arith.constant -0.64457345 : f32
        %add3A_2761 = vector.broadcast %add3A_2760 : f32 to vector<16xf32>
        %add3A_2762 = arith.addf %mul3A_2759, %add3A_2761 : vector<16xf32>
        %mul3A_2763 = arith.mulf %add3A_2762, %mul3A_2752 : vector<16xf32>
        %add3A_2764 = arith.constant 1.99863315 : f32
        %add3A_2765 = vector.broadcast %add3A_2764 : f32 to vector<16xf32>
        %add3A_2766 = arith.addf %mul3A_2763, %add3A_2765 : vector<16xf32>
        %mul3A_2767 = arith.mulf %select_n3A_2751, %add3A_2766 : vector<16xf32>
        %sub3A_2768 = arith.constant 3.14159274 : f32
        %sub3A_2769 = vector.broadcast %sub3A_2768 : f32 to vector<16xf32>
        %sub3A_2770 = arith.subf %sub3A_2769, %mul3A_2767 : vector<16xf32>
        %select_n3A_2771 = arith.select %gt3A_2747, %sub3A_2770, %mul3A_2767 : vector<16xi1>, vector<16xf32>
        %swap3A_2772 = arith.constant 25 : i32
        %swap3A_2773 = arith.index_cast %swap3A_2772 : i32 to index
        %swap3A_2774 = arith.constant 0 : index
        %swap3A_2775 = tpu.vector_load %arg6[%swap3A_2773, %swap3A_2774] {strides = array<i32>} : memref<28x16xf32, #tpu.memory_space<vmem>>, vector<1x16xf32>,
        %swap3A_2776 = vector.shape_cast %swap3A_2775 : vector<1x16xf32> to vector<16xf32>
        %swap3A_2777 = vector.shape_cast %select_n3A_2771 : vector<16xf32> to vector<1x16xf32>
        tpu.vector_store %arg6[%swap3A_2773, %swap3A_2774], %swap3A_2777 {strides = array<i32>} : memref<28x16xf32, #tpu.memory_space<vmem>>, vector<1x16xf32>,
        %mul3A_2778 = vector.broadcast %squeeze3A_122 : f32 to vector<16xf32>
        %mul3A_2779 = arith.mulf %add3A_2469, %mul3A_2778 : vector<16xf32>
        %mul3A_2780 = vector.broadcast %squeeze3A_171 : f32 to vector<16xf32>
        %mul3A_2781 = arith.mulf %add3A_2486, %mul3A_2780 : vector<16xf32>
        %add3A_2782 = arith.addf %mul3A_2779, %mul3A_2781 : vector<16xf32>
        %mul3A_2783 = vector.broadcast %squeeze3A_220 : f32 to vector<16xf32>
        %mul3A_2784 = arith.mulf %add3A_2503, %mul3A_2783 : vector<16xf32>
        %add3A_2785 = arith.addf %add3A_2782, %mul3A_2784 : vector<16xf32>
        %mul3A_2786 = vector.broadcast %squeeze3A_269 : f32 to vector<16xf32>
        %mul3A_2787 = arith.mulf %add3A_2728, %mul3A_2786 : vector<16xf32>
        %add3A_2788 = arith.addf %add3A_2785, %mul3A_2787 : vector<16xf32>
        %sub3A_2789 = arith.subf %add3A_2788, %mul3A_1080 : vector<16xf32>
        %mul3A_2790 = arith.constant 5.000000e-01 : f32
        %mul3A_2791 = vector.broadcast %mul3A_2790 : f32 to vector<16xf32>
        %mul3A_2792 = arith.mulf %mul3A_2791, %sub3A_2789 : vector<16xf32>
        %exp3A_2793 = math.exp %mul3A_2792 : vector<16xf32>
        %gt3A_2794 = arith.constant 1.000000e+00 : f32
        %gt3A_2795 = vector.broadcast %gt3A_2794 : f32 to vector<16xf32>
        %gt3A_2796 = arith.cmpf ogt, %exp3A_2793, %gt3A_2795 : vector<16xf32>
        %div3A_2797 = arith.constant 1.000000e+00 : f32
        %div3A_2798 = vector.broadcast %div3A_2797 : f32 to vector<16xf32>
        %div3A_2799 = arith.divf %div3A_2798, %exp3A_2793 : vector<16xf32>
        %select_n3A_2800 = arith.select %gt3A_2796, %div3A_2799, %exp3A_2793 : vector<16xi1>, vector<16xf32>
        %mul3A_2801 = arith.mulf %select_n3A_2800, %select_n3A_2800 : vector<16xf32>
        %mul3A_2802 = arith.constant -0.0817280039 : f32
        %mul3A_2803 = vector.broadcast %mul3A_2802 : f32 to vector<16xf32>
        %mul3A_2804 = arith.mulf %mul3A_2803, %mul3A_2801 : vector<16xf32>
        %add3A_2805 = arith.constant 0.298066169 : f32
        %add3A_2806 = vector.broadcast %add3A_2805 : f32 to vector<16xf32>
        %add3A_2807 = arith.addf %mul3A_2804, %add3A_2806 : vector<16xf32>
        %mul3A_2808 = arith.mulf %add3A_2807, %mul3A_2801 : vector<16xf32>
        %add3A_2809 = arith.constant -0.64457345 : f32
        %add3A_2810 = vector.broadcast %add3A_2809 : f32 to vector<16xf32>
        %add3A_2811 = arith.addf %mul3A_2808, %add3A_2810 : vector<16xf32>
        %mul3A_2812 = arith.mulf %add3A_2811, %mul3A_2801 : vector<16xf32>
        %add3A_2813 = arith.constant 1.99863315 : f32
        %add3A_2814 = vector.broadcast %add3A_2813 : f32 to vector<16xf32>
        %add3A_2815 = arith.addf %mul3A_2812, %add3A_2814 : vector<16xf32>
        %mul3A_2816 = arith.mulf %select_n3A_2800, %add3A_2815 : vector<16xf32>
        %sub3A_2817 = arith.constant 3.14159274 : f32
        %sub3A_2818 = vector.broadcast %sub3A_2817 : f32 to vector<16xf32>
        %sub3A_2819 = arith.subf %sub3A_2818, %mul3A_2816 : vector<16xf32>
        %select_n3A_2820 = arith.select %gt3A_2796, %sub3A_2819, %mul3A_2816 : vector<16xi1>, vector<16xf32>
        %swap3A_2821 = arith.constant 26 : i32
        %swap3A_2822 = arith.index_cast %swap3A_2821 : i32 to index
        %swap3A_2823 = arith.constant 0 : index
        %swap3A_2824 = tpu.vector_load %arg6[%swap3A_2822, %swap3A_2823] {strides = array<i32>} : memref<28x16xf32, #tpu.memory_space<vmem>>, vector<1x16xf32>,
        %swap3A_2825 = vector.shape_cast %swap3A_2824 : vector<1x16xf32> to vector<16xf32>
        %swap3A_2826 = vector.shape_cast %select_n3A_2820 : vector<16xf32> to vector<1x16xf32>
        tpu.vector_store %arg6[%swap3A_2822, %swap3A_2823], %swap3A_2826 {strides = array<i32>} : memref<28x16xf32, #tpu.memory_space<vmem>>, vector<1x16xf32>,
        %mul3A_2827 = vector.broadcast %squeeze3A_129 : f32 to vector<16xf32>
        %mul3A_2828 = arith.mulf %add3A_2469, %mul3A_2827 : vector<16xf32>
        %mul3A_2829 = vector.broadcast %squeeze3A_178 : f32 to vector<16xf32>
        %mul3A_2830 = arith.mulf %add3A_2486, %mul3A_2829 : vector<16xf32>
        %add3A_2831 = arith.addf %mul3A_2828, %mul3A_2830 : vector<16xf32>
        %mul3A_2832 = vector.broadcast %squeeze3A_227 : f32 to vector<16xf32>
        %mul3A_2833 = arith.mulf %add3A_2503, %mul3A_2832 : vector<16xf32>
        %add3A_2834 = arith.addf %add3A_2831, %mul3A_2833 : vector<16xf32>
        %mul3A_2835 = vector.broadcast %squeeze3A_276 : f32 to vector<16xf32>
        %mul3A_2836 = arith.mulf %add3A_2728, %mul3A_2835 : vector<16xf32>
        %add3A_2837 = arith.addf %add3A_2834, %mul3A_2836 : vector<16xf32>
        %sub3A_2838 = arith.subf %add3A_2837, %mul3A_1164 : vector<16xf32>
        %mul3A_2839 = arith.constant 5.000000e-01 : f32
        %mul3A_2840 = vector.broadcast %mul3A_2839 : f32 to vector<16xf32>
        %mul3A_2841 = arith.mulf %mul3A_2840, %sub3A_2838 : vector<16xf32>
        %exp3A_2842 = math.exp %mul3A_2841 : vector<16xf32>
        %gt3A_2843 = arith.constant 1.000000e+00 : f32
        %gt3A_2844 = vector.broadcast %gt3A_2843 : f32 to vector<16xf32>
        %gt3A_2845 = arith.cmpf ogt, %exp3A_2842, %gt3A_2844 : vector<16xf32>
        %div3A_2846 = arith.constant 1.000000e+00 : f32
        %div3A_2847 = vector.broadcast %div3A_2846 : f32 to vector<16xf32>
        %div3A_2848 = arith.divf %div3A_2847, %exp3A_2842 : vector<16xf32>
        %select_n3A_2849 = arith.select %gt3A_2845, %div3A_2848, %exp3A_2842 : vector<16xi1>, vector<16xf32>
        %mul3A_2850 = arith.mulf %select_n3A_2849, %select_n3A_2849 : vector<16xf32>
        %mul3A_2851 = arith.constant -0.0817280039 : f32
        %mul3A_2852 = vector.broadcast %mul3A_2851 : f32 to vector<16xf32>
        %mul3A_2853 = arith.mulf %mul3A_2852, %mul3A_2850 : vector<16xf32>
        %add3A_2854 = arith.constant 0.298066169 : f32
        %add3A_2855 = vector.broadcast %add3A_2854 : f32 to vector<16xf32>
        %add3A_2856 = arith.addf %mul3A_2853, %add3A_2855 : vector<16xf32>
        %mul3A_2857 = arith.mulf %add3A_2856, %mul3A_2850 : vector<16xf32>
        %add3A_2858 = arith.constant -0.64457345 : f32
        %add3A_2859 = vector.broadcast %add3A_2858 : f32 to vector<16xf32>
        %add3A_2860 = arith.addf %mul3A_2857, %add3A_2859 : vector<16xf32>
        %mul3A_2861 = arith.mulf %add3A_2860, %mul3A_2850 : vector<16xf32>
        %add3A_2862 = arith.constant 1.99863315 : f32
        %add3A_2863 = vector.broadcast %add3A_2862 : f32 to vector<16xf32>
        %add3A_2864 = arith.addf %mul3A_2861, %add3A_2863 : vector<16xf32>
        %mul3A_2865 = arith.mulf %select_n3A_2849, %add3A_2864 : vector<16xf32>
        %sub3A_2866 = arith.constant 3.14159274 : f32
        %sub3A_2867 = vector.broadcast %sub3A_2866 : f32 to vector<16xf32>
        %sub3A_2868 = arith.subf %sub3A_2867, %mul3A_2865 : vector<16xf32>
        %select_n3A_2869 = arith.select %gt3A_2845, %sub3A_2868, %mul3A_2865 : vector<16xi1>, vector<16xf32>
        %swap3A_2870 = arith.constant 27 : i32
        %swap3A_2871 = arith.index_cast %swap3A_2870 : i32 to index
        %swap3A_2872 = arith.constant 0 : index
        %swap3A_2873 = tpu.vector_load %arg6[%swap3A_2871, %swap3A_2872] {strides = array<i32>} : memref<28x16xf32, #tpu.memory_space<vmem>>, vector<1x16xf32>,
        %swap3A_2874 = vector.shape_cast %swap3A_2873 : vector<1x16xf32> to vector<16xf32>
        %swap3A_2875 = vector.shape_cast %select_n3A_2869 : vector<16xf32> to vector<1x16xf32>
        tpu.vector_store %arg6[%swap3A_2871, %swap3A_2872], %swap3A_2875 {strides = array<i32>} : memref<28x16xf32, #tpu.memory_space<vmem>>, vector<1x16xf32>,
      }
      %get3A_364 = arith.constant 0 : i32
      %get3A_365 = arith.index_cast %get3A_364 : i32 to index
      %get3A_366 = arith.constant 0 : index
      %get3A_367 = tpu.vector_load %arg6[%get3A_365, %get3A_366] {strides = array<i32>} : memref<28x16xf32, #tpu.memory_space<vmem>>, vector<1x16xf32>,
      %get3A_368 = vector.shape_cast %get3A_367 : vector<1x16xf32> to vector<16xf32>
      %exp3A_369 = math.exp %get3A_368 : vector<16xf32>
      %sub3A_370 = arith.constant 1.000000e+00 : f32
      %sub3A_371 = vector.broadcast %sub3A_370 : f32 to vector<16xf32>
      %sub3A_372 = arith.subf %exp3A_369, %sub3A_371 : vector<16xf32>
      %add3A_373 = arith.constant 1.000000e+00 : f32
      %add3A_374 = vector.broadcast %add3A_373 : f32 to vector<16xf32>
      %add3A_375 = arith.addf %exp3A_369, %add3A_374 : vector<16xf32>
      %div3A_376 = arith.divf %sub3A_372, %add3A_375 : vector<16xf32>
      %scan3A_377 = arith.constant 1 : i32
      %scan3A_378 = arith.constant 27 : i32
      %scan3A_379 = arith.addi %scan3A_377, %scan3A_378 : i32
      %scan3A_380 = arith.constant 1 : i32
      %scan3A_381 = scf.for %scan3A_439 = %scan3A_377 to %scan3A_379 step %scan3A_380 iter_args(%scan3A_440 = %div3A_376) -> (vector<16xf32>)  : i32 {
        %get3A_441 = arith.index_cast %scan3A_439 : i32 to index
        %get3A_442 = arith.constant 0 : index
        %get3A_443 = tpu.vector_load %arg6[%get3A_441, %get3A_442] {strides = array<i32>} : memref<28x16xf32, #tpu.memory_space<vmem>>, vector<1x16xf32>,
        %get3A_444 = vector.shape_cast %get3A_443 : vector<1x16xf32> to vector<16xf32>
        %exp3A_445 = math.exp %get3A_444 : vector<16xf32>
        %sub3A_446 = arith.constant 1.000000e+00 : f32
        %sub3A_447 = vector.broadcast %sub3A_446 : f32 to vector<16xf32>
        %sub3A_448 = arith.subf %exp3A_445, %sub3A_447 : vector<16xf32>
        %add3A_449 = arith.constant 1.000000e+00 : f32
        %add3A_450 = vector.broadcast %add3A_449 : f32 to vector<16xf32>
        %add3A_451 = arith.addf %exp3A_445, %add3A_450 : vector<16xf32>
        %div3A_452 = arith.divf %sub3A_448, %add3A_451 : vector<16xf32>
        %mul3A_453 = arith.mulf %scan3A_440, %div3A_452 : vector<16xf32>
        scf.yield %mul3A_453 : vector<16xf32>
      }
      %scan3A_382 = arith.constant 27 : i32
      %broadcast_in_dim3A_383 = vector.shape_cast %xor3A_5 : vector<16xi32> to vector<16x1xi32>
      %gather3A = vector.shape_cast %broadcast_in_dim3A_383 : vector<16x1xi32> to vector<16xi32>
      %gather3A_384 = tpu.dynamic_gather %scan3A_381[%gather3A] in [0] : vector<16xf32>, vector<16xi32> -> vector<16xf32>
      %mul3A = arith.mulf %scan3A_381, %gather3A_384 : vector<16xf32>
      %broadcast_in_dim3A_385 = vector.shape_cast %xor3A_8 : vector<16xi32> to vector<16x1xi32>
      %gather3A_386 = vector.shape_cast %broadcast_in_dim3A_385 : vector<16x1xi32> to vector<16xi32>
      %gather3A_387 = tpu.dynamic_gather %mul3A[%gather3A_386] in [0] : vector<16xf32>, vector<16xi32> -> vector<16xf32>
      %mul3A_388 = arith.mulf %mul3A, %gather3A_387 : vector<16xf32>
      %broadcast_in_dim3A_389 = vector.shape_cast %xor3A_11 : vector<16xi32> to vector<16x1xi32>
      %gather3A_390 = vector.shape_cast %broadcast_in_dim3A_389 : vector<16x1xi32> to vector<16xi32>
      %gather3A_391 = tpu.dynamic_gather %mul3A_388[%gather3A_390] in [0] : vector<16xf32>, vector<16xi32> -> vector<16xf32>
      %mul3A_392 = arith.mulf %mul3A_388, %gather3A_391 : vector<16xf32>
      %broadcast_in_dim3A_393 = arith.constant 1 : i32
      %broadcast_in_dim3A_394 = vector.broadcast %broadcast_in_dim3A_393 : i32 to vector<16xi32>
      %broadcast_in_dim3A_395 = arith.constant 0 : i32
      %broadcast_in_dim3A_396 = vector.broadcast %broadcast_in_dim3A_395 : i32 to vector<16xi32>
      %mul3A_397 = arith.mulf %sign3A_28, %mul3A_392 : vector<16xf32>
      %gt3A = arith.constant 0.000000e+00 : f32
      %gt3A_398 = vector.broadcast %gt3A : f32 to vector<16xf32>
      %gt3A_399 = arith.cmpf ogt, %mul3A_397, %gt3A_398 : vector<16xf32>
      %select_n3A_400 = arith.select %gt3A_399, %broadcast_in_dim3A_394, %broadcast_in_dim3A_396 : vector<16xi1>, vector<16xi32>
      %swap3A = arith.constant 0 : i32
      %swap3A_401 = arith.index_cast %swap3A : i32 to index
      %swap3A_402 = arith.constant 0 : index
      %swap3A_403 = tpu.vector_load %arg7[%swap3A_401, %swap3A_402] {strides = array<i32>} : memref<4x16xi32, #tpu.memory_space<vmem>>, vector<1x16xi32>,
      %swap3A_404 = vector.shape_cast %swap3A_403 : vector<1x16xi32> to vector<16xi32>
      %swap3A_405 = vector.shape_cast %select_n3A_400 : vector<16xi32> to vector<1x16xi32>
      tpu.vector_store %arg7[%swap3A_401, %swap3A_402], %swap3A_405 {strides = array<i32>} : memref<4x16xi32, #tpu.memory_space<vmem>>, vector<1x16xi32>,
      %mul3A_406 = arith.mulf %sign3A_46, %mul3A_392 : vector<16xf32>
      %gt3A_407 = arith.constant 0.000000e+00 : f32
      %gt3A_408 = vector.broadcast %gt3A_407 : f32 to vector<16xf32>
      %gt3A_409 = arith.cmpf ogt, %mul3A_406, %gt3A_408 : vector<16xf32>
      %select_n3A_410 = arith.select %gt3A_409, %broadcast_in_dim3A_394, %broadcast_in_dim3A_396 : vector<16xi1>, vector<16xi32>
      %swap3A_411 = arith.constant 1 : i32
      %swap3A_412 = arith.index_cast %swap3A_411 : i32 to index
      %swap3A_413 = arith.constant 0 : index
      %swap3A_414 = tpu.vector_load %arg7[%swap3A_412, %swap3A_413] {strides = array<i32>} : memref<4x16xi32, #tpu.memory_space<vmem>>, vector<1x16xi32>,
      %swap3A_415 = vector.shape_cast %swap3A_414 : vector<1x16xi32> to vector<16xi32>
      %swap3A_416 = vector.shape_cast %select_n3A_410 : vector<16xi32> to vector<1x16xi32>
      tpu.vector_store %arg7[%swap3A_412, %swap3A_413], %swap3A_416 {strides = array<i32>} : memref<4x16xi32, #tpu.memory_space<vmem>>, vector<1x16xi32>,
      %mul3A_417 = arith.mulf %sign3A_64, %mul3A_392 : vector<16xf32>
      %gt3A_418 = arith.constant 0.000000e+00 : f32
      %gt3A_419 = vector.broadcast %gt3A_418 : f32 to vector<16xf32>
      %gt3A_420 = arith.cmpf ogt, %mul3A_417, %gt3A_419 : vector<16xf32>
      %select_n3A_421 = arith.select %gt3A_420, %broadcast_in_dim3A_394, %broadcast_in_dim3A_396 : vector<16xi1>, vector<16xi32>
      %swap3A_422 = arith.constant 2 : i32
      %swap3A_423 = arith.index_cast %swap3A_422 : i32 to index
      %swap3A_424 = arith.constant 0 : index
      %swap3A_425 = tpu.vector_load %arg7[%swap3A_423, %swap3A_424] {strides = array<i32>} : memref<4x16xi32, #tpu.memory_space<vmem>>, vector<1x16xi32>,
      %swap3A_426 = vector.shape_cast %swap3A_425 : vector<1x16xi32> to vector<16xi32>
      %swap3A_427 = vector.shape_cast %select_n3A_421 : vector<16xi32> to vector<1x16xi32>
      tpu.vector_store %arg7[%swap3A_423, %swap3A_424], %swap3A_427 {strides = array<i32>} : memref<4x16xi32, #tpu.memory_space<vmem>>, vector<1x16xi32>,
      %mul3A_428 = arith.mulf %sign3A_82, %mul3A_392 : vector<16xf32>
      %gt3A_429 = arith.constant 0.000000e+00 : f32
      %gt3A_430 = vector.broadcast %gt3A_429 : f32 to vector<16xf32>
      %gt3A_431 = arith.cmpf ogt, %mul3A_428, %gt3A_430 : vector<16xf32>
      %select_n3A_432 = arith.select %gt3A_431, %broadcast_in_dim3A_394, %broadcast_in_dim3A_396 : vector<16xi1>, vector<16xi32>
      %swap3A_433 = arith.constant 3 : i32
      %swap3A_434 = arith.index_cast %swap3A_433 : i32 to index
      %swap3A_435 = arith.constant 0 : index
      %swap3A_436 = tpu.vector_load %arg7[%swap3A_434, %swap3A_435] {strides = array<i32>} : memref<4x16xi32, #tpu.memory_space<vmem>>, vector<1x16xi32>,
      %swap3A_437 = vector.shape_cast %swap3A_436 : vector<1x16xi32> to vector<16xi32>
      %swap3A_438 = vector.shape_cast %select_n3A_432 : vector<16xi32> to vector<1x16xi32>
      tpu.vector_store %arg7[%swap3A_434, %swap3A_435], %swap3A_438 {strides = array<i32>} : memref<4x16xi32, #tpu.memory_space<vmem>>, vector<1x16xi32>,
      "tpu.region"() ({
        %run_scoped3A = tpu.sem_alloc : memref<!tpu.dma_semaphore, #tpu.memory_space<semaphore_mem>>
        tpu.enqueue_dma source(%arg7 : memref<4x16xi32, #tpu.memory_space<vmem>>) target(%arg3 : memref<4x16xi32, #tpu.memory_space<hbm>>) target_semaphore(%run_scoped3A : memref<!tpu.dma_semaphore, #tpu.memory_space<semaphore_mem>>)
        tpu.wait_dma2 semaphore(%run_scoped3A : memref<!tpu.dma_semaphore, #tpu.memory_space<semaphore_mem>>) src(%arg7 : memref<4x16xi32, #tpu.memory_space<vmem>>) dst(%arg3 : memref<4x16xi32, #tpu.memory_space<hbm>>)
        tpu.yield
      }) : () -> ()
    } else {
    }
    return
  }
}

</mosaic_0001>

<sc_bundles>
// kernel: kernel.3.cloned.1.call-start
scs
__scs_entry_jumppad:
0x0: {  	(pc) =	sbr.rel $0x88, $3  }
0x1: {  	(tag) =	ssettag $0x0;
	lr =	simm.s32 $0x1  }
0x2: {  	[smem:$0x3F9E] =	sst lr;
	_ =	strace $0xD0000000  }
0x3: {  	_ = 	snop  }
0x4: {  	_ = 	snop  }
0x5: {  	_ = 	snop  }
0x6: {  	_ = 	snop  }
0x7: {  	_ = 	snop  }
__scs_overlays_trampoline_lowered:
0x8: {  	[smem:$0x3FAD] =	sst s0  }
0x9: {  	[smem:$0x3FAE] =	sst s1  }
0xa: {  	[smem:$0x3FAF] =	sst s2  }
0xb: {  	[smem:$0x3FB0] =	sst s3  }
0xc: {  	[smem:$0x3FB1] =	sst s4  }
0xd: {  	[smem:$0x3FB2] =	sst s5  }
0xe: {  	[smem:$0x3FB3] =	sst s6  }
0xf: {  	[smem:$0x3FB4] =	sst s7  }
0x10: {  	[smem:$0x3FB5] =	sst s8  }
0x11: {  	[smem:$0x3FB6] =	sst s9;
	s0 =	simm.s32 @!p0 $0x0  }
0x12: {  	s1 =	sld [smem:$0x3F9C];
	s0 =	simm.s32 @p0 $0x1  }
0x13: {  	[smem:$0x3FB7] =	sst s0;
	s0 =	simm.s32 @!p1 $0x0  }
0x14: {  	s2 =	sld [smem:$0x3F9B];
	s0 =	simm.s32 @p1 $0x1  }
0x15: {  	[smem:$0x3FB8] =	sst s0;
	s0 =	simm.s32 @!p2 $0x0  }
0x16: {  	s3 =	sld [smem:$0x3FDB];
	s0 =	simm.s32 @p2 $0x1  }
0x17: {  	s4 =	simm.s32 $0x1BF5;
	[smem:$0x3FBA] =	sst s0  }
0x18: {  	s0 =	sld [smem:$0x3F9D];
	_ =	swait.ge [sflag:s4], $0x0  }
0x19: {  	s7 =	sld [smem:$0x3F9E]  }
0x1a: {  	s8 =	sadd.s32 $0xFFFFE003, lr  }
0x1b: {  	s9 =	sadd.s32 $0xFFFFFEF7, lr;
	s5 =	simm.s32 $0xFFFFFFFF;
	p2 =	slt.u32 s8, $0xFFFFF086  }
0x1c: {  	p1 =	slt.u32 s9, $0xF7A;
	s5 =	simm.s32 @!p2 $0x0  }
0x1d: {  	s5 =	simm.s32 @p1 $0x1;
	p0 =	seq.s32 s7, s2  }
0x1e: {  	s7 =	smul.u32 @!p0 $0xF7A, s2;
	p2 =	seq.s32 @!p0 s5, $0x0  }
0x1f: {  	s9 =	smul.u32 $0xF7A, s1;
	s8 =	simm.s32 @!p0 $0x1BF5;
	p2 =	por !p2, p0  }
0x20: {  	[sflag:s8] =	ssyncset.s32 @!p0 $0xFFFFF086;
	s6 =	sadd.s32 @!p0 s3, s7;
	s7 =	simm.s32 @!p0 $0x108  }
0x21: {  	s3 =	sadd.s32 s3, s9;
	s6 =	sadd.s32 @!p0 $0x88, s6;
	s7 =	simm.s32 @p2 $0x1082  }
0x22: {  	[simem:s7], [sflag:s8] =	dma.local @!p0 [hbm:s6], $0xF7A  }
0x23: {  	s9 =	sor.u32 $0xD0000000, s2;
	s6 =	simm.s32 $0x108;
	_ =	swait.ge @!p0 [sflag:s8], $0x0  }
0x24: {  	s3 =	sadd.s32 $0x88, s3;
	s6 =	simm.s32 @!p1 $0x1082;
	[sflag:s4] =	ssyncset.s32 $0xFFFFF086  }
0x25: {  	[simem:s6], [sflag:s4] =	dma.local [hbm:s3], $0xF7A  }
0x26: {  	[smem:$0x3F9E] =	sst s1;
	(tag) =	ssettag s2;
	_ =	strace s9  }
0x27: {  	s1 =	sld [smem:$0x3FAE]  }
0x28: {  	s2 =	sld [smem:$0x3FAF]  }
0x29: {  	s4 =	sld [smem:$0x3FB1]  }
0x2a: {  	p0 =	seq.s32 s5, $0x0;
	s5 =	sld [smem:$0x3FB2]  }
0x2b: {  	s6 =	sld [smem:$0x3FB3]  }
0x2c: {  	s7 =	sld [smem:$0x3FB4]  }
0x2d: {  	s3 =	simm.s32 $0x108;
	s8 =	sld [smem:$0x3FB5]  }
0x2e: {  	s3 =	simm.s32 @!p0 $0x1082;
	s9 =	sld [smem:$0x3FB6]  }
0x2f: {  	lr =	sadd.s32 s0, s3;
	s0 =	sld [smem:$0x3FAD]  }
0x30: {  	s3 =	sld [smem:$0x3FB0]  }
0x31: {  	[smem:$0x3FB9] =	sst s10  }
0x32: {  	s10 =	sld [smem:$0x3FB7];
	_ =	sdelay $0x3  }
0x33: {  	p0 =	seq.s32 s10, $0x1;
	s10 =	sld [smem:$0x3FB9];
	_ =	sdelay $0x3  }
0x34: {  	[smem:$0x3FB9] =	sst s10  }
0x35: {  	s10 =	sld [smem:$0x3FB8];
	_ =	sdelay $0x3  }
0x36: {  	p1 =	seq.s32 s10, $0x1;
	s10 =	sld [smem:$0x3FB9];
	_ =	sdelay $0x3  }
0x37: {  	[smem:$0x3FB9] =	sst s10  }
0x38: {  	s10 =	sld [smem:$0x3FBA]  }
0x39: {  	_ = 	snop;
	(pc) =	sbr.ind lr, $3  }
0x3a: {  	_ = 	snop  }
0x3b: {  	_ = 	snop  }
0x3c: {  	p2 =	seq.s32 s10, $0x1;
	s10 =	sld [smem:$0x3FB9]  }
0x3d: {  	_ =	shalt  }
0x3e: {  	_ =	shalt  }
0x3f: {  	_ =	shalt  }
0x40: {  	_ =	shalt  }
0x41: {  	_ =	shalt  }
0x42: {  	_ =	shalt  }
0x43: {  	_ =	shalt  }
0x44: {  	_ =	shalt  }
0x45: {  	_ =	shalt  }
0x46: {  	_ =	shalt  }
0x47: {  	_ =	shalt  }
0x48: {  	_ =	shalt  }
0x49: {  	_ =	shalt  }
0x4a: {  	_ =	shalt  }
0x4b: {  	_ =	shalt  }
0x4c: {  	_ =	shalt  }
0x4d: {  	_ =	shalt  }
0x4e: {  	_ =	shalt  }
0x4f: {  	_ =	shalt  }
0x50: {  	_ =	shalt  }
0x51: {  	_ =	shalt  }
0x52: {  	_ =	shalt  }
0x53: {  	_ =	shalt  }
0x54: {  	_ =	shalt  }
0x55: {  	_ =	shalt  }
0x56: {  	_ =	shalt  }
0x57: {  	_ =	shalt  }
0x58: {  	_ =	shalt  }
0x59: {  	_ =	shalt  }
0x5a: {  	_ =	shalt  }
0x5b: {  	_ =	shalt  }
0x5c: {  	_ =	shalt  }
0x5d: {  	_ =	shalt  }
0x5e: {  	_ =	shalt  }
0x5f: {  	_ =	shalt  }
0x60: {  	_ =	shalt  }
0x61: {  	_ =	shalt  }
0x62: {  	_ =	shalt  }
0x63: {  	_ =	shalt  }
0x64: {  	_ =	shalt  }
0x65: {  	_ =	shalt  }
0x66: {  	_ =	shalt  }
0x67: {  	_ =	shalt  }
0x68: {  	_ =	shalt  }
0x69: {  	_ =	shalt  }
0x6a: {  	_ =	shalt  }
0x6b: {  	_ =	shalt  }
0x6c: {  	_ =	shalt  }
0x6d: {  	_ =	shalt  }
0x6e: {  	_ =	shalt  }
0x6f: {  	_ =	shalt  }
0x70: {  	_ =	shalt  }
0x71: {  	_ =	shalt  }
0x72: {  	_ =	shalt  }
0x73: {  	_ =	shalt  }
0x74: {  	_ =	shalt  }
0x75: {  	_ =	shalt  }
0x76: {  	_ =	shalt  }
0x77: {  	_ =	shalt  }
0x78: {  	_ =	shalt  }
0x79: {  	_ =	shalt  }
0x7a: {  	_ =	shalt  }
0x7b: {  	_ =	shalt  }
0x7c: {  	_ =	shalt  }
0x7d: {  	_ =	shalt  }
0x7e: {  	_ =	shalt  }
0x7f: {  	_ =	shalt  }
0x80: {  	_ =	shalt  }
0x81: {  	_ =	shalt  }
0x82: {  	_ =	shalt  }
0x83: {  	_ =	shalt  }
0x84: {  	_ =	shalt  }
0x85: {  	_ =	shalt  }
0x86: {  	_ =	shalt  }
0x87: {  	_ =	shalt  }
.Lfunc_end0:
.L_simem_size_0:
called_computation_lowered:
.L_overlay_start_0:
0x88: {  	s0 =	sld [smem:$0x3FD9]  }
0x89: {  	s1 =	sld [smem:$0x3FFE];
	_ =	sdelay $0x3  }
0x8a: {  	s0 =	sadd.s32 s1, s0  }
0x8b: {  	[smem:$0x3FC5] =	sst s0  }
0x8c: {  	_ = 	snop  }
0x8d: {  	s0 =	sld [smem:$0x3FD0];
	(tm) =	ssettm $0x1  }
0x8e: {  	s16 =	sld [smem:$0x3FFB];
	_ =	sdelay $0x3  }
0x8f: {  	_ =	strace s16  }
0x90: {  	s1 =	sld [smem:$0x3FFC];
	_ =	sdelay $0x3  }
0x91: {  	_ =	strace s1  }
0x92: {  	s1 =	sld [smem:$0x3FFD];
	_ =	sdelay $0x3  }
0x93: {  	_ =	strace s1  }
0x94: {  	_ =	strace $0x8FFFFFFF  }
0x95: {  	s17 =	sld [smem:$0x3FDB];
	_ =	sdelay $0x1  }
0x96: {  	s2 =	simm.s32 $_scs_section_size  }
0x97: {  	s3 =	simm.s32 $_size__tile_overlayer_lowered;
	s4 =	simm.s32 $_tile_overlayer_lowered  }
0x98: {  	s20 =	simm.s32 $0x1BFF;
	s19 =	sshll.u32 s4, $0x1;
	s1 =	sadd.s32 s2, s17  }
0x99: {  	s5 =	simm.s32 $0x0;
	s18 =	sshll.u32 s3, $0x1;
	s3 =	sadd.s32 s19, s1  }
0x9a: {  	[timem:s5], [sflag:s20] =	dma.local [hbm:s3], s18  }
0x9b: {  	_ =	swait.ge [sflag:s20], s18  }
0x9c: {  	s2 =	ssub.s32 $0x0, s18;
	[sflag:s20] =	ssyncset.done $0x0  }
0x9d: {  	[sflag:s20] =	ssyncadd.s32 s2;
	_ =	sdelay $0x1  }
0x9e: {  	s21 =	simm.s32 $0x1B8B  }
0x9f: {  	_ =	swait.ge [sflag:s21], $0x1  }
0xa0: {  	[sflag:s21] =	ssyncset.done $0x0  }
0xa1: {  	s23 =	simm.s32 $0x1B8E;
	s22 =	sld [smem:$0x3FFE];
	[sflag:s21] =	ssyncadd.s32 $0xFFFFFFFF  }
0xa2: {  	s24 =	simm.s32 $execute0_lowered;
	[smem:$0x3FD2] =	sst s23  }
0xa3: {  	s3 =	sshll.u32 s24, $0x1;
	_ =	strace $0x80000046;
	[dreg:$0x1] =	wrdreg $0xFFFFFFFF  }
0xa4: {  	s25 =	simm.s32 $_size_execute0_lowered;
	s1 =	sadd.s32 s1, s3;
	[dreg:$0x0] =	wrdreg $0x0  }
0xa5: {  	s3 =	sshll.u32 s25, $0x1;
	[dreg:$0x2] =	wrdreg s1  }
0xa6: {  	[dreg:$0x3] =	wrdreg s3  }
0xa7: {  	[dreg:$0x4] =	wrdreg $0xC0  }
0xa8: {  	_ =	task [dreg:s5], $0x5FFFF  }
0xa9: {  	[dreg:$0x1] =	wrdreg $0xFFFFFFFF  }
0xaa: {  	[dreg:$0x0] =	wrdreg $0x60  }
0xab: {  	[dreg:$0x2] =	wrdreg s22  }
0xac: {  	[dreg:$0x3] =	wrdreg s0  }
0xad: {  	[dreg:$0x4] =	wrdreg $0x9  }
0xae: {  	_ =	task.clear_ibuf [dreg:s5], $0x5FFFF;
	_ =	strace $0x90000046  }
0xaf: {  	s26 =	simm.s32 $0x9;
	_ =	strace $0x80000048  }
0xb0: {  	_ =	swait.ge [sflag:s26], $0x1  }
0xb1: {  	[sflag:s26] =	ssyncadd.s32 $0xFFFFFFFF  }
0xb2: {  	_ =	strace $0x90000048  }
0xb3: {  	_ =	sfence  }
0xb4: {  	s28 =	sld [smem:$0x0];
	_ =	sdelay $0x1  }
0xb5: {  	s29 =	srdreg.scid  }
0xb6: {  	s30 =	sshll.u32 s29, $0xD;
	s31 =	sshrl.u32 s29, $0x2  }
0xb7: {  	s2 =	sand.u32 $0x4000, s30;
	s1 =	sand.u32 $0x1, s29;
	s0 =	sadd.s32 s31, s28  }
0xb8: {  	s1 =	sor.u32 s2, s1;
	s0 =	sshll.u32 s0, $0x11  }
0xb9: {  	s0 =	sor.u32 s0, s1  }
0xba: {  	s0 =	sadd.s32 $0x8F2B, s0  }
0xbb: {  	[sflag:s0] =	ssyncadd.remote.s32 $0x1  }
0xbc: {  	_ =	sfence.sel $0xFFFF  }
0xbd: {  	[dreg:$0x0] =	wrdreg $0xFFFFFFFF;
	(pc) =	sbr.abs _section_cstart, $3  }
0xbe: {  	[dreg:$0x1] =	wrdreg $0xFFFFFFFF  }
0xbf: {  	_ =	task.clear_ibuf [dreg:s5], $0x2FFFF;
	_ =	strace $0x9FFFFFFF  }
0xc0: {  	(tm) =	ssettm $0x7FFFFFFF  }
0xc1: {  	_ =	shalt  }
tec
execute0_lowered:
.L_overlay_start_1:
0x0: {  	(tag) =	ssettag $0x1  }
0x1: {  	s2 =	rddreg [dreg:$0x0]  }
0x2: {  	s1 =	rddreg [dreg:$0x1];
	v0 =	vimm.f32 $0.0e+00;
	vm0 =	vcmask $0x1F00  }
0x3: {  	s0 =	rddreg [dreg:$0x2];
	_ =	strace $0x80000047;
	v1 =	vsel vm0, $0x3FB8AA3B, v0  }
0x4: {  	(erf) = vpow2.f32 v1;
	_ =	sdelay $0x8  }
0x5: {  	v6 =	vpop (erf)  }
0x6: {  	v1 =	vadd.f32 $1.000000000e+00, v6;
	_ =	sdelay $0x1  }
0x7: {  	(erf) = vrcp.f32 v1;
	_ =	sdelay $0x7  }
0x8: {  	s3 =	stileid.u32  }
0x9: {  	p0 =	sne.s32 s3, $0x0;
	v33 =	vpop (erf)  }
0xa: {  	_ =	sfence.sel @p0 $0x180000  }
0xb: {  	[bflag:$0x0] =	sbarrier.arrive @p0 $0xFFFF  }
0xc: {  	_ =	strace @p0 $0x90000047  }
0xd: {  	[bflag:$0x2] =	sbarrier.arrive @p0 $0xFFFF  }
0xe: {  	_ =	shalt @p0  }
.LBB2_1:
0xf: {  	s2 =	sadd.s32 $0x400, s2;
	s3 =	simm.s32 $0x0;
	s31 =	simm.s32 $0x1  }
0x10: {  	[tilespmem:s3], [sflag:$0x1] =	stream.linear.gather [hbm4b:s2+s3], $0x1080, $0x38;
	[tilespmem:$0x3600] =	vst v63  }
0x11: {  	_ =	swait.ge [sflag:s31], $0x1080  }
0x12: {  	[sflag:s31] =	ssyncset.done $0x0  }
0x13: {  	[sflag:s31] =	ssyncadd.s32 $0xFFFFEF80  }
0x14: {  	v3 =	vld [tilespmem:$0x0]  }
0x15: {  	v1 =	vld [tilespmem:$0x80]  }
0x16: {  	v2 =	vld [tilespmem:$0x100]  }
0x17: {  	v32 =	vld [tilespmem:$0x180]  }
0x18: {  	v25 =	vld [tilespmem:$0x200]  }
0x19: {  	v21 =	vld [tilespmem:$0x280]  }
0x1a: {  	v17 =	vld [tilespmem:$0x300]  }
0x1b: {  	v13 =	vld [tilespmem:$0x380]  }
0x1c: {  	v10 =	vld [tilespmem:$0x400]  }
0x1d: {  	v8 =	vld [tilespmem:$0x480]  }
0x1e: {  	v7 =	vld [tilespmem:$0x500]  }
0x1f: {  	v28 =	vld [tilespmem:$0x580]  }
0x20: {  	v24 =	vld [tilespmem:$0x600]  }
0x21: {  	v20 =	vld [tilespmem:$0x680]  }
0x22: {  	v16 =	vld [tilespmem:$0x700]  }
0x23: {  	v11 =	vld [tilespmem:$0x780]  }
0x24: {  	v9 =	vld [tilespmem:$0x800]  }
0x25: {  	v4 =	vld [tilespmem:$0x880]  }
0x26: {  	v30 =	vld [tilespmem:$0x900]  }
0x27: {  	v27 =	vld [tilespmem:$0x980]  }
0x28: {  	v23 =	vld [tilespmem:$0xA00]  }
0x29: {  	v19 =	vld [tilespmem:$0xA80]  }
0x2a: {  	v14 =	vld [tilespmem:$0xB00]  }
0x2b: {  	v12 =	vld [tilespmem:$0xB80]  }
0x2c: {  	v5 =	vld [tilespmem:$0xC00]  }
0x2d: {  	v31 =	vld [tilespmem:$0xC80]  }
0x2e: {  	v29 =	vld [tilespmem:$0xD00]  }
0x2f: {  	v26 =	vld [tilespmem:$0xD80]  }
0x30: {  	v22 =	vld [tilespmem:$0xE00]  }
0x31: {  	s2 =	simm.s32 $0x0;
	v18 =	vld [tilespmem:$0xE80]  }
0x32: {  	v35 =	vld [tilespmem:s2+$0x200]  }
0x33: {  	v34 =	vadd.f32 $-1.000000000e+00, v6;
	v15 =	vld [tilespmem:$0xF00]  }
0x34: {  	v6 =	vld [tilespmem:$0xF80]  }
0x35: {  	s3 =	simm.s32 $0x200;
	v34 =	vmul.f32 v33, v34;
	v33 =	vld [tilespmem:$0x1000];
	[tilespmem:s2+$0x2400] =	vst v0  }
.LBB2_2:
0x36: {  	p0 =	seq.s32 s3, $0x3600  }
.Ltmp0:
0x37: {  	s4 =	sshra.s32 s3, $0x2;
	s3 =	sadd.s32 $0x200, s3;
	v36 =	vmul.f32 v35, v34;
	v37 =	vsub.f32 $1.000000000e+00, v35;
	(pc) =	sbr.rel @!p0 .LBB2_2-.Ltmp0, $3  }
0x38: {  	v35 =	vld [tilespmem:s4+$0x200];
	[tilespmem:s4+$0x2400] =	vst v0  }
0x39: {  	v36 =	vadd.f32 v37, v36;
	_ =	sdelay $0x1  }
0x3a: {  	[tilespmem:s2+$0x1400] =	vst v36;
	s2 =	smov.u32 s4  }
0x3b: {  	(v2sf) =	vpush v33, $0x0;
	_ =	sdelay $0xb  }
0x3c: {  	v0 =	vmul.f32 v35, v34;
	v59 =	vsub.f32 $1.000000000e+00, v35;
	_ =	sdelay $0x1  }
0x3d: {  	v0 =	vadd.f32 v59, v0  }
0x3e: {  	v60 =	vand.u32 $0x80000000, v3;
	v61 =	vimm.f32 $1.000000000e+00;
	s31 =	spop (v2sf)  }
0x3f: {  	vm0 =	vlt.f32 v3, $0.0e+00;
	vm1 =	vgt.f32 v3, $0.0e+00;
	vm12 =	vlt.f32 v1, $0.0e+00;
	[tilespmem:s2+$0x1400] =	vst v0;
	s2 =	scvt.f32.s32 s31  }
0x40: {  	vm13 =	vgt.f32 v1, $0.0e+00;
	vm2 =	vlt.f32 v2, $0.0e+00;
	vm3 =	vgt.f32 v2, $0.0e+00  }
0x41: {  	vm4 =	vlt.f32 v32, $0.0e+00;
	vm5 =	vgt.f32 v32, $0.0e+00;
	v62 =	vand.u32 $0x80000000, v2;
	p0 =	slt.s32 s2, $0x1  }
.Ltmp1:
0x42: {  	v63 =	vand.u32 $0x80000000, v32;
	v33 =	vand.u32 $0x7FFFFFFF, v61;
	vm0 =	vmor vm1, vm0;
	(pc) =	sbr.rel @p0 .LBB2_6-.Ltmp1, $4  }
0x43: {  	vm14 =	vmor vm3, vm2;
	vm15 =	vmor vm5, vm4;
	v0 =	vor.u32 v60, v33  }
0x44: {  	v34 =	vor.u32 v62, v33;
	v43 =	vsel vm0, v0, v3;
	v3 =	vand.u32 $0x80000000, v1  }
0x45: {  	vm0 =	vmor vm13, vm12;
	v3 =	vor.u32 v3, v33;
	v33 =	vor.u32 v63, v33  }
0x46: {  	v45 =	vsel vm14, v34, v2;
	v46 =	vsel vm0, v3, v1;
	v44 =	vsel vm15, v33, v32  }
0x47: {  	(v2sf) =	vpush v6, $0x0;
	[tilespmem:$0x1FFC0] =	vst v43  }
0x48: {  	[tilespmem:$0x1FFD0] =	vst v44;
	(v2sf) =	vpush v15, $0x0  }
0x49: {  	v51 =	vbroadcast v25, $0x0;
	[tilespmem:$0x1FFE0] =	vst v45;
	(v2sf) =	vpush v18, $0x0  }
0x4a: {  	v53 =	vbroadcast v28, $0x0;
	[tilespmem:$0x1FFF0] =	vst v46;
	(v2sf) =	vpush v22, $0x0  }
0x4b: {  	v54 =	vbroadcast v30, $0x0;
	[tilespmem:$0x1FD10] =	vst v51;
	(v2sf) =	vpush v26, $0x0  }
0x4c: {  	v56 =	vbroadcast v31, $0x0;
	[tilespmem:$0x1FD30] =	vst v53;
	(v2sf) =	vpush v29, $0x0  }
0x4d: {  	v57 =	vbroadcast v21, $0x0;
	[tilespmem:$0x1FD40] =	vst v54;
	(v2sf) =	vpush v31, $0x0  }
0x4e: {  	v59 =	vbroadcast v24, $0x0;
	[tilespmem:$0x1FD60] =	vst v56;
	(v2sf) =	vpush v5, $0x0  }
0x4f: {  	v60 =	vbroadcast v27, $0x0;
	[tilespmem:$0x1FD70] =	vst v57;
	(v2sf) =	vpush v12, $0x0  }
0x50: {  	v62 =	vbroadcast v29, $0x0;
	[tilespmem:$0x1FD90] =	vst v59;
	(v2sf) =	vpush v14, $0x0  }
0x51: {  	v63 =	vbroadcast v17, $0x0;
	[tilespmem:$0x1FDA0] =	vst v60;
	(v2sf) =	vpush v19, $0x0  }
0x52: {  	v33 =	vbroadcast v11, $0x0;
	[tilespmem:$0x1FDC0] =	vst v62;
	(v2sf) =	vpush v23, $0x0  }
0x53: {  	v34 =	vbroadcast v14, $0x0;
	[tilespmem:$0x1FDD0] =	vst v63;
	(v2sf) =	vpush v27, $0x0  }
0x54: {  	[tilespmem:$0x1FEB0] =	vst v33;
	v62 =	vbroadcast v5, $0x0;
	(v2sf) =	vpush v30, $0x0  }
0x55: {  	[tilespmem:$0x1FEC0] =	vst v34;
	v63 =	vbroadcast v6, $0x0;
	(v2sf) =	vpush v4, $0x0  }
0x56: {  	[tilespmem:$0x1FFA0] =	vst v62;
	v31 =	vbroadcast v10, $0x0;
	s3 =	spop (v2sf);
	(v2sf) =	vpush v9, $0x0  }
0x57: {  	[tilespmem:$0x1FFB0] =	vst v63;
	v27 =	vbroadcast v16, $0x0;
	s5 =	spop (v2sf);
	(v2sf) =	vpush v11, $0x0  }
0x58: {  	[tilespmem:$0x1FE90] =	vst v31;
	v30 =	vbroadcast v22, $0x0;
	s7 =	spop (v2sf);
	(v2sf) =	vpush v16, $0x0  }
0x59: {  	[tilespmem:$0x1FE50] =	vst v27;
	s11 =	spop (v2sf);
	(v2sf) =	vpush v20, $0x0;
	v20 =	vbroadcast v20, $0x0  }
0x5a: {  	[tilespmem:$0x1FE80] =	vst v30;
	s7 =	ssub.f32 $1.000000000e+00, s7;
	s9 =	spop (v2sf);
	(v2sf) =	vpush v24, $0x0;
	v24 =	vbroadcast v26, $0x0  }
0x5b: {  	s11 =	ssub.f32 $1.000000000e+00, s11;
	[tilespmem:$0x1FDF0] =	vst v20  }
0x5c: {  	s13 =	spop (v2sf);
	(v2sf) =	vpush v28, $0x0;
	v26 =	vmov s7;
	[tilespmem:$0x1FE20] =	vst v24  }
0x5d: {  	s24 =	ssub.f32 $1.000000000e+00, s9;
	v28 =	vbroadcast v19, $0x0;
	s14 =	spop (v2sf);
	v58 =	vmov s11;
	[tilespmem:$0x1FE40] =	vst v26  }
0x5e: {  	(v2sf) =	vpush v7, $0x0;
	s13 =	ssub.f32 $1.000000000e+00, s13;
	s4 =	spop (v2sf);
	[tilespmem:$0x1FD80] =	vst v58  }
0x5f: {  	(v2sf) =	vpush v8, $0x0;
	s14 =	ssub.f32 $1.000000000e+00, s14;
	v49 =	vmov s24;
	[tilespmem:$0x1FE60] =	vst v28;
	s8 =	spop (v2sf)  }
0x60: {  	(v2sf) =	vpush v10, $0x0;
	v41 =	vmov s13;
	[tilespmem:$0x1FCF0] =	vst v49;
	s4 =	ssub.f32 $1.000000000e+00, s4;
	s12 =	spop (v2sf)  }
0x61: {  	(v2sf) =	vpush v13, $0x0;
	v37 =	vmov s14;
	[tilespmem:$0x1FCB0] =	vst v41;
	s15 =	spop (v2sf)  }
0x62: {  	(v2sf) =	vpush v17, $0x0;
	[tilespmem:$0x1FC70] =	vst v37;
	v37 =	vbroadcast v8, $0x0;
	v57 =	vmov s4;
	s16 =	spop (v2sf)  }
0x63: {  	s12 =	ssub.f32 $1.000000000e+00, s12;
	(v2sf) =	vpush v21, $0x0;
	v21 =	vbroadcast v23, $0x0;
	[tilespmem:$0x1FF80] =	vst v57;
	s17 =	spop (v2sf)  }
0x64: {  	[tilespmem:$0x1FEF0] =	vst v37;
	s18 =	spop (v2sf)  }
0x65: {  	(v2sf) =	vpush v25, $0x0;
	s16 =	ssub.f32 $1.000000000e+00, s16;
	v23 =	vmov s12;
	v25 =	vbroadcast v13, $0x0;
	[tilespmem:$0x1FE00] =	vst v21;
	s6 =	spop (v2sf)  }
0x66: {  	s17 =	ssub.f32 $1.000000000e+00, s17;
	[tilespmem:$0x1FE10] =	vst v23;
	s10 =	spop (v2sf)  }
0x67: {  	s18 =	ssub.f32 $1.000000000e+00, s18;
	v48 =	vmov s16;
	[tilespmem:$0x1FE30] =	vst v25;
	s19 =	spop (v2sf)  }
0x68: {  	v40 =	vmov s17;
	[tilespmem:$0x1FCE0] =	vst v48;
	s20 =	spop (v2sf)  }
0x69: {  	v36 =	vmov s18;
	[tilespmem:$0x1FCA0] =	vst v40;
	v40 =	vbroadcast v12, $0x0;
	s21 =	spop (v2sf)  }
0x6a: {  	[tilespmem:$0x1FC60] =	vst v36;
	v36 =	vbroadcast v18, $0x0;
	s22 =	spop (v2sf);
	s21 =	ssub.f32 $1.000000000e+00, s21  }
0x6b: {  	[tilespmem:$0x1FF20] =	vst v40;
	s23 =	spop (v2sf);
	s22 =	ssub.f32 $1.000000000e+00, s22  }
0x6c: {  	[tilespmem:$0x1FEE0] =	vst v36;
	s23 =	ssub.f32 $1.000000000e+00, s23;
	v47 =	vmov s21  }
0x6d: {  	v39 =	vmov s22;
	[tilespmem:$0x1FCD0] =	vst v47  }
0x6e: {  	s22 =	ssub.f32 $1.000000000e+00, s20;
	v47 =	vbroadcast v7, $0x0;
	v35 =	vmov s23;
	[tilespmem:$0x1FC90] =	vst v39  }
0x6f: {  	s8 =	ssub.f32 $1.000000000e+00, s8;
	s9 =	spop (v2sf);
	[tilespmem:$0x1FC50] =	vst v35  }
0x70: {  	s25 =	spop (v2sf);
	v52 =	vmov s22;
	[tilespmem:$0x1FF50] =	vst v47  }
0x71: {  	s26 =	spop (v2sf);
	s23 =	ssub.f32 $1.000000000e+00, s15;
	v39 =	vbroadcast v9, $0x0;
	v35 =	vmov s8;
	[tilespmem:$0x1FD20] =	vst v52  }
0x72: {  	s24 =	ssub.f32 $1.000000000e+00, s26;
	[tilespmem:$0x1FED0] =	vst v35  }
0x73: {  	s28 =	spop (v2sf);
	s26 =	ssub.f32 $1.000000000e+00, s19;
	v55 =	vmov s23;
	[tilespmem:$0x1FF10] =	vst v39  }
0x74: {  	s18 =	ssub.f32 $1.000000000e+00, s28;
	[tilespmem:$0x1FD50] =	vst v55;
	v61 =	vmov s24  }
0x75: {  	v51 =	vimm.s32 $0x54761032;
	s28 =	ssub.f32 $1.000000000e+00, s25;
	v17 =	vmov s26;
	[tilespmem:$0x1FDB0] =	vst v61  }
0x76: {  	v49 =	vimm.s32 $0x67452301;
	v10 =	vunpack.c.l.s4.s8 v51;
	s29 =	spop (v2sf);
	v50 =	vmov s18;
	[tilespmem:$0x1FDE0] =	vst v17  }
0x77: {  	s3 =	ssub.f32 $1.000000000e+00, s3;
	v8 =	vunpack.c.l.s4.s8 v49;
	s30 =	spop (v2sf);
	v55 =	vbroadcast v4, $0x0;
	v29 =	vmov s28;
	[tilespmem:$0x1FD00] =	vst v50  }
0x78: {  	v53 =	vimm.s32 $0x32107654;
	v10 =	vunpack.c.0.s8.s32 v10;
	s31 =	spop (v2sf);
	s30 =	ssub.f32 $1.000000000e+00, s30;
	[tilespmem:$0x1FE70] =	vst v29  }
0x79: {  	v8 =	vunpack.c.0.s8.s32 v8;
	v48 =	vimm.s32 $0xEFCDAB89;
	v61 =	vmov s3;
	s31 =	ssub.f32 $1.000000000e+00, s31;
	[tilespmem:$0x1FF70] =	vst v55  }
0x7a: {  	s5 =	ssub.f32 $1.000000000e+00, s5;
	v12 =	vunpack.c.l.s4.s8 v53;
	v52 =	vimm.s32 $0xBA98FEDC;
	[tilespmem:$0x1FF90] =	vst v61;
	v38 =	vmov s30  }
0x7b: {  	v7 =	vunpack.c.l.s4.s8 v48;
	v50 =	vimm.s32 $0xDCFE98BA;
	s30 =	ssub.f32 $1.000000000e+00, s9;
	v0 =	vmov s31;
	[tilespmem:$0x1FC80] =	vst v38  }
0x7c: {  	v11 =	vunpack.c.l.s4.s8 v52;
	v9 =	vunpack.c.l.s4.s8 v50;
	s31 =	ssub.f32 $1.000000000e+00, s29;
	v38 =	vmov s5;
	[tilespmem:$0x1FC40] =	vst v0  }
0x7d: {  	v12 =	vunpack.c.0.s8.s32 v12;
	v7 =	vunpack.c.0.s8.s32 v7;
	s29 =	ssub.f32 $1.000000000e+00, s10;
	[tilespmem:$0x1FF00] =	vst v38;
	v41 =	vmov s30  }
0x7e: {  	v11 =	vunpack.c.0.s8.s32 v11;
	v9 =	vunpack.c.0.s8.s32 v9;
	v42 =	vmov s31;
	[tilespmem:$0x1FF30] =	vst v41  }
0x7f: {  	v56 =	vcombine.low v8, v7;
	v32 =	vmov s29;
	s31 =	ssub.f32 $1.000000000e+00, s6;
	[tilespmem:$0x1FCC0] =	vst v42;
	v42 =	vbroadcast v15, $0x0  }
0x80: {  	v59 =	vcombine.low v12, v11;
	[tilespmem:$0x1FEA0] =	vst v32;
	v58 =	vcombine.low v10, v9  }
0x81: {  	v54 =	vmov s31;
	[tilespmem:$0x1FF40] =	vst v42  }
0x82: {  	v60 =	vand.u32 $0xF, v56;
	v62 =	vand.u32 $0xF, v59;
	[tilespmem:$0x1FF60] =	vst v54;
	v61 =	vand.u32 $0xF, v58  }
.LBB2_5:
0x83: {  	v14 =	vld [tilespmem:$0x1700]  }
0x84: {  	v4 =	vld [tilespmem:$0x1680];
	_ =	sdelay $0x1  }
0x85: {  	v5 =	vld [tilespmem:$0x1600];
	_ =	sdelay $0x1  }
0x86: {  	v6 =	vld [tilespmem:$0x1580]  }
0x87: {  	v7 =	vmul.f32 v4, v14  }
0x88: {  	v35 =	vld [tilespmem:$0x1500]  }
0x89: {  	v24 =	vmul.f32 v7, v5  }
0x8a: {  	v36 =	vld [tilespmem:$0x1480]  }
0x8b: {  	v17 =	vmul.f32 v24, v6  }
0x8c: {  	v37 =	vld [tilespmem:$0x1400]  }
0x8d: {  	v15 =	vmul.f32 v17, v35  }
0x8e: {  	v57 =	vld [tilespmem:$0x1A80]  }
0x8f: {  	v38 =	vld [tilespmem:$0x1A00];
	v4 =	vmul.f32 v15, v36;
	_ =	sdelay $0x1  }
0x90: {  	v8 =	vld [tilespmem:$0x1980];
	v6 =	vmul.f32 v4, v37;
	_ =	sdelay $0x1  }
0x91: {  	v10 =	vld [tilespmem:$0x1900];
	v9 =	vmul.f32 v6, v43  }
0x92: {  	v21 =	vmul.f32 v38, v57  }
0x93: {  	v39 =	vld [tilespmem:$0x1880];
	v6 =	vmul.f32 $1.442695020e+00, v9  }
0x94: {  	v26 =	vmul.f32 v21, v8  }
0x95: {  	v40 =	vld [tilespmem:$0x1800];
	(erf) = vpow2.f32 v6  }
0x96: {  	v18 =	vmul.f32 v26, v10  }
0x97: {  	v41 =	vld [tilespmem:$0x1780]  }
0x98: {  	v22 =	vmul.f32 v18, v39  }
0x99: {  	v16 =	vld [tilespmem:$0x1E00]  }
0x9a: {  	v42 =	vld [tilespmem:$0x1D80];
	v5 =	vmul.f32 v22, v40;
	_ =	sdelay $0x1  }
0x9b: {  	v47 =	vld [tilespmem:$0x1D00];
	v6 =	vmul.f32 v5, v41;
	_ =	sdelay $0x1  }
0x9c: {  	v11 =	vld [tilespmem:$0x1C80];
	v0 =	vmul.f32 v6, v46;
	v19 =	vpop (erf)  }
0x9d: {  	v23 =	vmul.f32 v42, v16;
	v48 =	vadd.f32 $1.000000000e+00, v19  }
0x9e: {  	v49 =	vld [tilespmem:$0x1C00];
	v20 =	vmul.f32 $1.442695020e+00, v0  }
0x9f: {  	v29 =	vmul.f32 v23, v47;
	(erf) = vrcp.f32 v48  }
0xa0: {  	v50 =	vld [tilespmem:$0x1B80];
	(erf) = vpow2.f32 v20  }
0xa1: {  	v28 =	vmul.f32 v29, v11  }
0xa2: {  	v51 =	vld [tilespmem:$0x1B00]  }
0xa3: {  	v32 =	vmul.f32 v28, v49  }
0xa4: {  	v52 =	vld [tilespmem:$0x2100]  }
0xa5: {  	v8 =	vld [tilespmem:$0x2180];
	v6 =	vmul.f32 v32, v50;
	_ =	sdelay $0x1  }
0xa6: {  	v53 =	vld [tilespmem:$0x2080];
	v10 =	vmul.f32 v6, v51  }
0xa7: {  	v27 =	vpop (erf)  }
0xa8: {  	v31 =	vld [tilespmem:$0x2000];
	v54 =	vmul.f32 v10, v45;
	v33 =	vpop (erf)  }
0xa9: {  	v25 =	vmul.f32 v52, v8;
	v55 =	vadd.f32 $1.000000000e+00, v33  }
0xaa: {  	v34 =	vld [tilespmem:$0x1F80];
	v35 =	vmul.f32 $1.442695020e+00, v54  }
0xab: {  	v30 =	vmul.f32 v25, v53;
	(erf) = vrcp.f32 v55  }
0xac: {  	v56 =	vld [tilespmem:$0x1F00];
	(erf) = vpow2.f32 v35  }
0xad: {  	v31 =	vmul.f32 v30, v31  }
0xae: {  	v58 =	vld [tilespmem:$0x1E80]  }
0xaf: {  	v34 =	vmul.f32 v31, v34;
	_ =	sdelay $0x1  }
0xb0: {  	v35 =	vmul.f32 v34, v56;
	_ =	sdelay $0x1  }
0xb1: {  	v11 =	vmul.f32 v35, v58  }
0xb2: {  	v59 =	vpop (erf)  }
0xb3: {  	v63 =	vmul.f32 v11, v44;
	v36 =	vpop (erf)  }
0xb4: {  	v2 =	vadd.f32 $1.000000000e+00, v36  }
0xb5: {  	v48 =	vld [tilespmem:$0x1FD10];
	v37 =	vmul.f32 $1.442695020e+00, v63  }
0xb6: {  	v19 =	vadd.f32 $-1.000000000e+00, v19;
	(erf) = vrcp.f32 v2  }
0xb7: {  	v12 =	vld [tilespmem:$0x1FC40];
	(erf) = vpow2.f32 v37  }
0xb8: {  	v3 =	vmul.f32 v27, v19;
	_ =	sdelay $0x1  }
0xb9: {  	v11 =	vmul.f32 v3, v48;
	_ =	sdelay $0x1  }
0xba: {  	v1 =	vadd.f32 v11, v12;
	_ =	sdelay $0x1  }
0xbb: {  	v4 =	vmul.f32 v1, v4  }
0xbc: {  	v13 =	vpop (erf)  }
0xbd: {  	v19 =	vmul.f32 v4, v43;
	v37 =	vpop (erf)  }
0xbe: {  	v38 =	vadd.f32 $1.000000000e+00, v37  }
0xbf: {  	v49 =	vld [tilespmem:$0x1FD30];
	v39 =	vmul.f32 $1.442695020e+00, v19  }
0xc0: {  	v33 =	vadd.f32 $-1.000000000e+00, v33;
	(erf) = vrcp.f32 v38  }
0xc1: {  	v41 =	vld [tilespmem:$0x1FC50];
	(erf) = vpow2.f32 v39  }
0xc2: {  	v40 =	vmul.f32 v59, v33;
	_ =	sdelay $0x1  }
0xc3: {  	v4 =	vmul.f32 v40, v49;
	_ =	sdelay $0x1  }
0xc4: {  	v2 =	vadd.f32 v4, v41;
	_ =	sdelay $0x1  }
0xc5: {  	v5 =	vmul.f32 v2, v5  }
0xc6: {  	v42 =	vpop (erf)  }
0xc7: {  	v27 =	vmul.f32 v5, v46;
	v47 =	vpop (erf)  }
0xc8: {  	[tilespmem:$0x1F8F0] =	vst v54;
	v54 =	vadd.f32 $1.000000000e+00, v47  }
0xc9: {  	v50 =	vld [tilespmem:$0x1FD40];
	v38 =	vmul.f32 $1.442695020e+00, v27  }
0xca: {  	v36 =	vadd.f32 $-1.000000000e+00, v36;
	(erf) = vrcp.f32 v54  }
0xcb: {  	v56 =	vld [tilespmem:$0x1FC60];
	(erf) = vpow2.f32 v38  }
0xcc: {  	v55 =	vmul.f32 v13, v36;
	_ =	sdelay $0x1  }
0xcd: {  	v5 =	vmul.f32 v55, v50;
	_ =	sdelay $0x1  }
0xce: {  	v3 =	vadd.f32 v5, v56;
	_ =	sdelay $0x1  }
0xcf: {  	v6 =	vmul.f32 v3, v6  }
0xd0: {  	v58 =	vpop (erf)  }
0xd1: {  	v59 =	vmul.f32 v6, v45;
	v38 =	vpop (erf)  }
0xd2: {  	[tilespmem:$0x1F920] =	vst v63;
	v63 =	vadd.f32 $1.000000000e+00, v38  }
0xd3: {  	v52 =	vld [tilespmem:$0x1FD60];
	v39 =	vmul.f32 $1.442695020e+00, v59  }
0xd4: {  	v37 =	vadd.f32 $-1.000000000e+00, v37;
	(erf) = vrcp.f32 v63  }
0xd5: {  	v4 =	vld [tilespmem:$0x1FC70];
	(erf) = vpow2.f32 v39  }
0xd6: {  	[tilespmem:$0x1F8E0] =	vst v0;
	v0 =	vmul.f32 v42, v37;
	_ =	sdelay $0x1  }
0xd7: {  	v6 =	vmul.f32 v0, v52;
	_ =	sdelay $0x1  }
0xd8: {  	v4 =	vadd.f32 v6, v4;
	_ =	sdelay $0x1  }
0xd9: {  	v5 =	vmul.f32 v4, v35  }
0xda: {  	v6 =	vpop (erf)  }
0xdb: {  	v11 =	vmul.f32 v5, v44;
	v10 =	vpop (erf)  }
0xdc: {  	v13 =	vadd.f32 $1.000000000e+00, v10  }
0xdd: {  	v42 =	vmul.f32 $1.442695020e+00, v11  }
0xde: {  	v53 =	vld [tilespmem:$0x1FD70];
	(erf) = vrcp.f32 v13  }
0xdf: {  	v12 =	vadd.f32 $-1.000000000e+00, v47;
	(erf) = vpow2.f32 v42  }
0xe0: {  	v47 =	vld [tilespmem:$0x1FC80]  }
0xe1: {  	v20 =	vmul.f32 v58, v12;
	_ =	sdelay $0x1  }
0xe2: {  	v20 =	vmul.f32 v20, v53;
	_ =	sdelay $0x1  }
0xe3: {  	v0 =	vadd.f32 v20, v47;
	_ =	sdelay $0x1  }
0xe4: {  	v36 =	vmul.f32 v0, v1;
	v51 =	vpop (erf)  }
0xe5: {  	v40 =	vpop (erf)  }
0xe6: {  	v15 =	vmul.f32 v36, v15;
	v55 =	vadd.f32 $1.000000000e+00, v40;
	_ =	sdelay $0x1  }
0xe7: {  	v20 =	vmul.f32 v15, v43;
	(erf) = vrcp.f32 v55;
	v55 =	vld [tilespmem:$0x1FD90]  }
0xe8: {  	v54 =	vadd.f32 $-1.000000000e+00, v38  }
0xe9: {  	v58 =	vld [tilespmem:$0x1FC90];
	v56 =	vmul.f32 $1.442695020e+00, v20  }
0xea: {  	v15 =	vmul.f32 v6, v54  }
0xeb: {  	(erf) = vpow2.f32 v56  }
0xec: {  	v15 =	vmul.f32 v15, v55;
	_ =	sdelay $0x1  }
0xed: {  	[tilespmem:$0x1FA90] =	vst v0;
	v0 =	vadd.f32 v15, v58;
	_ =	sdelay $0x1  }
0xee: {  	v35 =	vmul.f32 v0, v2;
	_ =	sdelay $0x1  }
0xef: {  	[tilespmem:$0x1F900] =	vst v59;
	v59 =	vmul.f32 v35, v22  }
0xf0: {  	v63 =	vpop (erf)  }
0xf1: {  	v12 =	vld [tilespmem:$0x1FDA0];
	v38 =	vpop (erf);
	v33 =	vmul.f32 v59, v46  }
0xf2: {  	v5 =	vadd.f32 $-1.000000000e+00, v10;
	v6 =	vadd.f32 $1.000000000e+00, v38  }
0xf3: {  	v10 =	vld [tilespmem:$0x1FCA0];
	v41 =	vmul.f32 $1.442695020e+00, v33  }
0xf4: {  	v15 =	vmul.f32 v51, v5;
	(erf) = vrcp.f32 v6  }
0xf5: {  	(erf) = vpow2.f32 v41  }
0xf6: {  	v15 =	vmul.f32 v15, v12;
	_ =	sdelay $0x1  }
0xf7: {  	[tilespmem:$0x1FAA0] =	vst v0;
	v0 =	vadd.f32 v15, v10;
	_ =	sdelay $0x1  }
0xf8: {  	v37 =	vmul.f32 v0, v3;
	_ =	sdelay $0x1  }
0xf9: {  	[tilespmem:$0x1F930] =	vst v11;
	v11 =	vmul.f32 v37, v32  }
0xfa: {  	v13 =	vpop (erf)  }
0xfb: {  	[tilespmem:$0x1FA70] =	vst v3;
	v3 =	vld [tilespmem:$0x1FDC0];
	v51 =	vmul.f32 v11, v45;
	v47 =	vpop (erf)  }
0xfc: {  	v40 =	vadd.f32 $-1.000000000e+00, v40;
	v54 =	vadd.f32 $1.000000000e+00, v47  }
0xfd: {  	v56 =	vld [tilespmem:$0x1FCB0];
	v42 =	vmul.f32 $1.442695020e+00, v51  }
0xfe: {  	v22 =	vmul.f32 v63, v40;
	(erf) = vrcp.f32 v54  }
0xff: {  	(erf) = vpow2.f32 v42  }
0x100: {  	v22 =	vmul.f32 v22, v3;
	_ =	sdelay $0x1  }
0x101: {  	[tilespmem:$0x1FAB0] =	vst v0;
	v0 =	vadd.f32 v22, v56;
	_ =	sdelay $0x1  }
0x102: {  	v40 =	vmul.f32 v0, v4;
	_ =	sdelay $0x1  }
0x103: {  	v58 =	vmul.f32 v40, v34  }
0x104: {  	v59 =	vpop (erf)  }
0x105: {  	v15 =	vld [tilespmem:$0x1FDD0];
	v63 =	vmul.f32 v58, v44;
	v41 =	vpop (erf)  }
0x106: {  	[tilespmem:$0x1FA80] =	vst v4;
	v4 =	vadd.f32 $-1.000000000e+00, v38;
	v5 =	vadd.f32 $1.000000000e+00, v41  }
0x107: {  	v10 =	vld [tilespmem:$0x1FCC0];
	v6 =	vmul.f32 $1.442695020e+00, v63  }
0x108: {  	v22 =	vmul.f32 v13, v4;
	(erf) = vrcp.f32 v5  }
0x109: {  	(erf) = vpow2.f32 v6  }
0x10a: {  	v22 =	vmul.f32 v22, v15;
	_ =	sdelay $0x1  }
0x10b: {  	[tilespmem:$0x1FAC0] =	vst v0;
	v0 =	vadd.f32 v22, v10;
	_ =	sdelay $0x1  }
0x10c: {  	v32 =	vmul.f32 v0, v36;
	_ =	sdelay $0x1  }
0x10d: {  	v47 =	vadd.f32 $-1.000000000e+00, v47;
	v17 =	vmul.f32 v32, v17  }
0x10e: {  	v11 =	vpop (erf)  }
0x10f: {  	v22 =	vmul.f32 v17, v43;
	v17 =	vmul.f32 v59, v47;
	v59 =	vld [tilespmem:$0x1FDF0];
	v13 =	vpop (erf)  }
0x110: {  	[tilespmem:$0x1F910] =	vst v51;
	v51 =	vadd.f32 $1.000000000e+00, v13  }
0x111: {  	v56 =	vld [tilespmem:$0x1FCD0];
	v54 =	vmul.f32 $1.442695020e+00, v22  }
0x112: {  	(erf) = vrcp.f32 v51  }
0x113: {  	(erf) = vpow2.f32 v54  }
0x114: {  	v17 =	vmul.f32 v17, v59;
	_ =	sdelay $0x1  }
0x115: {  	[tilespmem:$0x1FAD0] =	vst v0;
	v0 =	vadd.f32 v17, v56;
	_ =	sdelay $0x1  }
0x116: {  	v34 =	vmul.f32 v0, v35;
	_ =	sdelay $0x1  }
0x117: {  	v58 =	vmul.f32 v34, v18  }
0x118: {  	[tilespmem:$0x1F940] =	vst v63;
	v63 =	vpop (erf)  }
0x119: {  	[tilespmem:$0x1FA50] =	vst v1;
	v42 =	vmul.f32 v58, v46;
	v58 =	vld [tilespmem:$0x1FE00];
	v39 =	vpop (erf)  }
0x11a: {  	[tilespmem:$0x1FAE0] =	vst v0;
	v0 =	vadd.f32 $-1.000000000e+00, v41;
	v1 =	vadd.f32 $1.000000000e+00, v39  }
0x11b: {  	[tilespmem:$0x1FA60] =	vst v2;
	v4 =	vld [tilespmem:$0x1FCE0];
	v2 =	vmul.f32 $1.442695020e+00, v42  }
0x11c: {  	v17 =	vmul.f32 v11, v0;
	(erf) = vrcp.f32 v1  }
0x11d: {  	(erf) = vpow2.f32 v2  }
0x11e: {  	v17 =	vmul.f32 v17, v58;
	_ =	sdelay $0x1  }
0x11f: {  	v0 =	vadd.f32 v17, v4;
	_ =	sdelay $0x1  }
0x120: {  	v36 =	vmul.f32 v0, v37;
	_ =	sdelay $0x1  }
0x121: {  	v5 =	vmul.f32 v36, v28  }
0x122: {  	v6 =	vpop (erf)  }
0x123: {  	v56 =	vld [tilespmem:$0x1FE20];
	v18 =	vmul.f32 v5, v45;
	v37 =	vpop (erf)  }
0x124: {  	v10 =	vadd.f32 $-1.000000000e+00, v13;
	v11 =	vadd.f32 $1.000000000e+00, v37  }
0x125: {  	v41 =	vld [tilespmem:$0x1FCF0];
	v13 =	vmul.f32 $1.442695020e+00, v18  }
0x126: {  	v17 =	vmul.f32 v63, v10;
	(erf) = vrcp.f32 v11  }
0x127: {  	(erf) = vpow2.f32 v13  }
0x128: {  	v17 =	vmul.f32 v17, v56;
	_ =	sdelay $0x1  }
0x129: {  	[tilespmem:$0x1FB00] =	vst v0;
	v0 =	vadd.f32 v17, v41;
	_ =	sdelay $0x1  }
0x12a: {  	v35 =	vmul.f32 v0, v40;
	_ =	sdelay $0x1  }
0x12b: {  	v47 =	vmul.f32 v35, v31  }
0x12c: {  	v51 =	vpop (erf)  }
0x12d: {  	v54 =	vld [tilespmem:$0x1FE30];
	v63 =	vmul.f32 v47, v44;
	v38 =	vpop (erf)  }
0x12e: {  	v39 =	vadd.f32 $-1.000000000e+00, v39;
	v2 =	vadd.f32 $1.000000000e+00, v38  }
0x12f: {  	v5 =	vld [tilespmem:$0x1FD00];
	v4 =	vmul.f32 $1.442695020e+00, v63  }
0x130: {  	v28 =	vmul.f32 v6, v39;
	(erf) = vrcp.f32 v2  }
0x131: {  	(erf) = vpow2.f32 v4  }
0x132: {  	v28 =	vmul.f32 v28, v54;
	_ =	sdelay $0x1  }
0x133: {  	[tilespmem:$0x1FB10] =	vst v0;
	v0 =	vadd.f32 v28, v5;
	_ =	sdelay $0x1  }
0x134: {  	v32 =	vmul.f32 v0, v32;
	_ =	sdelay $0x1  }
0x135: {  	v11 =	vadd.f32 $-1.000000000e+00, v37;
	v24 =	vmul.f32 v32, v24  }
0x136: {  	v6 =	vpop (erf)  }
0x137: {  	v28 =	vmul.f32 v24, v43;
	v24 =	vmul.f32 v51, v11;
	v51 =	vld [tilespmem:$0x1FE50];
	v10 =	vpop (erf)  }
0x138: {  	v13 =	vadd.f32 $1.000000000e+00, v10  }
0x139: {  	v41 =	vld [tilespmem:$0x1FD20];
	v17 =	vmul.f32 $1.442695020e+00, v28  }
0x13a: {  	(erf) = vrcp.f32 v13  }
0x13b: {  	(erf) = vpow2.f32 v17  }
0x13c: {  	v24 =	vmul.f32 v24, v51;
	_ =	sdelay $0x1  }
0x13d: {  	[tilespmem:$0x1FB20] =	vst v0;
	v0 =	vadd.f32 v24, v41;
	_ =	sdelay $0x1  }
0x13e: {  	v31 =	vmul.f32 v0, v34;
	_ =	sdelay $0x1  }
0x13f: {  	v47 =	vmul.f32 v31, v26  }
0x140: {  	[tilespmem:$0x1F950] =	vst v63;
	v63 =	vpop (erf)  }
0x141: {  	v26 =	vmul.f32 v47, v46;
	v13 =	vld [tilespmem:$0x1FE60];
	v37 =	vpop (erf)  }
0x142: {  	v1 =	vadd.f32 $-1.000000000e+00, v38;
	v2 =	vadd.f32 $1.000000000e+00, v37  }
0x143: {  	v5 =	vld [tilespmem:$0x1FD50];
	v4 =	vmul.f32 $1.442695020e+00, v26  }
0x144: {  	v24 =	vmul.f32 v6, v1;
	(erf) = vrcp.f32 v2  }
0x145: {  	(erf) = vpow2.f32 v4  }
0x146: {  	v24 =	vmul.f32 v24, v13;
	_ =	sdelay $0x1  }
0x147: {  	[tilespmem:$0x1FB30] =	vst v0;
	v0 =	vadd.f32 v24, v5;
	_ =	sdelay $0x1  }
0x148: {  	v36 =	vmul.f32 v0, v36;
	_ =	sdelay $0x1  }
0x149: {  	v6 =	vmul.f32 v36, v29  }
0x14a: {  	v29 =	vpop (erf)  }
0x14b: {  	v24 =	vmul.f32 v6, v45;
	v6 =	vld [tilespmem:$0x1FE80];
	v38 =	vpop (erf)  }
0x14c: {  	v10 =	vadd.f32 $-1.000000000e+00, v10;
	v11 =	vadd.f32 $1.000000000e+00, v38  }
0x14d: {  	v47 =	vld [tilespmem:$0x1FD80];
	v17 =	vmul.f32 $1.442695020e+00, v24  }
0x14e: {  	v34 =	vmul.f32 v63, v10;
	(erf) = vrcp.f32 v11  }
0x14f: {  	(erf) = vpow2.f32 v17  }
0x150: {  	v34 =	vmul.f32 v34, v6;
	_ =	sdelay $0x1  }
0x151: {  	[tilespmem:$0x1FB40] =	vst v0;
	v0 =	vadd.f32 v34, v47;
	_ =	sdelay $0x1  }
0x152: {  	v34 =	vmul.f32 v0, v35;
	_ =	sdelay $0x1  }
0x153: {  	v30 =	vmul.f32 v34, v30  }
0x154: {  	v35 =	vpop (erf)  }
0x155: {  	v63 =	vmul.f32 v30, v44;
	v11 =	vld [tilespmem:$0x1FE90];
	v39 =	vpop (erf)  }
0x156: {  	v2 =	vadd.f32 $-1.000000000e+00, v37;
	v4 =	vadd.f32 $1.000000000e+00, v39  }
0x157: {  	v10 =	vld [tilespmem:$0x1FDB0];
	v5 =	vmul.f32 $1.442695020e+00, v63  }
0x158: {  	v29 =	vmul.f32 v29, v2;
	(erf) = vrcp.f32 v4  }
0x159: {  	(erf) = vpow2.f32 v5  }
0x15a: {  	v29 =	vmul.f32 v29, v11;
	_ =	sdelay $0x1  }
0x15b: {  	[tilespmem:$0x1FB50] =	vst v0;
	v0 =	vadd.f32 v29, v10;
	_ =	sdelay $0x1  }
0x15c: {  	v37 =	vmul.f32 v0, v32;
	_ =	sdelay $0x1  }
0x15d: {  	v7 =	vmul.f32 v37, v7  }
0x15e: {  	v30 =	vpop (erf)  }
0x15f: {  	v10 =	vld [tilespmem:$0x1FEB0];
	v32 =	vmul.f32 v7, v43;
	v40 =	vpop (erf)  }
0x160: {  	v17 =	vadd.f32 $-1.000000000e+00, v38;
	v41 =	vadd.f32 $1.000000000e+00, v40  }
0x161: {  	[tilespmem:$0x1FA20] =	vst v63;
	v63 =	vld [tilespmem:$0x1FDE0];
	v47 =	vmul.f32 $1.442695020e+00, v32  }
0x162: {  	v7 =	vmul.f32 v35, v17;
	(erf) = vrcp.f32 v41  }
0x163: {  	(erf) = vpow2.f32 v47  }
0x164: {  	v7 =	vmul.f32 v7, v10;
	_ =	sdelay $0x1  }
0x165: {  	[tilespmem:$0x1FB60] =	vst v0;
	v0 =	vadd.f32 v7, v63;
	_ =	sdelay $0x1  }
0x166: {  	v31 =	vmul.f32 v0, v31;
	_ =	sdelay $0x1  }
0x167: {  	v1 =	vmul.f32 v31, v21  }
0x168: {  	v21 =	vpop (erf)  }
0x169: {  	v29 =	vmul.f32 v1, v46;
	v35 =	vpop (erf)  }
0x16a: {  	v17 =	vadd.f32 $1.000000000e+00, v35  }
0x16b: {  	v47 =	vmul.f32 $1.442695020e+00, v29  }
0x16c: {  	(erf) = vrcp.f32 v17  }
0x16d: {  	(erf) = vpow2.f32 v47;
	v47 =	vld [tilespmem:$0x1FEC0]  }
0x16e: {  	v2 =	vadd.f32 $-1.000000000e+00, v39  }
0x16f: {  	v63 =	vld [tilespmem:$0x1FE10]  }
0x170: {  	v7 =	vmul.f32 v30, v2;
	_ =	sdelay $0x1  }
0x171: {  	v7 =	vmul.f32 v7, v47;
	_ =	sdelay $0x1  }
0x172: {  	[tilespmem:$0x1FB70] =	vst v0;
	v0 =	vadd.f32 v7, v63;
	_ =	sdelay $0x1  }
0x173: {  	v36 =	vmul.f32 v0, v36;
	_ =	sdelay $0x1  }
0x174: {  	[tilespmem:$0x1FB80] =	vst v0;
	v0 =	vmul.f32 v36, v23;
	v23 =	vpop (erf)  }
0x175: {  	v38 =	vpop (erf)  }
0x176: {  	v2 =	vadd.f32 $1.000000000e+00, v38;
	_ =	sdelay $0x1  }
0x177: {  	v30 =	vmul.f32 v0, v45;
	(erf) = vrcp.f32 v2;
	v2 =	vld [tilespmem:$0x1FEE0]  }
0x178: {  	v1 =	vadd.f32 $-1.000000000e+00, v40  }
0x179: {  	v63 =	vld [tilespmem:$0x1FE40];
	v17 =	vmul.f32 $1.442695020e+00, v30  }
0x17a: {  	v7 =	vmul.f32 v21, v1  }
0x17b: {  	(erf) = vpow2.f32 v17  }
0x17c: {  	v7 =	vmul.f32 v7, v2;
	_ =	sdelay $0x1  }
0x17d: {  	v0 =	vadd.f32 v7, v63;
	_ =	sdelay $0x1  }
0x17e: {  	v21 =	vmul.f32 v0, v34;
	_ =	sdelay $0x1  }
0x17f: {  	v1 =	vmul.f32 v21, v25  }
0x180: {  	v25 =	vpop (erf)  }
0x181: {  	v4 =	vld [tilespmem:$0x1FEF0];
	v34 =	vpop (erf);
	v5 =	vmul.f32 v1, v44  }
0x182: {  	v35 =	vadd.f32 $-1.000000000e+00, v35;
	v7 =	vadd.f32 $1.000000000e+00, v34  }
0x183: {  	v63 =	vld [tilespmem:$0x1FE70];
	v17 =	vmul.f32 $1.442695020e+00, v5  }
0x184: {  	v23 =	vmul.f32 v23, v35;
	(erf) = vrcp.f32 v7  }
0x185: {  	(erf) = vpow2.f32 v17  }
0x186: {  	v23 =	vmul.f32 v23, v4;
	_ =	sdelay $0x1  }
0x187: {  	[tilespmem:$0x1FB90] =	vst v0;
	v0 =	vadd.f32 v23, v63;
	_ =	sdelay $0x1  }
0x188: {  	v23 =	vmul.f32 v0, v37;
	_ =	sdelay $0x1  }
0x189: {  	[tilespmem:$0x1FA30] =	vst v5;
	v5 =	vadd.f32 $-1.000000000e+00, v38;
	v14 =	vmul.f32 v23, v14  }
0x18a: {  	v35 =	vpop (erf)  }
0x18b: {  	v23 =	vmul.f32 v14, v43;
	v14 =	vmul.f32 v25, v5;
	v5 =	vld [tilespmem:$0x1FF10];
	v37 =	vpop (erf)  }
0x18c: {  	v7 =	vadd.f32 $1.000000000e+00, v37  }
0x18d: {  	v43 =	vld [tilespmem:$0x1FEA0];
	v17 =	vmul.f32 $1.442695020e+00, v23  }
0x18e: {  	(erf) = vrcp.f32 v7  }
0x18f: {  	(erf) = vpow2.f32 v17  }
0x190: {  	v14 =	vmul.f32 v14, v5;
	_ =	sdelay $0x1  }
0x191: {  	[tilespmem:$0x1FBA0] =	vst v0;
	v0 =	vadd.f32 v14, v43;
	_ =	sdelay $0x1  }
0x192: {  	v14 =	vmul.f32 v0, v31;
	_ =	sdelay $0x1  }
0x193: {  	v14 =	vmul.f32 v14, v57  }
0x194: {  	v25 =	vpop (erf)  }
0x195: {  	v57 =	vld [tilespmem:$0x1FF20];
	v31 =	vmul.f32 v14, v46;
	v63 =	vpop (erf)  }
0x196: {  	v1 =	vadd.f32 $-1.000000000e+00, v34;
	v7 =	vadd.f32 $1.000000000e+00, v63  }
0x197: {  	v40 =	vld [tilespmem:$0x1FED0];
	v17 =	vmul.f32 $1.442695020e+00, v31  }
0x198: {  	v14 =	vmul.f32 v35, v1;
	(erf) = vrcp.f32 v7  }
0x199: {  	(erf) = vpow2.f32 v17  }
0x19a: {  	v14 =	vmul.f32 v14, v57;
	_ =	sdelay $0x1  }
0x19b: {  	v41 =	vadd.f32 v14, v40;
	_ =	sdelay $0x1  }
0x19c: {  	v14 =	vmul.f32 v41, v36;
	v7 =	vld [tilespmem:$0x2780];
	_ =	sdelay $0x1  }
0x19d: {  	[tilespmem:$0x1FBB0] =	vst v0;
	v0 =	vld [tilespmem:$0x2400];
	v16 =	vmul.f32 v14, v16  }
0x19e: {  	v35 =	vld [tilespmem:$0x2B00];
	v43 =	vpop (erf)  }
0x19f: {  	[tilespmem:$0x1FBC0] =	vst v41;
	v14 =	vld [tilespmem:$0x1FF40];
	v36 =	vmul.f32 v16, v45;
	v46 =	vpop (erf)  }
0x1a0: {  	v41 =	vadd.f32 $-1.000000000e+00, v37;
	v37 =	vld [tilespmem:$0x2E80];
	[tilespmem:$0x1F970] =	vst v63;
	v45 =	vperm.xlane v7, v60;
	v63 =	vadd.f32 $1.000000000e+00, v46  }
0x1a1: {  	v1 =	vmul.f32 $1.442695020e+00, v36;
	[tilespmem:$0x1F980] =	vst v46;
	v46 =	vld [tilespmem:$0x1FF00]  }
0x1a2: {  	v16 =	vmul.f32 v25, v41;
	v34 =	vadd.f32 v45, v7;
	(erf) = vrcp.f32 v63  }
0x1a3: {  	[tilespmem:$0x1F990] =	vst v43;
	v43 =	vperm.xlane v0, v60;
	(erf) = vpow2.f32 v1  }
0x1a4: {  	v16 =	vmul.f32 v16, v14;
	v45 =	vperm.xlane v34, v61  }
0x1a5: {  	v38 =	vperm.xlane v35, v60;
	v25 =	vadd.f32 v43, v0  }
0x1a6: {  	v7 =	vperm.xlane v37, v60;
	v34 =	vadd.f32 v45, v34;
	v63 =	vadd.f32 v16, v46  }
0x1a7: {  	v35 =	vadd.f32 v38, v35;
	v17 =	vperm.xlane v25, v61  }
0x1a8: {  	v37 =	vadd.f32 v7, v37;
	v40 =	vperm.xlane v34, v62;
	v21 =	vmul.f32 v63, v21  }
0x1a9: {  	v38 =	vperm.xlane v35, v61;
	v25 =	vadd.f32 v17, v25  }
0x1aa: {  	v7 =	vperm.xlane v37, v61;
	v41 =	vadd.f32 v40, v34;
	v8 =	vmul.f32 v21, v8  }
0x1ab: {  	v35 =	vadd.f32 v38, v35;
	v16 =	vperm.xlane v25, v62;
	v46 =	vpop (erf)  }
0x1ac: {  	v0 =	vmul.f32 v41, v49;
	[tilespmem:$0x1FBD0] =	vst v63;
	v21 =	vadd.f32 v7, v37;
	v17 =	vmul.f32 v8, v44;
	v63 =	vpop (erf)  }
0x1ad: {  	v25 =	vadd.f32 v16, v25;
	v44 =	vperm.xlane v35, v62;
	v1 =	vadd.f32 $1.000000000e+00, v63  }
0x1ae: {  	[tilespmem:$0x1F9A0] =	vst v46;
	v46 =	vperm.xlane v21, v62;
	v45 =	vmul.f32 $1.442695020e+00, v17  }
0x1af: {  	[tilespmem:$0x1F9C0] =	vst v63;
	v40 =	vadd.f32 v44, v35;
	v63 =	vmul.f32 v25, v48;
	(erf) = vrcp.f32 v1  }
0x1b0: {  	(erf) = vpow2.f32 v45  }
0x1b1: {  	[tilespmem:$0x1FAF0] =	vst v17;
	v25 =	vadd.f32 v46, v21;
	v1 =	vadd.f32 v0, v63;
	v17 =	vmul.f32 v40, v50;
	_ =	sdelay $0x1  }
0x1b2: {  	v37 =	vmul.f32 v25, v52;
	v21 =	vadd.f32 v17, v1;
	_ =	sdelay $0x1  }
0x1b3: {  	v21 =	vadd.f32 v37, v21;
	_ =	sdelay $0x1  }
0x1b4: {  	v9 =	vsub.f32 v21, v9  }
0x1b5: {  	v38 =	vpop (erf)  }
0x1b6: {  	v9 =	vmul.f32 $5.000000000e-01, v9;
	v39 =	vpop (erf)  }
0x1b7: {  	v43 =	vadd.f32 $1.000000000e+00, v39  }
0x1b8: {  	v9 =	vmul.f32 $1.442695020e+00, v9  }
0x1b9: {  	(erf) = vrcp.f32 v43  }
0x1ba: {  	(erf) = vpow2.f32 v9;
	_ =	sdelay $0x7  }
0x1bb: {  	v44 =	vpop (erf)  }
0x1bc: {  	v9 =	vpop (erf)  }
0x1bd: {  	(erf) = vrcp.f32 v9;
	_ =	sdelay $0x8  }
0x1be: {  	vm0 =	vgt.f32 v9, $1.000000000e+00;
	v45 =	vpop (erf)  }
0x1bf: {  	v9 =	vsel vm0, v45, v9  }
0x1c0: {  	v34 =	vmul.f32 v9, v9;
	_ =	sdelay $0x1  }
0x1c1: {  	v46 =	vmul.f32 $8.172800390e-02, v34;
	_ =	sdelay $0x1  }
0x1c2: {  	v35 =	vsub.f32 $2.980661690e-01, v46;
	_ =	sdelay $0x1  }
0x1c3: {  	v35 =	vmul.f32 v35, v34;
	_ =	sdelay $0x1  }
0x1c4: {  	v35 =	vadd.f32 $-6.445734500e-01, v35;
	_ =	sdelay $0x1  }
0x1c5: {  	v34 =	vmul.f32 v35, v34;
	_ =	sdelay $0x1  }
0x1c6: {  	v34 =	vadd.f32 $1.998633150e+00, v34;
	_ =	sdelay $0x1  }
0x1c7: {  	v9 =	vmul.f32 v34, v9;
	_ =	sdelay $0x1  }
0x1c8: {  	v34 =	vsub.f32 $3.141592740e+00, v9;
	_ =	sdelay $0x1  }
0x1c9: {  	v63 =	vsel vm0, v34, v9  }
0x1ca: {  	v9 =	vperm.xlane v63, v60;
	_ =	sdelay $0x1  }
0x1cb: {  	v9 =	vadd.f32 v63, v9;
	_ =	sdelay $0x1  }
0x1cc: {  	v17 =	vperm.xlane v9, v61;
	_ =	sdelay $0x1  }
0x1cd: {  	v9 =	vadd.f32 v9, v17;
	_ =	sdelay $0x1  }
0x1ce: {  	v34 =	vperm.xlane v9, v62;
	_ =	sdelay $0x1  }
0x1cf: {  	v43 =	vadd.f32 v9, v34;
	_ =	sdelay $0x1  }
0x1d0: {  	v21 =	vmul.f32 v41, v55;
	v9 =	vmul.f32 v43, v53;
	_ =	sdelay $0x1  }
0x1d1: {  	v37 =	vmul.f32 v40, v12;
	v9 =	vadd.f32 v9, v21;
	_ =	sdelay $0x1  }
0x1d2: {  	[tilespmem:$0x1F9D0] =	vst v38;
	v38 =	vmul.f32 v25, v3;
	v9 =	vadd.f32 v9, v37;
	_ =	sdelay $0x1  }
0x1d3: {  	v9 =	vadd.f32 v9, v38;
	_ =	sdelay $0x1  }
0x1d4: {  	v9 =	vsub.f32 v9, v19;
	_ =	sdelay $0x1  }
0x1d5: {  	[tilespmem:$0x1F9E0] =	vst v39;
	v9 =	vmul.f32 $5.000000000e-01, v9  }
0x1d6: {  	[tilespmem:$0x1F9F0] =	vst v44;
	v44 =	vmul.f32 v41, v59;
	v39 =	vmul.f32 v43, v15  }
0x1d7: {  	v9 =	vmul.f32 $1.442695020e+00, v9  }
0x1d8: {  	v45 =	vmul.f32 v40, v58;
	v19 =	vadd.f32 v39, v44  }
0x1d9: {  	(erf) = vpow2.f32 v9  }
0x1da: {  	v0 =	vmul.f32 v25, v56;
	[tilespmem:$0x1FBE0] =	vst v63;
	v63 =	vadd.f32 v19, v45;
	_ =	sdelay $0x1  }
0x1db: {  	v9 =	vadd.f32 v63, v0;
	_ =	sdelay $0x1  }
0x1dc: {  	v9 =	vsub.f32 v9, v20;
	_ =	sdelay $0x1  }
0x1dd: {  	v9 =	vmul.f32 $5.000000000e-01, v9  }
0x1de: {  	v46 =	vmov v3;
	v3 =	vmul.f32 v41, v51;
	v1 =	vmul.f32 v43, v54  }
0x1df: {  	v9 =	vmul.f32 $1.442695020e+00, v9;
	v34 =	vpop (erf)  }
0x1e0: {  	v17 =	vmovc v12;
	v12 =	vmul.f32 v40, v13;
	v19 =	vadd.f32 v1, v3;
	(erf) = vrcp.f32 v34  }
0x1e1: {  	(erf) = vpow2.f32 v9  }
0x1e2: {  	v35 =	vmul.f32 v25, v6;
	v21 =	vadd.f32 v19, v12;
	_ =	sdelay $0x1  }
0x1e3: {  	v9 =	vadd.f32 v21, v35;
	_ =	sdelay $0x1  }
0x1e4: {  	v9 =	vsub.f32 v9, v22;
	_ =	sdelay $0x1  }
0x1e5: {  	v9 =	vmul.f32 $5.000000000e-01, v9  }
0x1e6: {  	v38 =	vmul.f32 v43, v11;
	v39 =	vmul.f32 v41, v10;
	v37 =	vpop (erf)  }
0x1e7: {  	v9 =	vmul.f32 $1.442695020e+00, v9;
	v35 =	vpop (erf)  }
0x1e8: {  	v44 =	vmul.f32 v40, v47;
	v20 =	vadd.f32 v38, v39;
	(erf) = vrcp.f32 v35  }
0x1e9: {  	(erf) = vpow2.f32 v9  }
0x1ea: {  	v63 =	vmul.f32 v25, v2;
	v45 =	vadd.f32 v20, v44;
	_ =	sdelay $0x1  }
0x1eb: {  	v9 =	vadd.f32 v45, v63  }
0x1ec: {  	vm14 =	vgt.f32 v34, $1.000000000e+00  }
0x1ed: {  	v19 =	vsel vm14, v37, v34;
	v9 =	vsub.f32 v9, v28  }
0x1ee: {  	v0 =	vmul.f32 v19, v19  }
0x1ef: {  	v3 =	vmul.f32 v43, v4;
	v9 =	vmul.f32 $5.000000000e-01, v9  }
0x1f0: {  	v1 =	vmov v2;
	v12 =	vmul.f32 v41, v5;
	v2 =	vmul.f32 $8.172800390e-02, v0;
	v37 =	vpop (erf)  }
0x1f1: {  	v21 =	vmul.f32 v40, v57;
	v9 =	vmul.f32 $1.442695020e+00, v9;
	v34 =	vpop (erf)  }
0x1f2: {  	v28 =	vadd.f32 v3, v12;
	v22 =	vsub.f32 $2.980661690e-01, v2;
	(erf) = vrcp.f32 v34  }
0x1f3: {  	(erf) = vpow2.f32 v9  }
0x1f4: {  	v45 =	vmul.f32 v25, v14;
	v44 =	vadd.f32 v28, v21;
	v22 =	vmul.f32 v22, v0;
	_ =	sdelay $0x1  }
0x1f5: {  	v22 =	vadd.f32 $-6.445734500e-01, v22;
	v9 =	vadd.f32 v44, v45;
	_ =	sdelay $0x1  }
0x1f6: {  	v20 =	vmul.f32 v22, v0;
	v9 =	vsub.f32 v9, v32;
	_ =	sdelay $0x1  }
0x1f7: {  	v20 =	vadd.f32 $1.998633150e+00, v20;
	v9 =	vmul.f32 $5.000000000e-01, v9  }
0x1f8: {  	v32 =	vld [tilespmem:$0x2F00];
	v38 =	vpop (erf)  }
0x1f9: {  	v2 =	vld [tilespmem:$0x1FF50];
	v19 =	vmul.f32 v20, v19;
	v63 =	vmul.f32 $1.442695020e+00, v9;
	v39 =	vpop (erf)  }
0x1fa: {  	v20 =	vld [tilespmem:$0x2800];
	(erf) = vrcp.f32 v39  }
0x1fb: {  	v3 =	vsub.f32 $3.141592740e+00, v19;
	(erf) = vpow2.f32 v63;
	v63 =	vld [tilespmem:$0x1FF70]  }
0x1fc: {  	v28 =	vld [tilespmem:$0x2B80]  }
0x1fd: {  	v12 =	vsel vm14, v3, v19;
	v9 =	vld [tilespmem:$0x1FFA0];
	v3 =	vperm.xlane v32, v60;
	_ =	sdelay $0x1  }
0x1fe: {  	v43 =	vmul.f32 v43, v2;
	v19 =	vperm.xlane v12, v60;
	v32 =	vadd.f32 v3, v32;
	v3 =	vld [tilespmem:$0x1FFB0]  }
0x1ff: {  	v45 =	vperm.xlane v20, v60;
	v41 =	vmul.f32 v41, v63  }
0x200: {  	v0 =	vperm.xlane v28, v60;
	v19 =	vadd.f32 v12, v19  }
0x201: {  	v20 =	vadd.f32 v45, v20;
	v40 =	vmul.f32 v40, v9;
	v41 =	vadd.f32 v43, v41  }
0x202: {  	v22 =	vadd.f32 v0, v28;
	[tilespmem:$0x1FBF0] =	vst v12;
	v12 =	vperm.xlane v19, v61  }
0x203: {  	v21 =	vperm.xlane v20, v61;
	v25 =	vmul.f32 v25, v3;
	v40 =	vadd.f32 v41, v40  }
0x204: {  	v44 =	vperm.xlane v22, v61;
	v19 =	vadd.f32 v19, v12  }
0x205: {  	v20 =	vadd.f32 v21, v20;
	v25 =	vadd.f32 v40, v25  }
0x206: {  	v22 =	vadd.f32 v44, v22;
	v45 =	vperm.xlane v32, v61  }
0x207: {  	v0 =	vperm.xlane v19, v62;
	v12 =	vperm.xlane v20, v62;
	v23 =	vsub.f32 v25, v23  }
0x208: {  	v45 =	vadd.f32 v45, v32  }
0x209: {  	v43 =	vadd.f32 v19, v0;
	v19 =	vadd.f32 v12, v20;
	v0 =	vperm.xlane v22, v62  }
0x20a: {  	v16 =	vmov v48;
	v32 =	vperm.xlane v45, v62;
	v12 =	vmul.f32 $5.000000000e-01, v23  }
0x20b: {  	v41 =	vmul.f32 v43, v48;
	v48 =	vmul.f32 v19, v49;
	v40 =	vadd.f32 v0, v22;
	v23 =	vpop (erf)  }
0x20c: {  	v32 =	vadd.f32 v32, v45;
	v0 =	vmul.f32 $1.442695020e+00, v12;
	v45 =	vpop (erf)  }
0x20d: {  	v20 =	vadd.f32 v41, v48;
	v12 =	vmul.f32 v40, v50;
	(erf) = vrcp.f32 v45  }
0x20e: {  	v41 =	vld [tilespmem:$0x1F8E0];
	(erf) = vpow2.f32 v0  }
0x20f: {  	v28 =	vmul.f32 v32, v52;
	v20 =	vadd.f32 v20, v12;
	_ =	sdelay $0x1  }
0x210: {  	v20 =	vadd.f32 v20, v28;
	_ =	sdelay $0x1  }
0x211: {  	v44 =	vsub.f32 v20, v41;
	_ =	sdelay $0x1  }
0x212: {  	v8 =	vmov v50;
	v12 =	vmul.f32 $5.000000000e-01, v44  }
0x213: {  	v21 =	vmov v52;
	v52 =	vmul.f32 v43, v53;
	v48 =	vmul.f32 v19, v55;
	v50 =	vpop (erf)  }
0x214: {  	v12 =	vmul.f32 $1.442695020e+00, v12;
	v20 =	vpop (erf)  }
0x215: {  	v22 =	vadd.f32 v52, v48;
	v28 =	vmul.f32 v40, v17;
	(erf) = vrcp.f32 v20  }
0x216: {  	(erf) = vpow2.f32 v12  }
0x217: {  	v41 =	vadd.f32 v22, v28;
	v44 =	vmul.f32 v32, v46;
	_ =	sdelay $0x1  }
0x218: {  	v12 =	vadd.f32 v41, v44;
	_ =	sdelay $0x1  }
0x219: {  	v12 =	vsub.f32 v12, v27;
	_ =	sdelay $0x1  }
0x21a: {  	v12 =	vmul.f32 $5.000000000e-01, v12  }
0x21b: {  	v28 =	vpop (erf)  }
0x21c: {  	v12 =	vmul.f32 $1.442695020e+00, v12;
	v22 =	vpop (erf)  }
0x21d: {  	(erf) = vrcp.f32 v22  }
0x21e: {  	(erf) = vpow2.f32 v12;
	_ =	sdelay $0x7  }
0x21f: {  	v25 =	vpop (erf)  }
0x220: {  	v12 =	vpop (erf)  }
0x221: {  	(erf) = vrcp.f32 v12;
	_ =	sdelay $0x8  }
0x222: {  	vm15 =	vgt.f32 v12, $1.000000000e+00;
	v48 =	vpop (erf)  }
0x223: {  	v12 =	vsel vm15, v48, v12  }
0x224: {  	v27 =	vmul.f32 v12, v12;
	_ =	sdelay $0x1  }
0x225: {  	[tilespmem:$0x1F9B0] =	vst v50;
	v50 =	vmul.f32 $8.172800390e-02, v27;
	_ =	sdelay $0x1  }
0x226: {  	v41 =	vsub.f32 $2.980661690e-01, v50;
	_ =	sdelay $0x1  }
0x227: {  	v41 =	vmul.f32 v41, v27;
	_ =	sdelay $0x1  }
0x228: {  	v41 =	vadd.f32 $-6.445734500e-01, v41;
	_ =	sdelay $0x1  }
0x229: {  	v27 =	vmul.f32 v41, v27;
	_ =	sdelay $0x1  }
0x22a: {  	v27 =	vadd.f32 $1.998633150e+00, v27;
	_ =	sdelay $0x1  }
0x22b: {  	v12 =	vmul.f32 v27, v12;
	_ =	sdelay $0x1  }
0x22c: {  	v27 =	vsub.f32 $3.141592740e+00, v12;
	_ =	sdelay $0x1  }
0x22d: {  	v12 =	vsel vm15, v27, v12  }
0x22e: {  	v27 =	vperm.xlane v12, v60;
	_ =	sdelay $0x1  }
0x22f: {  	v27 =	vadd.f32 v12, v27;
	_ =	sdelay $0x1  }
0x230: {  	v52 =	vperm.xlane v27, v61;
	_ =	sdelay $0x1  }
0x231: {  	v27 =	vadd.f32 v27, v52;
	_ =	sdelay $0x1  }
0x232: {  	v41 =	vperm.xlane v27, v62;
	_ =	sdelay $0x1  }
0x233: {  	v44 =	vadd.f32 v27, v41;
	_ =	sdelay $0x1  }
0x234: {  	v0 =	vmov v53;
	v53 =	vmul.f32 v43, v15;
	v41 =	vmul.f32 v44, v59;
	_ =	sdelay $0x1  }
0x235: {  	[tilespmem:$0x1FC10] =	vst v12;
	v12 =	vmul.f32 v40, v58;
	v27 =	vadd.f32 v41, v53;
	_ =	sdelay $0x1  }
0x236: {  	v19 =	vmov v46;
	v46 =	vmul.f32 v32, v56;
	v27 =	vadd.f32 v27, v12;
	_ =	sdelay $0x1  }
0x237: {  	v27 =	vadd.f32 v27, v46;
	_ =	sdelay $0x1  }
0x238: {  	v27 =	vsub.f32 v27, v33;
	_ =	sdelay $0x1  }
0x239: {  	v27 =	vmul.f32 $5.000000000e-01, v27;
	_ =	sdelay $0x1  }
0x23a: {  	v27 =	vmul.f32 $1.442695020e+00, v27;
	_ =	sdelay $0x1  }
0x23b: {  	(erf) = vpow2.f32 v27;
	_ =	sdelay $0x5  }
0x23c: {  	v48 =	vmul.f32 v43, v54;
	v50 =	vmul.f32 v44, v51;
	_ =	sdelay $0x1  }
0x23d: {  	v52 =	vmul.f32 v40, v13;
	v27 =	vadd.f32 v50, v48  }
0x23e: {  	v33 =	vpop (erf)  }
0x23f: {  	v53 =	vmul.f32 v32, v6;
	v27 =	vadd.f32 v27, v52;
	(erf) = vrcp.f32 v33;
	_ =	sdelay $0x1  }
0x240: {  	v27 =	vadd.f32 v27, v53;
	_ =	sdelay $0x1  }
0x241: {  	v27 =	vsub.f32 v27, v42  }
0x242: {  	v46 =	vmul.f32 v44, v10  }
0x243: {  	v50 =	vmov v11;
	v11 =	vmul.f32 v43, v11;
	v27 =	vmul.f32 $5.000000000e-01, v27  }
0x244: {  	vm4 =	vgt.f32 v35, $1.000000000e+00  }
0x245: {  	v35 =	vsel vm4, v37, v35;
	v12 =	vmovc v10;
	v41 =	vadd.f32 v46, v11;
	v27 =	vmul.f32 $1.442695020e+00, v27  }
0x246: {  	v52 =	vmov v47;
	v47 =	vmul.f32 v40, v47;
	vm1 =	vgt.f32 v33, $1.000000000e+00;
	v10 =	vpop (erf)  }
0x247: {  	v37 =	vmul.f32 v35, v35;
	(erf) = vpow2.f32 v27;
	v33 =	vsel vm1, v10, v33  }
0x248: {  	v11 =	vmul.f32 v32, v1;
	v48 =	vadd.f32 v41, v47;
	v42 =	vmul.f32 v33, v33  }
0x249: {  	v46 =	vmul.f32 $8.172800390e-02, v37  }
0x24a: {  	v27 =	vadd.f32 v48, v11;
	v48 =	vmul.f32 $8.172800390e-02, v42  }
0x24b: {  	v53 =	vmov v1;
	v47 =	vsub.f32 $2.980661690e-01, v46;
	v1 =	vmul.f32 v43, v4  }
0x24c: {  	v26 =	vsub.f32 v27, v26;
	v10 =	vmul.f32 v44, v5;
	v41 =	vsub.f32 $2.980661690e-01, v48  }
0x24d: {  	v11 =	vmul.f32 v40, v57  }
0x24e: {  	v27 =	vmul.f32 v47, v37;
	v26 =	vmul.f32 $5.000000000e-01, v26;
	v46 =	vadd.f32 v10, v1  }
0x24f: {  	v48 =	vmul.f32 v41, v42  }
0x250: {  	v26 =	vmul.f32 $1.442695020e+00, v26;
	v1 =	vadd.f32 $-6.445734500e-01, v27;
	v10 =	vadd.f32 v46, v11;
	v41 =	vpop (erf)  }
0x251: {  	v11 =	vadd.f32 $-6.445734500e-01, v48;
	v48 =	vmul.f32 v32, v14;
	(erf) = vrcp.f32 v41  }
0x252: {  	(erf) = vpow2.f32 v26;
	v26 =	vmul.f32 v1, v37  }
0x253: {  	v1 =	vmul.f32 v11, v42  }
0x254: {  	v27 =	vadd.f32 v10, v48;
	v26 =	vadd.f32 $1.998633150e+00, v26  }
0x255: {  	v10 =	vadd.f32 $1.998633150e+00, v1  }
0x256: {  	v27 =	vsub.f32 v27, v29;
	v35 =	vmul.f32 v26, v35  }
0x257: {  	v29 =	vmul.f32 v10, v33  }
0x258: {  	v11 =	vmul.f32 $5.000000000e-01, v27;
	v33 =	vsub.f32 $3.141592740e+00, v35  }
0x259: {  	v46 =	vld [tilespmem:$0x2C00];
	v1 =	vsub.f32 $3.141592740e+00, v29  }
0x25a: {  	v48 =	vld [tilespmem:$0x2F80];
	v37 =	vmul.f32 $1.442695020e+00, v11;
	v47 =	vpop (erf);
	v10 =	vsel vm4, v33, v35  }
0x25b: {  	v11 =	vmul.f32 v44, v63;
	v1 =	vsel vm1, v1, v29;
	v26 =	vpop (erf);
	v29 =	vperm.xlane v10, v60  }
0x25c: {  	v35 =	vperm.xlane v1, v60;
	(erf) = vrcp.f32 v26  }
0x25d: {  	(erf) = vpow2.f32 v37;
	v37 =	vmul.f32 v43, v2  }
0x25e: {  	v27 =	vperm.xlane v46, v60;
	v29 =	vadd.f32 v10, v29;
	v35 =	vadd.f32 v1, v35  }
0x25f: {  	v40 =	vmul.f32 v40, v9;
	v33 =	vperm.xlane v48, v60;
	[tilespmem:$0x1FC00] =	vst v10;
	v37 =	vadd.f32 v11, v37  }
0x260: {  	[tilespmem:$0x1FC20] =	vst v1;
	v43 =	vadd.f32 v27, v46;
	v1 =	vperm.xlane v29, v61;
	v10 =	vperm.xlane v35, v61  }
0x261: {  	v32 =	vmul.f32 v32, v3;
	v11 =	vadd.f32 v33, v48;
	v37 =	vadd.f32 v37, v40  }
0x262: {  	v46 =	vperm.xlane v43, v61;
	v29 =	vadd.f32 v29, v1;
	v35 =	vadd.f32 v35, v10  }
0x263: {  	v48 =	vperm.xlane v11, v61;
	v32 =	vadd.f32 v37, v32  }
0x264: {  	v42 =	vadd.f32 v46, v43;
	v1 =	vperm.xlane v29, v62;
	v46 =	vperm.xlane v35, v62  }
0x265: {  	v31 =	vsub.f32 v32, v31;
	v32 =	vadd.f32 v48, v11  }
0x266: {  	v10 =	vperm.xlane v42, v62;
	v44 =	vadd.f32 v29, v1;
	v46 =	vadd.f32 v35, v46  }
0x267: {  	v48 =	vpop (erf);
	v31 =	vmul.f32 $5.000000000e-01, v31;
	v11 =	vperm.xlane v32, v62  }
0x268: {  	v42 =	vadd.f32 v10, v42;
	[tilespmem:$0x1FA00] =	vst v48;
	v48 =	vpop (erf);
	v1 =	vmul.f32 v44, v16;
	v10 =	vmul.f32 v46, v49  }
0x269: {  	(erf) = vrcp.f32 v48;
	v31 =	vmul.f32 $1.442695020e+00, v31  }
0x26a: {  	v43 =	vadd.f32 v11, v32;
	v29 =	vadd.f32 v10, v1;
	v11 =	vmul.f32 v42, v8  }
0x26b: {  	v33 =	vld [tilespmem:$0x1F8F0];
	(erf) = vpow2.f32 v31  }
0x26c: {  	v29 =	vadd.f32 v29, v11;
	v27 =	vmul.f32 v43, v21;
	_ =	sdelay $0x1  }
0x26d: {  	v29 =	vadd.f32 v29, v27;
	_ =	sdelay $0x1  }
0x26e: {  	v35 =	vsub.f32 v29, v33;
	_ =	sdelay $0x1  }
0x26f: {  	v10 =	vmul.f32 $5.000000000e-01, v35  }
0x270: {  	v7 =	vmov v49;
	v37 =	vmul.f32 v44, v0;
	v49 =	vmul.f32 v46, v55;
	v40 =	vpop (erf)  }
0x271: {  	v10 =	vmul.f32 $1.442695020e+00, v10;
	v35 =	vpop (erf)  }
0x272: {  	[tilespmem:$0x1F960] =	vst v23;
	v23 =	vmovc v55;
	v55 =	vmul.f32 v42, v17;
	v29 =	vadd.f32 v49, v37;
	(erf) = vrcp.f32 v35  }
0x273: {  	v31 =	vld [tilespmem:$0x1F900];
	(erf) = vpow2.f32 v10  }
0x274: {  	v11 =	vmul.f32 v43, v19;
	v1 =	vadd.f32 v29, v55;
	_ =	sdelay $0x1  }
0x275: {  	v10 =	vadd.f32 v1, v11;
	_ =	sdelay $0x1  }
0x276: {  	v10 =	vsub.f32 v10, v31;
	_ =	sdelay $0x1  }
0x277: {  	v10 =	vmul.f32 $5.000000000e-01, v10  }
0x278: {  	v33 =	vmul.f32 v44, v15;
	v37 =	vmul.f32 v46, v59;
	v32 =	vpop (erf)  }
0x279: {  	v10 =	vmul.f32 $1.442695020e+00, v10;
	v29 =	vpop (erf)  }
0x27a: {  	v42 =	vmul.f32 v42, v58;
	v11 =	vadd.f32 v37, v33;
	(erf) = vrcp.f32 v29  }
0x27b: {  	v1 =	vmov v15;
	v15 =	vld [tilespmem:$0x1F910];
	(erf) = vpow2.f32 v10  }
0x27c: {  	v55 =	vmul.f32 v43, v56;
	v49 =	vadd.f32 v11, v42;
	_ =	sdelay $0x1  }
0x27d: {  	v10 =	vadd.f32 v49, v55;
	_ =	sdelay $0x1  }
0x27e: {  	v10 =	vsub.f32 v10, v15;
	_ =	sdelay $0x1  }
0x27f: {  	v10 =	vmul.f32 $5.000000000e-01, v10  }
0x280: {  	v42 =	vpop (erf)  }
0x281: {  	v10 =	vmul.f32 $1.442695020e+00, v10;
	v31 =	vpop (erf)  }
0x282: {  	(erf) = vrcp.f32 v31  }
0x283: {  	(erf) = vpow2.f32 v10;
	_ =	sdelay $0x7  }
0x284: {  	v27 =	vpop (erf)  }
0x285: {  	[tilespmem:$0x1FA10] =	vst v32;
	v32 =	vpop (erf)  }
0x286: {  	(erf) = vrcp.f32 v32;
	_ =	sdelay $0x8  }
0x287: {  	vm5 =	vgt.f32 v32, $1.000000000e+00;
	v33 =	vpop (erf)  }
0x288: {  	v10 =	vsel vm5, v33, v32  }
0x289: {  	v11 =	vmul.f32 v10, v10;
	_ =	sdelay $0x1  }
0x28a: {  	v37 =	vmul.f32 $8.172800390e-02, v11;
	_ =	sdelay $0x1  }
0x28b: {  	v15 =	vsub.f32 $2.980661690e-01, v37;
	_ =	sdelay $0x1  }
0x28c: {  	v15 =	vmul.f32 v15, v11;
	_ =	sdelay $0x1  }
0x28d: {  	v15 =	vadd.f32 $-6.445734500e-01, v15;
	_ =	sdelay $0x1  }
0x28e: {  	v11 =	vmul.f32 v15, v11;
	_ =	sdelay $0x1  }
0x28f: {  	v11 =	vadd.f32 $1.998633150e+00, v11;
	_ =	sdelay $0x1  }
0x290: {  	v10 =	vmul.f32 v11, v10;
	_ =	sdelay $0x1  }
0x291: {  	v11 =	vsub.f32 $3.141592740e+00, v10;
	_ =	sdelay $0x1  }
0x292: {  	v10 =	vsel vm5, v11, v10  }
0x293: {  	v11 =	vperm.xlane v10, v60;
	_ =	sdelay $0x1  }
0x294: {  	v11 =	vadd.f32 v10, v11;
	_ =	sdelay $0x1  }
0x295: {  	v49 =	vperm.xlane v11, v61;
	_ =	sdelay $0x1  }
0x296: {  	v11 =	vadd.f32 v11, v49;
	_ =	sdelay $0x1  }
0x297: {  	v15 =	vperm.xlane v11, v62;
	_ =	sdelay $0x1  }
0x298: {  	v55 =	vmul.f32 v44, v54;
	[tilespmem:$0x1FC30] =	vst v10;
	v10 =	vmul.f32 v46, v51;
	v49 =	vadd.f32 v11, v15;
	_ =	sdelay $0x1  }
0x299: {  	[tilespmem:$0x1FA40] =	vst v27;
	v11 =	vadd.f32 v10, v55;
	v27 =	vmul.f32 v49, v13;
	_ =	sdelay $0x1  }
0x29a: {  	v32 =	vmul.f32 v43, v6;
	v11 =	vadd.f32 v27, v11;
	_ =	sdelay $0x1  }
0x29b: {  	v11 =	vadd.f32 v11, v32;
	_ =	sdelay $0x1  }
0x29c: {  	v11 =	vsub.f32 v11, v18;
	_ =	sdelay $0x1  }
0x29d: {  	v11 =	vmul.f32 $5.000000000e-01, v11;
	_ =	sdelay $0x1  }
0x29e: {  	v11 =	vmul.f32 $1.442695020e+00, v11;
	_ =	sdelay $0x1  }
0x29f: {  	(erf) = vpow2.f32 v11;
	_ =	sdelay $0x8  }
0x2a0: {  	v11 =	vpop (erf)  }
0x2a1: {  	(erf) = vrcp.f32 v11;
	_ =	sdelay $0x1  }
0x2a2: {  	v33 =	vmul.f32 v44, v50;
	v37 =	vmul.f32 v46, v12  }
0x2a3: {  	vm6 =	vgt.f32 v34, $1.000000000e+00  }
0x2a4: {  	vm2 =	vgt.f32 v41, $1.000000000e+00;
	v10 =	vmovc v50;
	v15 =	vadd.f32 v37, v33;
	v50 =	vmul.f32 v49, v52  }
0x2a5: {  	v34 =	vsel vm6, v38, v34;
	v38 =	vsel vm2, v47, v41  }
0x2a6: {  	v15 =	vadd.f32 v50, v15;
	v27 =	vmovc v52;
	v52 =	vmul.f32 v43, v53;
	v18 =	vmul.f32 v34, v34  }
0x2a7: {  	v41 =	vmul.f32 v38, v38  }
0x2a8: {  	v15 =	vadd.f32 v15, v52;
	v55 =	vmul.f32 $8.172800390e-02, v18  }
0x2a9: {  	v47 =	vmul.f32 $8.172800390e-02, v41;
	vm7 =	vgt.f32 v11, $1.000000000e+00;
	v32 =	vpop (erf)  }
0x2aa: {  	v15 =	vsub.f32 v15, v24;
	v24 =	vsub.f32 $2.980661690e-01, v55;
	v11 =	vsel vm7, v32, v11  }
0x2ab: {  	v33 =	vmul.f32 v46, v5;
	v50 =	vmul.f32 v11, v11  }
0x2ac: {  	v47 =	vsub.f32 $2.980661690e-01, v47;
	v52 =	vmul.f32 v44, v4;
	v24 =	vmul.f32 v24, v18  }
0x2ad: {  	v15 =	vmul.f32 $5.000000000e-01, v15;
	v32 =	vmov v4;
	v4 =	vmul.f32 $8.172800390e-02, v50  }
0x2ae: {  	v47 =	vmul.f32 v47, v41;
	v52 =	vadd.f32 v33, v52;
	v24 =	vadd.f32 $-6.445734500e-01, v24  }
0x2af: {  	v33 =	vmul.f32 v49, v57;
	v15 =	vmul.f32 $1.442695020e+00, v15;
	v55 =	vsub.f32 $2.980661690e-01, v4  }
0x2b0: {  	v47 =	vadd.f32 $-6.445734500e-01, v47;
	v18 =	vmul.f32 v24, v18  }
0x2b1: {  	(erf) = vpow2.f32 v15;
	v15 =	vadd.f32 v33, v52;
	v52 =	vmul.f32 v55, v50  }
0x2b2: {  	v47 =	vmul.f32 v47, v41;
	v18 =	vadd.f32 $1.998633150e+00, v18  }
0x2b3: {  	v37 =	vmov v53;
	v4 =	vmul.f32 v43, v14;
	v53 =	vadd.f32 $-6.445734500e-01, v52  }
0x2b4: {  	v24 =	vadd.f32 $1.998633150e+00, v47;
	v18 =	vmul.f32 v18, v34  }
0x2b5: {  	v15 =	vadd.f32 v15, v4;
	v41 =	vmul.f32 v53, v50  }
0x2b6: {  	v24 =	vmul.f32 v24, v38;
	v34 =	vsub.f32 $3.141592740e+00, v18  }
0x2b7: {  	v15 =	vsub.f32 v15, v30;
	v55 =	vadd.f32 $1.998633150e+00, v41  }
0x2b8: {  	v38 =	vsub.f32 $3.141592740e+00, v24  }
0x2b9: {  	v18 =	vsel vm6, v34, v18;
	v15 =	vmul.f32 $5.000000000e-01, v15;
	v11 =	vmul.f32 v55, v11  }
0x2ba: {  	v34 =	vld [tilespmem:$0x3000];
	v50 =	vperm.xlane v18, v60  }
0x2bb: {  	v4 =	vmul.f32 $1.442695020e+00, v15;
	v15 =	vsel vm2, v38, v24;
	v47 =	vsub.f32 $3.141592740e+00, v11  }
0x2bc: {  	v53 =	vmul.f32 v44, v2;
	v30 =	vadd.f32 v50, v18;
	v52 =	vperm.xlane v15, v60;
	v41 =	vpop (erf)  }
0x2bd: {  	v55 =	vmul.f32 v46, v63;
	(erf) = vrcp.f32 v41;
	v11 =	vsel vm7, v47, v11  }
0x2be: {  	v38 =	vadd.f32 v15, v52;
	(erf) = vpow2.f32 v4;
	v4 =	vperm.xlane v11, v60  }
0x2bf: {  	v33 =	vmovc v14;
	v14 =	vmul.f32 v49, v9;
	v52 =	vperm.xlane v34, v60;
	v24 =	vadd.f32 v55, v53  }
0x2c0: {  	v53 =	vperm.xlane v30, v61;
	v55 =	vperm.xlane v38, v61;
	v46 =	vadd.f32 v11, v4  }
0x2c1: {  	v43 =	vmul.f32 v43, v3;
	v34 =	vadd.f32 v52, v34;
	v24 =	vadd.f32 v14, v24  }
0x2c2: {  	v30 =	vadd.f32 v53, v30;
	v38 =	vadd.f32 v38, v55;
	v4 =	vperm.xlane v46, v61  }
0x2c3: {  	v14 =	vperm.xlane v34, v61;
	v24 =	vadd.f32 v24, v43  }
0x2c4: {  	v49 =	vperm.xlane v30, v62;
	v50 =	vperm.xlane v38, v62;
	v44 =	vadd.f32 v46, v4  }
0x2c5: {  	v34 =	vadd.f32 v14, v34;
	v24 =	vsub.f32 v24, v36  }
0x2c6: {  	v53 =	vadd.f32 v49, v30;
	v52 =	vadd.f32 v38, v50;
	v4 =	vperm.xlane v44, v62  }
0x2c7: {  	v14 =	vperm.xlane v34, v62;
	v24 =	vmul.f32 $5.000000000e-01, v24  }
0x2c8: {  	v49 =	vpop (erf);
	v16 =	vmul.f32 v53, v16;
	v38 =	vmul.f32 v52, v7;
	v50 =	vadd.f32 v44, v4  }
0x2c9: {  	v34 =	vadd.f32 v14, v34;
	v43 =	vpop (erf);
	v24 =	vmul.f32 $1.442695020e+00, v24  }
0x2ca: {  	(erf) = vrcp.f32 v43;
	v30 =	vadd.f32 v38, v16;
	v44 =	vmul.f32 v50, v8  }
0x2cb: {  	v55 =	vld [tilespmem:$0x1F920];
	(erf) = vpow2.f32 v24  }
0x2cc: {  	v47 =	vmul.f32 v34, v21;
	v46 =	vadd.f32 v44, v30;
	_ =	sdelay $0x1  }
0x2cd: {  	v24 =	vadd.f32 v46, v47;
	_ =	sdelay $0x1  }
0x2ce: {  	v24 =	vsub.f32 v24, v55;
	_ =	sdelay $0x1  }
0x2cf: {  	v24 =	vmul.f32 $5.000000000e-01, v24  }
0x2d0: {  	v7 =	vmul.f32 v52, v23;
	v4 =	vmul.f32 v53, v0;
	v46 =	vpop (erf)  }
0x2d1: {  	v44 =	vpop (erf);
	v24 =	vmul.f32 $1.442695020e+00, v24  }
0x2d2: {  	v8 =	vmul.f32 v50, v17;
	v30 =	vadd.f32 v7, v4;
	(erf) = vrcp.f32 v44  }
0x2d3: {  	v17 =	vld [tilespmem:$0x1F930];
	(erf) = vpow2.f32 v24  }
0x2d4: {  	v16 =	vmul.f32 v34, v19;
	v14 =	vadd.f32 v8, v30;
	_ =	sdelay $0x1  }
0x2d5: {  	v24 =	vadd.f32 v14, v16;
	_ =	sdelay $0x1  }
0x2d6: {  	v24 =	vsub.f32 v24, v17  }
0x2d7: {  	v19 =	vmul.f32 v53, v1;
	v21 =	vmul.f32 v52, v59  }
0x2d8: {  	v24 =	vmul.f32 $5.000000000e-01, v24  }
0x2d9: {  	v36 =	vadd.f32 v21, v19;
	v23 =	vmul.f32 v50, v58;
	v47 =	vpop (erf)  }
0x2da: {  	v59 =	vld [tilespmem:$0x1F940];
	v24 =	vmul.f32 $1.442695020e+00, v24;
	v30 =	vpop (erf)  }
0x2db: {  	v58 =	vmul.f32 v34, v56;
	v55 =	vadd.f32 v23, v36;
	(erf) = vrcp.f32 v30  }
0x2dc: {  	(erf) = vpow2.f32 v24  }
0x2dd: {  	v24 =	vadd.f32 v55, v58;
	_ =	sdelay $0x1  }
0x2de: {  	v24 =	vsub.f32 v24, v59;
	_ =	sdelay $0x1  }
0x2df: {  	v24 =	vmul.f32 $5.000000000e-01, v24  }
0x2e0: {  	v1 =	vmul.f32 v52, v51;
	v0 =	vmul.f32 v53, v54;
	_ =	sdelay $0x1  }
0x2e1: {  	v7 =	vmul.f32 v50, v13;
	v36 =	vadd.f32 v1, v0;
	v38 =	vpop (erf)  }
0x2e2: {  	v8 =	vld [tilespmem:$0x1F950];
	v4 =	vmul.f32 $1.442695020e+00, v24;
	v24 =	vpop (erf)  }
0x2e3: {  	v34 =	vmul.f32 v34, v6;
	v36 =	vadd.f32 v7, v36;
	(erf) = vrcp.f32 v24  }
0x2e4: {  	(erf) = vpow2.f32 v4  }
0x2e5: {  	v34 =	vadd.f32 v36, v34;
	_ =	sdelay $0x1  }
0x2e6: {  	v13 =	vsub.f32 v34, v8;
	_ =	sdelay $0x1  }
0x2e7: {  	v17 =	vmul.f32 $5.000000000e-01, v13;
	_ =	sdelay $0x2  }
0x2e8: {  	v34 =	vpop (erf)  }
0x2e9: {  	v14 =	vmul.f32 $1.442695020e+00, v17;
	v17 =	vpop (erf)  }
0x2ea: {  	(erf) = vrcp.f32 v17  }
0x2eb: {  	(erf) = vpow2.f32 v14;
	_ =	sdelay $0x7  }
0x2ec: {  	v36 =	vpop (erf)  }
0x2ed: {  	v19 =	vpop (erf)  }
0x2ee: {  	(erf) = vrcp.f32 v19;
	_ =	sdelay $0x7  }
0x2ef: {  	v23 =	vld [tilespmem:$0x1F960]  }
0x2f0: {  	vm4 =	vgt.f32 v19, $1.000000000e+00;
	v21 =	vpop (erf)  }
0x2f1: {  	v55 =	vsel vm4, v21, v19  }
0x2f2: {  	v56 =	vmul.f32 v55, v55  }
0x2f3: {  	vm3 =	vgt.f32 v39, $1.000000000e+00  }
0x2f4: {  	v58 =	vsel vm3, v23, v39;
	v39 =	vmul.f32 $8.172800390e-02, v56;
	_ =	sdelay $0x1  }
0x2f5: {  	v23 =	vsub.f32 $2.980661690e-01, v39  }
0x2f6: {  	v54 =	vmul.f32 v58, v58  }
0x2f7: {  	v23 =	vmul.f32 v23, v56  }
0x2f8: {  	v51 =	vmul.f32 $8.172800390e-02, v54  }
0x2f9: {  	v59 =	vld [tilespmem:$0x1F970];
	v23 =	vadd.f32 $-6.445734500e-01, v23  }
0x2fa: {  	v6 =	vld [tilespmem:$0x1F980];
	v39 =	vsub.f32 $2.980661690e-01, v51  }
0x2fb: {  	v16 =	vld [tilespmem:$0x1F990];
	v56 =	vmul.f32 v23, v56  }
0x2fc: {  	v19 =	vld [tilespmem:$0x1F9A0];
	v39 =	vmul.f32 v39, v54  }
0x2fd: {  	v21 =	vadd.f32 $1.998633150e+00, v56;
	v56 =	vld [tilespmem:$0x1F9B0]  }
0x2fe: {  	vm9 =	vgt.f32 v20, $1.000000000e+00;
	v4 =	vadd.f32 $-1.000000000e+00, v59;
	v59 =	vld [tilespmem:$0x1F9C0];
	v8 =	vadd.f32 $-6.445734500e-01, v39  }
0x2ff: {  	v28 =	vsel vm9, v28, v20;
	v7 =	vadd.f32 $-1.000000000e+00, v6  }
0x300: {  	v51 =	vmul.f32 v8, v54;
	v54 =	vmul.f32 v28, v28  }
0x301: {  	vm8 =	vgt.f32 v45, $1.000000000e+00;
	v39 =	vmul.f32 v16, v4;
	v23 =	vmul.f32 v19, v7  }
0x302: {  	v7 =	vmul.f32 $8.172800390e-02, v54;
	v13 =	vmul.f32 v21, v55;
	v19 =	vsel vm8, v56, v45  }
0x303: {  	v4 =	vadd.f32 $-1.000000000e+00, v59;
	v14 =	vadd.f32 $1.998633150e+00, v51;
	v21 =	vld [tilespmem:$0x1F9D0];
	v45 =	vmul.f32 v19, v19  }
0x304: {  	vm10 =	vgt.f32 v22, $1.000000000e+00;
	v59 =	vld [tilespmem:$0x1F9E0];
	v51 =	vsub.f32 $2.980661690e-01, v7;
	v8 =	vsub.f32 $3.141592740e+00, v13  }
0x305: {  	v22 =	vsel vm10, v25, v22;
	vm11 =	vgt.f32 v48, $1.000000000e+00;
	v6 =	vmul.f32 $8.172800390e-02, v45  }
0x306: {  	v14 =	vmul.f32 v14, v58;
	v25 =	vmul.f32 v51, v54;
	v51 =	vld [tilespmem:$0x1F9F0];
	v13 =	vsel vm4, v8, v13  }
0x307: {  	v40 =	vsel vm11, v40, v48;
	v56 =	vperm.xlane v13, v60;
	v20 =	vsub.f32 $2.980661690e-01, v6  }
0x308: {  	v55 =	vmul.f32 v22, v22;
	v7 =	vsub.f32 $3.141592740e+00, v14;
	v16 =	vmul.f32 v21, v4  }
0x309: {  	v4 =	vadd.f32 $-1.000000000e+00, v59;
	v56 =	vadd.f32 v13, v56;
	v6 =	vmul.f32 v20, v45  }
0x30a: {  	v48 =	vmul.f32 v40, v40;
	v8 =	vmul.f32 $8.172800390e-02, v55;
	v14 =	vsel vm3, v7, v14  }
0x30b: {  	v7 =	vld [tilespmem:$0x1FA00];
	v20 =	vmul.f32 v51, v4;
	v4 =	vadd.f32 $-6.445734500e-01, v6;
	v6 =	vperm.xlane v56, v61  }
0x30c: {  	vm12 =	vgt.f32 v35, $1.000000000e+00;
	vm13 =	vgt.f32 v29, $1.000000000e+00;
	v0 =	vsub.f32 $2.980661690e-01, v8  }
0x30d: {  	v39 =	vmul.f32 v39, v2;
	v59 =	vmul.f32 v53, v10;
	v8 =	vadd.f32 v56, v6  }
0x30e: {  	v25 =	vadd.f32 $-6.445734500e-01, v25;
	v0 =	vmul.f32 v0, v55;
	v21 =	vmul.f32 v4, v45  }
0x30f: {  	vm5 =	vgt.f32 v26, $1.000000000e+00;
	v4 =	vmul.f32 v52, v12;
	v6 =	vperm.xlane v8, v62  }
0x310: {  	v25 =	vmul.f32 v25, v54;
	v26 =	vsel vm5, v7, v26;
	v0 =	vadd.f32 $-6.445734500e-01, v0  }
0x311: {  	v7 =	vmul.f32 v50, v27;
	v51 =	vadd.f32 v4, v59;
	v45 =	vadd.f32 v8, v6  }
0x312: {  	vm14 =	vgt.f32 v31, $1.000000000e+00;
	v10 =	vmul.f32 $8.172800390e-02, v48;
	v0 =	vmul.f32 v0, v55;
	v59 =	vld [tilespmem:$0x1FA20]  }
0x313: {  	v25 =	vadd.f32 $1.998633150e+00, v25;
	v51 =	vadd.f32 v7, v51;
	v12 =	vmul.f32 v45, v37  }
0x314: {  	v23 =	vmul.f32 v23, v63;
	v58 =	vld [tilespmem:$0x1FA10];
	v54 =	vmul.f32 v26, v26;
	v0 =	vadd.f32 $1.998633150e+00, v0  }
0x315: {  	v25 =	vmul.f32 v25, v28;
	v56 =	vsub.f32 $2.980661690e-01, v10;
	v55 =	vadd.f32 v12, v51  }
0x316: {  	v10 =	vmul.f32 v50, v57;
	v21 =	vadd.f32 $1.998633150e+00, v21;
	v8 =	vmul.f32 $8.172800390e-02, v54  }
0x317: {  	v0 =	vmul.f32 v0, v22;
	v4 =	vmul.f32 v56, v48;
	v1 =	vsub.f32 v55, v59  }
0x318: {  	v19 =	vmul.f32 v21, v19;
	v6 =	vmul.f32 v53, v32;
	v37 =	vsub.f32 $2.980661690e-01, v8  }
0x319: {  	v35 =	vsel vm12, v58, v35;
	v7 =	vmul.f32 v52, v5;
	v22 =	vmul.f32 $5.000000000e-01, v1  }
0x31a: {  	v28 =	vadd.f32 $-6.445734500e-01, v4;
	v8 =	vsub.f32 $3.141592740e+00, v19;
	v21 =	vmul.f32 v37, v54  }
0x31b: {  	vm15 =	vgt.f32 v41, $1.000000000e+00;
	v51 =	vmul.f32 v35, v35;
	v22 =	vmul.f32 $1.442695020e+00, v22  }
0x31c: {  	v28 =	vmul.f32 v28, v48;
	v37 =	vadd.f32 v7, v6;
	v19 =	vsel vm8, v8, v19  }
0x31d: {  	v8 =	vld [tilespmem:$0x1FA30];
	v21 =	vadd.f32 $-6.445734500e-01, v21;
	v12 =	vmul.f32 $8.172800390e-02, v51;
	(erf) = vpow2.f32 v22  }
0x31e: {  	v27 =	vsub.f32 $3.141592740e+00, v25;
	v32 =	vmul.f32 v45, v33;
	v37 =	vadd.f32 v10, v37  }
0x31f: {  	v28 =	vadd.f32 $1.998633150e+00, v28;
	v21 =	vmul.f32 v21, v54;
	v48 =	vsub.f32 $2.980661690e-01, v12  }
0x320: {  	v33 =	vsub.f32 $3.141592740e+00, v0;
	v6 =	vsel vm15, v49, v41;
	v58 =	vadd.f32 v32, v37  }
0x321: {  	v28 =	vmul.f32 v28, v40;
	v54 =	vadd.f32 $1.998633150e+00, v21;
	v1 =	vmul.f32 v48, v51  }
0x322: {  	v56 =	vld [tilespmem:$0x1FA50];
	v55 =	vmul.f32 v52, v63;
	v21 =	vsel vm10, v33, v0;
	v10 =	vsub.f32 v58, v8  }
0x323: {  	[tilespmem:$0x2580] =	vst v18;
	v48 =	vmul.f32 v53, v2;
	v59 =	vmul.f32 v54, v26;
	v26 =	vadd.f32 $-6.445734500e-01, v1;
	v54 =	vld [tilespmem:$0x1FA40]  }
0x324: {  	[tilespmem:$0x2900] =	vst v15;
	v22 =	vsel vm9, v27, v25;
	v25 =	vsel vm13, v42, v29;
	v12 =	vmul.f32 $5.000000000e-01, v10  }
0x325: {  	[tilespmem:$0x2C80] =	vst v11;
	v52 =	vld [tilespmem:$0x1FAA0];
	v40 =	vmul.f32 v25, v25;
	v53 =	vsub.f32 $3.141592740e+00, v59;
	v57 =	vmul.f32 v26, v51  }
0x326: {  	[tilespmem:$0x2600] =	vst v14;
	v41 =	vld [tilespmem:$0x1FAF0];
	vm10 =	vgt.f32 v30, $1.000000000e+00;
	v29 =	vmul.f32 $1.442695020e+00, v12;
	v12 =	vmul.f32 v50, v9;
	v42 =	vpop (erf)  }
0x327: {  	[tilespmem:$0x3000] =	vst v13;
	v37 =	vld [tilespmem:$0x1FAE0];
	v7 =	vsel vm5, v53, v59;
	v59 =	vadd.f32 v55, v48;
	(erf) = vrcp.f32 v42  }
0x328: {  	[tilespmem:$0x1400] =	vst v56;
	v58 =	vld [tilespmem:$0x1FA60];
	v1 =	vmul.f32 $8.172800390e-02, v40;
	v31 =	vsel vm14, v54, v31;
	(erf) = vpow2.f32 v29  }
0x329: {  	[tilespmem:$0x2680] =	vst v19;
	v33 =	vld [tilespmem:$0x1FF30];
	v54 =	vmul.f32 v45, v3;
	v26 =	vmul.f32 v31, v31;
	v5 =	vadd.f32 v12, v59  }
0x32a: {  	v16 =	vmul.f32 v16, v9;
	[tilespmem:$0x1800] =	vst v52;
	v30 =	vsel vm10, v38, v30;
	v38 =	vld [tilespmem:$0x1FBF0];
	v32 =	vsub.f32 $2.980661690e-01, v1  }
0x32b: {  	v20 =	vmul.f32 v20, v3;
	[tilespmem:$0x2780] =	vst v21;
	v50 =	vld [tilespmem:$0x1FA90];
	v27 =	vmul.f32 $8.172800390e-02, v26;
	v5 =	vadd.f32 v54, v5  }
0x32c: {  	vm6 =	vgt.f32 v44, $1.000000000e+00;
	[tilespmem:$0x1880] =	vst v37;
	v48 =	vld [tilespmem:$0x1FA80];
	v45 =	vmul.f32 v6, v6;
	v32 =	vmul.f32 v32, v40  }
0x32d: {  	v10 =	vld [tilespmem:$0x1FA70];
	vm9 =	vgt.f32 v43, $1.000000000e+00;
	[tilespmem:$0x1780] =	vst v58;
	v51 =	vsub.f32 $2.980661690e-01, v27;
	v5 =	vsub.f32 v5, v41  }
0x32e: {  	v53 =	vsub.f32 $3.141592740e+00, v28;
	v12 =	vmul.f32 $8.172800390e-02, v45;
	v58 =	vadd.f32 $-6.445734500e-01, v32  }
0x32f: {  	[tilespmem:$0x2700] =	vst v22;
	v55 =	vld [tilespmem:$0x1FAB0];
	v0 =	vadd.f32 $1.998633150e+00, v57;
	v56 =	vmul.f32 v51, v26;
	v5 =	vmul.f32 $5.000000000e-01, v5  }
0x330: {  	v57 =	vld [tilespmem:$0x1FAC0];
	v4 =	vsel vm11, v53, v28;
	[tilespmem:$0x1480] =	vst v50;
	v50 =	vsub.f32 $2.980661690e-01, v12;
	v28 =	vmul.f32 v58, v40;
	v40 =	vpop (erf)  }
0x331: {  	v0 =	vmul.f32 v0, v35;
	[tilespmem:$0x1E80] =	vst v48;
	v48 =	vld [tilespmem:$0x1FB00];
	v1 =	vadd.f32 $-6.445734500e-01, v56;
	v5 =	vmul.f32 $1.442695020e+00, v5;
	v41 =	vpop (erf)  }
0x332: {  	v37 =	vsel vm6, v47, v44;
	[tilespmem:$0x2480] =	vst v38;
	v59 =	vld [tilespmem:$0x1FAD0];
	v29 =	vmul.f32 v50, v45;
	(erf) = vrcp.f32 v41  }
0x333: {  	[tilespmem:$0x1B00] =	vst v10;
	v51 =	vld [tilespmem:$0x1FB10];
	v49 =	vmul.f32 v1, v26;
	v26 =	vsel vm9, v46, v43;
	(erf) = vpow2.f32 v5  }
0x334: {  	v39 =	vadd.f32 v39, v33;
	[tilespmem:$0x1B80] =	vst v55;
	v55 =	vld [tilespmem:$0x1FB30];
	v29 =	vadd.f32 $-6.445734500e-01, v29;
	v54 =	vmul.f32 v26, v26  }
0x335: {  	vm11 =	vgt.f32 v24, $1.000000000e+00;
	v52 =	vsub.f32 $3.141592740e+00, v0;
	[tilespmem:$0x1F00] =	vst v57;
	v32 =	vmul.f32 v37, v37;
	v58 =	vld [tilespmem:$0x1FB50]  }
0x336: {  	v28 =	vadd.f32 $1.998633150e+00, v28;
	[tilespmem:$0x1C00] =	vst v48;
	v48 =	vld [tilespmem:$0x1FB90];
	v12 =	vmul.f32 v29, v45;
	v57 =	vmul.f32 $8.172800390e-02, v54  }
0x337: {  	v53 =	vld [tilespmem:$0x1FB20];
	v0 =	vsel vm12, v52, v0;
	vm12 =	vgt.f32 v17, $1.000000000e+00;
	[tilespmem:$0x1500] =	vst v59;
	v59 =	vmul.f32 $8.172800390e-02, v32  }
0x338: {  	v25 =	vmul.f32 v28, v25;
	[tilespmem:$0x1F80] =	vst v51;
	v28 =	vadd.f32 $1.998633150e+00, v12;
	v51 =	vld [tilespmem:$0x1FF60];
	v43 =	vsub.f32 $2.980661690e-01, v57  }
0x339: {  	v9 =	vsel vm11, v34, v24;
	v17 =	vsel vm12, v36, v17;
	[tilespmem:$0x1900] =	vst v55;
	v55 =	vld [tilespmem:$0x1FF90];
	v8 =	vadd.f32 $1.998633150e+00, v49  }
0x33a: {  	v10 =	vld [tilespmem:$0x1FB70];
	[tilespmem:$0x2000] =	vst v58;
	v6 =	vmul.f32 v28, v6;
	v5 =	vsub.f32 $2.980661690e-01, v59;
	v47 =	vmul.f32 v43, v54  }
0x33b: {  	v58 =	vsub.f32 $3.141592740e+00, v25;
	v49 =	vld [tilespmem:$0x1FBA0];
	[tilespmem:$0x2080] =	vst v48;
	v48 =	vmul.f32 v9, v9;
	v8 =	vmul.f32 v8, v31;
	v57 =	vpop (erf)  }
0x33c: {  	[tilespmem:$0x1700] =	vst v39;
	v56 =	vld [tilespmem:$0x1FB40];
	v2 =	vsub.f32 $3.141592740e+00, v6;
	v5 =	vmul.f32 v5, v32;
	v31 =	vadd.f32 $-6.445734500e-01, v47;
	v63 =	vpop (erf)  }
0x33d: {  	[tilespmem:$0x2980] =	vst v7;
	v52 =	vld [tilespmem:$0x1FBC0];
	v23 =	vadd.f32 v23, v51;
	v51 =	vmul.f32 $8.172800390e-02, v48;
	(erf) = vrcp.f32 v63  }
0x33e: {  	[tilespmem:$0x1580] =	vst v53;
	v20 =	vadd.f32 v20, v55;
	v5 =	vadd.f32 $-6.445734500e-01, v5;
	v53 =	vmul.f32 v31, v54;
	v54 =	vld [tilespmem:$0x1FF80]  }
0x33f: {  	[tilespmem:$0x2A00] =	vst v4;
	v29 =	vld [tilespmem:$0x1FB80];
	v59 =	vsub.f32 $3.141592740e+00, v8;
	v6 =	vsel vm15, v2, v6;
	v55 =	vsub.f32 $2.980661690e-01, v51  }
0x340: {  	[tilespmem:$0x1680] =	vst v49;
	v49 =	vmul.f32 v17, v17;
	v5 =	vmul.f32 v5, v32;
	v28 =	vadd.f32 $1.998633150e+00, v53  }
0x341: {  	[tilespmem:$0x1C80] =	vst v56;
	v56 =	vld [tilespmem:$0x1FBD0];
	v8 =	vsel vm14, v59, v8;
	vm14 =	vgt.f32 v41, $1.000000000e+00;
	v21 =	vmul.f32 v55, v48  }
0x342: {  	[tilespmem:$0x1D80] =	vst v52;
	v52 =	vmul.f32 $8.172800390e-02, v49;
	v5 =	vadd.f32 $1.998633150e+00, v5;
	v12 =	vmul.f32 v28, v26  }
0x343: {  	[tilespmem:$0x1980] =	vst v10;
	v32 =	vld [tilespmem:$0x1FBE0];
	v36 =	vadd.f32 $-6.445734500e-01, v21;
	v26 =	vmul.f32 v30, v30;
	v16 =	vadd.f32 v16, v54  }
0x344: {  	[tilespmem:$0x1D00] =	vst v29;
	v5 =	vmul.f32 v5, v37;
	vm15 =	vgt.f32 v63, $1.000000000e+00;
	v33 =	vsub.f32 $3.141592740e+00, v12  }
0x345: {  	[tilespmem:$0x1E00] =	vst v16;
	v16 =	vsel vm13, v58, v25;
	vm13 =	vgt.f32 v42, $1.000000000e+00;
	v25 =	vsel vm14, v57, v41  }
0x346: {  	v50 =	vld [tilespmem:$0x1FBB0];
	[tilespmem:$0x2100] =	vst v56;
	v37 =	vmul.f32 $8.172800390e-02, v26;
	v19 =	vsel vm13, v40, v42;
	v56 =	vmul.f32 v25, v25;
	v54 =	vpop (erf)  }
0x347: {  	v27 =	vld [tilespmem:$0x1FC20];
	[tilespmem:$0x2180] =	vst v20;
	v39 =	vsub.f32 $3.141592740e+00, v5;
	v53 =	vmul.f32 v19, v19;
	v29 =	vsel vm15, v54, v63  }
0x348: {  	v1 =	vld [tilespmem:$0x1FB60];
	[tilespmem:$0x2400] =	vst v32;
	v58 =	vsub.f32 $2.980661690e-01, v52;
	v32 =	vmul.f32 $8.172800390e-02, v56;
	v63 =	vmul.f32 v29, v29  }
0x349: {  	[tilespmem:$0x1A80] =	vst v23;
	v47 =	vld [tilespmem:$0x1FC00];
	v23 =	vsub.f32 $2.980661690e-01, v37;
	v20 =	vsel vm9, v33, v12;
	v59 =	vmul.f32 $8.172800390e-02, v53  }
0x34a: {  	[tilespmem:$0x2A80] =	vst v0;
	v12 =	vmul.f32 v58, v49;
	v37 =	vsub.f32 $2.980661690e-01, v32;
	v34 =	vmul.f32 $8.172800390e-02, v63  }
0x34b: {  	[tilespmem:$0x1A00] =	vst v50;
	v41 =	vmul.f32 v36, v48;
	v50 =	vmul.f32 v23, v26;
	v33 =	vsub.f32 $2.980661690e-01, v59  }
0x34c: {  	[tilespmem:$0x2880] =	vst v27;
	v38 =	vadd.f32 $-6.445734500e-01, v12;
	v42 =	vmul.f32 v37, v56;
	v40 =	vsub.f32 $2.980661690e-01, v34  }
0x34d: {  	[tilespmem:$0x1600] =	vst v1;
	v5 =	vsel vm6, v39, v5;
	v14 =	vadd.f32 $-6.445734500e-01, v50;
	v39 =	vmul.f32 v33, v53  }
0x34e: {  	[tilespmem:$0x2500] =	vst v47;
	v4 =	vmul.f32 v38, v49;
	v47 =	vadd.f32 $-6.445734500e-01, v42;
	v15 =	vmul.f32 v40, v63  }
0x34f: {  	[tilespmem:$0x2D00] =	vst v6;
	v57 =	vld [tilespmem:$0x1FC10];
	v0 =	vadd.f32 $1.998633150e+00, v41;
	v35 =	vmul.f32 v14, v26;
	v12 =	vadd.f32 $-6.445734500e-01, v39  }
0x350: {  	[tilespmem:$0x2B80] =	vst v8;
	v48 =	vld [tilespmem:$0x1FC30];
	v4 =	vadd.f32 $1.998633150e+00, v4;
	v8 =	vmul.f32 v47, v56;
	v50 =	vadd.f32 $-6.445734500e-01, v15  }
0x351: {  	[tilespmem:$0x2B00] =	vst v16;
	v0 =	vmul.f32 v0, v9;
	v7 =	vadd.f32 $1.998633150e+00, v35;
	v49 =	vmul.f32 v12, v53  }
0x352: {  	[tilespmem:$0x2D80] =	vst v20;
	v4 =	vmul.f32 v4, v17;
	v8 =	vadd.f32 $1.998633150e+00, v8;
	v52 =	vmul.f32 v50, v63  }
0x353: {  	[tilespmem:$0x2E00] =	vst v5;
	v7 =	vmul.f32 v7, v30;
	v53 =	vsub.f32 $3.141592740e+00, v0;
	v10 =	vadd.f32 $1.998633150e+00, v49  }
0x354: {  	[tilespmem:$0x2800] =	vst v57;
	v55 =	vsub.f32 $3.141592740e+00, v4;
	v56 =	vmul.f32 v8, v25;
	v6 =	vadd.f32 $1.998633150e+00, v52  }
0x355: {  	[tilespmem:$0x2C00] =	vst v48;
	v51 =	vsub.f32 $3.141592740e+00, v7;
	v0 =	vsel vm11, v53, v0;
	v54 =	vmul.f32 v10, v19  }
0x356: {  	p0 =	sne.s32 s2, $0x1;
	v4 =	vsel vm12, v55, v4;
	[tilespmem:$0x2F00] =	vst v0;
	v59 =	vsub.f32 $3.141592740e+00, v56;
	v57 =	vmul.f32 v6, v29  }
.Ltmp2:
0x357: {  	v7 =	vsel vm10, v51, v7;
	[tilespmem:$0x2F80] =	vst v4;
	v58 =	vsub.f32 $3.141592740e+00, v54;
	(pc) =	sbr.rel @p0 .LBB2_5-.Ltmp2, $4  }
0x358: {  	v44 =	vld [tilespmem:$0x1FFD0];
	[tilespmem:$0x2E80] =	vst v7;
	v4 =	vsel vm14, v59, v56;
	v63 =	vsub.f32 $3.141592740e+00, v57  }
0x359: {  	v45 =	vld [tilespmem:$0x1FFE0];
	v5 =	vsel vm13, v58, v54;
	[tilespmem:$0x3100] =	vst v4  }
0x35a: {  	v46 =	vld [tilespmem:$0x1FFF0];
	[tilespmem:$0x3080] =	vst v5;
	v0 =	vsel vm15, v63, v57  }
0x35b: {  	s2 =	sadd.s32 $0xFFFFFFFF, s2;
	v43 =	vld [tilespmem:$0x1FFC0];
	[tilespmem:$0x3180] =	vst v0  }
.LBB2_6:
0x35c: {  	v0 =	vld [tilespmem:$0x2400];
	_ =	sdelay $0x4  }
0x35d: {  	v0 =	vmul.f32 $1.442695020e+00, v0;
	_ =	sdelay $0x1  }
0x35e: {  	(erf) = vpow2.f32 v0;
	_ =	sdelay $0x4  }
0x35f: {  	s2 =	simm.s32 $0x80  }
0x360: {  	v60 =	vld [tilespmem:s2+$0x2400];
	_ =	sdelay $0x2  }
0x361: {  	v5 =	vpop (erf)  }
0x362: {  	s28 =	simm.s32 $0x100;
	v6 =	vadd.f32 $1.000000000e+00, v5  }
0x363: {  	v4 =	vld [tilespmem:s28+$0x2400];
	v0 =	vmul.f32 $1.442695020e+00, v60  }
0x364: {  	(erf) = vrcp.f32 v6  }
0x365: {  	(erf) = vpow2.f32 v0;
	_ =	sdelay $0x2  }
0x366: {  	s29 =	simm.s32 $0x180;
	v61 =	vmul.f32 $1.442695020e+00, v4  }
0x367: {  	v7 =	vld [tilespmem:s29+$0x2400]  }
0x368: {  	(erf) = vpow2.f32 v61;
	_ =	sdelay $0x2  }
0x369: {  	s30 =	simm.s32 $0x200;
	v6 =	vpop (erf)  }
0x36a: {  	v63 =	vld [tilespmem:s30+$0x2400];
	v62 =	vmul.f32 $1.442695020e+00, v7;
	v7 =	vpop (erf)  }
0x36b: {  	v8 =	vadd.f32 $1.000000000e+00, v7  }
0x36c: {  	(erf) = vpow2.f32 v62  }
0x36d: {  	(erf) = vrcp.f32 v8;
	_ =	sdelay $0x1  }
0x36e: {  	v0 =	vmul.f32 $1.442695020e+00, v63;
	v4 =	vpop (erf)  }
0x36f: {  	s31 =	simm.s32 $0x280;
	v9 =	vadd.f32 $1.000000000e+00, v4  }
0x370: {  	v8 =	vld [tilespmem:s31+$0x2400];
	(erf) = vpow2.f32 v0  }
0x371: {  	(erf) = vrcp.f32 v9  }
0x372: {  	v5 =	vadd.f32 $-1.000000000e+00, v5;
	_ =	sdelay $0x1  }
0x373: {  	s2 =	simm.s32 $0xC00;
	v5 =	vmul.f32 v6, v5;
	v7 =	vadd.f32 $-1.000000000e+00, v7;
	v6 =	vpop (erf)  }
.LBB2_7:
0x374: {  	s3 =	sshra.s32 s2, $0x2;
	v0 =	vmul.f32 $1.442695020e+00, v8;
	v9 =	vpop (erf);
	p0 =	sne.s32 s2, $0x3600  }
.Ltmp3:
0x375: {  	s2 =	sadd.s32 $0x200, s2;
	v10 =	vadd.f32 $1.000000000e+00, v6;
	v8 =	vld [tilespmem:s3+$0x2400];
	v7 =	vmul.f32 v9, v7;
	(pc) =	sbr.rel @p0 .LBB2_7-.Ltmp3, $3  }
0x376: {  	(erf) = vpow2.f32 v0  }
0x377: {  	(erf) = vrcp.f32 v10;
	v5 =	vmul.f32 v7, v5;
	_ =	sdelay $0x1  }
0x378: {  	v7 =	vadd.f32 $-1.000000000e+00, v4;
	v4 =	vmov v6;
	v6 =	vpop (erf)  }
0x379: {  	v0 =	vmul.f32 $1.442695020e+00, v8;
	_ =	sdelay $0x1  }
0x37a: {  	(erf) = vpow2.f32 v0;
	_ =	sdelay $0x5  }
0x37b: {  	v34 =	vpop (erf);
	v35 =	vadd.f32 $1.000000000e+00, v6  }
0x37c: {  	v9 =	vpop (erf)  }
0x37d: {  	(erf) = vrcp.f32 v35;
	v36 =	vadd.f32 $1.000000000e+00, v9;
	v10 =	vpop (erf)  }
0x37e: {  	v37 =	vpop (erf)  }
0x37f: {  	(erf) = vrcp.f32 v36;
	v11 =	vadd.f32 $1.000000000e+00, v37;
	_ =	sdelay $0x1  }
0x380: {  	(erf) = vrcp.f32 v11;
	_ =	sdelay $0x1  }
0x381: {  	v4 =	vadd.f32 $-1.000000000e+00, v4;
	v0 =	vmul.f32 v34, v7;
	_ =	sdelay $0x1  }
0x382: {  	v38 =	vadd.f32 $-1.000000000e+00, v6;
	v0 =	vmul.f32 v0, v5;
	v4 =	vmul.f32 v10, v4  }
0x383: {  	v49 =	vimm.s32 $0xEFCDAB89;
	v50 =	vimm.s32 $0x67452301;
	v39 =	vpop (erf)  }
0x384: {  	v41 =	vadd.f32 $-1.000000000e+00, v9;
	v0 =	vmul.f32 v4, v0;
	v40 =	vmul.f32 v39, v38  }
0x385: {  	v6 =	vunpack.c.l.s4.s8 v49;
	v7 =	vunpack.c.l.s4.s8 v50;
	v42 =	vpop (erf)  }
0x386: {  	v48 =	vadd.f32 $-1.000000000e+00, v37;
	v0 =	vmul.f32 v40, v0;
	v47 =	vmul.f32 v42, v41  }
0x387: {  	v57 =	vimm.s32 $0x54761032;
	v53 =	vunpack.c.0.s8.s32 v6;
	v51 =	vpop (erf)  }
0x388: {  	v54 =	vunpack.c.0.s8.s32 v7;
	v0 =	vmul.f32 v47, v0;
	v52 =	vmul.f32 v51, v48  }
0x389: {  	v56 =	vimm.s32 $0xDCFE98BA;
	v6 =	vunpack.c.l.s4.s8 v57  }
0x38a: {  	v5 =	vunpack.c.l.s4.s8 v56;
	v55 =	vcombine.low v54, v53;
	v0 =	vmul.f32 v52, v0  }
0x38b: {  	v59 =	vimm.s32 $0x32107654  }
0x38c: {  	v6 =	vunpack.c.0.s8.s32 v6;
	v5 =	vunpack.c.0.s8.s32 v5;
	v4 =	vperm.xlane v0, v55  }
0x38d: {  	v58 =	vimm.s32 $0xBA98FEDC;
	v60 =	vunpack.c.l.s4.s8 v59  }
0x38e: {  	v5 =	vcombine.low v6, v5;
	v0 =	vmul.f32 v4, v0;
	v4 =	vunpack.c.l.s4.s8 v58;
	_ =	sdelay $0x1  }
0x38f: {  	v6 =	vunpack.c.0.s8.s32 v60;
	v5 =	vperm.xlane v0, v5;
	v4 =	vunpack.c.0.s8.s32 v4;
	_ =	sdelay $0x1  }
0x390: {  	v0 =	vmul.f32 v5, v0;
	v4 =	vcombine.low v6, v4;
	_ =	sdelay $0x1  }
0x391: {  	v4 =	vperm.xlane v0, v4;
	_ =	sdelay $0x1  }
0x392: {  	v0 =	vmul.f32 v4, v0;
	_ =	sdelay $0x1  }
0x393: {  	v4 =	vmul.f32 v0, v43  }
0x394: {  	v3 =	vmul.f32 v0, v46  }
0x395: {  	v61 =	vimm.s32 $0x0;
	v2 =	vmul.f32 v0, v45;
	vm0 =	vgt.f32 v4, $0.0e+00  }
0x396: {  	v0 =	vmul.f32 v0, v44;
	vm13 =	vgt.f32 v3, $0.0e+00;
	v62 =	vsel vm0, $0x1, v61  }
0x397: {  	vm14 =	vgt.f32 v2, $0.0e+00;
	v1 =	vsel vm13, $0x1, v61;
	[tilespmem:$0x3400] =	vst v62  }
0x398: {  	vm15 =	vgt.f32 v0, $0.0e+00;
	v63 =	vsel vm14, $0x1, v61;
	[tilespmem:$0x3480] =	vst v1  }
0x399: {  	v0 =	vsel vm15, $0x1, v61;
	[tilespmem:$0x3500] =	vst v63  }
0x39a: {  	s2 =	simm.s32 $0x0;
	s3 =	simm.s32 $0x3400;
	s31 =	simm.s32 $0x1;
	[tilespmem:$0x3580] =	vst v0  }
0x39b: {  	[hbm4b:s1+s2] =	stream.linear.scatter [tilespmem:s3], [sflag:$0x1], $0x200, $0x38;
	[tilespmem:$0x3600] =	vst v63  }
0x39c: {  	_ =	swait.ge [sflag:s31], $0x200  }
0x39d: {  	[sflag:s31] =	ssyncset.done $0x0  }
0x39e: {  	[sflag:s31] =	ssyncadd.s32 $0xFFFFFE00  }
0x39f: {  	_ =	sfence.sel $0x180000  }
0x3a0: {  	[bflag:$0x0] =	sbarrier.arrive $0xFFFF  }
0x3a1: {  	_ =	strace $0x90000047  }
0x3a2: {  	s0 =	sadd.s32 $0x100000, s0;
	[bflag:$0x2] =	sbarrier.arrive $0xFFFF  }
0x3a3: {  	[sflag:s0] =	ssyncadd.tile.s32 $0x1;
	_ =	shalt  }
.Lfunc_end2:
_tile_overlayer_lowered:
.L_overlay_start_2:
0x3a4: {  	(tag) =	ssettag $0x2  }
0x3a5: {  	s0 =	rddreg [dreg:$0x0];
	s2 =	stileid.u32  }
0x3a6: {  	s1 =	rddreg [dreg:$0x1];
	p0 =	sne.s32 s2, $0x0  }
0x3a7: {  	s3 =	rddreg [dreg:$0x2];
	[bflag:$0x3] =	sbarrier.arrive $0xFFFF;
	s2 =	simm.s32 @!p0 $0x1C01  }
0x3a8: {  	[timem:s3], [sflag:s2] =	dma.local @!p0 [hbm:s0], s1  }
0x3a9: {  	s0 =	simm.s32 @!p0 $0x1  }
0x3aa: {  	_ =	swait.ge @!p0 [sflag:s0], s1  }
0x3ab: {  	s1 =	ssub.s32 @!p0 $0x0, s1;
	[sflag:s0] =	ssyncset.done @!p0 $0x0  }
0x3ac: {  	[sflag:s0] =	ssyncadd.s32 @!p0 s1  }
0x3ad: {  	[bflag:$0x3] =	sbarrier.arrive $0xFFFF  }
0x3ae: {  	_ =	shalt  }

</sc_bundles>
